<compile_context>
chip_gen: v7x
topology: tpu7x:2x2x1
jax: 0.10.2.dev20260603
libtpu: 0.0.44.dev20260713+nightly
codegen_flags: <defaults>
</compile_context>

<pallas_src>
import functools

import jax
import jax.numpy as jnp
from jax import lax
from jax.experimental import pallas as pl
from jax.experimental.pallas import tpu as pltpu
from jax.experimental.pallas import tpu_sc as plsc

_N = 10000
_D = 128
_DA = 144
_ROWS = 10240
_W = 80
_TILES = 16
_RPT = _ROWS // _TILES


def _sc_body(xr, d1, s10, s11, d2, s20, s21, d3a, s3a, d3b, s3b,
             o10, o11, o20, o21, o22a, o22b,
             acc, stage, rows0, rows1, dstage, sstage, sem0, sem1):
    c = lax.axis_index("c")
    t = lax.axis_index("s")
    tbase = t * _RPT

    def _z_stage(i, _):
        stage[i // 9, pl.ds((i % 9) * 16, 16)] = jnp.zeros((16,), jnp.float32)
        return 0
    lax.fori_loop(0, 64 * 9, _z_stage, 0)

    def run_job(dref, sref, oref, K):
        for z in range(10):
            pltpu.sync_copy(stage, acc.at[pl.ds(tbase + z * 64, 64)])
        plsc.subcore_barrier()

        for ch in range(K // 16):
            co = t * K + ch * 16
            pltpu.sync_copy(dref.at[pl.ds(co, 16)], dstage)
            pltpu.sync_copy(sref.at[pl.ds(co, 16)], sstage)
            pltpu.async_copy(xr.at[sstage.at[0]], rows0, sem0)

            def step(k2, _):
                ka = 2 * k2
                kb = ka + 1
                kc = ka + 2
                pltpu.make_async_copy(xr.at[sstage.at[ka]], rows0, sem0).wait()
                pltpu.async_copy(xr.at[sstage.at[kb]], rows1, sem1)
                pltpu.sync_copy(rows0, acc.at[dstage.at[ka]], add=True)
                knext = jnp.minimum(kc, 15)

                @pl.when(kc < 16)
                def _():
                    pltpu.async_copy(xr.at[sstage.at[knext]], rows0, sem0)

                pltpu.make_async_copy(xr.at[sstage.at[kb]], rows1, sem1).wait()
                pltpu.sync_copy(rows1, acc.at[dstage.at[kb]], add=True)
                return 0
            lax.fori_loop(0, 8, step, 0)
        plsc.subcore_barrier()

        def fl(i, _):
            pltpu.sync_copy(acc.at[pl.ds(tbase + i * _W, _W)], rows0)
            pltpu.sync_copy(rows0, oref.at[pl.ds(tbase + i * _W, _W)])
            return 0
        lax.fori_loop(0, _RPT // _W, fl, 0)
        plsc.subcore_barrier()

    @pl.when(c == 0)
    def _():
        run_job(d1, s10, o10, 80)
        run_job(d2, s20, o20, 32)
        run_job(d3a, s3a, o22a, 16)

    @pl.when(c == 1)
    def _():
        run_job(d1, s11, o11, 80)
        run_job(d2, s21, o21, 32)
        run_job(d3b, s3b, o22b, 16)


def _sc_call(xa, d1, s10, s11, d2, s20, s21, d3a, s3a, d3b, s3b):
    f32 = jnp.float32
    big = jax.ShapeDtypeStruct((_ROWS, _DA), f32)
    mesh = plsc.VectorSubcoreMesh(core_axis_name="c", subcore_axis_name="s")
    fn = pl.kernel(
        _sc_body,
        out_type=[big] * 6,
        mesh=mesh,
        compiler_params=pltpu.CompilerParams(use_tc_tiling_on_sc=False),
        scratch_types=[
            pltpu.VMEM_SHARED((_ROWS, _DA), f32),
            pltpu.VMEM((64, _DA), f32),
            pltpu.VMEM((_W, _DA), f32),
            pltpu.VMEM((_W, _DA), f32),
            pltpu.VMEM((16, _W), jnp.int32),
            pltpu.VMEM((16, _W), jnp.int32),
            pltpu.SemaphoreType.DMA,
            pltpu.SemaphoreType.DMA,
        ],
    )
    return fn(xa, d1, s10, s11, d2, s20, s21, d3a, s3a, d3b, s3b)


def _tc_body(x_ref, p10, p11, p20, p21, p22a, p22b,
             a1a, a1b, a2a, a2b, a2c, cwt, cb, out_ref):
    f32 = jnp.float32
    dot = functools.partial(jnp.dot, preferred_element_type=f32)
    h = dot(x_ref[...], cwt[...]) + cb[...]
    n1 = p10[:, _D:_D + 1]
    r1 = jnp.where(n1 > 0, 1.0 / n1, 0.0)
    agg1 = dot(p10[:, :_D], a1a[...]) + dot(p11[:, :_D], a1b[...])
    n2 = p20[:, _D:_D + 1]
    r2 = jnp.where(n2 > 0, 1.0 / n2, 0.0)
    agg2 = (dot(p20[:, :_D], a2a[...]) + dot(p21[:, :_D], a2b[...])
            + dot(p22a[:, :_D] + p22b[:, :_D], a2c[...]))
    out_ref[...] = h + r1 * agg1 + r2 * agg2


def _tc_call(x, p10, p11, p20, p21, p22a, p22b,
             a1a, a1b, a2a, a2b, a2c, cwt, cb):
    blk = 1000
    row_spec = pl.BlockSpec((blk, _D), lambda i: (i, 0))
    p_spec = pl.BlockSpec((blk, _DA), lambda i: (i, 0))
    mat_spec = pl.BlockSpec((_D, _D), lambda i: (0, 0))
    bias_spec = pl.BlockSpec((1, _D), lambda i: (0, 0))
    return pl.pallas_call(
        _tc_body,
        grid=(_N // blk,),
        in_specs=[row_spec] + [p_spec] * 6 + [mat_spec] * 6 + [bias_spec],
        out_specs=row_spec,
        out_shape=jax.ShapeDtypeStruct((_N, _D), jnp.float32),
    )(x, p10, p11, p20, p21, p22a, p22b,
      a1a, a1b, a2a, a2b, a2c, cwt, cb)


def _pad_windows(dest, srcs, nwin):
    e = dest.shape[0]
    pad = nwin * _W - e
    i = jnp.arange(pad, dtype=jnp.int32)
    dpad = _N + (i % (_ROWS - _N))
    spad = (i * 997) % _N
    d = jnp.concatenate([dest, dpad]).reshape(nwin, _W)
    ss = [jnp.concatenate([s, spad]).reshape(nwin, _W) for s in srcs]
    return d, ss


def kernel(x, edge_index_rel1, edge_index_rel2, C_w, C_b, A_rel1, A_rel2):
    src1 = edge_index_rel1[0].reshape(-1, 2)
    dest1 = edge_index_rel1[1].reshape(-1, 2)[:, 0]
    src2 = edge_index_rel2[0].reshape(-1, 3)
    dest2 = edge_index_rel2[1].reshape(-1, 3)[:, 0]

    d1, (s10, s11) = _pad_windows(dest1, [src1[:, 0], src1[:, 1]], 1280)
    d2, (s20, s21) = _pad_windows(dest2, [src2[:, 0], src2[:, 1]], 512)
    half = dest2.shape[0] // 2
    s2c = src2[:, 2]
    d3a, (s3a,) = _pad_windows(dest2[:half], [s2c[:half]], 256)
    d3b, (s3b,) = _pad_windows(dest2[half:], [s2c[half:]], 256)

    xa = jnp.concatenate(
        [x, jnp.ones((_N, 1), jnp.float32), jnp.zeros((_N, _DA - _D - 1), jnp.float32)],
        axis=1)

    p10, p11, p20, p21, p22a, p22b = _sc_call(
        xa, d1, s10, s11, d2, s20, s21, d3a, s3a, d3b, s3b)

    a1a, a1b = A_rel1[:_D], A_rel1[_D:]
    a2a, a2b, a2c = A_rel2[:_D], A_rel2[_D:2 * _D], A_rel2[2 * _D:]
    return _tc_call(x, p10, p11, p20, p21, p22a, p22b,
                    a1a, a1b, a2a, a2b, a2c, C_w.T, C_b.reshape(1, _D))

# --- scband reference (transcript-rebuilt; emitter-appended) ---
"""Pipeline reference for scband-hgnnlayer-34780645163720 (READ-ONLY COPY).

The authoritative reference and input builder live on the scoring server;
editing this copy changes nothing except your own understanding.
"""

import jax, jax.numpy as jnp
import numpy as np

N = 10000
D = 128
OUT = 128
E1 = 100000  # arity-2 hyperedges
E2 = 40000   # arity-3 hyperedges


def setup_inputs(seed: int = 0) -> dict:
    key = jax.random.key(seed)
    k1, k2, k3, k4, k5, k6, k7 = jax.random.split(key, 7)
    x = jax.random.normal(k1, (N, D), dtype=jnp.float32)
    edge_index_rel1 = jax.random.randint(k2, (2, E1 * 2), 0, N, dtype=jnp.int32)
    edge_index_rel2 = jax.random.randint(k3, (2, E2 * 3), 0, N, dtype=jnp.int32)
    # Linear C: torch default init uniform(-1/sqrt(in), 1/sqrt(in))
    bound = 1.0 / np.sqrt(D)
    C_w = jax.random.uniform(k4, (OUT, D), dtype=jnp.float32, minval=-bound, maxval=bound)
    C_b = jax.random.uniform(k5, (OUT,), dtype=jnp.float32, minval=-bound, maxval=bound)
    # A[edge]: normal with std sqrt(2/(num*D*s + num*OUT)), num=1 per shape
    std1 = np.sqrt(2.0 / (1 * D * 2 + 1 * OUT))
    std2 = np.sqrt(2.0 / (1 * D * 3 + 1 * OUT))
    A_rel1 = (jax.random.normal(k6, (D * 2, OUT), dtype=jnp.float32) * std1)
    A_rel2 = (jax.random.normal(k7, (D * 3, OUT), dtype=jnp.float32) * std2)
    return {"x": x, "edge_index_rel1": edge_index_rel1, "edge_index_rel2": edge_index_rel2,
            "C_w": C_w, "C_b": C_b, "A_rel1": A_rel1, "A_rel2": A_rel2}


def reference(x, edge_index_rel1, edge_index_rel2, C_w, C_b, A_rel1, A_rel2):
    n_nodes = x.shape[0]
    in_dim = x.shape[1]
    msgs_list = []
    dest_list = []
    for ei, s, A in ((edge_index_rel1, 2, A_rel1), (edge_index_rel2, 3, A_rel2)):
        # dest index: first node of each arity-s group in edge_index[1]
        i = jnp.reshape(ei[1], (-1, s))[:, 0]
        tmp = x[ei[0]]                       # gather sources
        tmp = jnp.reshape(tmp, (-1, s * in_dim))
        tmp = tmp @ A                        # per-relation transform
        # mean-normalization: 1/count of each dest among this relation (unique+counts equiv)
        counts = jnp.bincount(i, length=n_nodes)
        norm = 1.0 / counts[i]
        tmp = norm[:, None] * tmp
        msgs_list.append(tmp)
        dest_list.append(i)
    msgs = jnp.concatenate(msgs_list, axis=0)
    dest = jnp.concatenate(dest_list, axis=0)
    agg = jax.ops.segment_sum(msgs, dest, num_segments=n_nodes)  # scatter_add
    h = x @ C_w.T + C_b + agg
    return h

if __name__ == "__main__":
    import jax
    _d = setup_inputs()
    print(jax.jit(kernel)(*tuple(_d.values())))

</pallas_src>

<mosaic_0001>
#map = affine_map<(d0, d1) -> (0, 0)>
module attributes {stable_mosaic.version = 14 : i64} {
  func.func @_sc_body(%arg0: i32, %arg1: i32, %arg2: memref<10000x144xf32, #tpu.memory_space<hbm>>, %arg3: memref<1280x80xi32, #tpu.memory_space<hbm>>, %arg4: memref<1280x80xi32, #tpu.memory_space<hbm>>, %arg5: memref<1280x80xi32, #tpu.memory_space<hbm>>, %arg6: memref<512x80xi32, #tpu.memory_space<hbm>>, %arg7: memref<512x80xi32, #tpu.memory_space<hbm>>, %arg8: memref<512x80xi32, #tpu.memory_space<hbm>>, %arg9: memref<256x80xi32, #tpu.memory_space<hbm>>, %arg10: memref<256x80xi32, #tpu.memory_space<hbm>>, %arg11: memref<256x80xi32, #tpu.memory_space<hbm>>, %arg12: memref<256x80xi32, #tpu.memory_space<hbm>>, %arg13: memref<10240x144xf32, #tpu.memory_space<hbm>>, %arg14: memref<10240x144xf32, #tpu.memory_space<hbm>>, %arg15: memref<10240x144xf32, #tpu.memory_space<hbm>>, %arg16: memref<10240x144xf32, #tpu.memory_space<hbm>>, %arg17: memref<10240x144xf32, #tpu.memory_space<hbm>>, %arg18: memref<10240x144xf32, #tpu.memory_space<hbm>>, %arg19: memref<10240x144xf32, #tpu.memory_space<vmem_shared>>, %arg20: memref<64x144xf32, #tpu.memory_space<vmem>>, %arg21: memref<80x144xf32, #tpu.memory_space<vmem>>, %arg22: memref<80x144xf32, #tpu.memory_space<vmem>>, %arg23: memref<16x80xi32, #tpu.memory_space<vmem>>, %arg24: memref<16x80xi32, #tpu.memory_space<vmem>>, %arg25: memref<!tpu.dma_semaphore, #tpu.memory_space<semaphore_mem>>, %arg26: memref<!tpu.dma_semaphore, #tpu.memory_space<semaphore_mem>>) attributes {dimension_semantics = [#tpu.dimension_semantics<core_parallel>, #tpu.dimension_semantics<subcore_parallel>], iteration_bounds = array<i64: 2, 16>, scalar_prefetch = 0 : i64, scratch_operands = 8 : i64, tpu.core_type = #tpu.core_type<sc_vector_subcore>, window_params = [{transform_indices = #map}, {transform_indices = #map}, {transform_indices = #map}, {transform_indices = #map}, {transform_indices = #map}, {transform_indices = #map}, {transform_indices = #map}, {transform_indices = #map}, {transform_indices = #map}, {transform_indices = #map}, {transform_indices = #map}, {transform_indices = #map}, {transform_indices = #map}, {transform_indices = #map}, {transform_indices = #map}, {transform_indices = #map}, {transform_indices = #map}]} {
    %mul3A = arith.constant 640 : i32
    %mul3A_0 = arith.muli %arg1, %mul3A : i32
    %scan3A = arith.constant 0 : i32
    %scan3A_1 = arith.constant 0 : i32
    %scan3A_2 = arith.constant 576 : i32
    %scan3A_3 = arith.addi %scan3A_1, %scan3A_2 : i32
    %scan3A_4 = arith.constant 1 : i32
    %scan3A_5 = scf.for %scan3A_14 = %scan3A_1 to %scan3A_3 step %scan3A_4 iter_args(%scan3A_15 = %scan3A) -> (i32)  : i32 {
      %broadcast_in_dim3A = arith.constant 0.000000e+00 : f32
      %broadcast_in_dim3A_16 = vector.broadcast %broadcast_in_dim3A : f32 to vector<16xf32>
      %jit3A = arith.constant 9 : i32
      %div3A = arith.divsi %scan3A_14, %jit3A : i32
      %sign3A = arith.constant 0 : i32
      %sign3A_17 = arith.cmpi sgt, %scan3A_14, %sign3A : i32
      %sign3A_18 = arith.extui %sign3A_17 : i1 to i32
      %sign3A_19 = arith.constant 0 : i32
      %sign3A_20 = arith.cmpi slt, %scan3A_14, %sign3A_19 : i32
      %sign3A_21 = arith.extui %sign3A_20 : i1 to i32
      %sign3A_22 = arith.subi %sign3A_18, %sign3A_21 : i32
      %sign3A_23 = arith.constant 0 : i32
      %sign3A_24 = arith.cmpi sgt, %jit3A, %sign3A_23 : i32
      %sign3A_25 = arith.extui %sign3A_24 : i1 to i32
      %sign3A_26 = arith.constant 0 : i32
      %sign3A_27 = arith.cmpi slt, %jit3A, %sign3A_26 : i32
      %sign3A_28 = arith.extui %sign3A_27 : i1 to i32
      %sign3A_29 = arith.subi %sign3A_25, %sign3A_28 : i32
      %ne3A = arith.cmpi ne, %sign3A_22, %sign3A_29 : i32
      %rem3A = arith.remsi %scan3A_14, %jit3A : i32
      %ne3A_30 = arith.constant 0 : i32
      %ne3A_31 = arith.cmpi ne, %rem3A, %ne3A_30 : i32
      %and3A = arith.andi %ne3A, %ne3A_31 : i1
      %sub3A = arith.constant 1 : i32
      %sub3A_32 = arith.subi %div3A, %sub3A : i32
      %select_n3A = arith.select %and3A, %sub3A_32, %div3A : i32
      %jit3A_33 = arith.constant 9 : i32
      %eq3A_34 = arith.constant 0 : i32
      %eq3A_35 = arith.cmpi eq, %jit3A_33, %eq3A_34 : i32
      %jit3A_36 = arith.constant 1 : i32
      %select_n3A_37 = arith.select %eq3A_35, %jit3A_36, %jit3A_33 : i32
      %rem3A_38 = arith.remsi %scan3A_14, %select_n3A_37 : i32
      %ne3A_39 = arith.constant 0 : i32
      %ne3A_40 = arith.cmpi ne, %rem3A_38, %ne3A_39 : i32
      %lt3A = arith.constant 0 : i32
      %lt3A_41 = arith.cmpi slt, %rem3A_38, %lt3A : i32
      %lt3A_42 = arith.constant 0 : i32
      %lt3A_43 = arith.cmpi slt, %select_n3A_37, %lt3A_42 : i32
      %ne3A_44 = arith.xori %lt3A_41, %lt3A_43 : i1
      %and3A_45 = arith.andi %ne3A_44, %ne3A_40 : i1
      %add3A = arith.addi %rem3A_38, %select_n3A_37 : i32
      %select_n3A_46 = arith.select %and3A_45, %add3A, %rem3A_38 : i32
      %mul3A_47 = arith.constant 16 : i32
      %mul3A_48 = arith.muli %select_n3A_46, %mul3A_47 : i32
      %swap3A = arith.index_cast %select_n3A : i32 to index
      %swap3A_49 = arith.index_cast %mul3A_48 : i32 to index
      %swap3A_50 = tpu.vector_load %arg20[%swap3A, %swap3A_49] {strides = array<i32>} : memref<64x144xf32, #tpu.memory_space<vmem>>, vector<1x16xf32>,
      %swap3A_51 = vector.shape_cast %swap3A_50 : vector<1x16xf32> to vector<16xf32>
      %swap3A_52 = vector.shape_cast %broadcast_in_dim3A_16 : vector<16xf32> to vector<1x16xf32>
      tpu.vector_store %arg20[%swap3A, %swap3A_49], %swap3A_52 {strides = array<i32>} : memref<64x144xf32, #tpu.memory_space<vmem>>, vector<1x16xf32>,
      %scan3A_53 = arith.constant 0 : i32
      scf.yield %scan3A_53 : i32
    }
    %scan3A_6 = arith.constant 576 : i32
    %eq3A = arith.constant 0 : i32
    %eq3A_7 = arith.cmpi eq, %arg0, %eq3A : i32
    %convert_element_type3A = arith.extui %eq3A_7 : i1 to i32
    %cond3A = arith.constant 0 : i32
    %cond3A_8 = arith.cmpi ne, %convert_element_type3A, %cond3A : i32
    scf.if %cond3A_8 {
      %add3A = arith.constant 0 : i32
      %add3A_14 = arith.addi %mul3A_0, %add3A : i32
      "tpu.region"() ({
        %run_scoped3A = tpu.sem_alloc : memref<!tpu.dma_semaphore, #tpu.memory_space<semaphore_mem>>
        %dma_start3A_245 = arith.constant 0 : i32
        %dma_start3A_246 = tpu.memref_slice %arg19[%add3A_14, %dma_start3A_245] : memref<10240x144xf32, #tpu.memory_space<vmem_shared>> -> memref<64x144xf32, #tpu.memory_space<vmem_shared>>
        %dma_start3A_247 = arith.constant 0 : i32
        %dma_start3A_248 = tpu.memref_slice %arg19[%add3A_14, %dma_start3A_247] : memref<10240x144xf32, #tpu.memory_space<vmem_shared>> -> memref<64x144xf32, #tpu.memory_space<vmem_shared>>
        tpu.enqueue_dma source(%arg20 : memref<64x144xf32, #tpu.memory_space<vmem>>) target(%dma_start3A_248 : memref<64x144xf32, #tpu.memory_space<vmem_shared>>) target_semaphore(%run_scoped3A : memref<!tpu.dma_semaphore, #tpu.memory_space<semaphore_mem>>)
        %dma_wait3A = arith.constant 0 : i32
        %dma_wait3A_249 = tpu.memref_slice %arg19[%add3A_14, %dma_wait3A] : memref<10240x144xf32, #tpu.memory_space<vmem_shared>> -> memref<64x144xf32, #tpu.memory_space<vmem_shared>>
        %dma_wait3A_250 = arith.constant 0 : i32
        %dma_wait3A_251 = tpu.memref_slice %arg19[%add3A_14, %dma_wait3A_250] : memref<10240x144xf32, #tpu.memory_space<vmem_shared>> -> memref<64x144xf32, #tpu.memory_space<vmem_shared>>
        tpu.wait_dma2 semaphore(%run_scoped3A : memref<!tpu.dma_semaphore, #tpu.memory_space<semaphore_mem>>) src(%arg20 : memref<64x144xf32, #tpu.memory_space<vmem>>) dst(%dma_wait3A_251 : memref<64x144xf32, #tpu.memory_space<vmem_shared>>)
        tpu.yield
      }) : () -> ()
      %add3A_15 = arith.constant 64 : i32
      %add3A_16 = arith.addi %mul3A_0, %add3A_15 : i32
      "tpu.region"() ({
        %run_scoped3A = tpu.sem_alloc : memref<!tpu.dma_semaphore, #tpu.memory_space<semaphore_mem>>
        %dma_start3A_245 = arith.constant 0 : i32
        %dma_start3A_246 = tpu.memref_slice %arg19[%add3A_16, %dma_start3A_245] : memref<10240x144xf32, #tpu.memory_space<vmem_shared>> -> memref<64x144xf32, #tpu.memory_space<vmem_shared>>
        %dma_start3A_247 = arith.constant 0 : i32
        %dma_start3A_248 = tpu.memref_slice %arg19[%add3A_16, %dma_start3A_247] : memref<10240x144xf32, #tpu.memory_space<vmem_shared>> -> memref<64x144xf32, #tpu.memory_space<vmem_shared>>
        tpu.enqueue_dma source(%arg20 : memref<64x144xf32, #tpu.memory_space<vmem>>) target(%dma_start3A_248 : memref<64x144xf32, #tpu.memory_space<vmem_shared>>) target_semaphore(%run_scoped3A : memref<!tpu.dma_semaphore, #tpu.memory_space<semaphore_mem>>)
        %dma_wait3A = arith.constant 0 : i32
        %dma_wait3A_249 = tpu.memref_slice %arg19[%add3A_16, %dma_wait3A] : memref<10240x144xf32, #tpu.memory_space<vmem_shared>> -> memref<64x144xf32, #tpu.memory_space<vmem_shared>>
        %dma_wait3A_250 = arith.constant 0 : i32
        %dma_wait3A_251 = tpu.memref_slice %arg19[%add3A_16, %dma_wait3A_250] : memref<10240x144xf32, #tpu.memory_space<vmem_shared>> -> memref<64x144xf32, #tpu.memory_space<vmem_shared>>
        tpu.wait_dma2 semaphore(%run_scoped3A : memref<!tpu.dma_semaphore, #tpu.memory_space<semaphore_mem>>) src(%arg20 : memref<64x144xf32, #tpu.memory_space<vmem>>) dst(%dma_wait3A_251 : memref<64x144xf32, #tpu.memory_space<vmem_shared>>)
        tpu.yield
      }) : () -> ()
      %add3A_17 = arith.constant 128 : i32
      %add3A_18 = arith.addi %mul3A_0, %add3A_17 : i32
      "tpu.region"() ({
        %run_scoped3A = tpu.sem_alloc : memref<!tpu.dma_semaphore, #tpu.memory_space<semaphore_mem>>
        %dma_start3A_245 = arith.constant 0 : i32
        %dma_start3A_246 = tpu.memref_slice %arg19[%add3A_18, %dma_start3A_245] : memref<10240x144xf32, #tpu.memory_space<vmem_shared>> -> memref<64x144xf32, #tpu.memory_space<vmem_shared>>
        %dma_start3A_247 = arith.constant 0 : i32
        %dma_start3A_248 = tpu.memref_slice %arg19[%add3A_18, %dma_start3A_247] : memref<10240x144xf32, #tpu.memory_space<vmem_shared>> -> memref<64x144xf32, #tpu.memory_space<vmem_shared>>
        tpu.enqueue_dma source(%arg20 : memref<64x144xf32, #tpu.memory_space<vmem>>) target(%dma_start3A_248 : memref<64x144xf32, #tpu.memory_space<vmem_shared>>) target_semaphore(%run_scoped3A : memref<!tpu.dma_semaphore, #tpu.memory_space<semaphore_mem>>)
        %dma_wait3A = arith.constant 0 : i32
        %dma_wait3A_249 = tpu.memref_slice %arg19[%add3A_18, %dma_wait3A] : memref<10240x144xf32, #tpu.memory_space<vmem_shared>> -> memref<64x144xf32, #tpu.memory_space<vmem_shared>>
        %dma_wait3A_250 = arith.constant 0 : i32
        %dma_wait3A_251 = tpu.memref_slice %arg19[%add3A_18, %dma_wait3A_250] : memref<10240x144xf32, #tpu.memory_space<vmem_shared>> -> memref<64x144xf32, #tpu.memory_space<vmem_shared>>
        tpu.wait_dma2 semaphore(%run_scoped3A : memref<!tpu.dma_semaphore, #tpu.memory_space<semaphore_mem>>) src(%arg20 : memref<64x144xf32, #tpu.memory_space<vmem>>) dst(%dma_wait3A_251 : memref<64x144xf32, #tpu.memory_space<vmem_shared>>)
        tpu.yield
      }) : () -> ()
      %add3A_19 = arith.constant 192 : i32
      %add3A_20 = arith.addi %mul3A_0, %add3A_19 : i32
      "tpu.region"() ({
        %run_scoped3A = tpu.sem_alloc : memref<!tpu.dma_semaphore, #tpu.memory_space<semaphore_mem>>
        %dma_start3A_245 = arith.constant 0 : i32
        %dma_start3A_246 = tpu.memref_slice %arg19[%add3A_20, %dma_start3A_245] : memref<10240x144xf32, #tpu.memory_space<vmem_shared>> -> memref<64x144xf32, #tpu.memory_space<vmem_shared>>
        %dma_start3A_247 = arith.constant 0 : i32
        %dma_start3A_248 = tpu.memref_slice %arg19[%add3A_20, %dma_start3A_247] : memref<10240x144xf32, #tpu.memory_space<vmem_shared>> -> memref<64x144xf32, #tpu.memory_space<vmem_shared>>
        tpu.enqueue_dma source(%arg20 : memref<64x144xf32, #tpu.memory_space<vmem>>) target(%dma_start3A_248 : memref<64x144xf32, #tpu.memory_space<vmem_shared>>) target_semaphore(%run_scoped3A : memref<!tpu.dma_semaphore, #tpu.memory_space<semaphore_mem>>)
        %dma_wait3A = arith.constant 0 : i32
        %dma_wait3A_249 = tpu.memref_slice %arg19[%add3A_20, %dma_wait3A] : memref<10240x144xf32, #tpu.memory_space<vmem_shared>> -> memref<64x144xf32, #tpu.memory_space<vmem_shared>>
        %dma_wait3A_250 = arith.constant 0 : i32
        %dma_wait3A_251 = tpu.memref_slice %arg19[%add3A_20, %dma_wait3A_250] : memref<10240x144xf32, #tpu.memory_space<vmem_shared>> -> memref<64x144xf32, #tpu.memory_space<vmem_shared>>
        tpu.wait_dma2 semaphore(%run_scoped3A : memref<!tpu.dma_semaphore, #tpu.memory_space<semaphore_mem>>) src(%arg20 : memref<64x144xf32, #tpu.memory_space<vmem>>) dst(%dma_wait3A_251 : memref<64x144xf32, #tpu.memory_space<vmem_shared>>)
        tpu.yield
      }) : () -> ()
      %add3A_21 = arith.constant 256 : i32
      %add3A_22 = arith.addi %mul3A_0, %add3A_21 : i32
      "tpu.region"() ({
        %run_scoped3A = tpu.sem_alloc : memref<!tpu.dma_semaphore, #tpu.memory_space<semaphore_mem>>
        %dma_start3A_245 = arith.constant 0 : i32
        %dma_start3A_246 = tpu.memref_slice %arg19[%add3A_22, %dma_start3A_245] : memref<10240x144xf32, #tpu.memory_space<vmem_shared>> -> memref<64x144xf32, #tpu.memory_space<vmem_shared>>
        %dma_start3A_247 = arith.constant 0 : i32
        %dma_start3A_248 = tpu.memref_slice %arg19[%add3A_22, %dma_start3A_247] : memref<10240x144xf32, #tpu.memory_space<vmem_shared>> -> memref<64x144xf32, #tpu.memory_space<vmem_shared>>
        tpu.enqueue_dma source(%arg20 : memref<64x144xf32, #tpu.memory_space<vmem>>) target(%dma_start3A_248 : memref<64x144xf32, #tpu.memory_space<vmem_shared>>) target_semaphore(%run_scoped3A : memref<!tpu.dma_semaphore, #tpu.memory_space<semaphore_mem>>)
        %dma_wait3A = arith.constant 0 : i32
        %dma_wait3A_249 = tpu.memref_slice %arg19[%add3A_22, %dma_wait3A] : memref<10240x144xf32, #tpu.memory_space<vmem_shared>> -> memref<64x144xf32, #tpu.memory_space<vmem_shared>>
        %dma_wait3A_250 = arith.constant 0 : i32
        %dma_wait3A_251 = tpu.memref_slice %arg19[%add3A_22, %dma_wait3A_250] : memref<10240x144xf32, #tpu.memory_space<vmem_shared>> -> memref<64x144xf32, #tpu.memory_space<vmem_shared>>
        tpu.wait_dma2 semaphore(%run_scoped3A : memref<!tpu.dma_semaphore, #tpu.memory_space<semaphore_mem>>) src(%arg20 : memref<64x144xf32, #tpu.memory_space<vmem>>) dst(%dma_wait3A_251 : memref<64x144xf32, #tpu.memory_space<vmem_shared>>)
        tpu.yield
      }) : () -> ()
      %add3A_23 = arith.constant 320 : i32
      %add3A_24 = arith.addi %mul3A_0, %add3A_23 : i32
      "tpu.region"() ({
        %run_scoped3A = tpu.sem_alloc : memref<!tpu.dma_semaphore, #tpu.memory_space<semaphore_mem>>
        %dma_start3A_245 = arith.constant 0 : i32
        %dma_start3A_246 = tpu.memref_slice %arg19[%add3A_24, %dma_start3A_245] : memref<10240x144xf32, #tpu.memory_space<vmem_shared>> -> memref<64x144xf32, #tpu.memory_space<vmem_shared>>
        %dma_start3A_247 = arith.constant 0 : i32
        %dma_start3A_248 = tpu.memref_slice %arg19[%add3A_24, %dma_start3A_247] : memref<10240x144xf32, #tpu.memory_space<vmem_shared>> -> memref<64x144xf32, #tpu.memory_space<vmem_shared>>
        tpu.enqueue_dma source(%arg20 : memref<64x144xf32, #tpu.memory_space<vmem>>) target(%dma_start3A_248 : memref<64x144xf32, #tpu.memory_space<vmem_shared>>) target_semaphore(%run_scoped3A : memref<!tpu.dma_semaphore, #tpu.memory_space<semaphore_mem>>)
        %dma_wait3A = arith.constant 0 : i32
        %dma_wait3A_249 = tpu.memref_slice %arg19[%add3A_24, %dma_wait3A] : memref<10240x144xf32, #tpu.memory_space<vmem_shared>> -> memref<64x144xf32, #tpu.memory_space<vmem_shared>>
        %dma_wait3A_250 = arith.constant 0 : i32
        %dma_wait3A_251 = tpu.memref_slice %arg19[%add3A_24, %dma_wait3A_250] : memref<10240x144xf32, #tpu.memory_space<vmem_shared>> -> memref<64x144xf32, #tpu.memory_space<vmem_shared>>
        tpu.wait_dma2 semaphore(%run_scoped3A : memref<!tpu.dma_semaphore, #tpu.memory_space<semaphore_mem>>) src(%arg20 : memref<64x144xf32, #tpu.memory_space<vmem>>) dst(%dma_wait3A_251 : memref<64x144xf32, #tpu.memory_space<vmem_shared>>)
        tpu.yield
      }) : () -> ()
      %add3A_25 = arith.constant 384 : i32
      %add3A_26 = arith.addi %mul3A_0, %add3A_25 : i32
      "tpu.region"() ({
        %run_scoped3A = tpu.sem_alloc : memref<!tpu.dma_semaphore, #tpu.memory_space<semaphore_mem>>
        %dma_start3A_245 = arith.constant 0 : i32
        %dma_start3A_246 = tpu.memref_slice %arg19[%add3A_26, %dma_start3A_245] : memref<10240x144xf32, #tpu.memory_space<vmem_shared>> -> memref<64x144xf32, #tpu.memory_space<vmem_shared>>
        %dma_start3A_247 = arith.constant 0 : i32
        %dma_start3A_248 = tpu.memref_slice %arg19[%add3A_26, %dma_start3A_247] : memref<10240x144xf32, #tpu.memory_space<vmem_shared>> -> memref<64x144xf32, #tpu.memory_space<vmem_shared>>
        tpu.enqueue_dma source(%arg20 : memref<64x144xf32, #tpu.memory_space<vmem>>) target(%dma_start3A_248 : memref<64x144xf32, #tpu.memory_space<vmem_shared>>) target_semaphore(%run_scoped3A : memref<!tpu.dma_semaphore, #tpu.memory_space<semaphore_mem>>)
        %dma_wait3A = arith.constant 0 : i32
        %dma_wait3A_249 = tpu.memref_slice %arg19[%add3A_26, %dma_wait3A] : memref<10240x144xf32, #tpu.memory_space<vmem_shared>> -> memref<64x144xf32, #tpu.memory_space<vmem_shared>>
        %dma_wait3A_250 = arith.constant 0 : i32
        %dma_wait3A_251 = tpu.memref_slice %arg19[%add3A_26, %dma_wait3A_250] : memref<10240x144xf32, #tpu.memory_space<vmem_shared>> -> memref<64x144xf32, #tpu.memory_space<vmem_shared>>
        tpu.wait_dma2 semaphore(%run_scoped3A : memref<!tpu.dma_semaphore, #tpu.memory_space<semaphore_mem>>) src(%arg20 : memref<64x144xf32, #tpu.memory_space<vmem>>) dst(%dma_wait3A_251 : memref<64x144xf32, #tpu.memory_space<vmem_shared>>)
        tpu.yield
      }) : () -> ()
      %add3A_27 = arith.constant 448 : i32
      %add3A_28 = arith.addi %mul3A_0, %add3A_27 : i32
      "tpu.region"() ({
        %run_scoped3A = tpu.sem_alloc : memref<!tpu.dma_semaphore, #tpu.memory_space<semaphore_mem>>
        %dma_start3A_245 = arith.constant 0 : i32
        %dma_start3A_246 = tpu.memref_slice %arg19[%add3A_28, %dma_start3A_245] : memref<10240x144xf32, #tpu.memory_space<vmem_shared>> -> memref<64x144xf32, #tpu.memory_space<vmem_shared>>
        %dma_start3A_247 = arith.constant 0 : i32
        %dma_start3A_248 = tpu.memref_slice %arg19[%add3A_28, %dma_start3A_247] : memref<10240x144xf32, #tpu.memory_space<vmem_shared>> -> memref<64x144xf32, #tpu.memory_space<vmem_shared>>
        tpu.enqueue_dma source(%arg20 : memref<64x144xf32, #tpu.memory_space<vmem>>) target(%dma_start3A_248 : memref<64x144xf32, #tpu.memory_space<vmem_shared>>) target_semaphore(%run_scoped3A : memref<!tpu.dma_semaphore, #tpu.memory_space<semaphore_mem>>)
        %dma_wait3A = arith.constant 0 : i32
        %dma_wait3A_249 = tpu.memref_slice %arg19[%add3A_28, %dma_wait3A] : memref<10240x144xf32, #tpu.memory_space<vmem_shared>> -> memref<64x144xf32, #tpu.memory_space<vmem_shared>>
        %dma_wait3A_250 = arith.constant 0 : i32
        %dma_wait3A_251 = tpu.memref_slice %arg19[%add3A_28, %dma_wait3A_250] : memref<10240x144xf32, #tpu.memory_space<vmem_shared>> -> memref<64x144xf32, #tpu.memory_space<vmem_shared>>
        tpu.wait_dma2 semaphore(%run_scoped3A : memref<!tpu.dma_semaphore, #tpu.memory_space<semaphore_mem>>) src(%arg20 : memref<64x144xf32, #tpu.memory_space<vmem>>) dst(%dma_wait3A_251 : memref<64x144xf32, #tpu.memory_space<vmem_shared>>)
        tpu.yield
      }) : () -> ()
      %add3A_29 = arith.constant 512 : i32
      %add3A_30 = arith.addi %mul3A_0, %add3A_29 : i32
      "tpu.region"() ({
        %run_scoped3A = tpu.sem_alloc : memref<!tpu.dma_semaphore, #tpu.memory_space<semaphore_mem>>
        %dma_start3A_245 = arith.constant 0 : i32
        %dma_start3A_246 = tpu.memref_slice %arg19[%add3A_30, %dma_start3A_245] : memref<10240x144xf32, #tpu.memory_space<vmem_shared>> -> memref<64x144xf32, #tpu.memory_space<vmem_shared>>
        %dma_start3A_247 = arith.constant 0 : i32
        %dma_start3A_248 = tpu.memref_slice %arg19[%add3A_30, %dma_start3A_247] : memref<10240x144xf32, #tpu.memory_space<vmem_shared>> -> memref<64x144xf32, #tpu.memory_space<vmem_shared>>
        tpu.enqueue_dma source(%arg20 : memref<64x144xf32, #tpu.memory_space<vmem>>) target(%dma_start3A_248 : memref<64x144xf32, #tpu.memory_space<vmem_shared>>) target_semaphore(%run_scoped3A : memref<!tpu.dma_semaphore, #tpu.memory_space<semaphore_mem>>)
        %dma_wait3A = arith.constant 0 : i32
        %dma_wait3A_249 = tpu.memref_slice %arg19[%add3A_30, %dma_wait3A] : memref<10240x144xf32, #tpu.memory_space<vmem_shared>> -> memref<64x144xf32, #tpu.memory_space<vmem_shared>>
        %dma_wait3A_250 = arith.constant 0 : i32
        %dma_wait3A_251 = tpu.memref_slice %arg19[%add3A_30, %dma_wait3A_250] : memref<10240x144xf32, #tpu.memory_space<vmem_shared>> -> memref<64x144xf32, #tpu.memory_space<vmem_shared>>
        tpu.wait_dma2 semaphore(%run_scoped3A : memref<!tpu.dma_semaphore, #tpu.memory_space<semaphore_mem>>) src(%arg20 : memref<64x144xf32, #tpu.memory_space<vmem>>) dst(%dma_wait3A_251 : memref<64x144xf32, #tpu.memory_space<vmem_shared>>)
        tpu.yield
      }) : () -> ()
      %add3A_31 = arith.constant 576 : i32
      %add3A_32 = arith.addi %mul3A_0, %add3A_31 : i32
      "tpu.region"() ({
        %run_scoped3A = tpu.sem_alloc : memref<!tpu.dma_semaphore, #tpu.memory_space<semaphore_mem>>
        %dma_start3A_245 = arith.constant 0 : i32
        %dma_start3A_246 = tpu.memref_slice %arg19[%add3A_32, %dma_start3A_245] : memref<10240x144xf32, #tpu.memory_space<vmem_shared>> -> memref<64x144xf32, #tpu.memory_space<vmem_shared>>
        %dma_start3A_247 = arith.constant 0 : i32
        %dma_start3A_248 = tpu.memref_slice %arg19[%add3A_32, %dma_start3A_247] : memref<10240x144xf32, #tpu.memory_space<vmem_shared>> -> memref<64x144xf32, #tpu.memory_space<vmem_shared>>
        tpu.enqueue_dma source(%arg20 : memref<64x144xf32, #tpu.memory_space<vmem>>) target(%dma_start3A_248 : memref<64x144xf32, #tpu.memory_space<vmem_shared>>) target_semaphore(%run_scoped3A : memref<!tpu.dma_semaphore, #tpu.memory_space<semaphore_mem>>)
        %dma_wait3A = arith.constant 0 : i32
        %dma_wait3A_249 = tpu.memref_slice %arg19[%add3A_32, %dma_wait3A] : memref<10240x144xf32, #tpu.memory_space<vmem_shared>> -> memref<64x144xf32, #tpu.memory_space<vmem_shared>>
        %dma_wait3A_250 = arith.constant 0 : i32
        %dma_wait3A_251 = tpu.memref_slice %arg19[%add3A_32, %dma_wait3A_250] : memref<10240x144xf32, #tpu.memory_space<vmem_shared>> -> memref<64x144xf32, #tpu.memory_space<vmem_shared>>
        tpu.wait_dma2 semaphore(%run_scoped3A : memref<!tpu.dma_semaphore, #tpu.memory_space<semaphore_mem>>) src(%arg20 : memref<64x144xf32, #tpu.memory_space<vmem>>) dst(%dma_wait3A_251 : memref<64x144xf32, #tpu.memory_space<vmem_shared>>)
        tpu.yield
      }) : () -> ()
      %barrier3A = arith.constant 0 : index
      tpu.barrier barrier_id(%barrier3A)
      %mul3A_33 = arith.constant 80 : i32
      %mul3A_34 = arith.muli %arg1, %mul3A_33 : i32
      %add3A_35 = arith.constant 0 : i32
      %add3A_36 = arith.addi %mul3A_34, %add3A_35 : i32
      "tpu.region"() ({
        %run_scoped3A = tpu.sem_alloc : memref<!tpu.dma_semaphore, #tpu.memory_space<semaphore_mem>>
        %dma_start3A_245 = arith.constant 0 : i32
        %dma_start3A_246 = tpu.memref_slice %arg3[%add3A_36, %dma_start3A_245] : memref<1280x80xi32, #tpu.memory_space<hbm>> -> memref<16x80xi32, #tpu.memory_space<hbm>>
        %dma_start3A_247 = arith.constant 0 : i32
        %dma_start3A_248 = tpu.memref_slice %arg3[%add3A_36, %dma_start3A_247] : memref<1280x80xi32, #tpu.memory_space<hbm>> -> memref<16x80xi32, #tpu.memory_space<hbm>>
        tpu.enqueue_dma source(%dma_start3A_248 : memref<16x80xi32, #tpu.memory_space<hbm>>) target(%arg23 : memref<16x80xi32, #tpu.memory_space<vmem>>) target_semaphore(%run_scoped3A : memref<!tpu.dma_semaphore, #tpu.memory_space<semaphore_mem>>)
        %dma_wait3A = arith.constant 0 : i32
        %dma_wait3A_249 = tpu.memref_slice %arg3[%add3A_36, %dma_wait3A] : memref<1280x80xi32, #tpu.memory_space<hbm>> -> memref<16x80xi32, #tpu.memory_space<hbm>>
        %dma_wait3A_250 = arith.constant 0 : i32
        %dma_wait3A_251 = tpu.memref_slice %arg3[%add3A_36, %dma_wait3A_250] : memref<1280x80xi32, #tpu.memory_space<hbm>> -> memref<16x80xi32, #tpu.memory_space<hbm>>
        tpu.wait_dma2 semaphore(%run_scoped3A : memref<!tpu.dma_semaphore, #tpu.memory_space<semaphore_mem>>) src(%dma_wait3A_251 : memref<16x80xi32, #tpu.memory_space<hbm>>) dst(%arg23 : memref<16x80xi32, #tpu.memory_space<vmem>>)
        tpu.yield
      }) : () -> ()
      "tpu.region"() ({
        %run_scoped3A = tpu.sem_alloc : memref<!tpu.dma_semaphore, #tpu.memory_space<semaphore_mem>>
        %dma_start3A_245 = arith.constant 0 : i32
        %dma_start3A_246 = tpu.memref_slice %arg4[%add3A_36, %dma_start3A_245] : memref<1280x80xi32, #tpu.memory_space<hbm>> -> memref<16x80xi32, #tpu.memory_space<hbm>>
        %dma_start3A_247 = arith.constant 0 : i32
        %dma_start3A_248 = tpu.memref_slice %arg4[%add3A_36, %dma_start3A_247] : memref<1280x80xi32, #tpu.memory_space<hbm>> -> memref<16x80xi32, #tpu.memory_space<hbm>>
        tpu.enqueue_dma source(%dma_start3A_248 : memref<16x80xi32, #tpu.memory_space<hbm>>) target(%arg24 : memref<16x80xi32, #tpu.memory_space<vmem>>) target_semaphore(%run_scoped3A : memref<!tpu.dma_semaphore, #tpu.memory_space<semaphore_mem>>)
        %dma_wait3A = arith.constant 0 : i32
        %dma_wait3A_249 = tpu.memref_slice %arg4[%add3A_36, %dma_wait3A] : memref<1280x80xi32, #tpu.memory_space<hbm>> -> memref<16x80xi32, #tpu.memory_space<hbm>>
        %dma_wait3A_250 = arith.constant 0 : i32
        %dma_wait3A_251 = tpu.memref_slice %arg4[%add3A_36, %dma_wait3A_250] : memref<1280x80xi32, #tpu.memory_space<hbm>> -> memref<16x80xi32, #tpu.memory_space<hbm>>
        tpu.wait_dma2 semaphore(%run_scoped3A : memref<!tpu.dma_semaphore, #tpu.memory_space<semaphore_mem>>) src(%dma_wait3A_251 : memref<16x80xi32, #tpu.memory_space<hbm>>) dst(%arg24 : memref<16x80xi32, #tpu.memory_space<vmem>>)
        tpu.yield
      }) : () -> ()
      %dma_start3A = arith.constant 0 : i32
      %dma_start3A_37 = arith.constant 0 : i32
      %dma_start3A_38 = tpu.memref_slice %arg24[%dma_start3A, %dma_start3A_37] : memref<16x80xi32, #tpu.memory_space<vmem>> -> memref<1x80xi32, #tpu.memory_space<vmem>>
      %dma_start3A_39 = tpu.memref_squeeze %dma_start3A_38 : memref<1x80xi32, #tpu.memory_space<vmem>> -> memref<80xi32, #tpu.memory_space<vmem>>
      %dma_start3A_40 = arith.constant 0 : i32
      %dma_start3A_41 = arith.constant 0 : i32
      %dma_start3A_42 = tpu.memref_slice %arg2[%dma_start3A_40, %dma_start3A_41] : memref<10000x144xf32, #tpu.memory_space<hbm>> -> memref<10000x144xf32, #tpu.memory_space<hbm>>
      tpu.enqueue_indirect_dma source(%dma_start3A_42 : memref<10000x144xf32, #tpu.memory_space<hbm>>) target(%arg21 : memref<80x144xf32, #tpu.memory_space<vmem>>) offsets(%dma_start3A_39 : memref<80xi32, #tpu.memory_space<vmem>>) semaphore(%arg25 : memref<!tpu.dma_semaphore, #tpu.memory_space<semaphore_mem>>)
      %scan3A_43 = arith.constant 0 : i32
      %scan3A_44 = arith.constant 0 : i32
      %scan3A_45 = arith.constant 8 : i32
      %scan3A_46 = arith.addi %scan3A_44, %scan3A_45 : i32
      %scan3A_47 = arith.constant 1 : i32
      %scan3A_48 = scf.for %scan3A_245 = %scan3A_44 to %scan3A_46 step %scan3A_47 iter_args(%scan3A_246 = %scan3A_43) -> (i32)  : i32 {
        %mul3A_247 = arith.constant 2 : i32
        %mul3A_248 = arith.muli %mul3A_247, %scan3A_245 : i32
        %add3A_249 = arith.constant 1 : i32
        %add3A_250 = arith.addi %mul3A_248, %add3A_249 : i32
        %add3A_251 = arith.constant 2 : i32
        %add3A_252 = arith.addi %mul3A_248, %add3A_251 : i32
        %dma_wait3A = arith.constant 0 : i32
        %dma_wait3A_253 = tpu.memref_slice %arg24[%mul3A_248, %dma_wait3A] : memref<16x80xi32, #tpu.memory_space<vmem>> -> memref<1x80xi32, #tpu.memory_space<vmem>>
        %dma_wait3A_254 = tpu.memref_squeeze %dma_wait3A_253 : memref<1x80xi32, #tpu.memory_space<vmem>> -> memref<80xi32, #tpu.memory_space<vmem>>
        %dma_wait3A_255 = arith.constant 0 : i32
        %dma_wait3A_256 = arith.constant 0 : i32
        %dma_wait3A_257 = tpu.memref_slice %arg2[%dma_wait3A_255, %dma_wait3A_256] : memref<10000x144xf32, #tpu.memory_space<hbm>> -> memref<10000x144xf32, #tpu.memory_space<hbm>>
        tpu.wait_indirect_dma semaphore(%arg25 : memref<!tpu.dma_semaphore, #tpu.memory_space<semaphore_mem>>) src(%dma_wait3A_257 : memref<10000x144xf32, #tpu.memory_space<hbm>>) dst(%arg21 : memref<80x144xf32, #tpu.memory_space<vmem>>)
        %dma_start3A_258 = arith.constant 0 : i32
        %dma_start3A_259 = tpu.memref_slice %arg24[%add3A_250, %dma_start3A_258] : memref<16x80xi32, #tpu.memory_space<vmem>> -> memref<1x80xi32, #tpu.memory_space<vmem>>
        %dma_start3A_260 = tpu.memref_squeeze %dma_start3A_259 : memref<1x80xi32, #tpu.memory_space<vmem>> -> memref<80xi32, #tpu.memory_space<vmem>>
        %dma_start3A_261 = arith.constant 0 : i32
        %dma_start3A_262 = arith.constant 0 : i32
        %dma_start3A_263 = tpu.memref_slice %arg2[%dma_start3A_261, %dma_start3A_262] : memref<10000x144xf32, #tpu.memory_space<hbm>> -> memref<10000x144xf32, #tpu.memory_space<hbm>>
        tpu.enqueue_indirect_dma source(%dma_start3A_263 : memref<10000x144xf32, #tpu.memory_space<hbm>>) target(%arg22 : memref<80x144xf32, #tpu.memory_space<vmem>>) offsets(%dma_start3A_260 : memref<80xi32, #tpu.memory_space<vmem>>) semaphore(%arg26 : memref<!tpu.dma_semaphore, #tpu.memory_space<semaphore_mem>>)
        "tpu.region"() ({
          %run_scoped3A = tpu.sem_alloc : memref<!tpu.dma_semaphore, #tpu.memory_space<semaphore_mem>>
          %dma_start3A_276 = arith.constant 0 : i32
          %dma_start3A_277 = tpu.memref_slice %arg23[%mul3A_248, %dma_start3A_276] : memref<16x80xi32, #tpu.memory_space<vmem>> -> memref<1x80xi32, #tpu.memory_space<vmem>>
          %dma_start3A_278 = tpu.memref_squeeze %dma_start3A_277 : memref<1x80xi32, #tpu.memory_space<vmem>> -> memref<80xi32, #tpu.memory_space<vmem>>
          %dma_start3A_279 = arith.constant 0 : i32
          %dma_start3A_280 = arith.constant 0 : i32
          %dma_start3A_281 = tpu.memref_slice %arg19[%dma_start3A_279, %dma_start3A_280] : memref<10240x144xf32, #tpu.memory_space<vmem_shared>> -> memref<10240x144xf32, #tpu.memory_space<vmem_shared>>
          tpu.enqueue_indirect_dma source(%arg21 : memref<80x144xf32, #tpu.memory_space<vmem>>) target(%dma_start3A_281 : memref<10240x144xf32, #tpu.memory_space<vmem_shared>>) offsets(%dma_start3A_278 : memref<80xi32, #tpu.memory_space<vmem>>) semaphore(%run_scoped3A : memref<!tpu.dma_semaphore, #tpu.memory_space<semaphore_mem>>) {add = true}
          %dma_wait3A_282 = arith.constant 0 : i32
          %dma_wait3A_283 = tpu.memref_slice %arg23[%mul3A_248, %dma_wait3A_282] : memref<16x80xi32, #tpu.memory_space<vmem>> -> memref<1x80xi32, #tpu.memory_space<vmem>>
          %dma_wait3A_284 = tpu.memref_squeeze %dma_wait3A_283 : memref<1x80xi32, #tpu.memory_space<vmem>> -> memref<80xi32, #tpu.memory_space<vmem>>
          %dma_wait3A_285 = arith.constant 0 : i32
          %dma_wait3A_286 = arith.constant 0 : i32
          %dma_wait3A_287 = tpu.memref_slice %arg19[%dma_wait3A_285, %dma_wait3A_286] : memref<10240x144xf32, #tpu.memory_space<vmem_shared>> -> memref<10240x144xf32, #tpu.memory_space<vmem_shared>>
          tpu.wait_indirect_dma semaphore(%run_scoped3A : memref<!tpu.dma_semaphore, #tpu.memory_space<semaphore_mem>>) src(%arg21 : memref<80x144xf32, #tpu.memory_space<vmem>>) dst(%dma_wait3A_287 : memref<10240x144xf32, #tpu.memory_space<vmem_shared>>)
          tpu.yield
        }) : () -> ()
        %min3A = arith.constant 15 : i32
        %min3A_264 = arith.minsi %add3A_252, %min3A : i32
        %lt3A = arith.constant 16 : i32
        %lt3A_265 = arith.cmpi slt, %add3A_252, %lt3A : i32
        %convert_element_type3A_266 = arith.extui %lt3A_265 : i1 to i32
        %cond3A_267 = arith.constant 0 : i32
        %cond3A_268 = arith.cmpi ne, %convert_element_type3A_266, %cond3A_267 : i32
        scf.if %cond3A_268 {
          %dma_start3A_276 = arith.constant 0 : i32
          %dma_start3A_277 = tpu.memref_slice %arg24[%min3A_264, %dma_start3A_276] : memref<16x80xi32, #tpu.memory_space<vmem>> -> memref<1x80xi32, #tpu.memory_space<vmem>>
          %dma_start3A_278 = tpu.memref_squeeze %dma_start3A_277 : memref<1x80xi32, #tpu.memory_space<vmem>> -> memref<80xi32, #tpu.memory_space<vmem>>
          %dma_start3A_279 = arith.constant 0 : i32
          %dma_start3A_280 = arith.constant 0 : i32
          %dma_start3A_281 = tpu.memref_slice %arg2[%dma_start3A_279, %dma_start3A_280] : memref<10000x144xf32, #tpu.memory_space<hbm>> -> memref<10000x144xf32, #tpu.memory_space<hbm>>
          tpu.enqueue_indirect_dma source(%dma_start3A_281 : memref<10000x144xf32, #tpu.memory_space<hbm>>) target(%arg21 : memref<80x144xf32, #tpu.memory_space<vmem>>) offsets(%dma_start3A_278 : memref<80xi32, #tpu.memory_space<vmem>>) semaphore(%arg25 : memref<!tpu.dma_semaphore, #tpu.memory_space<semaphore_mem>>)
        } else {
        }
        %dma_wait3A_269 = arith.constant 0 : i32
        %dma_wait3A_270 = tpu.memref_slice %arg24[%add3A_250, %dma_wait3A_269] : memref<16x80xi32, #tpu.memory_space<vmem>> -> memref<1x80xi32, #tpu.memory_space<vmem>>
        %dma_wait3A_271 = tpu.memref_squeeze %dma_wait3A_270 : memref<1x80xi32, #tpu.memory_space<vmem>> -> memref<80xi32, #tpu.memory_space<vmem>>
        %dma_wait3A_272 = arith.constant 0 : i32
        %dma_wait3A_273 = arith.constant 0 : i32
        %dma_wait3A_274 = tpu.memref_slice %arg2[%dma_wait3A_272, %dma_wait3A_273] : memref<10000x144xf32, #tpu.memory_space<hbm>> -> memref<10000x144xf32, #tpu.memory_space<hbm>>
        tpu.wait_indirect_dma semaphore(%arg26 : memref<!tpu.dma_semaphore, #tpu.memory_space<semaphore_mem>>) src(%dma_wait3A_274 : memref<10000x144xf32, #tpu.memory_space<hbm>>) dst(%arg22 : memref<80x144xf32, #tpu.memory_space<vmem>>)
        "tpu.region"() ({
          %run_scoped3A = tpu.sem_alloc : memref<!tpu.dma_semaphore, #tpu.memory_space<semaphore_mem>>
          %dma_start3A_276 = arith.constant 0 : i32
          %dma_start3A_277 = tpu.memref_slice %arg23[%add3A_250, %dma_start3A_276] : memref<16x80xi32, #tpu.memory_space<vmem>> -> memref<1x80xi32, #tpu.memory_space<vmem>>
          %dma_start3A_278 = tpu.memref_squeeze %dma_start3A_277 : memref<1x80xi32, #tpu.memory_space<vmem>> -> memref<80xi32, #tpu.memory_space<vmem>>
          %dma_start3A_279 = arith.constant 0 : i32
          %dma_start3A_280 = arith.constant 0 : i32
          %dma_start3A_281 = tpu.memref_slice %arg19[%dma_start3A_279, %dma_start3A_280] : memref<10240x144xf32, #tpu.memory_space<vmem_shared>> -> memref<10240x144xf32, #tpu.memory_space<vmem_shared>>
          tpu.enqueue_indirect_dma source(%arg22 : memref<80x144xf32, #tpu.memory_space<vmem>>) target(%dma_start3A_281 : memref<10240x144xf32, #tpu.memory_space<vmem_shared>>) offsets(%dma_start3A_278 : memref<80xi32, #tpu.memory_space<vmem>>) semaphore(%run_scoped3A : memref<!tpu.dma_semaphore, #tpu.memory_space<semaphore_mem>>) {add = true}
          %dma_wait3A_282 = arith.constant 0 : i32
          %dma_wait3A_283 = tpu.memref_slice %arg23[%add3A_250, %dma_wait3A_282] : memref<16x80xi32, #tpu.memory_space<vmem>> -> memref<1x80xi32, #tpu.memory_space<vmem>>
          %dma_wait3A_284 = tpu.memref_squeeze %dma_wait3A_283 : memref<1x80xi32, #tpu.memory_space<vmem>> -> memref<80xi32, #tpu.memory_space<vmem>>
          %dma_wait3A_285 = arith.constant 0 : i32
          %dma_wait3A_286 = arith.constant 0 : i32
          %dma_wait3A_287 = tpu.memref_slice %arg19[%dma_wait3A_285, %dma_wait3A_286] : memref<10240x144xf32, #tpu.memory_space<vmem_shared>> -> memref<10240x144xf32, #tpu.memory_space<vmem_shared>>
          tpu.wait_indirect_dma semaphore(%run_scoped3A : memref<!tpu.dma_semaphore, #tpu.memory_space<semaphore_mem>>) src(%arg22 : memref<80x144xf32, #tpu.memory_space<vmem>>) dst(%dma_wait3A_287 : memref<10240x144xf32, #tpu.memory_space<vmem_shared>>)
          tpu.yield
        }) : () -> ()
        %scan3A_275 = arith.constant 0 : i32
        scf.yield %scan3A_275 : i32
      }
      %scan3A_49 = arith.constant 8 : i32
      %mul3A_50 = arith.constant 80 : i32
      %mul3A_51 = arith.muli %arg1, %mul3A_50 : i32
      %add3A_52 = arith.constant 16 : i32
      %add3A_53 = arith.addi %mul3A_51, %add3A_52 : i32
      "tpu.region"() ({
        %run_scoped3A = tpu.sem_alloc : memref<!tpu.dma_semaphore, #tpu.memory_space<semaphore_mem>>
        %dma_start3A_245 = arith.constant 0 : i32
        %dma_start3A_246 = tpu.memref_slice %arg3[%add3A_53, %dma_start3A_245] : memref<1280x80xi32, #tpu.memory_space<hbm>> -> memref<16x80xi32, #tpu.memory_space<hbm>>
        %dma_start3A_247 = arith.constant 0 : i32
        %dma_start3A_248 = tpu.memref_slice %arg3[%add3A_53, %dma_start3A_247] : memref<1280x80xi32, #tpu.memory_space<hbm>> -> memref<16x80xi32, #tpu.memory_space<hbm>>
        tpu.enqueue_dma source(%dma_start3A_248 : memref<16x80xi32, #tpu.memory_space<hbm>>) target(%arg23 : memref<16x80xi32, #tpu.memory_space<vmem>>) target_semaphore(%run_scoped3A : memref<!tpu.dma_semaphore, #tpu.memory_space<semaphore_mem>>)
        %dma_wait3A = arith.constant 0 : i32
        %dma_wait3A_249 = tpu.memref_slice %arg3[%add3A_53, %dma_wait3A] : memref<1280x80xi32, #tpu.memory_space<hbm>> -> memref<16x80xi32, #tpu.memory_space<hbm>>
        %dma_wait3A_250 = arith.constant 0 : i32
        %dma_wait3A_251 = tpu.memref_slice %arg3[%add3A_53, %dma_wait3A_250] : memref<1280x80xi32, #tpu.memory_space<hbm>> -> memref<16x80xi32, #tpu.memory_space<hbm>>
        tpu.wait_dma2 semaphore(%run_scoped3A : memref<!tpu.dma_semaphore, #tpu.memory_space<semaphore_mem>>) src(%dma_wait3A_251 : memref<16x80xi32, #tpu.memory_space<hbm>>) dst(%arg23 : memref<16x80xi32, #tpu.memory_space<vmem>>)
        tpu.yield
      }) : () -> ()
      "tpu.region"() ({
        %run_scoped3A = tpu.sem_alloc : memref<!tpu.dma_semaphore, #tpu.memory_space<semaphore_mem>>
        %dma_start3A_245 = arith.constant 0 : i32
        %dma_start3A_246 = tpu.memref_slice %arg4[%add3A_53, %dma_start3A_245] : memref<1280x80xi32, #tpu.memory_space<hbm>> -> memref<16x80xi32, #tpu.memory_space<hbm>>
        %dma_start3A_247 = arith.constant 0 : i32
        %dma_start3A_248 = tpu.memref_slice %arg4[%add3A_53, %dma_start3A_247] : memref<1280x80xi32, #tpu.memory_space<hbm>> -> memref<16x80xi32, #tpu.memory_space<hbm>>
        tpu.enqueue_dma source(%dma_start3A_248 : memref<16x80xi32, #tpu.memory_space<hbm>>) target(%arg24 : memref<16x80xi32, #tpu.memory_space<vmem>>) target_semaphore(%run_scoped3A : memref<!tpu.dma_semaphore, #tpu.memory_space<semaphore_mem>>)
        %dma_wait3A = arith.constant 0 : i32
        %dma_wait3A_249 = tpu.memref_slice %arg4[%add3A_53, %dma_wait3A] : memref<1280x80xi32, #tpu.memory_space<hbm>> -> memref<16x80xi32, #tpu.memory_space<hbm>>
        %dma_wait3A_250 = arith.constant 0 : i32
        %dma_wait3A_251 = tpu.memref_slice %arg4[%add3A_53, %dma_wait3A_250] : memref<1280x80xi32, #tpu.memory_space<hbm>> -> memref<16x80xi32, #tpu.memory_space<hbm>>
        tpu.wait_dma2 semaphore(%run_scoped3A : memref<!tpu.dma_semaphore, #tpu.memory_space<semaphore_mem>>) src(%dma_wait3A_251 : memref<16x80xi32, #tpu.memory_space<hbm>>) dst(%arg24 : memref<16x80xi32, #tpu.memory_space<vmem>>)
        tpu.yield
      }) : () -> ()
      %dma_start3A_54 = arith.constant 0 : i32
      %dma_start3A_55 = arith.constant 0 : i32
      %dma_start3A_56 = tpu.memref_slice %arg24[%dma_start3A_54, %dma_start3A_55] : memref<16x80xi32, #tpu.memory_space<vmem>> -> memref<1x80xi32, #tpu.memory_space<vmem>>
      %dma_start3A_57 = tpu.memref_squeeze %dma_start3A_56 : memref<1x80xi32, #tpu.memory_space<vmem>> -> memref<80xi32, #tpu.memory_space<vmem>>
      %dma_start3A_58 = arith.constant 0 : i32
      %dma_start3A_59 = arith.constant 0 : i32
      %dma_start3A_60 = tpu.memref_slice %arg2[%dma_start3A_58, %dma_start3A_59] : memref<10000x144xf32, #tpu.memory_space<hbm>> -> memref<10000x144xf32, #tpu.memory_space<hbm>>
      tpu.enqueue_indirect_dma source(%dma_start3A_60 : memref<10000x144xf32, #tpu.memory_space<hbm>>) target(%arg21 : memref<80x144xf32, #tpu.memory_space<vmem>>) offsets(%dma_start3A_57 : memref<80xi32, #tpu.memory_space<vmem>>) semaphore(%arg25 : memref<!tpu.dma_semaphore, #tpu.memory_space<semaphore_mem>>)
      %scan3A_61 = arith.constant 0 : i32
      %scan3A_62 = arith.constant 0 : i32
      %scan3A_63 = arith.constant 8 : i32
      %scan3A_64 = arith.addi %scan3A_62, %scan3A_63 : i32
      %scan3A_65 = arith.constant 1 : i32
      %scan3A_66 = scf.for %scan3A_245 = %scan3A_62 to %scan3A_64 step %scan3A_65 iter_args(%scan3A_246 = %scan3A_61) -> (i32)  : i32 {
        %mul3A_247 = arith.constant 2 : i32
        %mul3A_248 = arith.muli %mul3A_247, %scan3A_245 : i32
        %add3A_249 = arith.constant 1 : i32
        %add3A_250 = arith.addi %mul3A_248, %add3A_249 : i32
        %add3A_251 = arith.constant 2 : i32
        %add3A_252 = arith.addi %mul3A_248, %add3A_251 : i32
        %dma_wait3A = arith.constant 0 : i32
        %dma_wait3A_253 = tpu.memref_slice %arg24[%mul3A_248, %dma_wait3A] : memref<16x80xi32, #tpu.memory_space<vmem>> -> memref<1x80xi32, #tpu.memory_space<vmem>>
        %dma_wait3A_254 = tpu.memref_squeeze %dma_wait3A_253 : memref<1x80xi32, #tpu.memory_space<vmem>> -> memref<80xi32, #tpu.memory_space<vmem>>
        %dma_wait3A_255 = arith.constant 0 : i32
        %dma_wait3A_256 = arith.constant 0 : i32
        %dma_wait3A_257 = tpu.memref_slice %arg2[%dma_wait3A_255, %dma_wait3A_256] : memref<10000x144xf32, #tpu.memory_space<hbm>> -> memref<10000x144xf32, #tpu.memory_space<hbm>>
        tpu.wait_indirect_dma semaphore(%arg25 : memref<!tpu.dma_semaphore, #tpu.memory_space<semaphore_mem>>) src(%dma_wait3A_257 : memref<10000x144xf32, #tpu.memory_space<hbm>>) dst(%arg21 : memref<80x144xf32, #tpu.memory_space<vmem>>)
        %dma_start3A_258 = arith.constant 0 : i32
        %dma_start3A_259 = tpu.memref_slice %arg24[%add3A_250, %dma_start3A_258] : memref<16x80xi32, #tpu.memory_space<vmem>> -> memref<1x80xi32, #tpu.memory_space<vmem>>
        %dma_start3A_260 = tpu.memref_squeeze %dma_start3A_259 : memref<1x80xi32, #tpu.memory_space<vmem>> -> memref<80xi32, #tpu.memory_space<vmem>>
        %dma_start3A_261 = arith.constant 0 : i32
        %dma_start3A_262 = arith.constant 0 : i32
        %dma_start3A_263 = tpu.memref_slice %arg2[%dma_start3A_261, %dma_start3A_262] : memref<10000x144xf32, #tpu.memory_space<hbm>> -> memref<10000x144xf32, #tpu.memory_space<hbm>>
        tpu.enqueue_indirect_dma source(%dma_start3A_263 : memref<10000x144xf32, #tpu.memory_space<hbm>>) target(%arg22 : memref<80x144xf32, #tpu.memory_space<vmem>>) offsets(%dma_start3A_260 : memref<80xi32, #tpu.memory_space<vmem>>) semaphore(%arg26 : memref<!tpu.dma_semaphore, #tpu.memory_space<semaphore_mem>>)
        "tpu.region"() ({
          %run_scoped3A = tpu.sem_alloc : memref<!tpu.dma_semaphore, #tpu.memory_space<semaphore_mem>>
          %dma_start3A_276 = arith.constant 0 : i32
          %dma_start3A_277 = tpu.memref_slice %arg23[%mul3A_248, %dma_start3A_276] : memref<16x80xi32, #tpu.memory_space<vmem>> -> memref<1x80xi32, #tpu.memory_space<vmem>>
          %dma_start3A_278 = tpu.memref_squeeze %dma_start3A_277 : memref<1x80xi32, #tpu.memory_space<vmem>> -> memref<80xi32, #tpu.memory_space<vmem>>
          %dma_start3A_279 = arith.constant 0 : i32
          %dma_start3A_280 = arith.constant 0 : i32
          %dma_start3A_281 = tpu.memref_slice %arg19[%dma_start3A_279, %dma_start3A_280] : memref<10240x144xf32, #tpu.memory_space<vmem_shared>> -> memref<10240x144xf32, #tpu.memory_space<vmem_shared>>
          tpu.enqueue_indirect_dma source(%arg21 : memref<80x144xf32, #tpu.memory_space<vmem>>) target(%dma_start3A_281 : memref<10240x144xf32, #tpu.memory_space<vmem_shared>>) offsets(%dma_start3A_278 : memref<80xi32, #tpu.memory_space<vmem>>) semaphore(%run_scoped3A : memref<!tpu.dma_semaphore, #tpu.memory_space<semaphore_mem>>) {add = true}
          %dma_wait3A_282 = arith.constant 0 : i32
          %dma_wait3A_283 = tpu.memref_slice %arg23[%mul3A_248, %dma_wait3A_282] : memref<16x80xi32, #tpu.memory_space<vmem>> -> memref<1x80xi32, #tpu.memory_space<vmem>>
          %dma_wait3A_284 = tpu.memref_squeeze %dma_wait3A_283 : memref<1x80xi32, #tpu.memory_space<vmem>> -> memref<80xi32, #tpu.memory_space<vmem>>
          %dma_wait3A_285 = arith.constant 0 : i32
          %dma_wait3A_286 = arith.constant 0 : i32
          %dma_wait3A_287 = tpu.memref_slice %arg19[%dma_wait3A_285, %dma_wait3A_286] : memref<10240x144xf32, #tpu.memory_space<vmem_shared>> -> memref<10240x144xf32, #tpu.memory_space<vmem_shared>>
          tpu.wait_indirect_dma semaphore(%run_scoped3A : memref<!tpu.dma_semaphore, #tpu.memory_space<semaphore_mem>>) src(%arg21 : memref<80x144xf32, #tpu.memory_space<vmem>>) dst(%dma_wait3A_287 : memref<10240x144xf32, #tpu.memory_space<vmem_shared>>)
          tpu.yield
        }) : () -> ()
        %min3A = arith.constant 15 : i32
        %min3A_264 = arith.minsi %add3A_252, %min3A : i32
        %lt3A = arith.constant 16 : i32
        %lt3A_265 = arith.cmpi slt, %add3A_252, %lt3A : i32
        %convert_element_type3A_266 = arith.extui %lt3A_265 : i1 to i32
        %cond3A_267 = arith.constant 0 : i32
        %cond3A_268 = arith.cmpi ne, %convert_element_type3A_266, %cond3A_267 : i32
        scf.if %cond3A_268 {
          %dma_start3A_276 = arith.constant 0 : i32
          %dma_start3A_277 = tpu.memref_slice %arg24[%min3A_264, %dma_start3A_276] : memref<16x80xi32, #tpu.memory_space<vmem>> -> memref<1x80xi32, #tpu.memory_space<vmem>>
          %dma_start3A_278 = tpu.memref_squeeze %dma_start3A_277 : memref<1x80xi32, #tpu.memory_space<vmem>> -> memref<80xi32, #tpu.memory_space<vmem>>
          %dma_start3A_279 = arith.constant 0 : i32
          %dma_start3A_280 = arith.constant 0 : i32
          %dma_start3A_281 = tpu.memref_slice %arg2[%dma_start3A_279, %dma_start3A_280] : memref<10000x144xf32, #tpu.memory_space<hbm>> -> memref<10000x144xf32, #tpu.memory_space<hbm>>
          tpu.enqueue_indirect_dma source(%dma_start3A_281 : memref<10000x144xf32, #tpu.memory_space<hbm>>) target(%arg21 : memref<80x144xf32, #tpu.memory_space<vmem>>) offsets(%dma_start3A_278 : memref<80xi32, #tpu.memory_space<vmem>>) semaphore(%arg25 : memref<!tpu.dma_semaphore, #tpu.memory_space<semaphore_mem>>)
        } else {
        }
        %dma_wait3A_269 = arith.constant 0 : i32
        %dma_wait3A_270 = tpu.memref_slice %arg24[%add3A_250, %dma_wait3A_269] : memref<16x80xi32, #tpu.memory_space<vmem>> -> memref<1x80xi32, #tpu.memory_space<vmem>>
        %dma_wait3A_271 = tpu.memref_squeeze %dma_wait3A_270 : memref<1x80xi32, #tpu.memory_space<vmem>> -> memref<80xi32, #tpu.memory_space<vmem>>
        %dma_wait3A_272 = arith.constant 0 : i32
        %dma_wait3A_273 = arith.constant 0 : i32
        %dma_wait3A_274 = tpu.memref_slice %arg2[%dma_wait3A_272, %dma_wait3A_273] : memref<10000x144xf32, #tpu.memory_space<hbm>> -> memref<10000x144xf32, #tpu.memory_space<hbm>>
        tpu.wait_indirect_dma semaphore(%arg26 : memref<!tpu.dma_semaphore, #tpu.memory_space<semaphore_mem>>) src(%dma_wait3A_274 : memref<10000x144xf32, #tpu.memory_space<hbm>>) dst(%arg22 : memref<80x144xf32, #tpu.memory_space<vmem>>)
        "tpu.region"() ({
          %run_scoped3A = tpu.sem_alloc : memref<!tpu.dma_semaphore, #tpu.memory_space<semaphore_mem>>
          %dma_start3A_276 = arith.constant 0 : i32
          %dma_start3A_277 = tpu.memref_slice %arg23[%add3A_250, %dma_start3A_276] : memref<16x80xi32, #tpu.memory_space<vmem>> -> memref<1x80xi32, #tpu.memory_space<vmem>>
          %dma_start3A_278 = tpu.memref_squeeze %dma_start3A_277 : memref<1x80xi32, #tpu.memory_space<vmem>> -> memref<80xi32, #tpu.memory_space<vmem>>
          %dma_start3A_279 = arith.constant 0 : i32
          %dma_start3A_280 = arith.constant 0 : i32
          %dma_start3A_281 = tpu.memref_slice %arg19[%dma_start3A_279, %dma_start3A_280] : memref<10240x144xf32, #tpu.memory_space<vmem_shared>> -> memref<10240x144xf32, #tpu.memory_space<vmem_shared>>
          tpu.enqueue_indirect_dma source(%arg22 : memref<80x144xf32, #tpu.memory_space<vmem>>) target(%dma_start3A_281 : memref<10240x144xf32, #tpu.memory_space<vmem_shared>>) offsets(%dma_start3A_278 : memref<80xi32, #tpu.memory_space<vmem>>) semaphore(%run_scoped3A : memref<!tpu.dma_semaphore, #tpu.memory_space<semaphore_mem>>) {add = true}
          %dma_wait3A_282 = arith.constant 0 : i32
          %dma_wait3A_283 = tpu.memref_slice %arg23[%add3A_250, %dma_wait3A_282] : memref<16x80xi32, #tpu.memory_space<vmem>> -> memref<1x80xi32, #tpu.memory_space<vmem>>
          %dma_wait3A_284 = tpu.memref_squeeze %dma_wait3A_283 : memref<1x80xi32, #tpu.memory_space<vmem>> -> memref<80xi32, #tpu.memory_space<vmem>>
          %dma_wait3A_285 = arith.constant 0 : i32
          %dma_wait3A_286 = arith.constant 0 : i32
          %dma_wait3A_287 = tpu.memref_slice %arg19[%dma_wait3A_285, %dma_wait3A_286] : memref<10240x144xf32, #tpu.memory_space<vmem_shared>> -> memref<10240x144xf32, #tpu.memory_space<vmem_shared>>
          tpu.wait_indirect_dma semaphore(%run_scoped3A : memref<!tpu.dma_semaphore, #tpu.memory_space<semaphore_mem>>) src(%arg22 : memref<80x144xf32, #tpu.memory_space<vmem>>) dst(%dma_wait3A_287 : memref<10240x144xf32, #tpu.memory_space<vmem_shared>>)
          tpu.yield
        }) : () -> ()
        %scan3A_275 = arith.constant 0 : i32
        scf.yield %scan3A_275 : i32
      }
      %scan3A_67 = arith.constant 8 : i32
      %mul3A_68 = arith.constant 80 : i32
      %mul3A_69 = arith.muli %arg1, %mul3A_68 : i32
      %add3A_70 = arith.constant 32 : i32
      %add3A_71 = arith.addi %mul3A_69, %add3A_70 : i32
      "tpu.region"() ({
        %run_scoped3A = tpu.sem_alloc : memref<!tpu.dma_semaphore, #tpu.memory_space<semaphore_mem>>
        %dma_start3A_245 = arith.constant 0 : i32
        %dma_start3A_246 = tpu.memref_slice %arg3[%add3A_71, %dma_start3A_245] : memref<1280x80xi32, #tpu.memory_space<hbm>> -> memref<16x80xi32, #tpu.memory_space<hbm>>
        %dma_start3A_247 = arith.constant 0 : i32
        %dma_start3A_248 = tpu.memref_slice %arg3[%add3A_71, %dma_start3A_247] : memref<1280x80xi32, #tpu.memory_space<hbm>> -> memref<16x80xi32, #tpu.memory_space<hbm>>
        tpu.enqueue_dma source(%dma_start3A_248 : memref<16x80xi32, #tpu.memory_space<hbm>>) target(%arg23 : memref<16x80xi32, #tpu.memory_space<vmem>>) target_semaphore(%run_scoped3A : memref<!tpu.dma_semaphore, #tpu.memory_space<semaphore_mem>>)
        %dma_wait3A = arith.constant 0 : i32
        %dma_wait3A_249 = tpu.memref_slice %arg3[%add3A_71, %dma_wait3A] : memref<1280x80xi32, #tpu.memory_space<hbm>> -> memref<16x80xi32, #tpu.memory_space<hbm>>
        %dma_wait3A_250 = arith.constant 0 : i32
        %dma_wait3A_251 = tpu.memref_slice %arg3[%add3A_71, %dma_wait3A_250] : memref<1280x80xi32, #tpu.memory_space<hbm>> -> memref<16x80xi32, #tpu.memory_space<hbm>>
        tpu.wait_dma2 semaphore(%run_scoped3A : memref<!tpu.dma_semaphore, #tpu.memory_space<semaphore_mem>>) src(%dma_wait3A_251 : memref<16x80xi32, #tpu.memory_space<hbm>>) dst(%arg23 : memref<16x80xi32, #tpu.memory_space<vmem>>)
        tpu.yield
      }) : () -> ()
      "tpu.region"() ({
        %run_scoped3A = tpu.sem_alloc : memref<!tpu.dma_semaphore, #tpu.memory_space<semaphore_mem>>
        %dma_start3A_245 = arith.constant 0 : i32
        %dma_start3A_246 = tpu.memref_slice %arg4[%add3A_71, %dma_start3A_245] : memref<1280x80xi32, #tpu.memory_space<hbm>> -> memref<16x80xi32, #tpu.memory_space<hbm>>
        %dma_start3A_247 = arith.constant 0 : i32
        %dma_start3A_248 = tpu.memref_slice %arg4[%add3A_71, %dma_start3A_247] : memref<1280x80xi32, #tpu.memory_space<hbm>> -> memref<16x80xi32, #tpu.memory_space<hbm>>
        tpu.enqueue_dma source(%dma_start3A_248 : memref<16x80xi32, #tpu.memory_space<hbm>>) target(%arg24 : memref<16x80xi32, #tpu.memory_space<vmem>>) target_semaphore(%run_scoped3A : memref<!tpu.dma_semaphore, #tpu.memory_space<semaphore_mem>>)
        %dma_wait3A = arith.constant 0 : i32
        %dma_wait3A_249 = tpu.memref_slice %arg4[%add3A_71, %dma_wait3A] : memref<1280x80xi32, #tpu.memory_space<hbm>> -> memref<16x80xi32, #tpu.memory_space<hbm>>
        %dma_wait3A_250 = arith.constant 0 : i32
        %dma_wait3A_251 = tpu.memref_slice %arg4[%add3A_71, %dma_wait3A_250] : memref<1280x80xi32, #tpu.memory_space<hbm>> -> memref<16x80xi32, #tpu.memory_space<hbm>>
        tpu.wait_dma2 semaphore(%run_scoped3A : memref<!tpu.dma_semaphore, #tpu.memory_space<semaphore_mem>>) src(%dma_wait3A_251 : memref<16x80xi32, #tpu.memory_space<hbm>>) dst(%arg24 : memref<16x80xi32, #tpu.memory_space<vmem>>)
        tpu.yield
      }) : () -> ()
      %dma_start3A_72 = arith.constant 0 : i32
      %dma_start3A_73 = arith.constant 0 : i32
      %dma_start3A_74 = tpu.memref_slice %arg24[%dma_start3A_72, %dma_start3A_73] : memref<16x80xi32, #tpu.memory_space<vmem>> -> memref<1x80xi32, #tpu.memory_space<vmem>>
      %dma_start3A_75 = tpu.memref_squeeze %dma_start3A_74 : memref<1x80xi32, #tpu.memory_space<vmem>> -> memref<80xi32, #tpu.memory_space<vmem>>
      %dma_start3A_76 = arith.constant 0 : i32
      %dma_start3A_77 = arith.constant 0 : i32
      %dma_start3A_78 = tpu.memref_slice %arg2[%dma_start3A_76, %dma_start3A_77] : memref<10000x144xf32, #tpu.memory_space<hbm>> -> memref<10000x144xf32, #tpu.memory_space<hbm>>
      tpu.enqueue_indirect_dma source(%dma_start3A_78 : memref<10000x144xf32, #tpu.memory_space<hbm>>) target(%arg21 : memref<80x144xf32, #tpu.memory_space<vmem>>) offsets(%dma_start3A_75 : memref<80xi32, #tpu.memory_space<vmem>>) semaphore(%arg25 : memref<!tpu.dma_semaphore, #tpu.memory_space<semaphore_mem>>)
      %scan3A_79 = arith.constant 0 : i32
      %scan3A_80 = arith.constant 0 : i32
      %scan3A_81 = arith.constant 8 : i32
      %scan3A_82 = arith.addi %scan3A_80, %scan3A_81 : i32
      %scan3A_83 = arith.constant 1 : i32
      %scan3A_84 = scf.for %scan3A_245 = %scan3A_80 to %scan3A_82 step %scan3A_83 iter_args(%scan3A_246 = %scan3A_79) -> (i32)  : i32 {
        %mul3A_247 = arith.constant 2 : i32
        %mul3A_248 = arith.muli %mul3A_247, %scan3A_245 : i32
        %add3A_249 = arith.constant 1 : i32
        %add3A_250 = arith.addi %mul3A_248, %add3A_249 : i32
        %add3A_251 = arith.constant 2 : i32
        %add3A_252 = arith.addi %mul3A_248, %add3A_251 : i32
        %dma_wait3A = arith.constant 0 : i32
        %dma_wait3A_253 = tpu.memref_slice %arg24[%mul3A_248, %dma_wait3A] : memref<16x80xi32, #tpu.memory_space<vmem>> -> memref<1x80xi32, #tpu.memory_space<vmem>>
        %dma_wait3A_254 = tpu.memref_squeeze %dma_wait3A_253 : memref<1x80xi32, #tpu.memory_space<vmem>> -> memref<80xi32, #tpu.memory_space<vmem>>
        %dma_wait3A_255 = arith.constant 0 : i32
        %dma_wait3A_256 = arith.constant 0 : i32
        %dma_wait3A_257 = tpu.memref_slice %arg2[%dma_wait3A_255, %dma_wait3A_256] : memref<10000x144xf32, #tpu.memory_space<hbm>> -> memref<10000x144xf32, #tpu.memory_space<hbm>>
        tpu.wait_indirect_dma semaphore(%arg25 : memref<!tpu.dma_semaphore, #tpu.memory_space<semaphore_mem>>) src(%dma_wait3A_257 : memref<10000x144xf32, #tpu.memory_space<hbm>>) dst(%arg21 : memref<80x144xf32, #tpu.memory_space<vmem>>)
        %dma_start3A_258 = arith.constant 0 : i32
        %dma_start3A_259 = tpu.memref_slice %arg24[%add3A_250, %dma_start3A_258] : memref<16x80xi32, #tpu.memory_space<vmem>> -> memref<1x80xi32, #tpu.memory_space<vmem>>
        %dma_start3A_260 = tpu.memref_squeeze %dma_start3A_259 : memref<1x80xi32, #tpu.memory_space<vmem>> -> memref<80xi32, #tpu.memory_space<vmem>>
        %dma_start3A_261 = arith.constant 0 : i32
        %dma_start3A_262 = arith.constant 0 : i32
        %dma_start3A_263 = tpu.memref_slice %arg2[%dma_start3A_261, %dma_start3A_262] : memref<10000x144xf32, #tpu.memory_space<hbm>> -> memref<10000x144xf32, #tpu.memory_space<hbm>>
        tpu.enqueue_indirect_dma source(%dma_start3A_263 : memref<10000x144xf32, #tpu.memory_space<hbm>>) target(%arg22 : memref<80x144xf32, #tpu.memory_space<vmem>>) offsets(%dma_start3A_260 : memref<80xi32, #tpu.memory_space<vmem>>) semaphore(%arg26 : memref<!tpu.dma_semaphore, #tpu.memory_space<semaphore_mem>>)
        "tpu.region"() ({
          %run_scoped3A = tpu.sem_alloc : memref<!tpu.dma_semaphore, #tpu.memory_space<semaphore_mem>>
          %dma_start3A_276 = arith.constant 0 : i32
          %dma_start3A_277 = tpu.memref_slice %arg23[%mul3A_248, %dma_start3A_276] : memref<16x80xi32, #tpu.memory_space<vmem>> -> memref<1x80xi32, #tpu.memory_space<vmem>>
          %dma_start3A_278 = tpu.memref_squeeze %dma_start3A_277 : memref<1x80xi32, #tpu.memory_space<vmem>> -> memref<80xi32, #tpu.memory_space<vmem>>
          %dma_start3A_279 = arith.constant 0 : i32
          %dma_start3A_280 = arith.constant 0 : i32
          %dma_start3A_281 = tpu.memref_slice %arg19[%dma_start3A_279, %dma_start3A_280] : memref<10240x144xf32, #tpu.memory_space<vmem_shared>> -> memref<10240x144xf32, #tpu.memory_space<vmem_shared>>
          tpu.enqueue_indirect_dma source(%arg21 : memref<80x144xf32, #tpu.memory_space<vmem>>) target(%dma_start3A_281 : memref<10240x144xf32, #tpu.memory_space<vmem_shared>>) offsets(%dma_start3A_278 : memref<80xi32, #tpu.memory_space<vmem>>) semaphore(%run_scoped3A : memref<!tpu.dma_semaphore, #tpu.memory_space<semaphore_mem>>) {add = true}
          %dma_wait3A_282 = arith.constant 0 : i32
          %dma_wait3A_283 = tpu.memref_slice %arg23[%mul3A_248, %dma_wait3A_282] : memref<16x80xi32, #tpu.memory_space<vmem>> -> memref<1x80xi32, #tpu.memory_space<vmem>>
          %dma_wait3A_284 = tpu.memref_squeeze %dma_wait3A_283 : memref<1x80xi32, #tpu.memory_space<vmem>> -> memref<80xi32, #tpu.memory_space<vmem>>
          %dma_wait3A_285 = arith.constant 0 : i32
          %dma_wait3A_286 = arith.constant 0 : i32
          %dma_wait3A_287 = tpu.memref_slice %arg19[%dma_wait3A_285, %dma_wait3A_286] : memref<10240x144xf32, #tpu.memory_space<vmem_shared>> -> memref<10240x144xf32, #tpu.memory_space<vmem_shared>>
          tpu.wait_indirect_dma semaphore(%run_scoped3A : memref<!tpu.dma_semaphore, #tpu.memory_space<semaphore_mem>>) src(%arg21 : memref<80x144xf32, #tpu.memory_space<vmem>>) dst(%dma_wait3A_287 : memref<10240x144xf32, #tpu.memory_space<vmem_shared>>)
          tpu.yield
        }) : () -> ()
        %min3A = arith.constant 15 : i32
        %min3A_264 = arith.minsi %add3A_252, %min3A : i32
        %lt3A = arith.constant 16 : i32
        %lt3A_265 = arith.cmpi slt, %add3A_252, %lt3A : i32
        %convert_element_type3A_266 = arith.extui %lt3A_265 : i1 to i32
        %cond3A_267 = arith.constant 0 : i32
        %cond3A_268 = arith.cmpi ne, %convert_element_type3A_266, %cond3A_267 : i32
        scf.if %cond3A_268 {
          %dma_start3A_276 = arith.constant 0 : i32
          %dma_start3A_277 = tpu.memref_slice %arg24[%min3A_264, %dma_start3A_276] : memref<16x80xi32, #tpu.memory_space<vmem>> -> memref<1x80xi32, #tpu.memory_space<vmem>>
          %dma_start3A_278 = tpu.memref_squeeze %dma_start3A_277 : memref<1x80xi32, #tpu.memory_space<vmem>> -> memref<80xi32, #tpu.memory_space<vmem>>
          %dma_start3A_279 = arith.constant 0 : i32
          %dma_start3A_280 = arith.constant 0 : i32
          %dma_start3A_281 = tpu.memref_slice %arg2[%dma_start3A_279, %dma_start3A_280] : memref<10000x144xf32, #tpu.memory_space<hbm>> -> memref<10000x144xf32, #tpu.memory_space<hbm>>
          tpu.enqueue_indirect_dma source(%dma_start3A_281 : memref<10000x144xf32, #tpu.memory_space<hbm>>) target(%arg21 : memref<80x144xf32, #tpu.memory_space<vmem>>) offsets(%dma_start3A_278 : memref<80xi32, #tpu.memory_space<vmem>>) semaphore(%arg25 : memref<!tpu.dma_semaphore, #tpu.memory_space<semaphore_mem>>)
        } else {
        }
        %dma_wait3A_269 = arith.constant 0 : i32
        %dma_wait3A_270 = tpu.memref_slice %arg24[%add3A_250, %dma_wait3A_269] : memref<16x80xi32, #tpu.memory_space<vmem>> -> memref<1x80xi32, #tpu.memory_space<vmem>>
        %dma_wait3A_271 = tpu.memref_squeeze %dma_wait3A_270 : memref<1x80xi32, #tpu.memory_space<vmem>> -> memref<80xi32, #tpu.memory_space<vmem>>
        %dma_wait3A_272 = arith.constant 0 : i32
        %dma_wait3A_273 = arith.constant 0 : i32
        %dma_wait3A_274 = tpu.memref_slice %arg2[%dma_wait3A_272, %dma_wait3A_273] : memref<10000x144xf32, #tpu.memory_space<hbm>> -> memref<10000x144xf32, #tpu.memory_space<hbm>>
        tpu.wait_indirect_dma semaphore(%arg26 : memref<!tpu.dma_semaphore, #tpu.memory_space<semaphore_mem>>) src(%dma_wait3A_274 : memref<10000x144xf32, #tpu.memory_space<hbm>>) dst(%arg22 : memref<80x144xf32, #tpu.memory_space<vmem>>)
        "tpu.region"() ({
          %run_scoped3A = tpu.sem_alloc : memref<!tpu.dma_semaphore, #tpu.memory_space<semaphore_mem>>
          %dma_start3A_276 = arith.constant 0 : i32
          %dma_start3A_277 = tpu.memref_slice %arg23[%add3A_250, %dma_start3A_276] : memref<16x80xi32, #tpu.memory_space<vmem>> -> memref<1x80xi32, #tpu.memory_space<vmem>>
          %dma_start3A_278 = tpu.memref_squeeze %dma_start3A_277 : memref<1x80xi32, #tpu.memory_space<vmem>> -> memref<80xi32, #tpu.memory_space<vmem>>
          %dma_start3A_279 = arith.constant 0 : i32
          %dma_start3A_280 = arith.constant 0 : i32
          %dma_start3A_281 = tpu.memref_slice %arg19[%dma_start3A_279, %dma_start3A_280] : memref<10240x144xf32, #tpu.memory_space<vmem_shared>> -> memref<10240x144xf32, #tpu.memory_space<vmem_shared>>
          tpu.enqueue_indirect_dma source(%arg22 : memref<80x144xf32, #tpu.memory_space<vmem>>) target(%dma_start3A_281 : memref<10240x144xf32, #tpu.memory_space<vmem_shared>>) offsets(%dma_start3A_278 : memref<80xi32, #tpu.memory_space<vmem>>) semaphore(%run_scoped3A : memref<!tpu.dma_semaphore, #tpu.memory_space<semaphore_mem>>) {add = true}
          %dma_wait3A_282 = arith.constant 0 : i32
          %dma_wait3A_283 = tpu.memref_slice %arg23[%add3A_250, %dma_wait3A_282] : memref<16x80xi32, #tpu.memory_space<vmem>> -> memref<1x80xi32, #tpu.memory_space<vmem>>
          %dma_wait3A_284 = tpu.memref_squeeze %dma_wait3A_283 : memref<1x80xi32, #tpu.memory_space<vmem>> -> memref<80xi32, #tpu.memory_space<vmem>>
          %dma_wait3A_285 = arith.constant 0 : i32
          %dma_wait3A_286 = arith.constant 0 : i32
          %dma_wait3A_287 = tpu.memref_slice %arg19[%dma_wait3A_285, %dma_wait3A_286] : memref<10240x144xf32, #tpu.memory_space<vmem_shared>> -> memref<10240x144xf32, #tpu.memory_space<vmem_shared>>
          tpu.wait_indirect_dma semaphore(%run_scoped3A : memref<!tpu.dma_semaphore, #tpu.memory_space<semaphore_mem>>) src(%arg22 : memref<80x144xf32, #tpu.memory_space<vmem>>) dst(%dma_wait3A_287 : memref<10240x144xf32, #tpu.memory_space<vmem_shared>>)
          tpu.yield
        }) : () -> ()
        %scan3A_275 = arith.constant 0 : i32
        scf.yield %scan3A_275 : i32
      }
      %scan3A_85 = arith.constant 8 : i32
      %mul3A_86 = arith.constant 80 : i32
      %mul3A_87 = arith.muli %arg1, %mul3A_86 : i32
      %add3A_88 = arith.constant 48 : i32
      %add3A_89 = arith.addi %mul3A_87, %add3A_88 : i32
      "tpu.region"() ({
        %run_scoped3A = tpu.sem_alloc : memref<!tpu.dma_semaphore, #tpu.memory_space<semaphore_mem>>
        %dma_start3A_245 = arith.constant 0 : i32
        %dma_start3A_246 = tpu.memref_slice %arg3[%add3A_89, %dma_start3A_245] : memref<1280x80xi32, #tpu.memory_space<hbm>> -> memref<16x80xi32, #tpu.memory_space<hbm>>
        %dma_start3A_247 = arith.constant 0 : i32
        %dma_start3A_248 = tpu.memref_slice %arg3[%add3A_89, %dma_start3A_247] : memref<1280x80xi32, #tpu.memory_space<hbm>> -> memref<16x80xi32, #tpu.memory_space<hbm>>
        tpu.enqueue_dma source(%dma_start3A_248 : memref<16x80xi32, #tpu.memory_space<hbm>>) target(%arg23 : memref<16x80xi32, #tpu.memory_space<vmem>>) target_semaphore(%run_scoped3A : memref<!tpu.dma_semaphore, #tpu.memory_space<semaphore_mem>>)
        %dma_wait3A = arith.constant 0 : i32
        %dma_wait3A_249 = tpu.memref_slice %arg3[%add3A_89, %dma_wait3A] : memref<1280x80xi32, #tpu.memory_space<hbm>> -> memref<16x80xi32, #tpu.memory_space<hbm>>
        %dma_wait3A_250 = arith.constant 0 : i32
        %dma_wait3A_251 = tpu.memref_slice %arg3[%add3A_89, %dma_wait3A_250] : memref<1280x80xi32, #tpu.memory_space<hbm>> -> memref<16x80xi32, #tpu.memory_space<hbm>>
        tpu.wait_dma2 semaphore(%run_scoped3A : memref<!tpu.dma_semaphore, #tpu.memory_space<semaphore_mem>>) src(%dma_wait3A_251 : memref<16x80xi32, #tpu.memory_space<hbm>>) dst(%arg23 : memref<16x80xi32, #tpu.memory_space<vmem>>)
        tpu.yield
      }) : () -> ()
      "tpu.region"() ({
        %run_scoped3A = tpu.sem_alloc : memref<!tpu.dma_semaphore, #tpu.memory_space<semaphore_mem>>
        %dma_start3A_245 = arith.constant 0 : i32
        %dma_start3A_246 = tpu.memref_slice %arg4[%add3A_89, %dma_start3A_245] : memref<1280x80xi32, #tpu.memory_space<hbm>> -> memref<16x80xi32, #tpu.memory_space<hbm>>
        %dma_start3A_247 = arith.constant 0 : i32
        %dma_start3A_248 = tpu.memref_slice %arg4[%add3A_89, %dma_start3A_247] : memref<1280x80xi32, #tpu.memory_space<hbm>> -> memref<16x80xi32, #tpu.memory_space<hbm>>
        tpu.enqueue_dma source(%dma_start3A_248 : memref<16x80xi32, #tpu.memory_space<hbm>>) target(%arg24 : memref<16x80xi32, #tpu.memory_space<vmem>>) target_semaphore(%run_scoped3A : memref<!tpu.dma_semaphore, #tpu.memory_space<semaphore_mem>>)
        %dma_wait3A = arith.constant 0 : i32
        %dma_wait3A_249 = tpu.memref_slice %arg4[%add3A_89, %dma_wait3A] : memref<1280x80xi32, #tpu.memory_space<hbm>> -> memref<16x80xi32, #tpu.memory_space<hbm>>
        %dma_wait3A_250 = arith.constant 0 : i32
        %dma_wait3A_251 = tpu.memref_slice %arg4[%add3A_89, %dma_wait3A_250] : memref<1280x80xi32, #tpu.memory_space<hbm>> -> memref<16x80xi32, #tpu.memory_space<hbm>>
        tpu.wait_dma2 semaphore(%run_scoped3A : memref<!tpu.dma_semaphore, #tpu.memory_space<semaphore_mem>>) src(%dma_wait3A_251 : memref<16x80xi32, #tpu.memory_space<hbm>>) dst(%arg24 : memref<16x80xi32, #tpu.memory_space<vmem>>)
        tpu.yield
      }) : () -> ()
      %dma_start3A_90 = arith.constant 0 : i32
      %dma_start3A_91 = arith.constant 0 : i32
      %dma_start3A_92 = tpu.memref_slice %arg24[%dma_start3A_90, %dma_start3A_91] : memref<16x80xi32, #tpu.memory_space<vmem>> -> memref<1x80xi32, #tpu.memory_space<vmem>>
      %dma_start3A_93 = tpu.memref_squeeze %dma_start3A_92 : memref<1x80xi32, #tpu.memory_space<vmem>> -> memref<80xi32, #tpu.memory_space<vmem>>
      %dma_start3A_94 = arith.constant 0 : i32
      %dma_start3A_95 = arith.constant 0 : i32
      %dma_start3A_96 = tpu.memref_slice %arg2[%dma_start3A_94, %dma_start3A_95] : memref<10000x144xf32, #tpu.memory_space<hbm>> -> memref<10000x144xf32, #tpu.memory_space<hbm>>
      tpu.enqueue_indirect_dma source(%dma_start3A_96 : memref<10000x144xf32, #tpu.memory_space<hbm>>) target(%arg21 : memref<80x144xf32, #tpu.memory_space<vmem>>) offsets(%dma_start3A_93 : memref<80xi32, #tpu.memory_space<vmem>>) semaphore(%arg25 : memref<!tpu.dma_semaphore, #tpu.memory_space<semaphore_mem>>)
      %scan3A_97 = arith.constant 0 : i32
      %scan3A_98 = arith.constant 0 : i32
      %scan3A_99 = arith.constant 8 : i32
      %scan3A_100 = arith.addi %scan3A_98, %scan3A_99 : i32
      %scan3A_101 = arith.constant 1 : i32
      %scan3A_102 = scf.for %scan3A_245 = %scan3A_98 to %scan3A_100 step %scan3A_101 iter_args(%scan3A_246 = %scan3A_97) -> (i32)  : i32 {
        %mul3A_247 = arith.constant 2 : i32
        %mul3A_248 = arith.muli %mul3A_247, %scan3A_245 : i32
        %add3A_249 = arith.constant 1 : i32
        %add3A_250 = arith.addi %mul3A_248, %add3A_249 : i32
        %add3A_251 = arith.constant 2 : i32
        %add3A_252 = arith.addi %mul3A_248, %add3A_251 : i32
        %dma_wait3A = arith.constant 0 : i32
        %dma_wait3A_253 = tpu.memref_slice %arg24[%mul3A_248, %dma_wait3A] : memref<16x80xi32, #tpu.memory_space<vmem>> -> memref<1x80xi32, #tpu.memory_space<vmem>>
        %dma_wait3A_254 = tpu.memref_squeeze %dma_wait3A_253 : memref<1x80xi32, #tpu.memory_space<vmem>> -> memref<80xi32, #tpu.memory_space<vmem>>
        %dma_wait3A_255 = arith.constant 0 : i32
        %dma_wait3A_256 = arith.constant 0 : i32
        %dma_wait3A_257 = tpu.memref_slice %arg2[%dma_wait3A_255, %dma_wait3A_256] : memref<10000x144xf32, #tpu.memory_space<hbm>> -> memref<10000x144xf32, #tpu.memory_space<hbm>>
        tpu.wait_indirect_dma semaphore(%arg25 : memref<!tpu.dma_semaphore, #tpu.memory_space<semaphore_mem>>) src(%dma_wait3A_257 : memref<10000x144xf32, #tpu.memory_space<hbm>>) dst(%arg21 : memref<80x144xf32, #tpu.memory_space<vmem>>)
        %dma_start3A_258 = arith.constant 0 : i32
        %dma_start3A_259 = tpu.memref_slice %arg24[%add3A_250, %dma_start3A_258] : memref<16x80xi32, #tpu.memory_space<vmem>> -> memref<1x80xi32, #tpu.memory_space<vmem>>
        %dma_start3A_260 = tpu.memref_squeeze %dma_start3A_259 : memref<1x80xi32, #tpu.memory_space<vmem>> -> memref<80xi32, #tpu.memory_space<vmem>>
        %dma_start3A_261 = arith.constant 0 : i32
        %dma_start3A_262 = arith.constant 0 : i32
        %dma_start3A_263 = tpu.memref_slice %arg2[%dma_start3A_261, %dma_start3A_262] : memref<10000x144xf32, #tpu.memory_space<hbm>> -> memref<10000x144xf32, #tpu.memory_space<hbm>>
        tpu.enqueue_indirect_dma source(%dma_start3A_263 : memref<10000x144xf32, #tpu.memory_space<hbm>>) target(%arg22 : memref<80x144xf32, #tpu.memory_space<vmem>>) offsets(%dma_start3A_260 : memref<80xi32, #tpu.memory_space<vmem>>) semaphore(%arg26 : memref<!tpu.dma_semaphore, #tpu.memory_space<semaphore_mem>>)
        "tpu.region"() ({
          %run_scoped3A = tpu.sem_alloc : memref<!tpu.dma_semaphore, #tpu.memory_space<semaphore_mem>>
          %dma_start3A_276 = arith.constant 0 : i32
          %dma_start3A_277 = tpu.memref_slice %arg23[%mul3A_248, %dma_start3A_276] : memref<16x80xi32, #tpu.memory_space<vmem>> -> memref<1x80xi32, #tpu.memory_space<vmem>>
          %dma_start3A_278 = tpu.memref_squeeze %dma_start3A_277 : memref<1x80xi32, #tpu.memory_space<vmem>> -> memref<80xi32, #tpu.memory_space<vmem>>
          %dma_start3A_279 = arith.constant 0 : i32
          %dma_start3A_280 = arith.constant 0 : i32
          %dma_start3A_281 = tpu.memref_slice %arg19[%dma_start3A_279, %dma_start3A_280] : memref<10240x144xf32, #tpu.memory_space<vmem_shared>> -> memref<10240x144xf32, #tpu.memory_space<vmem_shared>>
          tpu.enqueue_indirect_dma source(%arg21 : memref<80x144xf32, #tpu.memory_space<vmem>>) target(%dma_start3A_281 : memref<10240x144xf32, #tpu.memory_space<vmem_shared>>) offsets(%dma_start3A_278 : memref<80xi32, #tpu.memory_space<vmem>>) semaphore(%run_scoped3A : memref<!tpu.dma_semaphore, #tpu.memory_space<semaphore_mem>>) {add = true}
          %dma_wait3A_282 = arith.constant 0 : i32
          %dma_wait3A_283 = tpu.memref_slice %arg23[%mul3A_248, %dma_wait3A_282] : memref<16x80xi32, #tpu.memory_space<vmem>> -> memref<1x80xi32, #tpu.memory_space<vmem>>
          %dma_wait3A_284 = tpu.memref_squeeze %dma_wait3A_283 : memref<1x80xi32, #tpu.memory_space<vmem>> -> memref<80xi32, #tpu.memory_space<vmem>>
          %dma_wait3A_285 = arith.constant 0 : i32
          %dma_wait3A_286 = arith.constant 0 : i32
          %dma_wait3A_287 = tpu.memref_slice %arg19[%dma_wait3A_285, %dma_wait3A_286] : memref<10240x144xf32, #tpu.memory_space<vmem_shared>> -> memref<10240x144xf32, #tpu.memory_space<vmem_shared>>
          tpu.wait_indirect_dma semaphore(%run_scoped3A : memref<!tpu.dma_semaphore, #tpu.memory_space<semaphore_mem>>) src(%arg21 : memref<80x144xf32, #tpu.memory_space<vmem>>) dst(%dma_wait3A_287 : memref<10240x144xf32, #tpu.memory_space<vmem_shared>>)
          tpu.yield
        }) : () -> ()
        %min3A = arith.constant 15 : i32
        %min3A_264 = arith.minsi %add3A_252, %min3A : i32
        %lt3A = arith.constant 16 : i32
        %lt3A_265 = arith.cmpi slt, %add3A_252, %lt3A : i32
        %convert_element_type3A_266 = arith.extui %lt3A_265 : i1 to i32
        %cond3A_267 = arith.constant 0 : i32
        %cond3A_268 = arith.cmpi ne, %convert_element_type3A_266, %cond3A_267 : i32
        scf.if %cond3A_268 {
          %dma_start3A_276 = arith.constant 0 : i32
          %dma_start3A_277 = tpu.memref_slice %arg24[%min3A_264, %dma_start3A_276] : memref<16x80xi32, #tpu.memory_space<vmem>> -> memref<1x80xi32, #tpu.memory_space<vmem>>
          %dma_start3A_278 = tpu.memref_squeeze %dma_start3A_277 : memref<1x80xi32, #tpu.memory_space<vmem>> -> memref<80xi32, #tpu.memory_space<vmem>>
          %dma_start3A_279 = arith.constant 0 : i32
          %dma_start3A_280 = arith.constant 0 : i32
          %dma_start3A_281 = tpu.memref_slice %arg2[%dma_start3A_279, %dma_start3A_280] : memref<10000x144xf32, #tpu.memory_space<hbm>> -> memref<10000x144xf32, #tpu.memory_space<hbm>>
          tpu.enqueue_indirect_dma source(%dma_start3A_281 : memref<10000x144xf32, #tpu.memory_space<hbm>>) target(%arg21 : memref<80x144xf32, #tpu.memory_space<vmem>>) offsets(%dma_start3A_278 : memref<80xi32, #tpu.memory_space<vmem>>) semaphore(%arg25 : memref<!tpu.dma_semaphore, #tpu.memory_space<semaphore_mem>>)
        } else {
        }
        %dma_wait3A_269 = arith.constant 0 : i32
        %dma_wait3A_270 = tpu.memref_slice %arg24[%add3A_250, %dma_wait3A_269] : memref<16x80xi32, #tpu.memory_space<vmem>> -> memref<1x80xi32, #tpu.memory_space<vmem>>
        %dma_wait3A_271 = tpu.memref_squeeze %dma_wait3A_270 : memref<1x80xi32, #tpu.memory_space<vmem>> -> memref<80xi32, #tpu.memory_space<vmem>>
        %dma_wait3A_272 = arith.constant 0 : i32
        %dma_wait3A_273 = arith.constant 0 : i32
        %dma_wait3A_274 = tpu.memref_slice %arg2[%dma_wait3A_272, %dma_wait3A_273] : memref<10000x144xf32, #tpu.memory_space<hbm>> -> memref<10000x144xf32, #tpu.memory_space<hbm>>
        tpu.wait_indirect_dma semaphore(%arg26 : memref<!tpu.dma_semaphore, #tpu.memory_space<semaphore_mem>>) src(%dma_wait3A_274 : memref<10000x144xf32, #tpu.memory_space<hbm>>) dst(%arg22 : memref<80x144xf32, #tpu.memory_space<vmem>>)
        "tpu.region"() ({
          %run_scoped3A = tpu.sem_alloc : memref<!tpu.dma_semaphore, #tpu.memory_space<semaphore_mem>>
          %dma_start3A_276 = arith.constant 0 : i32
          %dma_start3A_277 = tpu.memref_slice %arg23[%add3A_250, %dma_start3A_276] : memref<16x80xi32, #tpu.memory_space<vmem>> -> memref<1x80xi32, #tpu.memory_space<vmem>>
          %dma_start3A_278 = tpu.memref_squeeze %dma_start3A_277 : memref<1x80xi32, #tpu.memory_space<vmem>> -> memref<80xi32, #tpu.memory_space<vmem>>
          %dma_start3A_279 = arith.constant 0 : i32
          %dma_start3A_280 = arith.constant 0 : i32
          %dma_start3A_281 = tpu.memref_slice %arg19[%dma_start3A_279, %dma_start3A_280] : memref<10240x144xf32, #tpu.memory_space<vmem_shared>> -> memref<10240x144xf32, #tpu.memory_space<vmem_shared>>
          tpu.enqueue_indirect_dma source(%arg22 : memref<80x144xf32, #tpu.memory_space<vmem>>) target(%dma_start3A_281 : memref<10240x144xf32, #tpu.memory_space<vmem_shared>>) offsets(%dma_start3A_278 : memref<80xi32, #tpu.memory_space<vmem>>) semaphore(%run_scoped3A : memref<!tpu.dma_semaphore, #tpu.memory_space<semaphore_mem>>) {add = true}
          %dma_wait3A_282 = arith.constant 0 : i32
          %dma_wait3A_283 = tpu.memref_slice %arg23[%add3A_250, %dma_wait3A_282] : memref<16x80xi32, #tpu.memory_space<vmem>> -> memref<1x80xi32, #tpu.memory_space<vmem>>
          %dma_wait3A_284 = tpu.memref_squeeze %dma_wait3A_283 : memref<1x80xi32, #tpu.memory_space<vmem>> -> memref<80xi32, #tpu.memory_space<vmem>>
          %dma_wait3A_285 = arith.constant 0 : i32
          %dma_wait3A_286 = arith.constant 0 : i32
          %dma_wait3A_287 = tpu.memref_slice %arg19[%dma_wait3A_285, %dma_wait3A_286] : memref<10240x144xf32, #tpu.memory_space<vmem_shared>> -> memref<10240x144xf32, #tpu.memory_space<vmem_shared>>
          tpu.wait_indirect_dma semaphore(%run_scoped3A : memref<!tpu.dma_semaphore, #tpu.memory_space<semaphore_mem>>) src(%arg22 : memref<80x144xf32, #tpu.memory_space<vmem>>) dst(%dma_wait3A_287 : memref<10240x144xf32, #tpu.memory_space<vmem_shared>>)
          tpu.yield
        }) : () -> ()
        %scan3A_275 = arith.constant 0 : i32
        scf.yield %scan3A_275 : i32
      }
      %scan3A_103 = arith.constant 8 : i32
      %mul3A_104 = arith.constant 80 : i32
      %mul3A_105 = arith.muli %arg1, %mul3A_104 : i32
      %add3A_106 = arith.constant 64 : i32
      %add3A_107 = arith.addi %mul3A_105, %add3A_106 : i32
      "tpu.region"() ({
        %run_scoped3A = tpu.sem_alloc : memref<!tpu.dma_semaphore, #tpu.memory_space<semaphore_mem>>
        %dma_start3A_245 = arith.constant 0 : i32
        %dma_start3A_246 = tpu.memref_slice %arg3[%add3A_107, %dma_start3A_245] : memref<1280x80xi32, #tpu.memory_space<hbm>> -> memref<16x80xi32, #tpu.memory_space<hbm>>
        %dma_start3A_247 = arith.constant 0 : i32
        %dma_start3A_248 = tpu.memref_slice %arg3[%add3A_107, %dma_start3A_247] : memref<1280x80xi32, #tpu.memory_space<hbm>> -> memref<16x80xi32, #tpu.memory_space<hbm>>
        tpu.enqueue_dma source(%dma_start3A_248 : memref<16x80xi32, #tpu.memory_space<hbm>>) target(%arg23 : memref<16x80xi32, #tpu.memory_space<vmem>>) target_semaphore(%run_scoped3A : memref<!tpu.dma_semaphore, #tpu.memory_space<semaphore_mem>>)
        %dma_wait3A = arith.constant 0 : i32
        %dma_wait3A_249 = tpu.memref_slice %arg3[%add3A_107, %dma_wait3A] : memref<1280x80xi32, #tpu.memory_space<hbm>> -> memref<16x80xi32, #tpu.memory_space<hbm>>
        %dma_wait3A_250 = arith.constant 0 : i32
        %dma_wait3A_251 = tpu.memref_slice %arg3[%add3A_107, %dma_wait3A_250] : memref<1280x80xi32, #tpu.memory_space<hbm>> -> memref<16x80xi32, #tpu.memory_space<hbm>>
        tpu.wait_dma2 semaphore(%run_scoped3A : memref<!tpu.dma_semaphore, #tpu.memory_space<semaphore_mem>>) src(%dma_wait3A_251 : memref<16x80xi32, #tpu.memory_space<hbm>>) dst(%arg23 : memref<16x80xi32, #tpu.memory_space<vmem>>)
        tpu.yield
      }) : () -> ()
      "tpu.region"() ({
        %run_scoped3A = tpu.sem_alloc : memref<!tpu.dma_semaphore, #tpu.memory_space<semaphore_mem>>
        %dma_start3A_245 = arith.constant 0 : i32
        %dma_start3A_246 = tpu.memref_slice %arg4[%add3A_107, %dma_start3A_245] : memref<1280x80xi32, #tpu.memory_space<hbm>> -> memref<16x80xi32, #tpu.memory_space<hbm>>
        %dma_start3A_247 = arith.constant 0 : i32
        %dma_start3A_248 = tpu.memref_slice %arg4[%add3A_107, %dma_start3A_247] : memref<1280x80xi32, #tpu.memory_space<hbm>> -> memref<16x80xi32, #tpu.memory_space<hbm>>
        tpu.enqueue_dma source(%dma_start3A_248 : memref<16x80xi32, #tpu.memory_space<hbm>>) target(%arg24 : memref<16x80xi32, #tpu.memory_space<vmem>>) target_semaphore(%run_scoped3A : memref<!tpu.dma_semaphore, #tpu.memory_space<semaphore_mem>>)
        %dma_wait3A = arith.constant 0 : i32
        %dma_wait3A_249 = tpu.memref_slice %arg4[%add3A_107, %dma_wait3A] : memref<1280x80xi32, #tpu.memory_space<hbm>> -> memref<16x80xi32, #tpu.memory_space<hbm>>
        %dma_wait3A_250 = arith.constant 0 : i32
        %dma_wait3A_251 = tpu.memref_slice %arg4[%add3A_107, %dma_wait3A_250] : memref<1280x80xi32, #tpu.memory_space<hbm>> -> memref<16x80xi32, #tpu.memory_space<hbm>>
        tpu.wait_dma2 semaphore(%run_scoped3A : memref<!tpu.dma_semaphore, #tpu.memory_space<semaphore_mem>>) src(%dma_wait3A_251 : memref<16x80xi32, #tpu.memory_space<hbm>>) dst(%arg24 : memref<16x80xi32, #tpu.memory_space<vmem>>)
        tpu.yield
      }) : () -> ()
      %dma_start3A_108 = arith.constant 0 : i32
      %dma_start3A_109 = arith.constant 0 : i32
      %dma_start3A_110 = tpu.memref_slice %arg24[%dma_start3A_108, %dma_start3A_109] : memref<16x80xi32, #tpu.memory_space<vmem>> -> memref<1x80xi32, #tpu.memory_space<vmem>>
      %dma_start3A_111 = tpu.memref_squeeze %dma_start3A_110 : memref<1x80xi32, #tpu.memory_space<vmem>> -> memref<80xi32, #tpu.memory_space<vmem>>
      %dma_start3A_112 = arith.constant 0 : i32
      %dma_start3A_113 = arith.constant 0 : i32
      %dma_start3A_114 = tpu.memref_slice %arg2[%dma_start3A_112, %dma_start3A_113] : memref<10000x144xf32, #tpu.memory_space<hbm>> -> memref<10000x144xf32, #tpu.memory_space<hbm>>
      tpu.enqueue_indirect_dma source(%dma_start3A_114 : memref<10000x144xf32, #tpu.memory_space<hbm>>) target(%arg21 : memref<80x144xf32, #tpu.memory_space<vmem>>) offsets(%dma_start3A_111 : memref<80xi32, #tpu.memory_space<vmem>>) semaphore(%arg25 : memref<!tpu.dma_semaphore, #tpu.memory_space<semaphore_mem>>)
      %scan3A_115 = arith.constant 0 : i32
      %scan3A_116 = arith.constant 0 : i32
      %scan3A_117 = arith.constant 8 : i32
      %scan3A_118 = arith.addi %scan3A_116, %scan3A_117 : i32
      %scan3A_119 = arith.constant 1 : i32
      %scan3A_120 = scf.for %scan3A_245 = %scan3A_116 to %scan3A_118 step %scan3A_119 iter_args(%scan3A_246 = %scan3A_115) -> (i32)  : i32 {
        %mul3A_247 = arith.constant 2 : i32
        %mul3A_248 = arith.muli %mul3A_247, %scan3A_245 : i32
        %add3A_249 = arith.constant 1 : i32
        %add3A_250 = arith.addi %mul3A_248, %add3A_249 : i32
        %add3A_251 = arith.constant 2 : i32
        %add3A_252 = arith.addi %mul3A_248, %add3A_251 : i32
        %dma_wait3A = arith.constant 0 : i32
        %dma_wait3A_253 = tpu.memref_slice %arg24[%mul3A_248, %dma_wait3A] : memref<16x80xi32, #tpu.memory_space<vmem>> -> memref<1x80xi32, #tpu.memory_space<vmem>>
        %dma_wait3A_254 = tpu.memref_squeeze %dma_wait3A_253 : memref<1x80xi32, #tpu.memory_space<vmem>> -> memref<80xi32, #tpu.memory_space<vmem>>
        %dma_wait3A_255 = arith.constant 0 : i32
        %dma_wait3A_256 = arith.constant 0 : i32
        %dma_wait3A_257 = tpu.memref_slice %arg2[%dma_wait3A_255, %dma_wait3A_256] : memref<10000x144xf32, #tpu.memory_space<hbm>> -> memref<10000x144xf32, #tpu.memory_space<hbm>>
        tpu.wait_indirect_dma semaphore(%arg25 : memref<!tpu.dma_semaphore, #tpu.memory_space<semaphore_mem>>) src(%dma_wait3A_257 : memref<10000x144xf32, #tpu.memory_space<hbm>>) dst(%arg21 : memref<80x144xf32, #tpu.memory_space<vmem>>)
        %dma_start3A_258 = arith.constant 0 : i32
        %dma_start3A_259 = tpu.memref_slice %arg24[%add3A_250, %dma_start3A_258] : memref<16x80xi32, #tpu.memory_space<vmem>> -> memref<1x80xi32, #tpu.memory_space<vmem>>
        %dma_start3A_260 = tpu.memref_squeeze %dma_start3A_259 : memref<1x80xi32, #tpu.memory_space<vmem>> -> memref<80xi32, #tpu.memory_space<vmem>>
        %dma_start3A_261 = arith.constant 0 : i32
        %dma_start3A_262 = arith.constant 0 : i32
        %dma_start3A_263 = tpu.memref_slice %arg2[%dma_start3A_261, %dma_start3A_262] : memref<10000x144xf32, #tpu.memory_space<hbm>> -> memref<10000x144xf32, #tpu.memory_space<hbm>>
        tpu.enqueue_indirect_dma source(%dma_start3A_263 : memref<10000x144xf32, #tpu.memory_space<hbm>>) target(%arg22 : memref<80x144xf32, #tpu.memory_space<vmem>>) offsets(%dma_start3A_260 : memref<80xi32, #tpu.memory_space<vmem>>) semaphore(%arg26 : memref<!tpu.dma_semaphore, #tpu.memory_space<semaphore_mem>>)
        "tpu.region"() ({
          %run_scoped3A = tpu.sem_alloc : memref<!tpu.dma_semaphore, #tpu.memory_space<semaphore_mem>>
          %dma_start3A_276 = arith.constant 0 : i32
          %dma_start3A_277 = tpu.memref_slice %arg23[%mul3A_248, %dma_start3A_276] : memref<16x80xi32, #tpu.memory_space<vmem>> -> memref<1x80xi32, #tpu.memory_space<vmem>>
          %dma_start3A_278 = tpu.memref_squeeze %dma_start3A_277 : memref<1x80xi32, #tpu.memory_space<vmem>> -> memref<80xi32, #tpu.memory_space<vmem>>
          %dma_start3A_279 = arith.constant 0 : i32
          %dma_start3A_280 = arith.constant 0 : i32
          %dma_start3A_281 = tpu.memref_slice %arg19[%dma_start3A_279, %dma_start3A_280] : memref<10240x144xf32, #tpu.memory_space<vmem_shared>> -> memref<10240x144xf32, #tpu.memory_space<vmem_shared>>
          tpu.enqueue_indirect_dma source(%arg21 : memref<80x144xf32, #tpu.memory_space<vmem>>) target(%dma_start3A_281 : memref<10240x144xf32, #tpu.memory_space<vmem_shared>>) offsets(%dma_start3A_278 : memref<80xi32, #tpu.memory_space<vmem>>) semaphore(%run_scoped3A : memref<!tpu.dma_semaphore, #tpu.memory_space<semaphore_mem>>) {add = true}
          %dma_wait3A_282 = arith.constant 0 : i32
          %dma_wait3A_283 = tpu.memref_slice %arg23[%mul3A_248, %dma_wait3A_282] : memref<16x80xi32, #tpu.memory_space<vmem>> -> memref<1x80xi32, #tpu.memory_space<vmem>>
          %dma_wait3A_284 = tpu.memref_squeeze %dma_wait3A_283 : memref<1x80xi32, #tpu.memory_space<vmem>> -> memref<80xi32, #tpu.memory_space<vmem>>
          %dma_wait3A_285 = arith.constant 0 : i32
          %dma_wait3A_286 = arith.constant 0 : i32
          %dma_wait3A_287 = tpu.memref_slice %arg19[%dma_wait3A_285, %dma_wait3A_286] : memref<10240x144xf32, #tpu.memory_space<vmem_shared>> -> memref<10240x144xf32, #tpu.memory_space<vmem_shared>>
          tpu.wait_indirect_dma semaphore(%run_scoped3A : memref<!tpu.dma_semaphore, #tpu.memory_space<semaphore_mem>>) src(%arg21 : memref<80x144xf32, #tpu.memory_space<vmem>>) dst(%dma_wait3A_287 : memref<10240x144xf32, #tpu.memory_space<vmem_shared>>)
          tpu.yield
        }) : () -> ()
        %min3A = arith.constant 15 : i32
        %min3A_264 = arith.minsi %add3A_252, %min3A : i32
        %lt3A = arith.constant 16 : i32
        %lt3A_265 = arith.cmpi slt, %add3A_252, %lt3A : i32
        %convert_element_type3A_266 = arith.extui %lt3A_265 : i1 to i32
        %cond3A_267 = arith.constant 0 : i32
        %cond3A_268 = arith.cmpi ne, %convert_element_type3A_266, %cond3A_267 : i32
        scf.if %cond3A_268 {
          %dma_start3A_276 = arith.constant 0 : i32
          %dma_start3A_277 = tpu.memref_slice %arg24[%min3A_264, %dma_start3A_276] : memref<16x80xi32, #tpu.memory_space<vmem>> -> memref<1x80xi32, #tpu.memory_space<vmem>>
          %dma_start3A_278 = tpu.memref_squeeze %dma_start3A_277 : memref<1x80xi32, #tpu.memory_space<vmem>> -> memref<80xi32, #tpu.memory_space<vmem>>
          %dma_start3A_279 = arith.constant 0 : i32
          %dma_start3A_280 = arith.constant 0 : i32
          %dma_start3A_281 = tpu.memref_slice %arg2[%dma_start3A_279, %dma_start3A_280] : memref<10000x144xf32, #tpu.memory_space<hbm>> -> memref<10000x144xf32, #tpu.memory_space<hbm>>
          tpu.enqueue_indirect_dma source(%dma_start3A_281 : memref<10000x144xf32, #tpu.memory_space<hbm>>) target(%arg21 : memref<80x144xf32, #tpu.memory_space<vmem>>) offsets(%dma_start3A_278 : memref<80xi32, #tpu.memory_space<vmem>>) semaphore(%arg25 : memref<!tpu.dma_semaphore, #tpu.memory_space<semaphore_mem>>)
        } else {
        }
        %dma_wait3A_269 = arith.constant 0 : i32
        %dma_wait3A_270 = tpu.memref_slice %arg24[%add3A_250, %dma_wait3A_269] : memref<16x80xi32, #tpu.memory_space<vmem>> -> memref<1x80xi32, #tpu.memory_space<vmem>>
        %dma_wait3A_271 = tpu.memref_squeeze %dma_wait3A_270 : memref<1x80xi32, #tpu.memory_space<vmem>> -> memref<80xi32, #tpu.memory_space<vmem>>
        %dma_wait3A_272 = arith.constant 0 : i32
        %dma_wait3A_273 = arith.constant 0 : i32
        %dma_wait3A_274 = tpu.memref_slice %arg2[%dma_wait3A_272, %dma_wait3A_273] : memref<10000x144xf32, #tpu.memory_space<hbm>> -> memref<10000x144xf32, #tpu.memory_space<hbm>>
        tpu.wait_indirect_dma semaphore(%arg26 : memref<!tpu.dma_semaphore, #tpu.memory_space<semaphore_mem>>) src(%dma_wait3A_274 : memref<10000x144xf32, #tpu.memory_space<hbm>>) dst(%arg22 : memref<80x144xf32, #tpu.memory_space<vmem>>)
        "tpu.region"() ({
          %run_scoped3A = tpu.sem_alloc : memref<!tpu.dma_semaphore, #tpu.memory_space<semaphore_mem>>
          %dma_start3A_276 = arith.constant 0 : i32
          %dma_start3A_277 = tpu.memref_slice %arg23[%add3A_250, %dma_start3A_276] : memref<16x80xi32, #tpu.memory_space<vmem>> -> memref<1x80xi32, #tpu.memory_space<vmem>>
          %dma_start3A_278 = tpu.memref_squeeze %dma_start3A_277 : memref<1x80xi32, #tpu.memory_space<vmem>> -> memref<80xi32, #tpu.memory_space<vmem>>
          %dma_start3A_279 = arith.constant 0 : i32
          %dma_start3A_280 = arith.constant 0 : i32
          %dma_start3A_281 = tpu.memref_slice %arg19[%dma_start3A_279, %dma_start3A_280] : memref<10240x144xf32, #tpu.memory_space<vmem_shared>> -> memref<10240x144xf32, #tpu.memory_space<vmem_shared>>
          tpu.enqueue_indirect_dma source(%arg22 : memref<80x144xf32, #tpu.memory_space<vmem>>) target(%dma_start3A_281 : memref<10240x144xf32, #tpu.memory_space<vmem_shared>>) offsets(%dma_start3A_278 : memref<80xi32, #tpu.memory_space<vmem>>) semaphore(%run_scoped3A : memref<!tpu.dma_semaphore, #tpu.memory_space<semaphore_mem>>) {add = true}
          %dma_wait3A_282 = arith.constant 0 : i32
          %dma_wait3A_283 = tpu.memref_slice %arg23[%add3A_250, %dma_wait3A_282] : memref<16x80xi32, #tpu.memory_space<vmem>> -> memref<1x80xi32, #tpu.memory_space<vmem>>
          %dma_wait3A_284 = tpu.memref_squeeze %dma_wait3A_283 : memref<1x80xi32, #tpu.memory_space<vmem>> -> memref<80xi32, #tpu.memory_space<vmem>>
          %dma_wait3A_285 = arith.constant 0 : i32
          %dma_wait3A_286 = arith.constant 0 : i32
          %dma_wait3A_287 = tpu.memref_slice %arg19[%dma_wait3A_285, %dma_wait3A_286] : memref<10240x144xf32, #tpu.memory_space<vmem_shared>> -> memref<10240x144xf32, #tpu.memory_space<vmem_shared>>
          tpu.wait_indirect_dma semaphore(%run_scoped3A : memref<!tpu.dma_semaphore, #tpu.memory_space<semaphore_mem>>) src(%arg22 : memref<80x144xf32, #tpu.memory_space<vmem>>) dst(%dma_wait3A_287 : memref<10240x144xf32, #tpu.memory_space<vmem_shared>>)
          tpu.yield
        }) : () -> ()
        %scan3A_275 = arith.constant 0 : i32
        scf.yield %scan3A_275 : i32
      }
      %scan3A_121 = arith.constant 8 : i32
      %barrier3A_122 = arith.constant 0 : index
      tpu.barrier barrier_id(%barrier3A_122)
      %scan3A_123 = arith.constant 0 : i32
      %scan3A_124 = arith.constant 0 : i32
      %scan3A_125 = arith.constant 8 : i32
      %scan3A_126 = arith.addi %scan3A_124, %scan3A_125 : i32
      %scan3A_127 = arith.constant 1 : i32
      %scan3A_128 = scf.for %scan3A_245 = %scan3A_124 to %scan3A_126 step %scan3A_127 iter_args(%scan3A_246 = %scan3A_123) -> (i32)  : i32 {
        %mul3A_247 = arith.constant 80 : i32
        %mul3A_248 = arith.muli %scan3A_245, %mul3A_247 : i32
        %add3A_249 = arith.addi %mul3A_0, %mul3A_248 : i32
        "tpu.region"() ({
          %run_scoped3A = tpu.sem_alloc : memref<!tpu.dma_semaphore, #tpu.memory_space<semaphore_mem>>
          %dma_start3A_254 = arith.constant 0 : i32
          %dma_start3A_255 = tpu.memref_slice %arg19[%add3A_249, %dma_start3A_254] : memref<10240x144xf32, #tpu.memory_space<vmem_shared>> -> memref<80x144xf32, #tpu.memory_space<vmem_shared>>
          %dma_start3A_256 = arith.constant 0 : i32
          %dma_start3A_257 = tpu.memref_slice %arg19[%add3A_249, %dma_start3A_256] : memref<10240x144xf32, #tpu.memory_space<vmem_shared>> -> memref<80x144xf32, #tpu.memory_space<vmem_shared>>
          tpu.enqueue_dma source(%dma_start3A_257 : memref<80x144xf32, #tpu.memory_space<vmem_shared>>) target(%arg21 : memref<80x144xf32, #tpu.memory_space<vmem>>) target_semaphore(%run_scoped3A : memref<!tpu.dma_semaphore, #tpu.memory_space<semaphore_mem>>)
          %dma_wait3A = arith.constant 0 : i32
          %dma_wait3A_258 = tpu.memref_slice %arg19[%add3A_249, %dma_wait3A] : memref<10240x144xf32, #tpu.memory_space<vmem_shared>> -> memref<80x144xf32, #tpu.memory_space<vmem_shared>>
          %dma_wait3A_259 = arith.constant 0 : i32
          %dma_wait3A_260 = tpu.memref_slice %arg19[%add3A_249, %dma_wait3A_259] : memref<10240x144xf32, #tpu.memory_space<vmem_shared>> -> memref<80x144xf32, #tpu.memory_space<vmem_shared>>
          tpu.wait_dma2 semaphore(%run_scoped3A : memref<!tpu.dma_semaphore, #tpu.memory_space<semaphore_mem>>) src(%dma_wait3A_260 : memref<80x144xf32, #tpu.memory_space<vmem_shared>>) dst(%arg21 : memref<80x144xf32, #tpu.memory_space<vmem>>)
          tpu.yield
        }) : () -> ()
        %mul3A_250 = arith.constant 80 : i32
        %mul3A_251 = arith.muli %scan3A_245, %mul3A_250 : i32
        %add3A_252 = arith.addi %mul3A_0, %mul3A_251 : i32
        "tpu.region"() ({
          %run_scoped3A = tpu.sem_alloc : memref<!tpu.dma_semaphore, #tpu.memory_space<semaphore_mem>>
          %dma_start3A_254 = arith.constant 0 : i32
          %dma_start3A_255 = tpu.memref_slice %arg13[%add3A_252, %dma_start3A_254] : memref<10240x144xf32, #tpu.memory_space<hbm>> -> memref<80x144xf32, #tpu.memory_space<hbm>>
          %dma_start3A_256 = arith.constant 0 : i32
          %dma_start3A_257 = tpu.memref_slice %arg13[%add3A_252, %dma_start3A_256] : memref<10240x144xf32, #tpu.memory_space<hbm>> -> memref<80x144xf32, #tpu.memory_space<hbm>>
          tpu.enqueue_dma source(%arg21 : memref<80x144xf32, #tpu.memory_space<vmem>>) target(%dma_start3A_257 : memref<80x144xf32, #tpu.memory_space<hbm>>) target_semaphore(%run_scoped3A : memref<!tpu.dma_semaphore, #tpu.memory_space<semaphore_mem>>)
          %dma_wait3A = arith.constant 0 : i32
          %dma_wait3A_258 = tpu.memref_slice %arg13[%add3A_252, %dma_wait3A] : memref<10240x144xf32, #tpu.memory_space<hbm>> -> memref<80x144xf32, #tpu.memory_space<hbm>>
          %dma_wait3A_259 = arith.constant 0 : i32
          %dma_wait3A_260 = tpu.memref_slice %arg13[%add3A_252, %dma_wait3A_259] : memref<10240x144xf32, #tpu.memory_space<hbm>> -> memref<80x144xf32, #tpu.memory_space<hbm>>
          tpu.wait_dma2 semaphore(%run_scoped3A : memref<!tpu.dma_semaphore, #tpu.memory_space<semaphore_mem>>) src(%arg21 : memref<80x144xf32, #tpu.memory_space<vmem>>) dst(%dma_wait3A_260 : memref<80x144xf32, #tpu.memory_space<hbm>>)
          tpu.yield
        }) : () -> ()
        %scan3A_253 = arith.constant 0 : i32
        scf.yield %scan3A_253 : i32
      }
      %scan3A_129 = arith.constant 8 : i32
      %barrier3A_130 = arith.constant 0 : index
      tpu.barrier barrier_id(%barrier3A_130)
      %add3A_131 = arith.constant 0 : i32
      %add3A_132 = arith.addi %mul3A_0, %add3A_131 : i32
      "tpu.region"() ({
        %run_scoped3A = tpu.sem_alloc : memref<!tpu.dma_semaphore, #tpu.memory_space<semaphore_mem>>
        %dma_start3A_245 = arith.constant 0 : i32
        %dma_start3A_246 = tpu.memref_slice %arg19[%add3A_132, %dma_start3A_245] : memref<10240x144xf32, #tpu.memory_space<vmem_shared>> -> memref<64x144xf32, #tpu.memory_space<vmem_shared>>
        %dma_start3A_247 = arith.constant 0 : i32
        %dma_start3A_248 = tpu.memref_slice %arg19[%add3A_132, %dma_start3A_247] : memref<10240x144xf32, #tpu.memory_space<vmem_shared>> -> memref<64x144xf32, #tpu.memory_space<vmem_shared>>
        tpu.enqueue_dma source(%arg20 : memref<64x144xf32, #tpu.memory_space<vmem>>) target(%dma_start3A_248 : memref<64x144xf32, #tpu.memory_space<vmem_shared>>) target_semaphore(%run_scoped3A : memref<!tpu.dma_semaphore, #tpu.memory_space<semaphore_mem>>)
        %dma_wait3A = arith.constant 0 : i32
        %dma_wait3A_249 = tpu.memref_slice %arg19[%add3A_132, %dma_wait3A] : memref<10240x144xf32, #tpu.memory_space<vmem_shared>> -> memref<64x144xf32, #tpu.memory_space<vmem_shared>>
        %dma_wait3A_250 = arith.constant 0 : i32
        %dma_wait3A_251 = tpu.memref_slice %arg19[%add3A_132, %dma_wait3A_250] : memref<10240x144xf32, #tpu.memory_space<vmem_shared>> -> memref<64x144xf32, #tpu.memory_space<vmem_shared>>
        tpu.wait_dma2 semaphore(%run_scoped3A : memref<!tpu.dma_semaphore, #tpu.memory_space<semaphore_mem>>) src(%arg20 : memref<64x144xf32, #tpu.memory_space<vmem>>) dst(%dma_wait3A_251 : memref<64x144xf32, #tpu.memory_space<vmem_shared>>)
        tpu.yield
      }) : () -> ()
      %add3A_133 = arith.constant 64 : i32
      %add3A_134 = arith.addi %mul3A_0, %add3A_133 : i32
      "tpu.region"() ({
        %run_scoped3A = tpu.sem_alloc : memref<!tpu.dma_semaphore, #tpu.memory_space<semaphore_mem>>
        %dma_start3A_245 = arith.constant 0 : i32
        %dma_start3A_246 = tpu.memref_slice %arg19[%add3A_134, %dma_start3A_245] : memref<10240x144xf32, #tpu.memory_space<vmem_shared>> -> memref<64x144xf32, #tpu.memory_space<vmem_shared>>
        %dma_start3A_247 = arith.constant 0 : i32
        %dma_start3A_248 = tpu.memref_slice %arg19[%add3A_134, %dma_start3A_247] : memref<10240x144xf32, #tpu.memory_space<vmem_shared>> -> memref<64x144xf32, #tpu.memory_space<vmem_shared>>
        tpu.enqueue_dma source(%arg20 : memref<64x144xf32, #tpu.memory_space<vmem>>) target(%dma_start3A_248 : memref<64x144xf32, #tpu.memory_space<vmem_shared>>) target_semaphore(%run_scoped3A : memref<!tpu.dma_semaphore, #tpu.memory_space<semaphore_mem>>)
        %dma_wait3A = arith.constant 0 : i32
        %dma_wait3A_249 = tpu.memref_slice %arg19[%add3A_134, %dma_wait3A] : memref<10240x144xf32, #tpu.memory_space<vmem_shared>> -> memref<64x144xf32, #tpu.memory_space<vmem_shared>>
        %dma_wait3A_250 = arith.constant 0 : i32
        %dma_wait3A_251 = tpu.memref_slice %arg19[%add3A_134, %dma_wait3A_250] : memref<10240x144xf32, #tpu.memory_space<vmem_shared>> -> memref<64x144xf32, #tpu.memory_space<vmem_shared>>
        tpu.wait_dma2 semaphore(%run_scoped3A : memref<!tpu.dma_semaphore, #tpu.memory_space<semaphore_mem>>) src(%arg20 : memref<64x144xf32, #tpu.memory_space<vmem>>) dst(%dma_wait3A_251 : memref<64x144xf32, #tpu.memory_space<vmem_shared>>)
        tpu.yield
      }) : () -> ()
      %add3A_135 = arith.constant 128 : i32
      %add3A_136 = arith.addi %mul3A_0, %add3A_135 : i32
      "tpu.region"() ({
        %run_scoped3A = tpu.sem_alloc : memref<!tpu.dma_semaphore, #tpu.memory_space<semaphore_mem>>
        %dma_start3A_245 = arith.constant 0 : i32
        %dma_start3A_246 = tpu.memref_slice %arg19[%add3A_136, %dma_start3A_245] : memref<10240x144xf32, #tpu.memory_space<vmem_shared>> -> memref<64x144xf32, #tpu.memory_space<vmem_shared>>
        %dma_start3A_247 = arith.constant 0 : i32
        %dma_start3A_248 = tpu.memref_slice %arg19[%add3A_136, %dma_start3A_247] : memref<10240x144xf32, #tpu.memory_space<vmem_shared>> -> memref<64x144xf32, #tpu.memory_space<vmem_shared>>
        tpu.enqueue_dma source(%arg20 : memref<64x144xf32, #tpu.memory_space<vmem>>) target(%dma_start3A_248 : memref<64x144xf32, #tpu.memory_space<vmem_shared>>) target_semaphore(%run_scoped3A : memref<!tpu.dma_semaphore, #tpu.memory_space<semaphore_mem>>)
        %dma_wait3A = arith.constant 0 : i32
        %dma_wait3A_249 = tpu.memref_slice %arg19[%add3A_136, %dma_wait3A] : memref<10240x144xf32, #tpu.memory_space<vmem_shared>> -> memref<64x144xf32, #tpu.memory_space<vmem_shared>>
        %dma_wait3A_250 = arith.constant 0 : i32
        %dma_wait3A_251 = tpu.memref_slice %arg19[%add3A_136, %dma_wait3A_250] : memref<10240x144xf32, #tpu.memory_space<vmem_shared>> -> memref<64x144xf32, #tpu.memory_space<vmem_shared>>
        tpu.wait_dma2 semaphore(%run_scoped3A : memref<!tpu.dma_semaphore, #tpu.memory_space<semaphore_mem>>) src(%arg20 : memref<64x144xf32, #tpu.memory_space<vmem>>) dst(%dma_wait3A_251 : memref<64x144xf32, #tpu.memory_space<vmem_shared>>)
        tpu.yield
      }) : () -> ()
      %add3A_137 = arith.constant 192 : i32
      %add3A_138 = arith.addi %mul3A_0, %add3A_137 : i32
      "tpu.region"() ({
        %run_scoped3A = tpu.sem_alloc : memref<!tpu.dma_semaphore, #tpu.memory_space<semaphore_mem>>
        %dma_start3A_245 = arith.constant 0 : i32
        %dma_start3A_246 = tpu.memref_slice %arg19[%add3A_138, %dma_start3A_245] : memref<10240x144xf32, #tpu.memory_space<vmem_shared>> -> memref<64x144xf32, #tpu.memory_space<vmem_shared>>
        %dma_start3A_247 = arith.constant 0 : i32
        %dma_start3A_248 = tpu.memref_slice %arg19[%add3A_138, %dma_start3A_247] : memref<10240x144xf32, #tpu.memory_space<vmem_shared>> -> memref<64x144xf32, #tpu.memory_space<vmem_shared>>
        tpu.enqueue_dma source(%arg20 : memref<64x144xf32, #tpu.memory_space<vmem>>) target(%dma_start3A_248 : memref<64x144xf32, #tpu.memory_space<vmem_shared>>) target_semaphore(%run_scoped3A : memref<!tpu.dma_semaphore, #tpu.memory_space<semaphore_mem>>)
        %dma_wait3A = arith.constant 0 : i32
        %dma_wait3A_249 = tpu.memref_slice %arg19[%add3A_138, %dma_wait3A] : memref<10240x144xf32, #tpu.memory_space<vmem_shared>> -> memref<64x144xf32, #tpu.memory_space<vmem_shared>>
        %dma_wait3A_250 = arith.constant 0 : i32
        %dma_wait3A_251 = tpu.memref_slice %arg19[%add3A_138, %dma_wait3A_250] : memref<10240x144xf32, #tpu.memory_space<vmem_shared>> -> memref<64x144xf32, #tpu.memory_space<vmem_shared>>
        tpu.wait_dma2 semaphore(%run_scoped3A : memref<!tpu.dma_semaphore, #tpu.memory_space<semaphore_mem>>) src(%arg20 : memref<64x144xf32, #tpu.memory_space<vmem>>) dst(%dma_wait3A_251 : memref<64x144xf32, #tpu.memory_space<vmem_shared>>)
        tpu.yield
      }) : () -> ()
      %add3A_139 = arith.constant 256 : i32
      %add3A_140 = arith.addi %mul3A_0, %add3A_139 : i32
      "tpu.region"() ({
        %run_scoped3A = tpu.sem_alloc : memref<!tpu.dma_semaphore, #tpu.memory_space<semaphore_mem>>
        %dma_start3A_245 = arith.constant 0 : i32
        %dma_start3A_246 = tpu.memref_slice %arg19[%add3A_140, %dma_start3A_245] : memref<10240x144xf32, #tpu.memory_space<vmem_shared>> -> memref<64x144xf32, #tpu.memory_space<vmem_shared>>
        %dma_start3A_247 = arith.constant 0 : i32
        %dma_start3A_248 = tpu.memref_slice %arg19[%add3A_140, %dma_start3A_247] : memref<10240x144xf32, #tpu.memory_space<vmem_shared>> -> memref<64x144xf32, #tpu.memory_space<vmem_shared>>
        tpu.enqueue_dma source(%arg20 : memref<64x144xf32, #tpu.memory_space<vmem>>) target(%dma_start3A_248 : memref<64x144xf32, #tpu.memory_space<vmem_shared>>) target_semaphore(%run_scoped3A : memref<!tpu.dma_semaphore, #tpu.memory_space<semaphore_mem>>)
        %dma_wait3A = arith.constant 0 : i32
        %dma_wait3A_249 = tpu.memref_slice %arg19[%add3A_140, %dma_wait3A] : memref<10240x144xf32, #tpu.memory_space<vmem_shared>> -> memref<64x144xf32, #tpu.memory_space<vmem_shared>>
        %dma_wait3A_250 = arith.constant 0 : i32
        %dma_wait3A_251 = tpu.memref_slice %arg19[%add3A_140, %dma_wait3A_250] : memref<10240x144xf32, #tpu.memory_space<vmem_shared>> -> memref<64x144xf32, #tpu.memory_space<vmem_shared>>
        tpu.wait_dma2 semaphore(%run_scoped3A : memref<!tpu.dma_semaphore, #tpu.memory_space<semaphore_mem>>) src(%arg20 : memref<64x144xf32, #tpu.memory_space<vmem>>) dst(%dma_wait3A_251 : memref<64x144xf32, #tpu.memory_space<vmem_shared>>)
        tpu.yield
      }) : () -> ()
      %add3A_141 = arith.constant 320 : i32
      %add3A_142 = arith.addi %mul3A_0, %add3A_141 : i32
      "tpu.region"() ({
        %run_scoped3A = tpu.sem_alloc : memref<!tpu.dma_semaphore, #tpu.memory_space<semaphore_mem>>
        %dma_start3A_245 = arith.constant 0 : i32
        %dma_start3A_246 = tpu.memref_slice %arg19[%add3A_142, %dma_start3A_245] : memref<10240x144xf32, #tpu.memory_space<vmem_shared>> -> memref<64x144xf32, #tpu.memory_space<vmem_shared>>
        %dma_start3A_247 = arith.constant 0 : i32
        %dma_start3A_248 = tpu.memref_slice %arg19[%add3A_142, %dma_start3A_247] : memref<10240x144xf32, #tpu.memory_space<vmem_shared>> -> memref<64x144xf32, #tpu.memory_space<vmem_shared>>
        tpu.enqueue_dma source(%arg20 : memref<64x144xf32, #tpu.memory_space<vmem>>) target(%dma_start3A_248 : memref<64x144xf32, #tpu.memory_space<vmem_shared>>) target_semaphore(%run_scoped3A : memref<!tpu.dma_semaphore, #tpu.memory_space<semaphore_mem>>)
        %dma_wait3A = arith.constant 0 : i32
        %dma_wait3A_249 = tpu.memref_slice %arg19[%add3A_142, %dma_wait3A] : memref<10240x144xf32, #tpu.memory_space<vmem_shared>> -> memref<64x144xf32, #tpu.memory_space<vmem_shared>>
        %dma_wait3A_250 = arith.constant 0 : i32
        %dma_wait3A_251 = tpu.memref_slice %arg19[%add3A_142, %dma_wait3A_250] : memref<10240x144xf32, #tpu.memory_space<vmem_shared>> -> memref<64x144xf32, #tpu.memory_space<vmem_shared>>
        tpu.wait_dma2 semaphore(%run_scoped3A : memref<!tpu.dma_semaphore, #tpu.memory_space<semaphore_mem>>) src(%arg20 : memref<64x144xf32, #tpu.memory_space<vmem>>) dst(%dma_wait3A_251 : memref<64x144xf32, #tpu.memory_space<vmem_shared>>)
        tpu.yield
      }) : () -> ()
      %add3A_143 = arith.constant 384 : i32
      %add3A_144 = arith.addi %mul3A_0, %add3A_143 : i32
      "tpu.region"() ({
        %run_scoped3A = tpu.sem_alloc : memref<!tpu.dma_semaphore, #tpu.memory_space<semaphore_mem>>
        %dma_start3A_245 = arith.constant 0 : i32
        %dma_start3A_246 = tpu.memref_slice %arg19[%add3A_144, %dma_start3A_245] : memref<10240x144xf32, #tpu.memory_space<vmem_shared>> -> memref<64x144xf32, #tpu.memory_space<vmem_shared>>
        %dma_start3A_247 = arith.constant 0 : i32
        %dma_start3A_248 = tpu.memref_slice %arg19[%add3A_144, %dma_start3A_247] : memref<10240x144xf32, #tpu.memory_space<vmem_shared>> -> memref<64x144xf32, #tpu.memory_space<vmem_shared>>
        tpu.enqueue_dma source(%arg20 : memref<64x144xf32, #tpu.memory_space<vmem>>) target(%dma_start3A_248 : memref<64x144xf32, #tpu.memory_space<vmem_shared>>) target_semaphore(%run_scoped3A : memref<!tpu.dma_semaphore, #tpu.memory_space<semaphore_mem>>)
        %dma_wait3A = arith.constant 0 : i32
        %dma_wait3A_249 = tpu.memref_slice %arg19[%add3A_144, %dma_wait3A] : memref<10240x144xf32, #tpu.memory_space<vmem_shared>> -> memref<64x144xf32, #tpu.memory_space<vmem_shared>>
        %dma_wait3A_250 = arith.constant 0 : i32
        %dma_wait3A_251 = tpu.memref_slice %arg19[%add3A_144, %dma_wait3A_250] : memref<10240x144xf32, #tpu.memory_space<vmem_shared>> -> memref<64x144xf32, #tpu.memory_space<vmem_shared>>
        tpu.wait_dma2 semaphore(%run_scoped3A : memref<!tpu.dma_semaphore, #tpu.memory_space<semaphore_mem>>) src(%arg20 : memref<64x144xf32, #tpu.memory_space<vmem>>) dst(%dma_wait3A_251 : memref<64x144xf32, #tpu.memory_space<vmem_shared>>)
        tpu.yield
      }) : () -> ()
      %add3A_145 = arith.constant 448 : i32
      %add3A_146 = arith.addi %mul3A_0, %add3A_145 : i32
      "tpu.region"() ({
        %run_scoped3A = tpu.sem_alloc : memref<!tpu.dma_semaphore, #tpu.memory_space<semaphore_mem>>
        %dma_start3A_245 = arith.constant 0 : i32
        %dma_start3A_246 = tpu.memref_slice %arg19[%add3A_146, %dma_start3A_245] : memref<10240x144xf32, #tpu.memory_space<vmem_shared>> -> memref<64x144xf32, #tpu.memory_space<vmem_shared>>
        %dma_start3A_247 = arith.constant 0 : i32
        %dma_start3A_248 = tpu.memref_slice %arg19[%add3A_146, %dma_start3A_247] : memref<10240x144xf32, #tpu.memory_space<vmem_shared>> -> memref<64x144xf32, #tpu.memory_space<vmem_shared>>
        tpu.enqueue_dma source(%arg20 : memref<64x144xf32, #tpu.memory_space<vmem>>) target(%dma_start3A_248 : memref<64x144xf32, #tpu.memory_space<vmem_shared>>) target_semaphore(%run_scoped3A : memref<!tpu.dma_semaphore, #tpu.memory_space<semaphore_mem>>)
        %dma_wait3A = arith.constant 0 : i32
        %dma_wait3A_249 = tpu.memref_slice %arg19[%add3A_146, %dma_wait3A] : memref<10240x144xf32, #tpu.memory_space<vmem_shared>> -> memref<64x144xf32, #tpu.memory_space<vmem_shared>>
        %dma_wait3A_250 = arith.constant 0 : i32
        %dma_wait3A_251 = tpu.memref_slice %arg19[%add3A_146, %dma_wait3A_250] : memref<10240x144xf32, #tpu.memory_space<vmem_shared>> -> memref<64x144xf32, #tpu.memory_space<vmem_shared>>
        tpu.wait_dma2 semaphore(%run_scoped3A : memref<!tpu.dma_semaphore, #tpu.memory_space<semaphore_mem>>) src(%arg20 : memref<64x144xf32, #tpu.memory_space<vmem>>) dst(%dma_wait3A_251 : memref<64x144xf32, #tpu.memory_space<vmem_shared>>)
        tpu.yield
      }) : () -> ()
      %add3A_147 = arith.constant 512 : i32
      %add3A_148 = arith.addi %mul3A_0, %add3A_147 : i32
      "tpu.region"() ({
        %run_scoped3A = tpu.sem_alloc : memref<!tpu.dma_semaphore, #tpu.memory_space<semaphore_mem>>
        %dma_start3A_245 = arith.constant 0 : i32
        %dma_start3A_246 = tpu.memref_slice %arg19[%add3A_148, %dma_start3A_245] : memref<10240x144xf32, #tpu.memory_space<vmem_shared>> -> memref<64x144xf32, #tpu.memory_space<vmem_shared>>
        %dma_start3A_247 = arith.constant 0 : i32
        %dma_start3A_248 = tpu.memref_slice %arg19[%add3A_148, %dma_start3A_247] : memref<10240x144xf32, #tpu.memory_space<vmem_shared>> -> memref<64x144xf32, #tpu.memory_space<vmem_shared>>
        tpu.enqueue_dma source(%arg20 : memref<64x144xf32, #tpu.memory_space<vmem>>) target(%dma_start3A_248 : memref<64x144xf32, #tpu.memory_space<vmem_shared>>) target_semaphore(%run_scoped3A : memref<!tpu.dma_semaphore, #tpu.memory_space<semaphore_mem>>)
        %dma_wait3A = arith.constant 0 : i32
        %dma_wait3A_249 = tpu.memref_slice %arg19[%add3A_148, %dma_wait3A] : memref<10240x144xf32, #tpu.memory_space<vmem_shared>> -> memref<64x144xf32, #tpu.memory_space<vmem_shared>>
        %dma_wait3A_250 = arith.constant 0 : i32
        %dma_wait3A_251 = tpu.memref_slice %arg19[%add3A_148, %dma_wait3A_250] : memref<10240x144xf32, #tpu.memory_space<vmem_shared>> -> memref<64x144xf32, #tpu.memory_space<vmem_shared>>
        tpu.wait_dma2 semaphore(%run_scoped3A : memref<!tpu.dma_semaphore, #tpu.memory_space<semaphore_mem>>) src(%arg20 : memref<64x144xf32, #tpu.memory_space<vmem>>) dst(%dma_wait3A_251 : memref<64x144xf32, #tpu.memory_space<vmem_shared>>)
        tpu.yield
      }) : () -> ()
      %add3A_149 = arith.constant 576 : i32
      %add3A_150 = arith.addi %mul3A_0, %add3A_149 : i32
      "tpu.region"() ({
        %run_scoped3A = tpu.sem_alloc : memref<!tpu.dma_semaphore, #tpu.memory_space<semaphore_mem>>
        %dma_start3A_245 = arith.constant 0 : i32
        %dma_start3A_246 = tpu.memref_slice %arg19[%add3A_150, %dma_start3A_245] : memref<10240x144xf32, #tpu.memory_space<vmem_shared>> -> memref<64x144xf32, #tpu.memory_space<vmem_shared>>
        %dma_start3A_247 = arith.constant 0 : i32
        %dma_start3A_248 = tpu.memref_slice %arg19[%add3A_150, %dma_start3A_247] : memref<10240x144xf32, #tpu.memory_space<vmem_shared>> -> memref<64x144xf32, #tpu.memory_space<vmem_shared>>
        tpu.enqueue_dma source(%arg20 : memref<64x144xf32, #tpu.memory_space<vmem>>) target(%dma_start3A_248 : memref<64x144xf32, #tpu.memory_space<vmem_shared>>) target_semaphore(%run_scoped3A : memref<!tpu.dma_semaphore, #tpu.memory_space<semaphore_mem>>)
        %dma_wait3A = arith.constant 0 : i32
        %dma_wait3A_249 = tpu.memref_slice %arg19[%add3A_150, %dma_wait3A] : memref<10240x144xf32, #tpu.memory_space<vmem_shared>> -> memref<64x144xf32, #tpu.memory_space<vmem_shared>>
        %dma_wait3A_250 = arith.constant 0 : i32
        %dma_wait3A_251 = tpu.memref_slice %arg19[%add3A_150, %dma_wait3A_250] : memref<10240x144xf32, #tpu.memory_space<vmem_shared>> -> memref<64x144xf32, #tpu.memory_space<vmem_shared>>
        tpu.wait_dma2 semaphore(%run_scoped3A : memref<!tpu.dma_semaphore, #tpu.memory_space<semaphore_mem>>) src(%arg20 : memref<64x144xf32, #tpu.memory_space<vmem>>) dst(%dma_wait3A_251 : memref<64x144xf32, #tpu.memory_space<vmem_shared>>)
        tpu.yield
      }) : () -> ()
      %barrier3A_151 = arith.constant 0 : index
      tpu.barrier barrier_id(%barrier3A_151)
      %mul3A_152 = arith.constant 32 : i32
      %mul3A_153 = arith.muli %arg1, %mul3A_152 : i32
      %add3A_154 = arith.constant 0 : i32
      %add3A_155 = arith.addi %mul3A_153, %add3A_154 : i32
      "tpu.region"() ({
        %run_scoped3A = tpu.sem_alloc : memref<!tpu.dma_semaphore, #tpu.memory_space<semaphore_mem>>
        %dma_start3A_245 = arith.constant 0 : i32
        %dma_start3A_246 = tpu.memref_slice %arg6[%add3A_155, %dma_start3A_245] : memref<512x80xi32, #tpu.memory_space<hbm>> -> memref<16x80xi32, #tpu.memory_space<hbm>>
        %dma_start3A_247 = arith.constant 0 : i32
        %dma_start3A_248 = tpu.memref_slice %arg6[%add3A_155, %dma_start3A_247] : memref<512x80xi32, #tpu.memory_space<hbm>> -> memref<16x80xi32, #tpu.memory_space<hbm>>
        tpu.enqueue_dma source(%dma_start3A_248 : memref<16x80xi32, #tpu.memory_space<hbm>>) target(%arg23 : memref<16x80xi32, #tpu.memory_space<vmem>>) target_semaphore(%run_scoped3A : memref<!tpu.dma_semaphore, #tpu.memory_space<semaphore_mem>>)
        %dma_wait3A = arith.constant 0 : i32
        %dma_wait3A_249 = tpu.memref_slice %arg6[%add3A_155, %dma_wait3A] : memref<512x80xi32, #tpu.memory_space<hbm>> -> memref<16x80xi32, #tpu.memory_space<hbm>>
        %dma_wait3A_250 = arith.constant 0 : i32
        %dma_wait3A_251 = tpu.memref_slice %arg6[%add3A_155, %dma_wait3A_250] : memref<512x80xi32, #tpu.memory_space<hbm>> -> memref<16x80xi32, #tpu.memory_space<hbm>>
        tpu.wait_dma2 semaphore(%run_scoped3A : memref<!tpu.dma_semaphore, #tpu.memory_space<semaphore_mem>>) src(%dma_wait3A_251 : memref<16x80xi32, #tpu.memory_space<hbm>>) dst(%arg23 : memref<16x80xi32, #tpu.memory_space<vmem>>)
        tpu.yield
      }) : () -> ()
      "tpu.region"() ({
        %run_scoped3A = tpu.sem_alloc : memref<!tpu.dma_semaphore, #tpu.memory_space<semaphore_mem>>
        %dma_start3A_245 = arith.constant 0 : i32
        %dma_start3A_246 = tpu.memref_slice %arg7[%add3A_155, %dma_start3A_245] : memref<512x80xi32, #tpu.memory_space<hbm>> -> memref<16x80xi32, #tpu.memory_space<hbm>>
        %dma_start3A_247 = arith.constant 0 : i32
        %dma_start3A_248 = tpu.memref_slice %arg7[%add3A_155, %dma_start3A_247] : memref<512x80xi32, #tpu.memory_space<hbm>> -> memref<16x80xi32, #tpu.memory_space<hbm>>
        tpu.enqueue_dma source(%dma_start3A_248 : memref<16x80xi32, #tpu.memory_space<hbm>>) target(%arg24 : memref<16x80xi32, #tpu.memory_space<vmem>>) target_semaphore(%run_scoped3A : memref<!tpu.dma_semaphore, #tpu.memory_space<semaphore_mem>>)
        %dma_wait3A = arith.constant 0 : i32
        %dma_wait3A_249 = tpu.memref_slice %arg7[%add3A_155, %dma_wait3A] : memref<512x80xi32, #tpu.memory_space<hbm>> -> memref<16x80xi32, #tpu.memory_space<hbm>>
        %dma_wait3A_250 = arith.constant 0 : i32
        %dma_wait3A_251 = tpu.memref_slice %arg7[%add3A_155, %dma_wait3A_250] : memref<512x80xi32, #tpu.memory_space<hbm>> -> memref<16x80xi32, #tpu.memory_space<hbm>>
        tpu.wait_dma2 semaphore(%run_scoped3A : memref<!tpu.dma_semaphore, #tpu.memory_space<semaphore_mem>>) src(%dma_wait3A_251 : memref<16x80xi32, #tpu.memory_space<hbm>>) dst(%arg24 : memref<16x80xi32, #tpu.memory_space<vmem>>)
        tpu.yield
      }) : () -> ()
      %dma_start3A_156 = arith.constant 0 : i32
      %dma_start3A_157 = arith.constant 0 : i32
      %dma_start3A_158 = tpu.memref_slice %arg24[%dma_start3A_156, %dma_start3A_157] : memref<16x80xi32, #tpu.memory_space<vmem>> -> memref<1x80xi32, #tpu.memory_space<vmem>>
      %dma_start3A_159 = tpu.memref_squeeze %dma_start3A_158 : memref<1x80xi32, #tpu.memory_space<vmem>> -> memref<80xi32, #tpu.memory_space<vmem>>
      %dma_start3A_160 = arith.constant 0 : i32
      %dma_start3A_161 = arith.constant 0 : i32
      %dma_start3A_162 = tpu.memref_slice %arg2[%dma_start3A_160, %dma_start3A_161] : memref<10000x144xf32, #tpu.memory_space<hbm>> -> memref<10000x144xf32, #tpu.memory_space<hbm>>
      tpu.enqueue_indirect_dma source(%dma_start3A_162 : memref<10000x144xf32, #tpu.memory_space<hbm>>) target(%arg21 : memref<80x144xf32, #tpu.memory_space<vmem>>) offsets(%dma_start3A_159 : memref<80xi32, #tpu.memory_space<vmem>>) semaphore(%arg25 : memref<!tpu.dma_semaphore, #tpu.memory_space<semaphore_mem>>)
      %scan3A_163 = arith.constant 0 : i32
      %scan3A_164 = arith.constant 0 : i32
      %scan3A_165 = arith.constant 8 : i32
      %scan3A_166 = arith.addi %scan3A_164, %scan3A_165 : i32
      %scan3A_167 = arith.constant 1 : i32
      %scan3A_168 = scf.for %scan3A_245 = %scan3A_164 to %scan3A_166 step %scan3A_167 iter_args(%scan3A_246 = %scan3A_163) -> (i32)  : i32 {
        %mul3A_247 = arith.constant 2 : i32
        %mul3A_248 = arith.muli %mul3A_247, %scan3A_245 : i32
        %add3A_249 = arith.constant 1 : i32
        %add3A_250 = arith.addi %mul3A_248, %add3A_249 : i32
        %add3A_251 = arith.constant 2 : i32
        %add3A_252 = arith.addi %mul3A_248, %add3A_251 : i32
        %dma_wait3A = arith.constant 0 : i32
        %dma_wait3A_253 = tpu.memref_slice %arg24[%mul3A_248, %dma_wait3A] : memref<16x80xi32, #tpu.memory_space<vmem>> -> memref<1x80xi32, #tpu.memory_space<vmem>>
        %dma_wait3A_254 = tpu.memref_squeeze %dma_wait3A_253 : memref<1x80xi32, #tpu.memory_space<vmem>> -> memref<80xi32, #tpu.memory_space<vmem>>
        %dma_wait3A_255 = arith.constant 0 : i32
        %dma_wait3A_256 = arith.constant 0 : i32
        %dma_wait3A_257 = tpu.memref_slice %arg2[%dma_wait3A_255, %dma_wait3A_256] : memref<10000x144xf32, #tpu.memory_space<hbm>> -> memref<10000x144xf32, #tpu.memory_space<hbm>>
        tpu.wait_indirect_dma semaphore(%arg25 : memref<!tpu.dma_semaphore, #tpu.memory_space<semaphore_mem>>) src(%dma_wait3A_257 : memref<10000x144xf32, #tpu.memory_space<hbm>>) dst(%arg21 : memref<80x144xf32, #tpu.memory_space<vmem>>)
        %dma_start3A_258 = arith.constant 0 : i32
        %dma_start3A_259 = tpu.memref_slice %arg24[%add3A_250, %dma_start3A_258] : memref<16x80xi32, #tpu.memory_space<vmem>> -> memref<1x80xi32, #tpu.memory_space<vmem>>
        %dma_start3A_260 = tpu.memref_squeeze %dma_start3A_259 : memref<1x80xi32, #tpu.memory_space<vmem>> -> memref<80xi32, #tpu.memory_space<vmem>>
        %dma_start3A_261 = arith.constant 0 : i32
        %dma_start3A_262 = arith.constant 0 : i32
        %dma_start3A_263 = tpu.memref_slice %arg2[%dma_start3A_261, %dma_start3A_262] : memref<10000x144xf32, #tpu.memory_space<hbm>> -> memref<10000x144xf32, #tpu.memory_space<hbm>>
        tpu.enqueue_indirect_dma source(%dma_start3A_263 : memref<10000x144xf32, #tpu.memory_space<hbm>>) target(%arg22 : memref<80x144xf32, #tpu.memory_space<vmem>>) offsets(%dma_start3A_260 : memref<80xi32, #tpu.memory_space<vmem>>) semaphore(%arg26 : memref<!tpu.dma_semaphore, #tpu.memory_space<semaphore_mem>>)
        "tpu.region"() ({
          %run_scoped3A = tpu.sem_alloc : memref<!tpu.dma_semaphore, #tpu.memory_space<semaphore_mem>>
          %dma_start3A_276 = arith.constant 0 : i32
          %dma_start3A_277 = tpu.memref_slice %arg23[%mul3A_248, %dma_start3A_276] : memref<16x80xi32, #tpu.memory_space<vmem>> -> memref<1x80xi32, #tpu.memory_space<vmem>>
          %dma_start3A_278 = tpu.memref_squeeze %dma_start3A_277 : memref<1x80xi32, #tpu.memory_space<vmem>> -> memref<80xi32, #tpu.memory_space<vmem>>
          %dma_start3A_279 = arith.constant 0 : i32
          %dma_start3A_280 = arith.constant 0 : i32
          %dma_start3A_281 = tpu.memref_slice %arg19[%dma_start3A_279, %dma_start3A_280] : memref<10240x144xf32, #tpu.memory_space<vmem_shared>> -> memref<10240x144xf32, #tpu.memory_space<vmem_shared>>
          tpu.enqueue_indirect_dma source(%arg21 : memref<80x144xf32, #tpu.memory_space<vmem>>) target(%dma_start3A_281 : memref<10240x144xf32, #tpu.memory_space<vmem_shared>>) offsets(%dma_start3A_278 : memref<80xi32, #tpu.memory_space<vmem>>) semaphore(%run_scoped3A : memref<!tpu.dma_semaphore, #tpu.memory_space<semaphore_mem>>) {add = true}
          %dma_wait3A_282 = arith.constant 0 : i32
          %dma_wait3A_283 = tpu.memref_slice %arg23[%mul3A_248, %dma_wait3A_282] : memref<16x80xi32, #tpu.memory_space<vmem>> -> memref<1x80xi32, #tpu.memory_space<vmem>>
          %dma_wait3A_284 = tpu.memref_squeeze %dma_wait3A_283 : memref<1x80xi32, #tpu.memory_space<vmem>> -> memref<80xi32, #tpu.memory_space<vmem>>
          %dma_wait3A_285 = arith.constant 0 : i32
          %dma_wait3A_286 = arith.constant 0 : i32
          %dma_wait3A_287 = tpu.memref_slice %arg19[%dma_wait3A_285, %dma_wait3A_286] : memref<10240x144xf32, #tpu.memory_space<vmem_shared>> -> memref<10240x144xf32, #tpu.memory_space<vmem_shared>>
          tpu.wait_indirect_dma semaphore(%run_scoped3A : memref<!tpu.dma_semaphore, #tpu.memory_space<semaphore_mem>>) src(%arg21 : memref<80x144xf32, #tpu.memory_space<vmem>>) dst(%dma_wait3A_287 : memref<10240x144xf32, #tpu.memory_space<vmem_shared>>)
          tpu.yield
        }) : () -> ()
        %min3A = arith.constant 15 : i32
        %min3A_264 = arith.minsi %add3A_252, %min3A : i32
        %lt3A = arith.constant 16 : i32
        %lt3A_265 = arith.cmpi slt, %add3A_252, %lt3A : i32
        %convert_element_type3A_266 = arith.extui %lt3A_265 : i1 to i32
        %cond3A_267 = arith.constant 0 : i32
        %cond3A_268 = arith.cmpi ne, %convert_element_type3A_266, %cond3A_267 : i32
        scf.if %cond3A_268 {
          %dma_start3A_276 = arith.constant 0 : i32
          %dma_start3A_277 = tpu.memref_slice %arg24[%min3A_264, %dma_start3A_276] : memref<16x80xi32, #tpu.memory_space<vmem>> -> memref<1x80xi32, #tpu.memory_space<vmem>>
          %dma_start3A_278 = tpu.memref_squeeze %dma_start3A_277 : memref<1x80xi32, #tpu.memory_space<vmem>> -> memref<80xi32, #tpu.memory_space<vmem>>
          %dma_start3A_279 = arith.constant 0 : i32
          %dma_start3A_280 = arith.constant 0 : i32
          %dma_start3A_281 = tpu.memref_slice %arg2[%dma_start3A_279, %dma_start3A_280] : memref<10000x144xf32, #tpu.memory_space<hbm>> -> memref<10000x144xf32, #tpu.memory_space<hbm>>
          tpu.enqueue_indirect_dma source(%dma_start3A_281 : memref<10000x144xf32, #tpu.memory_space<hbm>>) target(%arg21 : memref<80x144xf32, #tpu.memory_space<vmem>>) offsets(%dma_start3A_278 : memref<80xi32, #tpu.memory_space<vmem>>) semaphore(%arg25 : memref<!tpu.dma_semaphore, #tpu.memory_space<semaphore_mem>>)
        } else {
        }
        %dma_wait3A_269 = arith.constant 0 : i32
        %dma_wait3A_270 = tpu.memref_slice %arg24[%add3A_250, %dma_wait3A_269] : memref<16x80xi32, #tpu.memory_space<vmem>> -> memref<1x80xi32, #tpu.memory_space<vmem>>
        %dma_wait3A_271 = tpu.memref_squeeze %dma_wait3A_270 : memref<1x80xi32, #tpu.memory_space<vmem>> -> memref<80xi32, #tpu.memory_space<vmem>>
        %dma_wait3A_272 = arith.constant 0 : i32
        %dma_wait3A_273 = arith.constant 0 : i32
        %dma_wait3A_274 = tpu.memref_slice %arg2[%dma_wait3A_272, %dma_wait3A_273] : memref<10000x144xf32, #tpu.memory_space<hbm>> -> memref<10000x144xf32, #tpu.memory_space<hbm>>
        tpu.wait_indirect_dma semaphore(%arg26 : memref<!tpu.dma_semaphore, #tpu.memory_space<semaphore_mem>>) src(%dma_wait3A_274 : memref<10000x144xf32, #tpu.memory_space<hbm>>) dst(%arg22 : memref<80x144xf32, #tpu.memory_space<vmem>>)
        "tpu.region"() ({
          %run_scoped3A = tpu.sem_alloc : memref<!tpu.dma_semaphore, #tpu.memory_space<semaphore_mem>>
          %dma_start3A_276 = arith.constant 0 : i32
          %dma_start3A_277 = tpu.memref_slice %arg23[%add3A_250, %dma_start3A_276] : memref<16x80xi32, #tpu.memory_space<vmem>> -> memref<1x80xi32, #tpu.memory_space<vmem>>
          %dma_start3A_278 = tpu.memref_squeeze %dma_start3A_277 : memref<1x80xi32, #tpu.memory_space<vmem>> -> memref<80xi32, #tpu.memory_space<vmem>>
          %dma_start3A_279 = arith.constant 0 : i32
          %dma_start3A_280 = arith.constant 0 : i32
          %dma_start3A_281 = tpu.memref_slice %arg19[%dma_start3A_279, %dma_start3A_280] : memref<10240x144xf32, #tpu.memory_space<vmem_shared>> -> memref<10240x144xf32, #tpu.memory_space<vmem_shared>>
          tpu.enqueue_indirect_dma source(%arg22 : memref<80x144xf32, #tpu.memory_space<vmem>>) target(%dma_start3A_281 : memref<10240x144xf32, #tpu.memory_space<vmem_shared>>) offsets(%dma_start3A_278 : memref<80xi32, #tpu.memory_space<vmem>>) semaphore(%run_scoped3A : memref<!tpu.dma_semaphore, #tpu.memory_space<semaphore_mem>>) {add = true}
          %dma_wait3A_282 = arith.constant 0 : i32
          %dma_wait3A_283 = tpu.memref_slice %arg23[%add3A_250, %dma_wait3A_282] : memref<16x80xi32, #tpu.memory_space<vmem>> -> memref<1x80xi32, #tpu.memory_space<vmem>>
          %dma_wait3A_284 = tpu.memref_squeeze %dma_wait3A_283 : memref<1x80xi32, #tpu.memory_space<vmem>> -> memref<80xi32, #tpu.memory_space<vmem>>
          %dma_wait3A_285 = arith.constant 0 : i32
          %dma_wait3A_286 = arith.constant 0 : i32
          %dma_wait3A_287 = tpu.memref_slice %arg19[%dma_wait3A_285, %dma_wait3A_286] : memref<10240x144xf32, #tpu.memory_space<vmem_shared>> -> memref<10240x144xf32, #tpu.memory_space<vmem_shared>>
          tpu.wait_indirect_dma semaphore(%run_scoped3A : memref<!tpu.dma_semaphore, #tpu.memory_space<semaphore_mem>>) src(%arg22 : memref<80x144xf32, #tpu.memory_space<vmem>>) dst(%dma_wait3A_287 : memref<10240x144xf32, #tpu.memory_space<vmem_shared>>)
          tpu.yield
        }) : () -> ()
        %scan3A_275 = arith.constant 0 : i32
        scf.yield %scan3A_275 : i32
      }
      %scan3A_169 = arith.constant 8 : i32
      %mul3A_170 = arith.constant 32 : i32
      %mul3A_171 = arith.muli %arg1, %mul3A_170 : i32
      %add3A_172 = arith.constant 16 : i32
      %add3A_173 = arith.addi %mul3A_171, %add3A_172 : i32
      "tpu.region"() ({
        %run_scoped3A = tpu.sem_alloc : memref<!tpu.dma_semaphore, #tpu.memory_space<semaphore_mem>>
        %dma_start3A_245 = arith.constant 0 : i32
        %dma_start3A_246 = tpu.memref_slice %arg6[%add3A_173, %dma_start3A_245] : memref<512x80xi32, #tpu.memory_space<hbm>> -> memref<16x80xi32, #tpu.memory_space<hbm>>
        %dma_start3A_247 = arith.constant 0 : i32
        %dma_start3A_248 = tpu.memref_slice %arg6[%add3A_173, %dma_start3A_247] : memref<512x80xi32, #tpu.memory_space<hbm>> -> memref<16x80xi32, #tpu.memory_space<hbm>>
        tpu.enqueue_dma source(%dma_start3A_248 : memref<16x80xi32, #tpu.memory_space<hbm>>) target(%arg23 : memref<16x80xi32, #tpu.memory_space<vmem>>) target_semaphore(%run_scoped3A : memref<!tpu.dma_semaphore, #tpu.memory_space<semaphore_mem>>)
        %dma_wait3A = arith.constant 0 : i32
        %dma_wait3A_249 = tpu.memref_slice %arg6[%add3A_173, %dma_wait3A] : memref<512x80xi32, #tpu.memory_space<hbm>> -> memref<16x80xi32, #tpu.memory_space<hbm>>
        %dma_wait3A_250 = arith.constant 0 : i32
        %dma_wait3A_251 = tpu.memref_slice %arg6[%add3A_173, %dma_wait3A_250] : memref<512x80xi32, #tpu.memory_space<hbm>> -> memref<16x80xi32, #tpu.memory_space<hbm>>
        tpu.wait_dma2 semaphore(%run_scoped3A : memref<!tpu.dma_semaphore, #tpu.memory_space<semaphore_mem>>) src(%dma_wait3A_251 : memref<16x80xi32, #tpu.memory_space<hbm>>) dst(%arg23 : memref<16x80xi32, #tpu.memory_space<vmem>>)
        tpu.yield
      }) : () -> ()
      "tpu.region"() ({
        %run_scoped3A = tpu.sem_alloc : memref<!tpu.dma_semaphore, #tpu.memory_space<semaphore_mem>>
        %dma_start3A_245 = arith.constant 0 : i32
        %dma_start3A_246 = tpu.memref_slice %arg7[%add3A_173, %dma_start3A_245] : memref<512x80xi32, #tpu.memory_space<hbm>> -> memref<16x80xi32, #tpu.memory_space<hbm>>
        %dma_start3A_247 = arith.constant 0 : i32
        %dma_start3A_248 = tpu.memref_slice %arg7[%add3A_173, %dma_start3A_247] : memref<512x80xi32, #tpu.memory_space<hbm>> -> memref<16x80xi32, #tpu.memory_space<hbm>>
        tpu.enqueue_dma source(%dma_start3A_248 : memref<16x80xi32, #tpu.memory_space<hbm>>) target(%arg24 : memref<16x80xi32, #tpu.memory_space<vmem>>) target_semaphore(%run_scoped3A : memref<!tpu.dma_semaphore, #tpu.memory_space<semaphore_mem>>)
        %dma_wait3A = arith.constant 0 : i32
        %dma_wait3A_249 = tpu.memref_slice %arg7[%add3A_173, %dma_wait3A] : memref<512x80xi32, #tpu.memory_space<hbm>> -> memref<16x80xi32, #tpu.memory_space<hbm>>
        %dma_wait3A_250 = arith.constant 0 : i32
        %dma_wait3A_251 = tpu.memref_slice %arg7[%add3A_173, %dma_wait3A_250] : memref<512x80xi32, #tpu.memory_space<hbm>> -> memref<16x80xi32, #tpu.memory_space<hbm>>
        tpu.wait_dma2 semaphore(%run_scoped3A : memref<!tpu.dma_semaphore, #tpu.memory_space<semaphore_mem>>) src(%dma_wait3A_251 : memref<16x80xi32, #tpu.memory_space<hbm>>) dst(%arg24 : memref<16x80xi32, #tpu.memory_space<vmem>>)
        tpu.yield
      }) : () -> ()
      %dma_start3A_174 = arith.constant 0 : i32
      %dma_start3A_175 = arith.constant 0 : i32
      %dma_start3A_176 = tpu.memref_slice %arg24[%dma_start3A_174, %dma_start3A_175] : memref<16x80xi32, #tpu.memory_space<vmem>> -> memref<1x80xi32, #tpu.memory_space<vmem>>
      %dma_start3A_177 = tpu.memref_squeeze %dma_start3A_176 : memref<1x80xi32, #tpu.memory_space<vmem>> -> memref<80xi32, #tpu.memory_space<vmem>>
      %dma_start3A_178 = arith.constant 0 : i32
      %dma_start3A_179 = arith.constant 0 : i32
      %dma_start3A_180 = tpu.memref_slice %arg2[%dma_start3A_178, %dma_start3A_179] : memref<10000x144xf32, #tpu.memory_space<hbm>> -> memref<10000x144xf32, #tpu.memory_space<hbm>>
      tpu.enqueue_indirect_dma source(%dma_start3A_180 : memref<10000x144xf32, #tpu.memory_space<hbm>>) target(%arg21 : memref<80x144xf32, #tpu.memory_space<vmem>>) offsets(%dma_start3A_177 : memref<80xi32, #tpu.memory_space<vmem>>) semaphore(%arg25 : memref<!tpu.dma_semaphore, #tpu.memory_space<semaphore_mem>>)
      %scan3A_181 = arith.constant 0 : i32
      %scan3A_182 = arith.constant 0 : i32
      %scan3A_183 = arith.constant 8 : i32
      %scan3A_184 = arith.addi %scan3A_182, %scan3A_183 : i32
      %scan3A_185 = arith.constant 1 : i32
      %scan3A_186 = scf.for %scan3A_245 = %scan3A_182 to %scan3A_184 step %scan3A_185 iter_args(%scan3A_246 = %scan3A_181) -> (i32)  : i32 {
        %mul3A_247 = arith.constant 2 : i32
        %mul3A_248 = arith.muli %mul3A_247, %scan3A_245 : i32
        %add3A_249 = arith.constant 1 : i32
        %add3A_250 = arith.addi %mul3A_248, %add3A_249 : i32
        %add3A_251 = arith.constant 2 : i32
        %add3A_252 = arith.addi %mul3A_248, %add3A_251 : i32
        %dma_wait3A = arith.constant 0 : i32
        %dma_wait3A_253 = tpu.memref_slice %arg24[%mul3A_248, %dma_wait3A] : memref<16x80xi32, #tpu.memory_space<vmem>> -> memref<1x80xi32, #tpu.memory_space<vmem>>
        %dma_wait3A_254 = tpu.memref_squeeze %dma_wait3A_253 : memref<1x80xi32, #tpu.memory_space<vmem>> -> memref<80xi32, #tpu.memory_space<vmem>>
        %dma_wait3A_255 = arith.constant 0 : i32
        %dma_wait3A_256 = arith.constant 0 : i32
        %dma_wait3A_257 = tpu.memref_slice %arg2[%dma_wait3A_255, %dma_wait3A_256] : memref<10000x144xf32, #tpu.memory_space<hbm>> -> memref<10000x144xf32, #tpu.memory_space<hbm>>
        tpu.wait_indirect_dma semaphore(%arg25 : memref<!tpu.dma_semaphore, #tpu.memory_space<semaphore_mem>>) src(%dma_wait3A_257 : memref<10000x144xf32, #tpu.memory_space<hbm>>) dst(%arg21 : memref<80x144xf32, #tpu.memory_space<vmem>>)
        %dma_start3A_258 = arith.constant 0 : i32
        %dma_start3A_259 = tpu.memref_slice %arg24[%add3A_250, %dma_start3A_258] : memref<16x80xi32, #tpu.memory_space<vmem>> -> memref<1x80xi32, #tpu.memory_space<vmem>>
        %dma_start3A_260 = tpu.memref_squeeze %dma_start3A_259 : memref<1x80xi32, #tpu.memory_space<vmem>> -> memref<80xi32, #tpu.memory_space<vmem>>
        %dma_start3A_261 = arith.constant 0 : i32
        %dma_start3A_262 = arith.constant 0 : i32
        %dma_start3A_263 = tpu.memref_slice %arg2[%dma_start3A_261, %dma_start3A_262] : memref<10000x144xf32, #tpu.memory_space<hbm>> -> memref<10000x144xf32, #tpu.memory_space<hbm>>
        tpu.enqueue_indirect_dma source(%dma_start3A_263 : memref<10000x144xf32, #tpu.memory_space<hbm>>) target(%arg22 : memref<80x144xf32, #tpu.memory_space<vmem>>) offsets(%dma_start3A_260 : memref<80xi32, #tpu.memory_space<vmem>>) semaphore(%arg26 : memref<!tpu.dma_semaphore, #tpu.memory_space<semaphore_mem>>)
        "tpu.region"() ({
          %run_scoped3A = tpu.sem_alloc : memref<!tpu.dma_semaphore, #tpu.memory_space<semaphore_mem>>
          %dma_start3A_276 = arith.constant 0 : i32
          %dma_start3A_277 = tpu.memref_slice %arg23[%mul3A_248, %dma_start3A_276] : memref<16x80xi32, #tpu.memory_space<vmem>> -> memref<1x80xi32, #tpu.memory_space<vmem>>
          %dma_start3A_278 = tpu.memref_squeeze %dma_start3A_277 : memref<1x80xi32, #tpu.memory_space<vmem>> -> memref<80xi32, #tpu.memory_space<vmem>>
          %dma_start3A_279 = arith.constant 0 : i32
          %dma_start3A_280 = arith.constant 0 : i32
          %dma_start3A_281 = tpu.memref_slice %arg19[%dma_start3A_279, %dma_start3A_280] : memref<10240x144xf32, #tpu.memory_space<vmem_shared>> -> memref<10240x144xf32, #tpu.memory_space<vmem_shared>>
          tpu.enqueue_indirect_dma source(%arg21 : memref<80x144xf32, #tpu.memory_space<vmem>>) target(%dma_start3A_281 : memref<10240x144xf32, #tpu.memory_space<vmem_shared>>) offsets(%dma_start3A_278 : memref<80xi32, #tpu.memory_space<vmem>>) semaphore(%run_scoped3A : memref<!tpu.dma_semaphore, #tpu.memory_space<semaphore_mem>>) {add = true}
          %dma_wait3A_282 = arith.constant 0 : i32
          %dma_wait3A_283 = tpu.memref_slice %arg23[%mul3A_248, %dma_wait3A_282] : memref<16x80xi32, #tpu.memory_space<vmem>> -> memref<1x80xi32, #tpu.memory_space<vmem>>
          %dma_wait3A_284 = tpu.memref_squeeze %dma_wait3A_283 : memref<1x80xi32, #tpu.memory_space<vmem>> -> memref<80xi32, #tpu.memory_space<vmem>>
          %dma_wait3A_285 = arith.constant 0 : i32
          %dma_wait3A_286 = arith.constant 0 : i32
          %dma_wait3A_287 = tpu.memref_slice %arg19[%dma_wait3A_285, %dma_wait3A_286] : memref<10240x144xf32, #tpu.memory_space<vmem_shared>> -> memref<10240x144xf32, #tpu.memory_space<vmem_shared>>
          tpu.wait_indirect_dma semaphore(%run_scoped3A : memref<!tpu.dma_semaphore, #tpu.memory_space<semaphore_mem>>) src(%arg21 : memref<80x144xf32, #tpu.memory_space<vmem>>) dst(%dma_wait3A_287 : memref<10240x144xf32, #tpu.memory_space<vmem_shared>>)
          tpu.yield
        }) : () -> ()
        %min3A = arith.constant 15 : i32
        %min3A_264 = arith.minsi %add3A_252, %min3A : i32
        %lt3A = arith.constant 16 : i32
        %lt3A_265 = arith.cmpi slt, %add3A_252, %lt3A : i32
        %convert_element_type3A_266 = arith.extui %lt3A_265 : i1 to i32
        %cond3A_267 = arith.constant 0 : i32
        %cond3A_268 = arith.cmpi ne, %convert_element_type3A_266, %cond3A_267 : i32
        scf.if %cond3A_268 {
          %dma_start3A_276 = arith.constant 0 : i32
          %dma_start3A_277 = tpu.memref_slice %arg24[%min3A_264, %dma_start3A_276] : memref<16x80xi32, #tpu.memory_space<vmem>> -> memref<1x80xi32, #tpu.memory_space<vmem>>
          %dma_start3A_278 = tpu.memref_squeeze %dma_start3A_277 : memref<1x80xi32, #tpu.memory_space<vmem>> -> memref<80xi32, #tpu.memory_space<vmem>>
          %dma_start3A_279 = arith.constant 0 : i32
          %dma_start3A_280 = arith.constant 0 : i32
          %dma_start3A_281 = tpu.memref_slice %arg2[%dma_start3A_279, %dma_start3A_280] : memref<10000x144xf32, #tpu.memory_space<hbm>> -> memref<10000x144xf32, #tpu.memory_space<hbm>>
          tpu.enqueue_indirect_dma source(%dma_start3A_281 : memref<10000x144xf32, #tpu.memory_space<hbm>>) target(%arg21 : memref<80x144xf32, #tpu.memory_space<vmem>>) offsets(%dma_start3A_278 : memref<80xi32, #tpu.memory_space<vmem>>) semaphore(%arg25 : memref<!tpu.dma_semaphore, #tpu.memory_space<semaphore_mem>>)
        } else {
        }
        %dma_wait3A_269 = arith.constant 0 : i32
        %dma_wait3A_270 = tpu.memref_slice %arg24[%add3A_250, %dma_wait3A_269] : memref<16x80xi32, #tpu.memory_space<vmem>> -> memref<1x80xi32, #tpu.memory_space<vmem>>
        %dma_wait3A_271 = tpu.memref_squeeze %dma_wait3A_270 : memref<1x80xi32, #tpu.memory_space<vmem>> -> memref<80xi32, #tpu.memory_space<vmem>>
        %dma_wait3A_272 = arith.constant 0 : i32
        %dma_wait3A_273 = arith.constant 0 : i32
        %dma_wait3A_274 = tpu.memref_slice %arg2[%dma_wait3A_272, %dma_wait3A_273] : memref<10000x144xf32, #tpu.memory_space<hbm>> -> memref<10000x144xf32, #tpu.memory_space<hbm>>
        tpu.wait_indirect_dma semaphore(%arg26 : memref<!tpu.dma_semaphore, #tpu.memory_space<semaphore_mem>>) src(%dma_wait3A_274 : memref<10000x144xf32, #tpu.memory_space<hbm>>) dst(%arg22 : memref<80x144xf32, #tpu.memory_space<vmem>>)
        "tpu.region"() ({
          %run_scoped3A = tpu.sem_alloc : memref<!tpu.dma_semaphore, #tpu.memory_space<semaphore_mem>>
          %dma_start3A_276 = arith.constant 0 : i32
          %dma_start3A_277 = tpu.memref_slice %arg23[%add3A_250, %dma_start3A_276] : memref<16x80xi32, #tpu.memory_space<vmem>> -> memref<1x80xi32, #tpu.memory_space<vmem>>
          %dma_start3A_278 = tpu.memref_squeeze %dma_start3A_277 : memref<1x80xi32, #tpu.memory_space<vmem>> -> memref<80xi32, #tpu.memory_space<vmem>>
          %dma_start3A_279 = arith.constant 0 : i32
          %dma_start3A_280 = arith.constant 0 : i32
          %dma_start3A_281 = tpu.memref_slice %arg19[%dma_start3A_279, %dma_start3A_280] : memref<10240x144xf32, #tpu.memory_space<vmem_shared>> -> memref<10240x144xf32, #tpu.memory_space<vmem_shared>>
          tpu.enqueue_indirect_dma source(%arg22 : memref<80x144xf32, #tpu.memory_space<vmem>>) target(%dma_start3A_281 : memref<10240x144xf32, #tpu.memory_space<vmem_shared>>) offsets(%dma_start3A_278 : memref<80xi32, #tpu.memory_space<vmem>>) semaphore(%run_scoped3A : memref<!tpu.dma_semaphore, #tpu.memory_space<semaphore_mem>>) {add = true}
          %dma_wait3A_282 = arith.constant 0 : i32
          %dma_wait3A_283 = tpu.memref_slice %arg23[%add3A_250, %dma_wait3A_282] : memref<16x80xi32, #tpu.memory_space<vmem>> -> memref<1x80xi32, #tpu.memory_space<vmem>>
          %dma_wait3A_284 = tpu.memref_squeeze %dma_wait3A_283 : memref<1x80xi32, #tpu.memory_space<vmem>> -> memref<80xi32, #tpu.memory_space<vmem>>
          %dma_wait3A_285 = arith.constant 0 : i32
          %dma_wait3A_286 = arith.constant 0 : i32
          %dma_wait3A_287 = tpu.memref_slice %arg19[%dma_wait3A_285, %dma_wait3A_286] : memref<10240x144xf32, #tpu.memory_space<vmem_shared>> -> memref<10240x144xf32, #tpu.memory_space<vmem_shared>>
          tpu.wait_indirect_dma semaphore(%run_scoped3A : memref<!tpu.dma_semaphore, #tpu.memory_space<semaphore_mem>>) src(%arg22 : memref<80x144xf32, #tpu.memory_space<vmem>>) dst(%dma_wait3A_287 : memref<10240x144xf32, #tpu.memory_space<vmem_shared>>)
          tpu.yield
        }) : () -> ()
        %scan3A_275 = arith.constant 0 : i32
        scf.yield %scan3A_275 : i32
      }
      %scan3A_187 = arith.constant 8 : i32
      %barrier3A_188 = arith.constant 0 : index
      tpu.barrier barrier_id(%barrier3A_188)
      %scan3A_189 = arith.constant 0 : i32
      %scan3A_190 = arith.constant 0 : i32
      %scan3A_191 = arith.constant 8 : i32
      %scan3A_192 = arith.addi %scan3A_190, %scan3A_191 : i32
      %scan3A_193 = arith.constant 1 : i32
      %scan3A_194 = scf.for %scan3A_245 = %scan3A_190 to %scan3A_192 step %scan3A_193 iter_args(%scan3A_246 = %scan3A_189) -> (i32)  : i32 {
        %mul3A_247 = arith.constant 80 : i32
        %mul3A_248 = arith.muli %scan3A_245, %mul3A_247 : i32
        %add3A_249 = arith.addi %mul3A_0, %mul3A_248 : i32
        "tpu.region"() ({
          %run_scoped3A = tpu.sem_alloc : memref<!tpu.dma_semaphore, #tpu.memory_space<semaphore_mem>>
          %dma_start3A_254 = arith.constant 0 : i32
          %dma_start3A_255 = tpu.memref_slice %arg19[%add3A_249, %dma_start3A_254] : memref<10240x144xf32, #tpu.memory_space<vmem_shared>> -> memref<80x144xf32, #tpu.memory_space<vmem_shared>>
          %dma_start3A_256 = arith.constant 0 : i32
          %dma_start3A_257 = tpu.memref_slice %arg19[%add3A_249, %dma_start3A_256] : memref<10240x144xf32, #tpu.memory_space<vmem_shared>> -> memref<80x144xf32, #tpu.memory_space<vmem_shared>>
          tpu.enqueue_dma source(%dma_start3A_257 : memref<80x144xf32, #tpu.memory_space<vmem_shared>>) target(%arg21 : memref<80x144xf32, #tpu.memory_space<vmem>>) target_semaphore(%run_scoped3A : memref<!tpu.dma_semaphore, #tpu.memory_space<semaphore_mem>>)
          %dma_wait3A = arith.constant 0 : i32
          %dma_wait3A_258 = tpu.memref_slice %arg19[%add3A_249, %dma_wait3A] : memref<10240x144xf32, #tpu.memory_space<vmem_shared>> -> memref<80x144xf32, #tpu.memory_space<vmem_shared>>
          %dma_wait3A_259 = arith.constant 0 : i32
          %dma_wait3A_260 = tpu.memref_slice %arg19[%add3A_249, %dma_wait3A_259] : memref<10240x144xf32, #tpu.memory_space<vmem_shared>> -> memref<80x144xf32, #tpu.memory_space<vmem_shared>>
          tpu.wait_dma2 semaphore(%run_scoped3A : memref<!tpu.dma_semaphore, #tpu.memory_space<semaphore_mem>>) src(%dma_wait3A_260 : memref<80x144xf32, #tpu.memory_space<vmem_shared>>) dst(%arg21 : memref<80x144xf32, #tpu.memory_space<vmem>>)
          tpu.yield
        }) : () -> ()
        %mul3A_250 = arith.constant 80 : i32
        %mul3A_251 = arith.muli %scan3A_245, %mul3A_250 : i32
        %add3A_252 = arith.addi %mul3A_0, %mul3A_251 : i32
        "tpu.region"() ({
          %run_scoped3A = tpu.sem_alloc : memref<!tpu.dma_semaphore, #tpu.memory_space<semaphore_mem>>
          %dma_start3A_254 = arith.constant 0 : i32
          %dma_start3A_255 = tpu.memref_slice %arg15[%add3A_252, %dma_start3A_254] : memref<10240x144xf32, #tpu.memory_space<hbm>> -> memref<80x144xf32, #tpu.memory_space<hbm>>
          %dma_start3A_256 = arith.constant 0 : i32
          %dma_start3A_257 = tpu.memref_slice %arg15[%add3A_252, %dma_start3A_256] : memref<10240x144xf32, #tpu.memory_space<hbm>> -> memref<80x144xf32, #tpu.memory_space<hbm>>
          tpu.enqueue_dma source(%arg21 : memref<80x144xf32, #tpu.memory_space<vmem>>) target(%dma_start3A_257 : memref<80x144xf32, #tpu.memory_space<hbm>>) target_semaphore(%run_scoped3A : memref<!tpu.dma_semaphore, #tpu.memory_space<semaphore_mem>>)
          %dma_wait3A = arith.constant 0 : i32
          %dma_wait3A_258 = tpu.memref_slice %arg15[%add3A_252, %dma_wait3A] : memref<10240x144xf32, #tpu.memory_space<hbm>> -> memref<80x144xf32, #tpu.memory_space<hbm>>
          %dma_wait3A_259 = arith.constant 0 : i32
          %dma_wait3A_260 = tpu.memref_slice %arg15[%add3A_252, %dma_wait3A_259] : memref<10240x144xf32, #tpu.memory_space<hbm>> -> memref<80x144xf32, #tpu.memory_space<hbm>>
          tpu.wait_dma2 semaphore(%run_scoped3A : memref<!tpu.dma_semaphore, #tpu.memory_space<semaphore_mem>>) src(%arg21 : memref<80x144xf32, #tpu.memory_space<vmem>>) dst(%dma_wait3A_260 : memref<80x144xf32, #tpu.memory_space<hbm>>)
          tpu.yield
        }) : () -> ()
        %scan3A_253 = arith.constant 0 : i32
        scf.yield %scan3A_253 : i32
      }
      %scan3A_195 = arith.constant 8 : i32
      %barrier3A_196 = arith.constant 0 : index
      tpu.barrier barrier_id(%barrier3A_196)
      %add3A_197 = arith.constant 0 : i32
      %add3A_198 = arith.addi %mul3A_0, %add3A_197 : i32
      "tpu.region"() ({
        %run_scoped3A = tpu.sem_alloc : memref<!tpu.dma_semaphore, #tpu.memory_space<semaphore_mem>>
        %dma_start3A_245 = arith.constant 0 : i32
        %dma_start3A_246 = tpu.memref_slice %arg19[%add3A_198, %dma_start3A_245] : memref<10240x144xf32, #tpu.memory_space<vmem_shared>> -> memref<64x144xf32, #tpu.memory_space<vmem_shared>>
        %dma_start3A_247 = arith.constant 0 : i32
        %dma_start3A_248 = tpu.memref_slice %arg19[%add3A_198, %dma_start3A_247] : memref<10240x144xf32, #tpu.memory_space<vmem_shared>> -> memref<64x144xf32, #tpu.memory_space<vmem_shared>>
        tpu.enqueue_dma source(%arg20 : memref<64x144xf32, #tpu.memory_space<vmem>>) target(%dma_start3A_248 : memref<64x144xf32, #tpu.memory_space<vmem_shared>>) target_semaphore(%run_scoped3A : memref<!tpu.dma_semaphore, #tpu.memory_space<semaphore_mem>>)
        %dma_wait3A = arith.constant 0 : i32
        %dma_wait3A_249 = tpu.memref_slice %arg19[%add3A_198, %dma_wait3A] : memref<10240x144xf32, #tpu.memory_space<vmem_shared>> -> memref<64x144xf32, #tpu.memory_space<vmem_shared>>
        %dma_wait3A_250 = arith.constant 0 : i32
        %dma_wait3A_251 = tpu.memref_slice %arg19[%add3A_198, %dma_wait3A_250] : memref<10240x144xf32, #tpu.memory_space<vmem_shared>> -> memref<64x144xf32, #tpu.memory_space<vmem_shared>>
        tpu.wait_dma2 semaphore(%run_scoped3A : memref<!tpu.dma_semaphore, #tpu.memory_space<semaphore_mem>>) src(%arg20 : memref<64x144xf32, #tpu.memory_space<vmem>>) dst(%dma_wait3A_251 : memref<64x144xf32, #tpu.memory_space<vmem_shared>>)
        tpu.yield
      }) : () -> ()
      %add3A_199 = arith.constant 64 : i32
      %add3A_200 = arith.addi %mul3A_0, %add3A_199 : i32
      "tpu.region"() ({
        %run_scoped3A = tpu.sem_alloc : memref<!tpu.dma_semaphore, #tpu.memory_space<semaphore_mem>>
        %dma_start3A_245 = arith.constant 0 : i32
        %dma_start3A_246 = tpu.memref_slice %arg19[%add3A_200, %dma_start3A_245] : memref<10240x144xf32, #tpu.memory_space<vmem_shared>> -> memref<64x144xf32, #tpu.memory_space<vmem_shared>>
        %dma_start3A_247 = arith.constant 0 : i32
        %dma_start3A_248 = tpu.memref_slice %arg19[%add3A_200, %dma_start3A_247] : memref<10240x144xf32, #tpu.memory_space<vmem_shared>> -> memref<64x144xf32, #tpu.memory_space<vmem_shared>>
        tpu.enqueue_dma source(%arg20 : memref<64x144xf32, #tpu.memory_space<vmem>>) target(%dma_start3A_248 : memref<64x144xf32, #tpu.memory_space<vmem_shared>>) target_semaphore(%run_scoped3A : memref<!tpu.dma_semaphore, #tpu.memory_space<semaphore_mem>>)
        %dma_wait3A = arith.constant 0 : i32
        %dma_wait3A_249 = tpu.memref_slice %arg19[%add3A_200, %dma_wait3A] : memref<10240x144xf32, #tpu.memory_space<vmem_shared>> -> memref<64x144xf32, #tpu.memory_space<vmem_shared>>
        %dma_wait3A_250 = arith.constant 0 : i32
        %dma_wait3A_251 = tpu.memref_slice %arg19[%add3A_200, %dma_wait3A_250] : memref<10240x144xf32, #tpu.memory_space<vmem_shared>> -> memref<64x144xf32, #tpu.memory_space<vmem_shared>>
        tpu.wait_dma2 semaphore(%run_scoped3A : memref<!tpu.dma_semaphore, #tpu.memory_space<semaphore_mem>>) src(%arg20 : memref<64x144xf32, #tpu.memory_space<vmem>>) dst(%dma_wait3A_251 : memref<64x144xf32, #tpu.memory_space<vmem_shared>>)
        tpu.yield
      }) : () -> ()
      %add3A_201 = arith.constant 128 : i32
      %add3A_202 = arith.addi %mul3A_0, %add3A_201 : i32
      "tpu.region"() ({
        %run_scoped3A = tpu.sem_alloc : memref<!tpu.dma_semaphore, #tpu.memory_space<semaphore_mem>>
        %dma_start3A_245 = arith.constant 0 : i32
        %dma_start3A_246 = tpu.memref_slice %arg19[%add3A_202, %dma_start3A_245] : memref<10240x144xf32, #tpu.memory_space<vmem_shared>> -> memref<64x144xf32, #tpu.memory_space<vmem_shared>>
        %dma_start3A_247 = arith.constant 0 : i32
        %dma_start3A_248 = tpu.memref_slice %arg19[%add3A_202, %dma_start3A_247] : memref<10240x144xf32, #tpu.memory_space<vmem_shared>> -> memref<64x144xf32, #tpu.memory_space<vmem_shared>>
        tpu.enqueue_dma source(%arg20 : memref<64x144xf32, #tpu.memory_space<vmem>>) target(%dma_start3A_248 : memref<64x144xf32, #tpu.memory_space<vmem_shared>>) target_semaphore(%run_scoped3A : memref<!tpu.dma_semaphore, #tpu.memory_space<semaphore_mem>>)
        %dma_wait3A = arith.constant 0 : i32
        %dma_wait3A_249 = tpu.memref_slice %arg19[%add3A_202, %dma_wait3A] : memref<10240x144xf32, #tpu.memory_space<vmem_shared>> -> memref<64x144xf32, #tpu.memory_space<vmem_shared>>
        %dma_wait3A_250 = arith.constant 0 : i32
        %dma_wait3A_251 = tpu.memref_slice %arg19[%add3A_202, %dma_wait3A_250] : memref<10240x144xf32, #tpu.memory_space<vmem_shared>> -> memref<64x144xf32, #tpu.memory_space<vmem_shared>>
        tpu.wait_dma2 semaphore(%run_scoped3A : memref<!tpu.dma_semaphore, #tpu.memory_space<semaphore_mem>>) src(%arg20 : memref<64x144xf32, #tpu.memory_space<vmem>>) dst(%dma_wait3A_251 : memref<64x144xf32, #tpu.memory_space<vmem_shared>>)
        tpu.yield
      }) : () -> ()
      %add3A_203 = arith.constant 192 : i32
      %add3A_204 = arith.addi %mul3A_0, %add3A_203 : i32
      "tpu.region"() ({
        %run_scoped3A = tpu.sem_alloc : memref<!tpu.dma_semaphore, #tpu.memory_space<semaphore_mem>>
        %dma_start3A_245 = arith.constant 0 : i32
        %dma_start3A_246 = tpu.memref_slice %arg19[%add3A_204, %dma_start3A_245] : memref<10240x144xf32, #tpu.memory_space<vmem_shared>> -> memref<64x144xf32, #tpu.memory_space<vmem_shared>>
        %dma_start3A_247 = arith.constant 0 : i32
        %dma_start3A_248 = tpu.memref_slice %arg19[%add3A_204, %dma_start3A_247] : memref<10240x144xf32, #tpu.memory_space<vmem_shared>> -> memref<64x144xf32, #tpu.memory_space<vmem_shared>>
        tpu.enqueue_dma source(%arg20 : memref<64x144xf32, #tpu.memory_space<vmem>>) target(%dma_start3A_248 : memref<64x144xf32, #tpu.memory_space<vmem_shared>>) target_semaphore(%run_scoped3A : memref<!tpu.dma_semaphore, #tpu.memory_space<semaphore_mem>>)
        %dma_wait3A = arith.constant 0 : i32
        %dma_wait3A_249 = tpu.memref_slice %arg19[%add3A_204, %dma_wait3A] : memref<10240x144xf32, #tpu.memory_space<vmem_shared>> -> memref<64x144xf32, #tpu.memory_space<vmem_shared>>
        %dma_wait3A_250 = arith.constant 0 : i32
        %dma_wait3A_251 = tpu.memref_slice %arg19[%add3A_204, %dma_wait3A_250] : memref<10240x144xf32, #tpu.memory_space<vmem_shared>> -> memref<64x144xf32, #tpu.memory_space<vmem_shared>>
        tpu.wait_dma2 semaphore(%run_scoped3A : memref<!tpu.dma_semaphore, #tpu.memory_space<semaphore_mem>>) src(%arg20 : memref<64x144xf32, #tpu.memory_space<vmem>>) dst(%dma_wait3A_251 : memref<64x144xf32, #tpu.memory_space<vmem_shared>>)
        tpu.yield
      }) : () -> ()
      %add3A_205 = arith.constant 256 : i32
      %add3A_206 = arith.addi %mul3A_0, %add3A_205 : i32
      "tpu.region"() ({
        %run_scoped3A = tpu.sem_alloc : memref<!tpu.dma_semaphore, #tpu.memory_space<semaphore_mem>>
        %dma_start3A_245 = arith.constant 0 : i32
        %dma_start3A_246 = tpu.memref_slice %arg19[%add3A_206, %dma_start3A_245] : memref<10240x144xf32, #tpu.memory_space<vmem_shared>> -> memref<64x144xf32, #tpu.memory_space<vmem_shared>>
        %dma_start3A_247 = arith.constant 0 : i32
        %dma_start3A_248 = tpu.memref_slice %arg19[%add3A_206, %dma_start3A_247] : memref<10240x144xf32, #tpu.memory_space<vmem_shared>> -> memref<64x144xf32, #tpu.memory_space<vmem_shared>>
        tpu.enqueue_dma source(%arg20 : memref<64x144xf32, #tpu.memory_space<vmem>>) target(%dma_start3A_248 : memref<64x144xf32, #tpu.memory_space<vmem_shared>>) target_semaphore(%run_scoped3A : memref<!tpu.dma_semaphore, #tpu.memory_space<semaphore_mem>>)
        %dma_wait3A = arith.constant 0 : i32
        %dma_wait3A_249 = tpu.memref_slice %arg19[%add3A_206, %dma_wait3A] : memref<10240x144xf32, #tpu.memory_space<vmem_shared>> -> memref<64x144xf32, #tpu.memory_space<vmem_shared>>
        %dma_wait3A_250 = arith.constant 0 : i32
        %dma_wait3A_251 = tpu.memref_slice %arg19[%add3A_206, %dma_wait3A_250] : memref<10240x144xf32, #tpu.memory_space<vmem_shared>> -> memref<64x144xf32, #tpu.memory_space<vmem_shared>>
        tpu.wait_dma2 semaphore(%run_scoped3A : memref<!tpu.dma_semaphore, #tpu.memory_space<semaphore_mem>>) src(%arg20 : memref<64x144xf32, #tpu.memory_space<vmem>>) dst(%dma_wait3A_251 : memref<64x144xf32, #tpu.memory_space<vmem_shared>>)
        tpu.yield
      }) : () -> ()
      %add3A_207 = arith.constant 320 : i32
      %add3A_208 = arith.addi %mul3A_0, %add3A_207 : i32
      "tpu.region"() ({
        %run_scoped3A = tpu.sem_alloc : memref<!tpu.dma_semaphore, #tpu.memory_space<semaphore_mem>>
        %dma_start3A_245 = arith.constant 0 : i32
        %dma_start3A_246 = tpu.memref_slice %arg19[%add3A_208, %dma_start3A_245] : memref<10240x144xf32, #tpu.memory_space<vmem_shared>> -> memref<64x144xf32, #tpu.memory_space<vmem_shared>>
        %dma_start3A_247 = arith.constant 0 : i32
        %dma_start3A_248 = tpu.memref_slice %arg19[%add3A_208, %dma_start3A_247] : memref<10240x144xf32, #tpu.memory_space<vmem_shared>> -> memref<64x144xf32, #tpu.memory_space<vmem_shared>>
        tpu.enqueue_dma source(%arg20 : memref<64x144xf32, #tpu.memory_space<vmem>>) target(%dma_start3A_248 : memref<64x144xf32, #tpu.memory_space<vmem_shared>>) target_semaphore(%run_scoped3A : memref<!tpu.dma_semaphore, #tpu.memory_space<semaphore_mem>>)
        %dma_wait3A = arith.constant 0 : i32
        %dma_wait3A_249 = tpu.memref_slice %arg19[%add3A_208, %dma_wait3A] : memref<10240x144xf32, #tpu.memory_space<vmem_shared>> -> memref<64x144xf32, #tpu.memory_space<vmem_shared>>
        %dma_wait3A_250 = arith.constant 0 : i32
        %dma_wait3A_251 = tpu.memref_slice %arg19[%add3A_208, %dma_wait3A_250] : memref<10240x144xf32, #tpu.memory_space<vmem_shared>> -> memref<64x144xf32, #tpu.memory_space<vmem_shared>>
        tpu.wait_dma2 semaphore(%run_scoped3A : memref<!tpu.dma_semaphore, #tpu.memory_space<semaphore_mem>>) src(%arg20 : memref<64x144xf32, #tpu.memory_space<vmem>>) dst(%dma_wait3A_251 : memref<64x144xf32, #tpu.memory_space<vmem_shared>>)
        tpu.yield
      }) : () -> ()
      %add3A_209 = arith.constant 384 : i32
      %add3A_210 = arith.addi %mul3A_0, %add3A_209 : i32
      "tpu.region"() ({
        %run_scoped3A = tpu.sem_alloc : memref<!tpu.dma_semaphore, #tpu.memory_space<semaphore_mem>>
        %dma_start3A_245 = arith.constant 0 : i32
        %dma_start3A_246 = tpu.memref_slice %arg19[%add3A_210, %dma_start3A_245] : memref<10240x144xf32, #tpu.memory_space<vmem_shared>> -> memref<64x144xf32, #tpu.memory_space<vmem_shared>>
        %dma_start3A_247 = arith.constant 0 : i32
        %dma_start3A_248 = tpu.memref_slice %arg19[%add3A_210, %dma_start3A_247] : memref<10240x144xf32, #tpu.memory_space<vmem_shared>> -> memref<64x144xf32, #tpu.memory_space<vmem_shared>>
        tpu.enqueue_dma source(%arg20 : memref<64x144xf32, #tpu.memory_space<vmem>>) target(%dma_start3A_248 : memref<64x144xf32, #tpu.memory_space<vmem_shared>>) target_semaphore(%run_scoped3A : memref<!tpu.dma_semaphore, #tpu.memory_space<semaphore_mem>>)
        %dma_wait3A = arith.constant 0 : i32
        %dma_wait3A_249 = tpu.memref_slice %arg19[%add3A_210, %dma_wait3A] : memref<10240x144xf32, #tpu.memory_space<vmem_shared>> -> memref<64x144xf32, #tpu.memory_space<vmem_shared>>
        %dma_wait3A_250 = arith.constant 0 : i32
        %dma_wait3A_251 = tpu.memref_slice %arg19[%add3A_210, %dma_wait3A_250] : memref<10240x144xf32, #tpu.memory_space<vmem_shared>> -> memref<64x144xf32, #tpu.memory_space<vmem_shared>>
        tpu.wait_dma2 semaphore(%run_scoped3A : memref<!tpu.dma_semaphore, #tpu.memory_space<semaphore_mem>>) src(%arg20 : memref<64x144xf32, #tpu.memory_space<vmem>>) dst(%dma_wait3A_251 : memref<64x144xf32, #tpu.memory_space<vmem_shared>>)
        tpu.yield
      }) : () -> ()
      %add3A_211 = arith.constant 448 : i32
      %add3A_212 = arith.addi %mul3A_0, %add3A_211 : i32
      "tpu.region"() ({
        %run_scoped3A = tpu.sem_alloc : memref<!tpu.dma_semaphore, #tpu.memory_space<semaphore_mem>>
        %dma_start3A_245 = arith.constant 0 : i32
        %dma_start3A_246 = tpu.memref_slice %arg19[%add3A_212, %dma_start3A_245] : memref<10240x144xf32, #tpu.memory_space<vmem_shared>> -> memref<64x144xf32, #tpu.memory_space<vmem_shared>>
        %dma_start3A_247 = arith.constant 0 : i32
        %dma_start3A_248 = tpu.memref_slice %arg19[%add3A_212, %dma_start3A_247] : memref<10240x144xf32, #tpu.memory_space<vmem_shared>> -> memref<64x144xf32, #tpu.memory_space<vmem_shared>>
        tpu.enqueue_dma source(%arg20 : memref<64x144xf32, #tpu.memory_space<vmem>>) target(%dma_start3A_248 : memref<64x144xf32, #tpu.memory_space<vmem_shared>>) target_semaphore(%run_scoped3A : memref<!tpu.dma_semaphore, #tpu.memory_space<semaphore_mem>>)
        %dma_wait3A = arith.constant 0 : i32
        %dma_wait3A_249 = tpu.memref_slice %arg19[%add3A_212, %dma_wait3A] : memref<10240x144xf32, #tpu.memory_space<vmem_shared>> -> memref<64x144xf32, #tpu.memory_space<vmem_shared>>
        %dma_wait3A_250 = arith.constant 0 : i32
        %dma_wait3A_251 = tpu.memref_slice %arg19[%add3A_212, %dma_wait3A_250] : memref<10240x144xf32, #tpu.memory_space<vmem_shared>> -> memref<64x144xf32, #tpu.memory_space<vmem_shared>>
        tpu.wait_dma2 semaphore(%run_scoped3A : memref<!tpu.dma_semaphore, #tpu.memory_space<semaphore_mem>>) src(%arg20 : memref<64x144xf32, #tpu.memory_space<vmem>>) dst(%dma_wait3A_251 : memref<64x144xf32, #tpu.memory_space<vmem_shared>>)
        tpu.yield
      }) : () -> ()
      %add3A_213 = arith.constant 512 : i32
      %add3A_214 = arith.addi %mul3A_0, %add3A_213 : i32
      "tpu.region"() ({
        %run_scoped3A = tpu.sem_alloc : memref<!tpu.dma_semaphore, #tpu.memory_space<semaphore_mem>>
        %dma_start3A_245 = arith.constant 0 : i32
        %dma_start3A_246 = tpu.memref_slice %arg19[%add3A_214, %dma_start3A_245] : memref<10240x144xf32, #tpu.memory_space<vmem_shared>> -> memref<64x144xf32, #tpu.memory_space<vmem_shared>>
        %dma_start3A_247 = arith.constant 0 : i32
        %dma_start3A_248 = tpu.memref_slice %arg19[%add3A_214, %dma_start3A_247] : memref<10240x144xf32, #tpu.memory_space<vmem_shared>> -> memref<64x144xf32, #tpu.memory_space<vmem_shared>>
        tpu.enqueue_dma source(%arg20 : memref<64x144xf32, #tpu.memory_space<vmem>>) target(%dma_start3A_248 : memref<64x144xf32, #tpu.memory_space<vmem_shared>>) target_semaphore(%run_scoped3A : memref<!tpu.dma_semaphore, #tpu.memory_space<semaphore_mem>>)
        %dma_wait3A = arith.constant 0 : i32
        %dma_wait3A_249 = tpu.memref_slice %arg19[%add3A_214, %dma_wait3A] : memref<10240x144xf32, #tpu.memory_space<vmem_shared>> -> memref<64x144xf32, #tpu.memory_space<vmem_shared>>
        %dma_wait3A_250 = arith.constant 0 : i32
        %dma_wait3A_251 = tpu.memref_slice %arg19[%add3A_214, %dma_wait3A_250] : memref<10240x144xf32, #tpu.memory_space<vmem_shared>> -> memref<64x144xf32, #tpu.memory_space<vmem_shared>>
        tpu.wait_dma2 semaphore(%run_scoped3A : memref<!tpu.dma_semaphore, #tpu.memory_space<semaphore_mem>>) src(%arg20 : memref<64x144xf32, #tpu.memory_space<vmem>>) dst(%dma_wait3A_251 : memref<64x144xf32, #tpu.memory_space<vmem_shared>>)
        tpu.yield
      }) : () -> ()
      %add3A_215 = arith.constant 576 : i32
      %add3A_216 = arith.addi %mul3A_0, %add3A_215 : i32
      "tpu.region"() ({
        %run_scoped3A = tpu.sem_alloc : memref<!tpu.dma_semaphore, #tpu.memory_space<semaphore_mem>>
        %dma_start3A_245 = arith.constant 0 : i32
        %dma_start3A_246 = tpu.memref_slice %arg19[%add3A_216, %dma_start3A_245] : memref<10240x144xf32, #tpu.memory_space<vmem_shared>> -> memref<64x144xf32, #tpu.memory_space<vmem_shared>>
        %dma_start3A_247 = arith.constant 0 : i32
        %dma_start3A_248 = tpu.memref_slice %arg19[%add3A_216, %dma_start3A_247] : memref<10240x144xf32, #tpu.memory_space<vmem_shared>> -> memref<64x144xf32, #tpu.memory_space<vmem_shared>>
        tpu.enqueue_dma source(%arg20 : memref<64x144xf32, #tpu.memory_space<vmem>>) target(%dma_start3A_248 : memref<64x144xf32, #tpu.memory_space<vmem_shared>>) target_semaphore(%run_scoped3A : memref<!tpu.dma_semaphore, #tpu.memory_space<semaphore_mem>>)
        %dma_wait3A = arith.constant 0 : i32
        %dma_wait3A_249 = tpu.memref_slice %arg19[%add3A_216, %dma_wait3A] : memref<10240x144xf32, #tpu.memory_space<vmem_shared>> -> memref<64x144xf32, #tpu.memory_space<vmem_shared>>
        %dma_wait3A_250 = arith.constant 0 : i32
        %dma_wait3A_251 = tpu.memref_slice %arg19[%add3A_216, %dma_wait3A_250] : memref<10240x144xf32, #tpu.memory_space<vmem_shared>> -> memref<64x144xf32, #tpu.memory_space<vmem_shared>>
        tpu.wait_dma2 semaphore(%run_scoped3A : memref<!tpu.dma_semaphore, #tpu.memory_space<semaphore_mem>>) src(%arg20 : memref<64x144xf32, #tpu.memory_space<vmem>>) dst(%dma_wait3A_251 : memref<64x144xf32, #tpu.memory_space<vmem_shared>>)
        tpu.yield
      }) : () -> ()
      %barrier3A_217 = arith.constant 0 : index
      tpu.barrier barrier_id(%barrier3A_217)
      %mul3A_218 = arith.constant 16 : i32
      %mul3A_219 = arith.muli %arg1, %mul3A_218 : i32
      %add3A_220 = arith.constant 0 : i32
      %add3A_221 = arith.addi %mul3A_219, %add3A_220 : i32
      "tpu.region"() ({
        %run_scoped3A = tpu.sem_alloc : memref<!tpu.dma_semaphore, #tpu.memory_space<semaphore_mem>>
        %dma_start3A_245 = arith.constant 0 : i32
        %dma_start3A_246 = tpu.memref_slice %arg9[%add3A_221, %dma_start3A_245] : memref<256x80xi32, #tpu.memory_space<hbm>> -> memref<16x80xi32, #tpu.memory_space<hbm>>
        %dma_start3A_247 = arith.constant 0 : i32
        %dma_start3A_248 = tpu.memref_slice %arg9[%add3A_221, %dma_start3A_247] : memref<256x80xi32, #tpu.memory_space<hbm>> -> memref<16x80xi32, #tpu.memory_space<hbm>>
        tpu.enqueue_dma source(%dma_start3A_248 : memref<16x80xi32, #tpu.memory_space<hbm>>) target(%arg23 : memref<16x80xi32, #tpu.memory_space<vmem>>) target_semaphore(%run_scoped3A : memref<!tpu.dma_semaphore, #tpu.memory_space<semaphore_mem>>)
        %dma_wait3A = arith.constant 0 : i32
        %dma_wait3A_249 = tpu.memref_slice %arg9[%add3A_221, %dma_wait3A] : memref<256x80xi32, #tpu.memory_space<hbm>> -> memref<16x80xi32, #tpu.memory_space<hbm>>
        %dma_wait3A_250 = arith.constant 0 : i32
        %dma_wait3A_251 = tpu.memref_slice %arg9[%add3A_221, %dma_wait3A_250] : memref<256x80xi32, #tpu.memory_space<hbm>> -> memref<16x80xi32, #tpu.memory_space<hbm>>
        tpu.wait_dma2 semaphore(%run_scoped3A : memref<!tpu.dma_semaphore, #tpu.memory_space<semaphore_mem>>) src(%dma_wait3A_251 : memref<16x80xi32, #tpu.memory_space<hbm>>) dst(%arg23 : memref<16x80xi32, #tpu.memory_space<vmem>>)
        tpu.yield
      }) : () -> ()
      "tpu.region"() ({
        %run_scoped3A = tpu.sem_alloc : memref<!tpu.dma_semaphore, #tpu.memory_space<semaphore_mem>>
        %dma_start3A_245 = arith.constant 0 : i32
        %dma_start3A_246 = tpu.memref_slice %arg10[%add3A_221, %dma_start3A_245] : memref<256x80xi32, #tpu.memory_space<hbm>> -> memref<16x80xi32, #tpu.memory_space<hbm>>
        %dma_start3A_247 = arith.constant 0 : i32
        %dma_start3A_248 = tpu.memref_slice %arg10[%add3A_221, %dma_start3A_247] : memref<256x80xi32, #tpu.memory_space<hbm>> -> memref<16x80xi32, #tpu.memory_space<hbm>>
        tpu.enqueue_dma source(%dma_start3A_248 : memref<16x80xi32, #tpu.memory_space<hbm>>) target(%arg24 : memref<16x80xi32, #tpu.memory_space<vmem>>) target_semaphore(%run_scoped3A : memref<!tpu.dma_semaphore, #tpu.memory_space<semaphore_mem>>)
        %dma_wait3A = arith.constant 0 : i32
        %dma_wait3A_249 = tpu.memref_slice %arg10[%add3A_221, %dma_wait3A] : memref<256x80xi32, #tpu.memory_space<hbm>> -> memref<16x80xi32, #tpu.memory_space<hbm>>
        %dma_wait3A_250 = arith.constant 0 : i32
        %dma_wait3A_251 = tpu.memref_slice %arg10[%add3A_221, %dma_wait3A_250] : memref<256x80xi32, #tpu.memory_space<hbm>> -> memref<16x80xi32, #tpu.memory_space<hbm>>
        tpu.wait_dma2 semaphore(%run_scoped3A : memref<!tpu.dma_semaphore, #tpu.memory_space<semaphore_mem>>) src(%dma_wait3A_251 : memref<16x80xi32, #tpu.memory_space<hbm>>) dst(%arg24 : memref<16x80xi32, #tpu.memory_space<vmem>>)
        tpu.yield
      }) : () -> ()
      %dma_start3A_222 = arith.constant 0 : i32
      %dma_start3A_223 = arith.constant 0 : i32
      %dma_start3A_224 = tpu.memref_slice %arg24[%dma_start3A_222, %dma_start3A_223] : memref<16x80xi32, #tpu.memory_space<vmem>> -> memref<1x80xi32, #tpu.memory_space<vmem>>
      %dma_start3A_225 = tpu.memref_squeeze %dma_start3A_224 : memref<1x80xi32, #tpu.memory_space<vmem>> -> memref<80xi32, #tpu.memory_space<vmem>>
      %dma_start3A_226 = arith.constant 0 : i32
      %dma_start3A_227 = arith.constant 0 : i32
      %dma_start3A_228 = tpu.memref_slice %arg2[%dma_start3A_226, %dma_start3A_227] : memref<10000x144xf32, #tpu.memory_space<hbm>> -> memref<10000x144xf32, #tpu.memory_space<hbm>>
      tpu.enqueue_indirect_dma source(%dma_start3A_228 : memref<10000x144xf32, #tpu.memory_space<hbm>>) target(%arg21 : memref<80x144xf32, #tpu.memory_space<vmem>>) offsets(%dma_start3A_225 : memref<80xi32, #tpu.memory_space<vmem>>) semaphore(%arg25 : memref<!tpu.dma_semaphore, #tpu.memory_space<semaphore_mem>>)
      %scan3A_229 = arith.constant 0 : i32
      %scan3A_230 = arith.constant 0 : i32
      %scan3A_231 = arith.constant 8 : i32
      %scan3A_232 = arith.addi %scan3A_230, %scan3A_231 : i32
      %scan3A_233 = arith.constant 1 : i32
      %scan3A_234 = scf.for %scan3A_245 = %scan3A_230 to %scan3A_232 step %scan3A_233 iter_args(%scan3A_246 = %scan3A_229) -> (i32)  : i32 {
        %mul3A_247 = arith.constant 2 : i32
        %mul3A_248 = arith.muli %mul3A_247, %scan3A_245 : i32
        %add3A_249 = arith.constant 1 : i32
        %add3A_250 = arith.addi %mul3A_248, %add3A_249 : i32
        %add3A_251 = arith.constant 2 : i32
        %add3A_252 = arith.addi %mul3A_248, %add3A_251 : i32
        %dma_wait3A = arith.constant 0 : i32
        %dma_wait3A_253 = tpu.memref_slice %arg24[%mul3A_248, %dma_wait3A] : memref<16x80xi32, #tpu.memory_space<vmem>> -> memref<1x80xi32, #tpu.memory_space<vmem>>
        %dma_wait3A_254 = tpu.memref_squeeze %dma_wait3A_253 : memref<1x80xi32, #tpu.memory_space<vmem>> -> memref<80xi32, #tpu.memory_space<vmem>>
        %dma_wait3A_255 = arith.constant 0 : i32
        %dma_wait3A_256 = arith.constant 0 : i32
        %dma_wait3A_257 = tpu.memref_slice %arg2[%dma_wait3A_255, %dma_wait3A_256] : memref<10000x144xf32, #tpu.memory_space<hbm>> -> memref<10000x144xf32, #tpu.memory_space<hbm>>
        tpu.wait_indirect_dma semaphore(%arg25 : memref<!tpu.dma_semaphore, #tpu.memory_space<semaphore_mem>>) src(%dma_wait3A_257 : memref<10000x144xf32, #tpu.memory_space<hbm>>) dst(%arg21 : memref<80x144xf32, #tpu.memory_space<vmem>>)
        %dma_start3A_258 = arith.constant 0 : i32
        %dma_start3A_259 = tpu.memref_slice %arg24[%add3A_250, %dma_start3A_258] : memref<16x80xi32, #tpu.memory_space<vmem>> -> memref<1x80xi32, #tpu.memory_space<vmem>>
        %dma_start3A_260 = tpu.memref_squeeze %dma_start3A_259 : memref<1x80xi32, #tpu.memory_space<vmem>> -> memref<80xi32, #tpu.memory_space<vmem>>
        %dma_start3A_261 = arith.constant 0 : i32
        %dma_start3A_262 = arith.constant 0 : i32
        %dma_start3A_263 = tpu.memref_slice %arg2[%dma_start3A_261, %dma_start3A_262] : memref<10000x144xf32, #tpu.memory_space<hbm>> -> memref<10000x144xf32, #tpu.memory_space<hbm>>
        tpu.enqueue_indirect_dma source(%dma_start3A_263 : memref<10000x144xf32, #tpu.memory_space<hbm>>) target(%arg22 : memref<80x144xf32, #tpu.memory_space<vmem>>) offsets(%dma_start3A_260 : memref<80xi32, #tpu.memory_space<vmem>>) semaphore(%arg26 : memref<!tpu.dma_semaphore, #tpu.memory_space<semaphore_mem>>)
        "tpu.region"() ({
          %run_scoped3A = tpu.sem_alloc : memref<!tpu.dma_semaphore, #tpu.memory_space<semaphore_mem>>
          %dma_start3A_276 = arith.constant 0 : i32
          %dma_start3A_277 = tpu.memref_slice %arg23[%mul3A_248, %dma_start3A_276] : memref<16x80xi32, #tpu.memory_space<vmem>> -> memref<1x80xi32, #tpu.memory_space<vmem>>
          %dma_start3A_278 = tpu.memref_squeeze %dma_start3A_277 : memref<1x80xi32, #tpu.memory_space<vmem>> -> memref<80xi32, #tpu.memory_space<vmem>>
          %dma_start3A_279 = arith.constant 0 : i32
          %dma_start3A_280 = arith.constant 0 : i32
          %dma_start3A_281 = tpu.memref_slice %arg19[%dma_start3A_279, %dma_start3A_280] : memref<10240x144xf32, #tpu.memory_space<vmem_shared>> -> memref<10240x144xf32, #tpu.memory_space<vmem_shared>>
          tpu.enqueue_indirect_dma source(%arg21 : memref<80x144xf32, #tpu.memory_space<vmem>>) target(%dma_start3A_281 : memref<10240x144xf32, #tpu.memory_space<vmem_shared>>) offsets(%dma_start3A_278 : memref<80xi32, #tpu.memory_space<vmem>>) semaphore(%run_scoped3A : memref<!tpu.dma_semaphore, #tpu.memory_space<semaphore_mem>>) {add = true}
          %dma_wait3A_282 = arith.constant 0 : i32
          %dma_wait3A_283 = tpu.memref_slice %arg23[%mul3A_248, %dma_wait3A_282] : memref<16x80xi32, #tpu.memory_space<vmem>> -> memref<1x80xi32, #tpu.memory_space<vmem>>
          %dma_wait3A_284 = tpu.memref_squeeze %dma_wait3A_283 : memref<1x80xi32, #tpu.memory_space<vmem>> -> memref<80xi32, #tpu.memory_space<vmem>>
          %dma_wait3A_285 = arith.constant 0 : i32
          %dma_wait3A_286 = arith.constant 0 : i32
          %dma_wait3A_287 = tpu.memref_slice %arg19[%dma_wait3A_285, %dma_wait3A_286] : memref<10240x144xf32, #tpu.memory_space<vmem_shared>> -> memref<10240x144xf32, #tpu.memory_space<vmem_shared>>
          tpu.wait_indirect_dma semaphore(%run_scoped3A : memref<!tpu.dma_semaphore, #tpu.memory_space<semaphore_mem>>) src(%arg21 : memref<80x144xf32, #tpu.memory_space<vmem>>) dst(%dma_wait3A_287 : memref<10240x144xf32, #tpu.memory_space<vmem_shared>>)
          tpu.yield
        }) : () -> ()
        %min3A = arith.constant 15 : i32
        %min3A_264 = arith.minsi %add3A_252, %min3A : i32
        %lt3A = arith.constant 16 : i32
        %lt3A_265 = arith.cmpi slt, %add3A_252, %lt3A : i32
        %convert_element_type3A_266 = arith.extui %lt3A_265 : i1 to i32
        %cond3A_267 = arith.constant 0 : i32
        %cond3A_268 = arith.cmpi ne, %convert_element_type3A_266, %cond3A_267 : i32
        scf.if %cond3A_268 {
          %dma_start3A_276 = arith.constant 0 : i32
          %dma_start3A_277 = tpu.memref_slice %arg24[%min3A_264, %dma_start3A_276] : memref<16x80xi32, #tpu.memory_space<vmem>> -> memref<1x80xi32, #tpu.memory_space<vmem>>
          %dma_start3A_278 = tpu.memref_squeeze %dma_start3A_277 : memref<1x80xi32, #tpu.memory_space<vmem>> -> memref<80xi32, #tpu.memory_space<vmem>>
          %dma_start3A_279 = arith.constant 0 : i32
          %dma_start3A_280 = arith.constant 0 : i32
          %dma_start3A_281 = tpu.memref_slice %arg2[%dma_start3A_279, %dma_start3A_280] : memref<10000x144xf32, #tpu.memory_space<hbm>> -> memref<10000x144xf32, #tpu.memory_space<hbm>>
          tpu.enqueue_indirect_dma source(%dma_start3A_281 : memref<10000x144xf32, #tpu.memory_space<hbm>>) target(%arg21 : memref<80x144xf32, #tpu.memory_space<vmem>>) offsets(%dma_start3A_278 : memref<80xi32, #tpu.memory_space<vmem>>) semaphore(%arg25 : memref<!tpu.dma_semaphore, #tpu.memory_space<semaphore_mem>>)
        } else {
        }
        %dma_wait3A_269 = arith.constant 0 : i32
        %dma_wait3A_270 = tpu.memref_slice %arg24[%add3A_250, %dma_wait3A_269] : memref<16x80xi32, #tpu.memory_space<vmem>> -> memref<1x80xi32, #tpu.memory_space<vmem>>
        %dma_wait3A_271 = tpu.memref_squeeze %dma_wait3A_270 : memref<1x80xi32, #tpu.memory_space<vmem>> -> memref<80xi32, #tpu.memory_space<vmem>>
        %dma_wait3A_272 = arith.constant 0 : i32
        %dma_wait3A_273 = arith.constant 0 : i32
        %dma_wait3A_274 = tpu.memref_slice %arg2[%dma_wait3A_272, %dma_wait3A_273] : memref<10000x144xf32, #tpu.memory_space<hbm>> -> memref<10000x144xf32, #tpu.memory_space<hbm>>
        tpu.wait_indirect_dma semaphore(%arg26 : memref<!tpu.dma_semaphore, #tpu.memory_space<semaphore_mem>>) src(%dma_wait3A_274 : memref<10000x144xf32, #tpu.memory_space<hbm>>) dst(%arg22 : memref<80x144xf32, #tpu.memory_space<vmem>>)
        "tpu.region"() ({
          %run_scoped3A = tpu.sem_alloc : memref<!tpu.dma_semaphore, #tpu.memory_space<semaphore_mem>>
          %dma_start3A_276 = arith.constant 0 : i32
          %dma_start3A_277 = tpu.memref_slice %arg23[%add3A_250, %dma_start3A_276] : memref<16x80xi32, #tpu.memory_space<vmem>> -> memref<1x80xi32, #tpu.memory_space<vmem>>
          %dma_start3A_278 = tpu.memref_squeeze %dma_start3A_277 : memref<1x80xi32, #tpu.memory_space<vmem>> -> memref<80xi32, #tpu.memory_space<vmem>>
          %dma_start3A_279 = arith.constant 0 : i32
          %dma_start3A_280 = arith.constant 0 : i32
          %dma_start3A_281 = tpu.memref_slice %arg19[%dma_start3A_279, %dma_start3A_280] : memref<10240x144xf32, #tpu.memory_space<vmem_shared>> -> memref<10240x144xf32, #tpu.memory_space<vmem_shared>>
          tpu.enqueue_indirect_dma source(%arg22 : memref<80x144xf32, #tpu.memory_space<vmem>>) target(%dma_start3A_281 : memref<10240x144xf32, #tpu.memory_space<vmem_shared>>) offsets(%dma_start3A_278 : memref<80xi32, #tpu.memory_space<vmem>>) semaphore(%run_scoped3A : memref<!tpu.dma_semaphore, #tpu.memory_space<semaphore_mem>>) {add = true}
          %dma_wait3A_282 = arith.constant 0 : i32
          %dma_wait3A_283 = tpu.memref_slice %arg23[%add3A_250, %dma_wait3A_282] : memref<16x80xi32, #tpu.memory_space<vmem>> -> memref<1x80xi32, #tpu.memory_space<vmem>>
          %dma_wait3A_284 = tpu.memref_squeeze %dma_wait3A_283 : memref<1x80xi32, #tpu.memory_space<vmem>> -> memref<80xi32, #tpu.memory_space<vmem>>
          %dma_wait3A_285 = arith.constant 0 : i32
          %dma_wait3A_286 = arith.constant 0 : i32
          %dma_wait3A_287 = tpu.memref_slice %arg19[%dma_wait3A_285, %dma_wait3A_286] : memref<10240x144xf32, #tpu.memory_space<vmem_shared>> -> memref<10240x144xf32, #tpu.memory_space<vmem_shared>>
          tpu.wait_indirect_dma semaphore(%run_scoped3A : memref<!tpu.dma_semaphore, #tpu.memory_space<semaphore_mem>>) src(%arg22 : memref<80x144xf32, #tpu.memory_space<vmem>>) dst(%dma_wait3A_287 : memref<10240x144xf32, #tpu.memory_space<vmem_shared>>)
          tpu.yield
        }) : () -> ()
        %scan3A_275 = arith.constant 0 : i32
        scf.yield %scan3A_275 : i32
      }
      %scan3A_235 = arith.constant 8 : i32
      %barrier3A_236 = arith.constant 0 : index
      tpu.barrier barrier_id(%barrier3A_236)
      %scan3A_237 = arith.constant 0 : i32
      %scan3A_238 = arith.constant 0 : i32
      %scan3A_239 = arith.constant 8 : i32
      %scan3A_240 = arith.addi %scan3A_238, %scan3A_239 : i32
      %scan3A_241 = arith.constant 1 : i32
      %scan3A_242 = scf.for %scan3A_245 = %scan3A_238 to %scan3A_240 step %scan3A_241 iter_args(%scan3A_246 = %scan3A_237) -> (i32)  : i32 {
        %mul3A_247 = arith.constant 80 : i32
        %mul3A_248 = arith.muli %scan3A_245, %mul3A_247 : i32
        %add3A_249 = arith.addi %mul3A_0, %mul3A_248 : i32
        "tpu.region"() ({
          %run_scoped3A = tpu.sem_alloc : memref<!tpu.dma_semaphore, #tpu.memory_space<semaphore_mem>>
          %dma_start3A_254 = arith.constant 0 : i32
          %dma_start3A_255 = tpu.memref_slice %arg19[%add3A_249, %dma_start3A_254] : memref<10240x144xf32, #tpu.memory_space<vmem_shared>> -> memref<80x144xf32, #tpu.memory_space<vmem_shared>>
          %dma_start3A_256 = arith.constant 0 : i32
          %dma_start3A_257 = tpu.memref_slice %arg19[%add3A_249, %dma_start3A_256] : memref<10240x144xf32, #tpu.memory_space<vmem_shared>> -> memref<80x144xf32, #tpu.memory_space<vmem_shared>>
          tpu.enqueue_dma source(%dma_start3A_257 : memref<80x144xf32, #tpu.memory_space<vmem_shared>>) target(%arg21 : memref<80x144xf32, #tpu.memory_space<vmem>>) target_semaphore(%run_scoped3A : memref<!tpu.dma_semaphore, #tpu.memory_space<semaphore_mem>>)
          %dma_wait3A = arith.constant 0 : i32
          %dma_wait3A_258 = tpu.memref_slice %arg19[%add3A_249, %dma_wait3A] : memref<10240x144xf32, #tpu.memory_space<vmem_shared>> -> memref<80x144xf32, #tpu.memory_space<vmem_shared>>
          %dma_wait3A_259 = arith.constant 0 : i32
          %dma_wait3A_260 = tpu.memref_slice %arg19[%add3A_249, %dma_wait3A_259] : memref<10240x144xf32, #tpu.memory_space<vmem_shared>> -> memref<80x144xf32, #tpu.memory_space<vmem_shared>>
          tpu.wait_dma2 semaphore(%run_scoped3A : memref<!tpu.dma_semaphore, #tpu.memory_space<semaphore_mem>>) src(%dma_wait3A_260 : memref<80x144xf32, #tpu.memory_space<vmem_shared>>) dst(%arg21 : memref<80x144xf32, #tpu.memory_space<vmem>>)
          tpu.yield
        }) : () -> ()
        %mul3A_250 = arith.constant 80 : i32
        %mul3A_251 = arith.muli %scan3A_245, %mul3A_250 : i32
        %add3A_252 = arith.addi %mul3A_0, %mul3A_251 : i32
        "tpu.region"() ({
          %run_scoped3A = tpu.sem_alloc : memref<!tpu.dma_semaphore, #tpu.memory_space<semaphore_mem>>
          %dma_start3A_254 = arith.constant 0 : i32
          %dma_start3A_255 = tpu.memref_slice %arg17[%add3A_252, %dma_start3A_254] : memref<10240x144xf32, #tpu.memory_space<hbm>> -> memref<80x144xf32, #tpu.memory_space<hbm>>
          %dma_start3A_256 = arith.constant 0 : i32
          %dma_start3A_257 = tpu.memref_slice %arg17[%add3A_252, %dma_start3A_256] : memref<10240x144xf32, #tpu.memory_space<hbm>> -> memref<80x144xf32, #tpu.memory_space<hbm>>
          tpu.enqueue_dma source(%arg21 : memref<80x144xf32, #tpu.memory_space<vmem>>) target(%dma_start3A_257 : memref<80x144xf32, #tpu.memory_space<hbm>>) target_semaphore(%run_scoped3A : memref<!tpu.dma_semaphore, #tpu.memory_space<semaphore_mem>>)
          %dma_wait3A = arith.constant 0 : i32
          %dma_wait3A_258 = tpu.memref_slice %arg17[%add3A_252, %dma_wait3A] : memref<10240x144xf32, #tpu.memory_space<hbm>> -> memref<80x144xf32, #tpu.memory_space<hbm>>
          %dma_wait3A_259 = arith.constant 0 : i32
          %dma_wait3A_260 = tpu.memref_slice %arg17[%add3A_252, %dma_wait3A_259] : memref<10240x144xf32, #tpu.memory_space<hbm>> -> memref<80x144xf32, #tpu.memory_space<hbm>>
          tpu.wait_dma2 semaphore(%run_scoped3A : memref<!tpu.dma_semaphore, #tpu.memory_space<semaphore_mem>>) src(%arg21 : memref<80x144xf32, #tpu.memory_space<vmem>>) dst(%dma_wait3A_260 : memref<80x144xf32, #tpu.memory_space<hbm>>)
          tpu.yield
        }) : () -> ()
        %scan3A_253 = arith.constant 0 : i32
        scf.yield %scan3A_253 : i32
      }
      %scan3A_243 = arith.constant 8 : i32
      %barrier3A_244 = arith.constant 0 : index
      tpu.barrier barrier_id(%barrier3A_244)
    } else {
    }
    %eq3A_9 = arith.constant 1 : i32
    %eq3A_10 = arith.cmpi eq, %arg0, %eq3A_9 : i32
    %convert_element_type3A_11 = arith.extui %eq3A_10 : i1 to i32
    %cond3A_12 = arith.constant 0 : i32
    %cond3A_13 = arith.cmpi ne, %convert_element_type3A_11, %cond3A_12 : i32
    scf.if %cond3A_13 {
      %add3A = arith.constant 0 : i32
      %add3A_14 = arith.addi %mul3A_0, %add3A : i32
      "tpu.region"() ({
        %run_scoped3A = tpu.sem_alloc : memref<!tpu.dma_semaphore, #tpu.memory_space<semaphore_mem>>
        %dma_start3A_245 = arith.constant 0 : i32
        %dma_start3A_246 = tpu.memref_slice %arg19[%add3A_14, %dma_start3A_245] : memref<10240x144xf32, #tpu.memory_space<vmem_shared>> -> memref<64x144xf32, #tpu.memory_space<vmem_shared>>
        %dma_start3A_247 = arith.constant 0 : i32
        %dma_start3A_248 = tpu.memref_slice %arg19[%add3A_14, %dma_start3A_247] : memref<10240x144xf32, #tpu.memory_space<vmem_shared>> -> memref<64x144xf32, #tpu.memory_space<vmem_shared>>
        tpu.enqueue_dma source(%arg20 : memref<64x144xf32, #tpu.memory_space<vmem>>) target(%dma_start3A_248 : memref<64x144xf32, #tpu.memory_space<vmem_shared>>) target_semaphore(%run_scoped3A : memref<!tpu.dma_semaphore, #tpu.memory_space<semaphore_mem>>)
        %dma_wait3A = arith.constant 0 : i32
        %dma_wait3A_249 = tpu.memref_slice %arg19[%add3A_14, %dma_wait3A] : memref<10240x144xf32, #tpu.memory_space<vmem_shared>> -> memref<64x144xf32, #tpu.memory_space<vmem_shared>>
        %dma_wait3A_250 = arith.constant 0 : i32
        %dma_wait3A_251 = tpu.memref_slice %arg19[%add3A_14, %dma_wait3A_250] : memref<10240x144xf32, #tpu.memory_space<vmem_shared>> -> memref<64x144xf32, #tpu.memory_space<vmem_shared>>
        tpu.wait_dma2 semaphore(%run_scoped3A : memref<!tpu.dma_semaphore, #tpu.memory_space<semaphore_mem>>) src(%arg20 : memref<64x144xf32, #tpu.memory_space<vmem>>) dst(%dma_wait3A_251 : memref<64x144xf32, #tpu.memory_space<vmem_shared>>)
        tpu.yield
      }) : () -> ()
      %add3A_15 = arith.constant 64 : i32
      %add3A_16 = arith.addi %mul3A_0, %add3A_15 : i32
      "tpu.region"() ({
        %run_scoped3A = tpu.sem_alloc : memref<!tpu.dma_semaphore, #tpu.memory_space<semaphore_mem>>
        %dma_start3A_245 = arith.constant 0 : i32
        %dma_start3A_246 = tpu.memref_slice %arg19[%add3A_16, %dma_start3A_245] : memref<10240x144xf32, #tpu.memory_space<vmem_shared>> -> memref<64x144xf32, #tpu.memory_space<vmem_shared>>
        %dma_start3A_247 = arith.constant 0 : i32
        %dma_start3A_248 = tpu.memref_slice %arg19[%add3A_16, %dma_start3A_247] : memref<10240x144xf32, #tpu.memory_space<vmem_shared>> -> memref<64x144xf32, #tpu.memory_space<vmem_shared>>
        tpu.enqueue_dma source(%arg20 : memref<64x144xf32, #tpu.memory_space<vmem>>) target(%dma_start3A_248 : memref<64x144xf32, #tpu.memory_space<vmem_shared>>) target_semaphore(%run_scoped3A : memref<!tpu.dma_semaphore, #tpu.memory_space<semaphore_mem>>)
        %dma_wait3A = arith.constant 0 : i32
        %dma_wait3A_249 = tpu.memref_slice %arg19[%add3A_16, %dma_wait3A] : memref<10240x144xf32, #tpu.memory_space<vmem_shared>> -> memref<64x144xf32, #tpu.memory_space<vmem_shared>>
        %dma_wait3A_250 = arith.constant 0 : i32
        %dma_wait3A_251 = tpu.memref_slice %arg19[%add3A_16, %dma_wait3A_250] : memref<10240x144xf32, #tpu.memory_space<vmem_shared>> -> memref<64x144xf32, #tpu.memory_space<vmem_shared>>
        tpu.wait_dma2 semaphore(%run_scoped3A : memref<!tpu.dma_semaphore, #tpu.memory_space<semaphore_mem>>) src(%arg20 : memref<64x144xf32, #tpu.memory_space<vmem>>) dst(%dma_wait3A_251 : memref<64x144xf32, #tpu.memory_space<vmem_shared>>)
        tpu.yield
      }) : () -> ()
      %add3A_17 = arith.constant 128 : i32
      %add3A_18 = arith.addi %mul3A_0, %add3A_17 : i32
      "tpu.region"() ({
        %run_scoped3A = tpu.sem_alloc : memref<!tpu.dma_semaphore, #tpu.memory_space<semaphore_mem>>
        %dma_start3A_245 = arith.constant 0 : i32
        %dma_start3A_246 = tpu.memref_slice %arg19[%add3A_18, %dma_start3A_245] : memref<10240x144xf32, #tpu.memory_space<vmem_shared>> -> memref<64x144xf32, #tpu.memory_space<vmem_shared>>
        %dma_start3A_247 = arith.constant 0 : i32
        %dma_start3A_248 = tpu.memref_slice %arg19[%add3A_18, %dma_start3A_247] : memref<10240x144xf32, #tpu.memory_space<vmem_shared>> -> memref<64x144xf32, #tpu.memory_space<vmem_shared>>
        tpu.enqueue_dma source(%arg20 : memref<64x144xf32, #tpu.memory_space<vmem>>) target(%dma_start3A_248 : memref<64x144xf32, #tpu.memory_space<vmem_shared>>) target_semaphore(%run_scoped3A : memref<!tpu.dma_semaphore, #tpu.memory_space<semaphore_mem>>)
        %dma_wait3A = arith.constant 0 : i32
        %dma_wait3A_249 = tpu.memref_slice %arg19[%add3A_18, %dma_wait3A] : memref<10240x144xf32, #tpu.memory_space<vmem_shared>> -> memref<64x144xf32, #tpu.memory_space<vmem_shared>>
        %dma_wait3A_250 = arith.constant 0 : i32
        %dma_wait3A_251 = tpu.memref_slice %arg19[%add3A_18, %dma_wait3A_250] : memref<10240x144xf32, #tpu.memory_space<vmem_shared>> -> memref<64x144xf32, #tpu.memory_space<vmem_shared>>
        tpu.wait_dma2 semaphore(%run_scoped3A : memref<!tpu.dma_semaphore, #tpu.memory_space<semaphore_mem>>) src(%arg20 : memref<64x144xf32, #tpu.memory_space<vmem>>) dst(%dma_wait3A_251 : memref<64x144xf32, #tpu.memory_space<vmem_shared>>)
        tpu.yield
      }) : () -> ()
      %add3A_19 = arith.constant 192 : i32
      %add3A_20 = arith.addi %mul3A_0, %add3A_19 : i32
      "tpu.region"() ({
        %run_scoped3A = tpu.sem_alloc : memref<!tpu.dma_semaphore, #tpu.memory_space<semaphore_mem>>
        %dma_start3A_245 = arith.constant 0 : i32
        %dma_start3A_246 = tpu.memref_slice %arg19[%add3A_20, %dma_start3A_245] : memref<10240x144xf32, #tpu.memory_space<vmem_shared>> -> memref<64x144xf32, #tpu.memory_space<vmem_shared>>
        %dma_start3A_247 = arith.constant 0 : i32
        %dma_start3A_248 = tpu.memref_slice %arg19[%add3A_20, %dma_start3A_247] : memref<10240x144xf32, #tpu.memory_space<vmem_shared>> -> memref<64x144xf32, #tpu.memory_space<vmem_shared>>
        tpu.enqueue_dma source(%arg20 : memref<64x144xf32, #tpu.memory_space<vmem>>) target(%dma_start3A_248 : memref<64x144xf32, #tpu.memory_space<vmem_shared>>) target_semaphore(%run_scoped3A : memref<!tpu.dma_semaphore, #tpu.memory_space<semaphore_mem>>)
        %dma_wait3A = arith.constant 0 : i32
        %dma_wait3A_249 = tpu.memref_slice %arg19[%add3A_20, %dma_wait3A] : memref<10240x144xf32, #tpu.memory_space<vmem_shared>> -> memref<64x144xf32, #tpu.memory_space<vmem_shared>>
        %dma_wait3A_250 = arith.constant 0 : i32
        %dma_wait3A_251 = tpu.memref_slice %arg19[%add3A_20, %dma_wait3A_250] : memref<10240x144xf32, #tpu.memory_space<vmem_shared>> -> memref<64x144xf32, #tpu.memory_space<vmem_shared>>
        tpu.wait_dma2 semaphore(%run_scoped3A : memref<!tpu.dma_semaphore, #tpu.memory_space<semaphore_mem>>) src(%arg20 : memref<64x144xf32, #tpu.memory_space<vmem>>) dst(%dma_wait3A_251 : memref<64x144xf32, #tpu.memory_space<vmem_shared>>)
        tpu.yield
      }) : () -> ()
      %add3A_21 = arith.constant 256 : i32
      %add3A_22 = arith.addi %mul3A_0, %add3A_21 : i32
      "tpu.region"() ({
        %run_scoped3A = tpu.sem_alloc : memref<!tpu.dma_semaphore, #tpu.memory_space<semaphore_mem>>
        %dma_start3A_245 = arith.constant 0 : i32
        %dma_start3A_246 = tpu.memref_slice %arg19[%add3A_22, %dma_start3A_245] : memref<10240x144xf32, #tpu.memory_space<vmem_shared>> -> memref<64x144xf32, #tpu.memory_space<vmem_shared>>
        %dma_start3A_247 = arith.constant 0 : i32
        %dma_start3A_248 = tpu.memref_slice %arg19[%add3A_22, %dma_start3A_247] : memref<10240x144xf32, #tpu.memory_space<vmem_shared>> -> memref<64x144xf32, #tpu.memory_space<vmem_shared>>
        tpu.enqueue_dma source(%arg20 : memref<64x144xf32, #tpu.memory_space<vmem>>) target(%dma_start3A_248 : memref<64x144xf32, #tpu.memory_space<vmem_shared>>) target_semaphore(%run_scoped3A : memref<!tpu.dma_semaphore, #tpu.memory_space<semaphore_mem>>)
        %dma_wait3A = arith.constant 0 : i32
        %dma_wait3A_249 = tpu.memref_slice %arg19[%add3A_22, %dma_wait3A] : memref<10240x144xf32, #tpu.memory_space<vmem_shared>> -> memref<64x144xf32, #tpu.memory_space<vmem_shared>>
        %dma_wait3A_250 = arith.constant 0 : i32
        %dma_wait3A_251 = tpu.memref_slice %arg19[%add3A_22, %dma_wait3A_250] : memref<10240x144xf32, #tpu.memory_space<vmem_shared>> -> memref<64x144xf32, #tpu.memory_space<vmem_shared>>
        tpu.wait_dma2 semaphore(%run_scoped3A : memref<!tpu.dma_semaphore, #tpu.memory_space<semaphore_mem>>) src(%arg20 : memref<64x144xf32, #tpu.memory_space<vmem>>) dst(%dma_wait3A_251 : memref<64x144xf32, #tpu.memory_space<vmem_shared>>)
        tpu.yield
      }) : () -> ()
      %add3A_23 = arith.constant 320 : i32
      %add3A_24 = arith.addi %mul3A_0, %add3A_23 : i32
      "tpu.region"() ({
        %run_scoped3A = tpu.sem_alloc : memref<!tpu.dma_semaphore, #tpu.memory_space<semaphore_mem>>
        %dma_start3A_245 = arith.constant 0 : i32
        %dma_start3A_246 = tpu.memref_slice %arg19[%add3A_24, %dma_start3A_245] : memref<10240x144xf32, #tpu.memory_space<vmem_shared>> -> memref<64x144xf32, #tpu.memory_space<vmem_shared>>
        %dma_start3A_247 = arith.constant 0 : i32
        %dma_start3A_248 = tpu.memref_slice %arg19[%add3A_24, %dma_start3A_247] : memref<10240x144xf32, #tpu.memory_space<vmem_shared>> -> memref<64x144xf32, #tpu.memory_space<vmem_shared>>
        tpu.enqueue_dma source(%arg20 : memref<64x144xf32, #tpu.memory_space<vmem>>) target(%dma_start3A_248 : memref<64x144xf32, #tpu.memory_space<vmem_shared>>) target_semaphore(%run_scoped3A : memref<!tpu.dma_semaphore, #tpu.memory_space<semaphore_mem>>)
        %dma_wait3A = arith.constant 0 : i32
        %dma_wait3A_249 = tpu.memref_slice %arg19[%add3A_24, %dma_wait3A] : memref<10240x144xf32, #tpu.memory_space<vmem_shared>> -> memref<64x144xf32, #tpu.memory_space<vmem_shared>>
        %dma_wait3A_250 = arith.constant 0 : i32
        %dma_wait3A_251 = tpu.memref_slice %arg19[%add3A_24, %dma_wait3A_250] : memref<10240x144xf32, #tpu.memory_space<vmem_shared>> -> memref<64x144xf32, #tpu.memory_space<vmem_shared>>
        tpu.wait_dma2 semaphore(%run_scoped3A : memref<!tpu.dma_semaphore, #tpu.memory_space<semaphore_mem>>) src(%arg20 : memref<64x144xf32, #tpu.memory_space<vmem>>) dst(%dma_wait3A_251 : memref<64x144xf32, #tpu.memory_space<vmem_shared>>)
        tpu.yield
      }) : () -> ()
      %add3A_25 = arith.constant 384 : i32
      %add3A_26 = arith.addi %mul3A_0, %add3A_25 : i32
      "tpu.region"() ({
        %run_scoped3A = tpu.sem_alloc : memref<!tpu.dma_semaphore, #tpu.memory_space<semaphore_mem>>
        %dma_start3A_245 = arith.constant 0 : i32
        %dma_start3A_246 = tpu.memref_slice %arg19[%add3A_26, %dma_start3A_245] : memref<10240x144xf32, #tpu.memory_space<vmem_shared>> -> memref<64x144xf32, #tpu.memory_space<vmem_shared>>
        %dma_start3A_247 = arith.constant 0 : i32
        %dma_start3A_248 = tpu.memref_slice %arg19[%add3A_26, %dma_start3A_247] : memref<10240x144xf32, #tpu.memory_space<vmem_shared>> -> memref<64x144xf32, #tpu.memory_space<vmem_shared>>
        tpu.enqueue_dma source(%arg20 : memref<64x144xf32, #tpu.memory_space<vmem>>) target(%dma_start3A_248 : memref<64x144xf32, #tpu.memory_space<vmem_shared>>) target_semaphore(%run_scoped3A : memref<!tpu.dma_semaphore, #tpu.memory_space<semaphore_mem>>)
        %dma_wait3A = arith.constant 0 : i32
        %dma_wait3A_249 = tpu.memref_slice %arg19[%add3A_26, %dma_wait3A] : memref<10240x144xf32, #tpu.memory_space<vmem_shared>> -> memref<64x144xf32, #tpu.memory_space<vmem_shared>>
        %dma_wait3A_250 = arith.constant 0 : i32
        %dma_wait3A_251 = tpu.memref_slice %arg19[%add3A_26, %dma_wait3A_250] : memref<10240x144xf32, #tpu.memory_space<vmem_shared>> -> memref<64x144xf32, #tpu.memory_space<vmem_shared>>
        tpu.wait_dma2 semaphore(%run_scoped3A : memref<!tpu.dma_semaphore, #tpu.memory_space<semaphore_mem>>) src(%arg20 : memref<64x144xf32, #tpu.memory_space<vmem>>) dst(%dma_wait3A_251 : memref<64x144xf32, #tpu.memory_space<vmem_shared>>)
        tpu.yield
      }) : () -> ()
      %add3A_27 = arith.constant 448 : i32
      %add3A_28 = arith.addi %mul3A_0, %add3A_27 : i32
      "tpu.region"() ({
        %run_scoped3A = tpu.sem_alloc : memref<!tpu.dma_semaphore, #tpu.memory_space<semaphore_mem>>
        %dma_start3A_245 = arith.constant 0 : i32
        %dma_start3A_246 = tpu.memref_slice %arg19[%add3A_28, %dma_start3A_245] : memref<10240x144xf32, #tpu.memory_space<vmem_shared>> -> memref<64x144xf32, #tpu.memory_space<vmem_shared>>
        %dma_start3A_247 = arith.constant 0 : i32
        %dma_start3A_248 = tpu.memref_slice %arg19[%add3A_28, %dma_start3A_247] : memref<10240x144xf32, #tpu.memory_space<vmem_shared>> -> memref<64x144xf32, #tpu.memory_space<vmem_shared>>
        tpu.enqueue_dma source(%arg20 : memref<64x144xf32, #tpu.memory_space<vmem>>) target(%dma_start3A_248 : memref<64x144xf32, #tpu.memory_space<vmem_shared>>) target_semaphore(%run_scoped3A : memref<!tpu.dma_semaphore, #tpu.memory_space<semaphore_mem>>)
        %dma_wait3A = arith.constant 0 : i32
        %dma_wait3A_249 = tpu.memref_slice %arg19[%add3A_28, %dma_wait3A] : memref<10240x144xf32, #tpu.memory_space<vmem_shared>> -> memref<64x144xf32, #tpu.memory_space<vmem_shared>>
        %dma_wait3A_250 = arith.constant 0 : i32
        %dma_wait3A_251 = tpu.memref_slice %arg19[%add3A_28, %dma_wait3A_250] : memref<10240x144xf32, #tpu.memory_space<vmem_shared>> -> memref<64x144xf32, #tpu.memory_space<vmem_shared>>
        tpu.wait_dma2 semaphore(%run_scoped3A : memref<!tpu.dma_semaphore, #tpu.memory_space<semaphore_mem>>) src(%arg20 : memref<64x144xf32, #tpu.memory_space<vmem>>) dst(%dma_wait3A_251 : memref<64x144xf32, #tpu.memory_space<vmem_shared>>)
        tpu.yield
      }) : () -> ()
      %add3A_29 = arith.constant 512 : i32
      %add3A_30 = arith.addi %mul3A_0, %add3A_29 : i32
      "tpu.region"() ({
        %run_scoped3A = tpu.sem_alloc : memref<!tpu.dma_semaphore, #tpu.memory_space<semaphore_mem>>
        %dma_start3A_245 = arith.constant 0 : i32
        %dma_start3A_246 = tpu.memref_slice %arg19[%add3A_30, %dma_start3A_245] : memref<10240x144xf32, #tpu.memory_space<vmem_shared>> -> memref<64x144xf32, #tpu.memory_space<vmem_shared>>
        %dma_start3A_247 = arith.constant 0 : i32
        %dma_start3A_248 = tpu.memref_slice %arg19[%add3A_30, %dma_start3A_247] : memref<10240x144xf32, #tpu.memory_space<vmem_shared>> -> memref<64x144xf32, #tpu.memory_space<vmem_shared>>
        tpu.enqueue_dma source(%arg20 : memref<64x144xf32, #tpu.memory_space<vmem>>) target(%dma_start3A_248 : memref<64x144xf32, #tpu.memory_space<vmem_shared>>) target_semaphore(%run_scoped3A : memref<!tpu.dma_semaphore, #tpu.memory_space<semaphore_mem>>)
        %dma_wait3A = arith.constant 0 : i32
        %dma_wait3A_249 = tpu.memref_slice %arg19[%add3A_30, %dma_wait3A] : memref<10240x144xf32, #tpu.memory_space<vmem_shared>> -> memref<64x144xf32, #tpu.memory_space<vmem_shared>>
        %dma_wait3A_250 = arith.constant 0 : i32
        %dma_wait3A_251 = tpu.memref_slice %arg19[%add3A_30, %dma_wait3A_250] : memref<10240x144xf32, #tpu.memory_space<vmem_shared>> -> memref<64x144xf32, #tpu.memory_space<vmem_shared>>
        tpu.wait_dma2 semaphore(%run_scoped3A : memref<!tpu.dma_semaphore, #tpu.memory_space<semaphore_mem>>) src(%arg20 : memref<64x144xf32, #tpu.memory_space<vmem>>) dst(%dma_wait3A_251 : memref<64x144xf32, #tpu.memory_space<vmem_shared>>)
        tpu.yield
      }) : () -> ()
      %add3A_31 = arith.constant 576 : i32
      %add3A_32 = arith.addi %mul3A_0, %add3A_31 : i32
      "tpu.region"() ({
        %run_scoped3A = tpu.sem_alloc : memref<!tpu.dma_semaphore, #tpu.memory_space<semaphore_mem>>
        %dma_start3A_245 = arith.constant 0 : i32
        %dma_start3A_246 = tpu.memref_slice %arg19[%add3A_32, %dma_start3A_245] : memref<10240x144xf32, #tpu.memory_space<vmem_shared>> -> memref<64x144xf32, #tpu.memory_space<vmem_shared>>
        %dma_start3A_247 = arith.constant 0 : i32
        %dma_start3A_248 = tpu.memref_slice %arg19[%add3A_32, %dma_start3A_247] : memref<10240x144xf32, #tpu.memory_space<vmem_shared>> -> memref<64x144xf32, #tpu.memory_space<vmem_shared>>
        tpu.enqueue_dma source(%arg20 : memref<64x144xf32, #tpu.memory_space<vmem>>) target(%dma_start3A_248 : memref<64x144xf32, #tpu.memory_space<vmem_shared>>) target_semaphore(%run_scoped3A : memref<!tpu.dma_semaphore, #tpu.memory_space<semaphore_mem>>)
        %dma_wait3A = arith.constant 0 : i32
        %dma_wait3A_249 = tpu.memref_slice %arg19[%add3A_32, %dma_wait3A] : memref<10240x144xf32, #tpu.memory_space<vmem_shared>> -> memref<64x144xf32, #tpu.memory_space<vmem_shared>>
        %dma_wait3A_250 = arith.constant 0 : i32
        %dma_wait3A_251 = tpu.memref_slice %arg19[%add3A_32, %dma_wait3A_250] : memref<10240x144xf32, #tpu.memory_space<vmem_shared>> -> memref<64x144xf32, #tpu.memory_space<vmem_shared>>
        tpu.wait_dma2 semaphore(%run_scoped3A : memref<!tpu.dma_semaphore, #tpu.memory_space<semaphore_mem>>) src(%arg20 : memref<64x144xf32, #tpu.memory_space<vmem>>) dst(%dma_wait3A_251 : memref<64x144xf32, #tpu.memory_space<vmem_shared>>)
        tpu.yield
      }) : () -> ()
      %barrier3A = arith.constant 0 : index
      tpu.barrier barrier_id(%barrier3A)
      %mul3A_33 = arith.constant 80 : i32
      %mul3A_34 = arith.muli %arg1, %mul3A_33 : i32
      %add3A_35 = arith.constant 0 : i32
      %add3A_36 = arith.addi %mul3A_34, %add3A_35 : i32
      "tpu.region"() ({
        %run_scoped3A = tpu.sem_alloc : memref<!tpu.dma_semaphore, #tpu.memory_space<semaphore_mem>>
        %dma_start3A_245 = arith.constant 0 : i32
        %dma_start3A_246 = tpu.memref_slice %arg3[%add3A_36, %dma_start3A_245] : memref<1280x80xi32, #tpu.memory_space<hbm>> -> memref<16x80xi32, #tpu.memory_space<hbm>>
        %dma_start3A_247 = arith.constant 0 : i32
        %dma_start3A_248 = tpu.memref_slice %arg3[%add3A_36, %dma_start3A_247] : memref<1280x80xi32, #tpu.memory_space<hbm>> -> memref<16x80xi32, #tpu.memory_space<hbm>>
        tpu.enqueue_dma source(%dma_start3A_248 : memref<16x80xi32, #tpu.memory_space<hbm>>) target(%arg23 : memref<16x80xi32, #tpu.memory_space<vmem>>) target_semaphore(%run_scoped3A : memref<!tpu.dma_semaphore, #tpu.memory_space<semaphore_mem>>)
        %dma_wait3A = arith.constant 0 : i32
        %dma_wait3A_249 = tpu.memref_slice %arg3[%add3A_36, %dma_wait3A] : memref<1280x80xi32, #tpu.memory_space<hbm>> -> memref<16x80xi32, #tpu.memory_space<hbm>>
        %dma_wait3A_250 = arith.constant 0 : i32
        %dma_wait3A_251 = tpu.memref_slice %arg3[%add3A_36, %dma_wait3A_250] : memref<1280x80xi32, #tpu.memory_space<hbm>> -> memref<16x80xi32, #tpu.memory_space<hbm>>
        tpu.wait_dma2 semaphore(%run_scoped3A : memref<!tpu.dma_semaphore, #tpu.memory_space<semaphore_mem>>) src(%dma_wait3A_251 : memref<16x80xi32, #tpu.memory_space<hbm>>) dst(%arg23 : memref<16x80xi32, #tpu.memory_space<vmem>>)
        tpu.yield
      }) : () -> ()
      "tpu.region"() ({
        %run_scoped3A = tpu.sem_alloc : memref<!tpu.dma_semaphore, #tpu.memory_space<semaphore_mem>>
        %dma_start3A_245 = arith.constant 0 : i32
        %dma_start3A_246 = tpu.memref_slice %arg5[%add3A_36, %dma_start3A_245] : memref<1280x80xi32, #tpu.memory_space<hbm>> -> memref<16x80xi32, #tpu.memory_space<hbm>>
        %dma_start3A_247 = arith.constant 0 : i32
        %dma_start3A_248 = tpu.memref_slice %arg5[%add3A_36, %dma_start3A_247] : memref<1280x80xi32, #tpu.memory_space<hbm>> -> memref<16x80xi32, #tpu.memory_space<hbm>>
        tpu.enqueue_dma source(%dma_start3A_248 : memref<16x80xi32, #tpu.memory_space<hbm>>) target(%arg24 : memref<16x80xi32, #tpu.memory_space<vmem>>) target_semaphore(%run_scoped3A : memref<!tpu.dma_semaphore, #tpu.memory_space<semaphore_mem>>)
        %dma_wait3A = arith.constant 0 : i32
        %dma_wait3A_249 = tpu.memref_slice %arg5[%add3A_36, %dma_wait3A] : memref<1280x80xi32, #tpu.memory_space<hbm>> -> memref<16x80xi32, #tpu.memory_space<hbm>>
        %dma_wait3A_250 = arith.constant 0 : i32
        %dma_wait3A_251 = tpu.memref_slice %arg5[%add3A_36, %dma_wait3A_250] : memref<1280x80xi32, #tpu.memory_space<hbm>> -> memref<16x80xi32, #tpu.memory_space<hbm>>
        tpu.wait_dma2 semaphore(%run_scoped3A : memref<!tpu.dma_semaphore, #tpu.memory_space<semaphore_mem>>) src(%dma_wait3A_251 : memref<16x80xi32, #tpu.memory_space<hbm>>) dst(%arg24 : memref<16x80xi32, #tpu.memory_space<vmem>>)
        tpu.yield
      }) : () -> ()
      %dma_start3A = arith.constant 0 : i32
      %dma_start3A_37 = arith.constant 0 : i32
      %dma_start3A_38 = tpu.memref_slice %arg24[%dma_start3A, %dma_start3A_37] : memref<16x80xi32, #tpu.memory_space<vmem>> -> memref<1x80xi32, #tpu.memory_space<vmem>>
      %dma_start3A_39 = tpu.memref_squeeze %dma_start3A_38 : memref<1x80xi32, #tpu.memory_space<vmem>> -> memref<80xi32, #tpu.memory_space<vmem>>
      %dma_start3A_40 = arith.constant 0 : i32
      %dma_start3A_41 = arith.constant 0 : i32
      %dma_start3A_42 = tpu.memref_slice %arg2[%dma_start3A_40, %dma_start3A_41] : memref<10000x144xf32, #tpu.memory_space<hbm>> -> memref<10000x144xf32, #tpu.memory_space<hbm>>
      tpu.enqueue_indirect_dma source(%dma_start3A_42 : memref<10000x144xf32, #tpu.memory_space<hbm>>) target(%arg21 : memref<80x144xf32, #tpu.memory_space<vmem>>) offsets(%dma_start3A_39 : memref<80xi32, #tpu.memory_space<vmem>>) semaphore(%arg25 : memref<!tpu.dma_semaphore, #tpu.memory_space<semaphore_mem>>)
      %scan3A_43 = arith.constant 0 : i32
      %scan3A_44 = arith.constant 0 : i32
      %scan3A_45 = arith.constant 8 : i32
      %scan3A_46 = arith.addi %scan3A_44, %scan3A_45 : i32
      %scan3A_47 = arith.constant 1 : i32
      %scan3A_48 = scf.for %scan3A_245 = %scan3A_44 to %scan3A_46 step %scan3A_47 iter_args(%scan3A_246 = %scan3A_43) -> (i32)  : i32 {
        %mul3A_247 = arith.constant 2 : i32
        %mul3A_248 = arith.muli %mul3A_247, %scan3A_245 : i32
        %add3A_249 = arith.constant 1 : i32
        %add3A_250 = arith.addi %mul3A_248, %add3A_249 : i32
        %add3A_251 = arith.constant 2 : i32
        %add3A_252 = arith.addi %mul3A_248, %add3A_251 : i32
        %dma_wait3A = arith.constant 0 : i32
        %dma_wait3A_253 = tpu.memref_slice %arg24[%mul3A_248, %dma_wait3A] : memref<16x80xi32, #tpu.memory_space<vmem>> -> memref<1x80xi32, #tpu.memory_space<vmem>>
        %dma_wait3A_254 = tpu.memref_squeeze %dma_wait3A_253 : memref<1x80xi32, #tpu.memory_space<vmem>> -> memref<80xi32, #tpu.memory_space<vmem>>
        %dma_wait3A_255 = arith.constant 0 : i32
        %dma_wait3A_256 = arith.constant 0 : i32
        %dma_wait3A_257 = tpu.memref_slice %arg2[%dma_wait3A_255, %dma_wait3A_256] : memref<10000x144xf32, #tpu.memory_space<hbm>> -> memref<10000x144xf32, #tpu.memory_space<hbm>>
        tpu.wait_indirect_dma semaphore(%arg25 : memref<!tpu.dma_semaphore, #tpu.memory_space<semaphore_mem>>) src(%dma_wait3A_257 : memref<10000x144xf32, #tpu.memory_space<hbm>>) dst(%arg21 : memref<80x144xf32, #tpu.memory_space<vmem>>)
        %dma_start3A_258 = arith.constant 0 : i32
        %dma_start3A_259 = tpu.memref_slice %arg24[%add3A_250, %dma_start3A_258] : memref<16x80xi32, #tpu.memory_space<vmem>> -> memref<1x80xi32, #tpu.memory_space<vmem>>
        %dma_start3A_260 = tpu.memref_squeeze %dma_start3A_259 : memref<1x80xi32, #tpu.memory_space<vmem>> -> memref<80xi32, #tpu.memory_space<vmem>>
        %dma_start3A_261 = arith.constant 0 : i32
        %dma_start3A_262 = arith.constant 0 : i32
        %dma_start3A_263 = tpu.memref_slice %arg2[%dma_start3A_261, %dma_start3A_262] : memref<10000x144xf32, #tpu.memory_space<hbm>> -> memref<10000x144xf32, #tpu.memory_space<hbm>>
        tpu.enqueue_indirect_dma source(%dma_start3A_263 : memref<10000x144xf32, #tpu.memory_space<hbm>>) target(%arg22 : memref<80x144xf32, #tpu.memory_space<vmem>>) offsets(%dma_start3A_260 : memref<80xi32, #tpu.memory_space<vmem>>) semaphore(%arg26 : memref<!tpu.dma_semaphore, #tpu.memory_space<semaphore_mem>>)
        "tpu.region"() ({
          %run_scoped3A = tpu.sem_alloc : memref<!tpu.dma_semaphore, #tpu.memory_space<semaphore_mem>>
          %dma_start3A_276 = arith.constant 0 : i32
          %dma_start3A_277 = tpu.memref_slice %arg23[%mul3A_248, %dma_start3A_276] : memref<16x80xi32, #tpu.memory_space<vmem>> -> memref<1x80xi32, #tpu.memory_space<vmem>>
          %dma_start3A_278 = tpu.memref_squeeze %dma_start3A_277 : memref<1x80xi32, #tpu.memory_space<vmem>> -> memref<80xi32, #tpu.memory_space<vmem>>
          %dma_start3A_279 = arith.constant 0 : i32
          %dma_start3A_280 = arith.constant 0 : i32
          %dma_start3A_281 = tpu.memref_slice %arg19[%dma_start3A_279, %dma_start3A_280] : memref<10240x144xf32, #tpu.memory_space<vmem_shared>> -> memref<10240x144xf32, #tpu.memory_space<vmem_shared>>
          tpu.enqueue_indirect_dma source(%arg21 : memref<80x144xf32, #tpu.memory_space<vmem>>) target(%dma_start3A_281 : memref<10240x144xf32, #tpu.memory_space<vmem_shared>>) offsets(%dma_start3A_278 : memref<80xi32, #tpu.memory_space<vmem>>) semaphore(%run_scoped3A : memref<!tpu.dma_semaphore, #tpu.memory_space<semaphore_mem>>) {add = true}
          %dma_wait3A_282 = arith.constant 0 : i32
          %dma_wait3A_283 = tpu.memref_slice %arg23[%mul3A_248, %dma_wait3A_282] : memref<16x80xi32, #tpu.memory_space<vmem>> -> memref<1x80xi32, #tpu.memory_space<vmem>>
          %dma_wait3A_284 = tpu.memref_squeeze %dma_wait3A_283 : memref<1x80xi32, #tpu.memory_space<vmem>> -> memref<80xi32, #tpu.memory_space<vmem>>
          %dma_wait3A_285 = arith.constant 0 : i32
          %dma_wait3A_286 = arith.constant 0 : i32
          %dma_wait3A_287 = tpu.memref_slice %arg19[%dma_wait3A_285, %dma_wait3A_286] : memref<10240x144xf32, #tpu.memory_space<vmem_shared>> -> memref<10240x144xf32, #tpu.memory_space<vmem_shared>>
          tpu.wait_indirect_dma semaphore(%run_scoped3A : memref<!tpu.dma_semaphore, #tpu.memory_space<semaphore_mem>>) src(%arg21 : memref<80x144xf32, #tpu.memory_space<vmem>>) dst(%dma_wait3A_287 : memref<10240x144xf32, #tpu.memory_space<vmem_shared>>)
          tpu.yield
        }) : () -> ()
        %min3A = arith.constant 15 : i32
        %min3A_264 = arith.minsi %add3A_252, %min3A : i32
        %lt3A = arith.constant 16 : i32
        %lt3A_265 = arith.cmpi slt, %add3A_252, %lt3A : i32
        %convert_element_type3A_266 = arith.extui %lt3A_265 : i1 to i32
        %cond3A_267 = arith.constant 0 : i32
        %cond3A_268 = arith.cmpi ne, %convert_element_type3A_266, %cond3A_267 : i32
        scf.if %cond3A_268 {
          %dma_start3A_276 = arith.constant 0 : i32
          %dma_start3A_277 = tpu.memref_slice %arg24[%min3A_264, %dma_start3A_276] : memref<16x80xi32, #tpu.memory_space<vmem>> -> memref<1x80xi32, #tpu.memory_space<vmem>>
          %dma_start3A_278 = tpu.memref_squeeze %dma_start3A_277 : memref<1x80xi32, #tpu.memory_space<vmem>> -> memref<80xi32, #tpu.memory_space<vmem>>
          %dma_start3A_279 = arith.constant 0 : i32
          %dma_start3A_280 = arith.constant 0 : i32
          %dma_start3A_281 = tpu.memref_slice %arg2[%dma_start3A_279, %dma_start3A_280] : memref<10000x144xf32, #tpu.memory_space<hbm>> -> memref<10000x144xf32, #tpu.memory_space<hbm>>
          tpu.enqueue_indirect_dma source(%dma_start3A_281 : memref<10000x144xf32, #tpu.memory_space<hbm>>) target(%arg21 : memref<80x144xf32, #tpu.memory_space<vmem>>) offsets(%dma_start3A_278 : memref<80xi32, #tpu.memory_space<vmem>>) semaphore(%arg25 : memref<!tpu.dma_semaphore, #tpu.memory_space<semaphore_mem>>)
        } else {
        }
        %dma_wait3A_269 = arith.constant 0 : i32
        %dma_wait3A_270 = tpu.memref_slice %arg24[%add3A_250, %dma_wait3A_269] : memref<16x80xi32, #tpu.memory_space<vmem>> -> memref<1x80xi32, #tpu.memory_space<vmem>>
        %dma_wait3A_271 = tpu.memref_squeeze %dma_wait3A_270 : memref<1x80xi32, #tpu.memory_space<vmem>> -> memref<80xi32, #tpu.memory_space<vmem>>
        %dma_wait3A_272 = arith.constant 0 : i32
        %dma_wait3A_273 = arith.constant 0 : i32
        %dma_wait3A_274 = tpu.memref_slice %arg2[%dma_wait3A_272, %dma_wait3A_273] : memref<10000x144xf32, #tpu.memory_space<hbm>> -> memref<10000x144xf32, #tpu.memory_space<hbm>>
        tpu.wait_indirect_dma semaphore(%arg26 : memref<!tpu.dma_semaphore, #tpu.memory_space<semaphore_mem>>) src(%dma_wait3A_274 : memref<10000x144xf32, #tpu.memory_space<hbm>>) dst(%arg22 : memref<80x144xf32, #tpu.memory_space<vmem>>)
        "tpu.region"() ({
          %run_scoped3A = tpu.sem_alloc : memref<!tpu.dma_semaphore, #tpu.memory_space<semaphore_mem>>
          %dma_start3A_276 = arith.constant 0 : i32
          %dma_start3A_277 = tpu.memref_slice %arg23[%add3A_250, %dma_start3A_276] : memref<16x80xi32, #tpu.memory_space<vmem>> -> memref<1x80xi32, #tpu.memory_space<vmem>>
          %dma_start3A_278 = tpu.memref_squeeze %dma_start3A_277 : memref<1x80xi32, #tpu.memory_space<vmem>> -> memref<80xi32, #tpu.memory_space<vmem>>
          %dma_start3A_279 = arith.constant 0 : i32
          %dma_start3A_280 = arith.constant 0 : i32
          %dma_start3A_281 = tpu.memref_slice %arg19[%dma_start3A_279, %dma_start3A_280] : memref<10240x144xf32, #tpu.memory_space<vmem_shared>> -> memref<10240x144xf32, #tpu.memory_space<vmem_shared>>
          tpu.enqueue_indirect_dma source(%arg22 : memref<80x144xf32, #tpu.memory_space<vmem>>) target(%dma_start3A_281 : memref<10240x144xf32, #tpu.memory_space<vmem_shared>>) offsets(%dma_start3A_278 : memref<80xi32, #tpu.memory_space<vmem>>) semaphore(%run_scoped3A : memref<!tpu.dma_semaphore, #tpu.memory_space<semaphore_mem>>) {add = true}
          %dma_wait3A_282 = arith.constant 0 : i32
          %dma_wait3A_283 = tpu.memref_slice %arg23[%add3A_250, %dma_wait3A_282] : memref<16x80xi32, #tpu.memory_space<vmem>> -> memref<1x80xi32, #tpu.memory_space<vmem>>
          %dma_wait3A_284 = tpu.memref_squeeze %dma_wait3A_283 : memref<1x80xi32, #tpu.memory_space<vmem>> -> memref<80xi32, #tpu.memory_space<vmem>>
          %dma_wait3A_285 = arith.constant 0 : i32
          %dma_wait3A_286 = arith.constant 0 : i32
          %dma_wait3A_287 = tpu.memref_slice %arg19[%dma_wait3A_285, %dma_wait3A_286] : memref<10240x144xf32, #tpu.memory_space<vmem_shared>> -> memref<10240x144xf32, #tpu.memory_space<vmem_shared>>
          tpu.wait_indirect_dma semaphore(%run_scoped3A : memref<!tpu.dma_semaphore, #tpu.memory_space<semaphore_mem>>) src(%arg22 : memref<80x144xf32, #tpu.memory_space<vmem>>) dst(%dma_wait3A_287 : memref<10240x144xf32, #tpu.memory_space<vmem_shared>>)
          tpu.yield
        }) : () -> ()
        %scan3A_275 = arith.constant 0 : i32
        scf.yield %scan3A_275 : i32
      }
      %scan3A_49 = arith.constant 8 : i32
      %mul3A_50 = arith.constant 80 : i32
      %mul3A_51 = arith.muli %arg1, %mul3A_50 : i32
      %add3A_52 = arith.constant 16 : i32
      %add3A_53 = arith.addi %mul3A_51, %add3A_52 : i32
      "tpu.region"() ({
        %run_scoped3A = tpu.sem_alloc : memref<!tpu.dma_semaphore, #tpu.memory_space<semaphore_mem>>
        %dma_start3A_245 = arith.constant 0 : i32
        %dma_start3A_246 = tpu.memref_slice %arg3[%add3A_53, %dma_start3A_245] : memref<1280x80xi32, #tpu.memory_space<hbm>> -> memref<16x80xi32, #tpu.memory_space<hbm>>
        %dma_start3A_247 = arith.constant 0 : i32
        %dma_start3A_248 = tpu.memref_slice %arg3[%add3A_53, %dma_start3A_247] : memref<1280x80xi32, #tpu.memory_space<hbm>> -> memref<16x80xi32, #tpu.memory_space<hbm>>
        tpu.enqueue_dma source(%dma_start3A_248 : memref<16x80xi32, #tpu.memory_space<hbm>>) target(%arg23 : memref<16x80xi32, #tpu.memory_space<vmem>>) target_semaphore(%run_scoped3A : memref<!tpu.dma_semaphore, #tpu.memory_space<semaphore_mem>>)
        %dma_wait3A = arith.constant 0 : i32
        %dma_wait3A_249 = tpu.memref_slice %arg3[%add3A_53, %dma_wait3A] : memref<1280x80xi32, #tpu.memory_space<hbm>> -> memref<16x80xi32, #tpu.memory_space<hbm>>
        %dma_wait3A_250 = arith.constant 0 : i32
        %dma_wait3A_251 = tpu.memref_slice %arg3[%add3A_53, %dma_wait3A_250] : memref<1280x80xi32, #tpu.memory_space<hbm>> -> memref<16x80xi32, #tpu.memory_space<hbm>>
        tpu.wait_dma2 semaphore(%run_scoped3A : memref<!tpu.dma_semaphore, #tpu.memory_space<semaphore_mem>>) src(%dma_wait3A_251 : memref<16x80xi32, #tpu.memory_space<hbm>>) dst(%arg23 : memref<16x80xi32, #tpu.memory_space<vmem>>)
        tpu.yield
      }) : () -> ()
      "tpu.region"() ({
        %run_scoped3A = tpu.sem_alloc : memref<!tpu.dma_semaphore, #tpu.memory_space<semaphore_mem>>
        %dma_start3A_245 = arith.constant 0 : i32
        %dma_start3A_246 = tpu.memref_slice %arg5[%add3A_53, %dma_start3A_245] : memref<1280x80xi32, #tpu.memory_space<hbm>> -> memref<16x80xi32, #tpu.memory_space<hbm>>
        %dma_start3A_247 = arith.constant 0 : i32
        %dma_start3A_248 = tpu.memref_slice %arg5[%add3A_53, %dma_start3A_247] : memref<1280x80xi32, #tpu.memory_space<hbm>> -> memref<16x80xi32, #tpu.memory_space<hbm>>
        tpu.enqueue_dma source(%dma_start3A_248 : memref<16x80xi32, #tpu.memory_space<hbm>>) target(%arg24 : memref<16x80xi32, #tpu.memory_space<vmem>>) target_semaphore(%run_scoped3A : memref<!tpu.dma_semaphore, #tpu.memory_space<semaphore_mem>>)
        %dma_wait3A = arith.constant 0 : i32
        %dma_wait3A_249 = tpu.memref_slice %arg5[%add3A_53, %dma_wait3A] : memref<1280x80xi32, #tpu.memory_space<hbm>> -> memref<16x80xi32, #tpu.memory_space<hbm>>
        %dma_wait3A_250 = arith.constant 0 : i32
        %dma_wait3A_251 = tpu.memref_slice %arg5[%add3A_53, %dma_wait3A_250] : memref<1280x80xi32, #tpu.memory_space<hbm>> -> memref<16x80xi32, #tpu.memory_space<hbm>>
        tpu.wait_dma2 semaphore(%run_scoped3A : memref<!tpu.dma_semaphore, #tpu.memory_space<semaphore_mem>>) src(%dma_wait3A_251 : memref<16x80xi32, #tpu.memory_space<hbm>>) dst(%arg24 : memref<16x80xi32, #tpu.memory_space<vmem>>)
        tpu.yield
      }) : () -> ()
      %dma_start3A_54 = arith.constant 0 : i32
      %dma_start3A_55 = arith.constant 0 : i32
      %dma_start3A_56 = tpu.memref_slice %arg24[%dma_start3A_54, %dma_start3A_55] : memref<16x80xi32, #tpu.memory_space<vmem>> -> memref<1x80xi32, #tpu.memory_space<vmem>>
      %dma_start3A_57 = tpu.memref_squeeze %dma_start3A_56 : memref<1x80xi32, #tpu.memory_space<vmem>> -> memref<80xi32, #tpu.memory_space<vmem>>
      %dma_start3A_58 = arith.constant 0 : i32
      %dma_start3A_59 = arith.constant 0 : i32
      %dma_start3A_60 = tpu.memref_slice %arg2[%dma_start3A_58, %dma_start3A_59] : memref<10000x144xf32, #tpu.memory_space<hbm>> -> memref<10000x144xf32, #tpu.memory_space<hbm>>
      tpu.enqueue_indirect_dma source(%dma_start3A_60 : memref<10000x144xf32, #tpu.memory_space<hbm>>) target(%arg21 : memref<80x144xf32, #tpu.memory_space<vmem>>) offsets(%dma_start3A_57 : memref<80xi32, #tpu.memory_space<vmem>>) semaphore(%arg25 : memref<!tpu.dma_semaphore, #tpu.memory_space<semaphore_mem>>)
      %scan3A_61 = arith.constant 0 : i32
      %scan3A_62 = arith.constant 0 : i32
      %scan3A_63 = arith.constant 8 : i32
      %scan3A_64 = arith.addi %scan3A_62, %scan3A_63 : i32
      %scan3A_65 = arith.constant 1 : i32
      %scan3A_66 = scf.for %scan3A_245 = %scan3A_62 to %scan3A_64 step %scan3A_65 iter_args(%scan3A_246 = %scan3A_61) -> (i32)  : i32 {
        %mul3A_247 = arith.constant 2 : i32
        %mul3A_248 = arith.muli %mul3A_247, %scan3A_245 : i32
        %add3A_249 = arith.constant 1 : i32
        %add3A_250 = arith.addi %mul3A_248, %add3A_249 : i32
        %add3A_251 = arith.constant 2 : i32
        %add3A_252 = arith.addi %mul3A_248, %add3A_251 : i32
        %dma_wait3A = arith.constant 0 : i32
        %dma_wait3A_253 = tpu.memref_slice %arg24[%mul3A_248, %dma_wait3A] : memref<16x80xi32, #tpu.memory_space<vmem>> -> memref<1x80xi32, #tpu.memory_space<vmem>>
        %dma_wait3A_254 = tpu.memref_squeeze %dma_wait3A_253 : memref<1x80xi32, #tpu.memory_space<vmem>> -> memref<80xi32, #tpu.memory_space<vmem>>
        %dma_wait3A_255 = arith.constant 0 : i32
        %dma_wait3A_256 = arith.constant 0 : i32
        %dma_wait3A_257 = tpu.memref_slice %arg2[%dma_wait3A_255, %dma_wait3A_256] : memref<10000x144xf32, #tpu.memory_space<hbm>> -> memref<10000x144xf32, #tpu.memory_space<hbm>>
        tpu.wait_indirect_dma semaphore(%arg25 : memref<!tpu.dma_semaphore, #tpu.memory_space<semaphore_mem>>) src(%dma_wait3A_257 : memref<10000x144xf32, #tpu.memory_space<hbm>>) dst(%arg21 : memref<80x144xf32, #tpu.memory_space<vmem>>)
        %dma_start3A_258 = arith.constant 0 : i32
        %dma_start3A_259 = tpu.memref_slice %arg24[%add3A_250, %dma_start3A_258] : memref<16x80xi32, #tpu.memory_space<vmem>> -> memref<1x80xi32, #tpu.memory_space<vmem>>
        %dma_start3A_260 = tpu.memref_squeeze %dma_start3A_259 : memref<1x80xi32, #tpu.memory_space<vmem>> -> memref<80xi32, #tpu.memory_space<vmem>>
        %dma_start3A_261 = arith.constant 0 : i32
        %dma_start3A_262 = arith.constant 0 : i32
        %dma_start3A_263 = tpu.memref_slice %arg2[%dma_start3A_261, %dma_start3A_262] : memref<10000x144xf32, #tpu.memory_space<hbm>> -> memref<10000x144xf32, #tpu.memory_space<hbm>>
        tpu.enqueue_indirect_dma source(%dma_start3A_263 : memref<10000x144xf32, #tpu.memory_space<hbm>>) target(%arg22 : memref<80x144xf32, #tpu.memory_space<vmem>>) offsets(%dma_start3A_260 : memref<80xi32, #tpu.memory_space<vmem>>) semaphore(%arg26 : memref<!tpu.dma_semaphore, #tpu.memory_space<semaphore_mem>>)
        "tpu.region"() ({
          %run_scoped3A = tpu.sem_alloc : memref<!tpu.dma_semaphore, #tpu.memory_space<semaphore_mem>>
          %dma_start3A_276 = arith.constant 0 : i32
          %dma_start3A_277 = tpu.memref_slice %arg23[%mul3A_248, %dma_start3A_276] : memref<16x80xi32, #tpu.memory_space<vmem>> -> memref<1x80xi32, #tpu.memory_space<vmem>>
          %dma_start3A_278 = tpu.memref_squeeze %dma_start3A_277 : memref<1x80xi32, #tpu.memory_space<vmem>> -> memref<80xi32, #tpu.memory_space<vmem>>
          %dma_start3A_279 = arith.constant 0 : i32
          %dma_start3A_280 = arith.constant 0 : i32
          %dma_start3A_281 = tpu.memref_slice %arg19[%dma_start3A_279, %dma_start3A_280] : memref<10240x144xf32, #tpu.memory_space<vmem_shared>> -> memref<10240x144xf32, #tpu.memory_space<vmem_shared>>
          tpu.enqueue_indirect_dma source(%arg21 : memref<80x144xf32, #tpu.memory_space<vmem>>) target(%dma_start3A_281 : memref<10240x144xf32, #tpu.memory_space<vmem_shared>>) offsets(%dma_start3A_278 : memref<80xi32, #tpu.memory_space<vmem>>) semaphore(%run_scoped3A : memref<!tpu.dma_semaphore, #tpu.memory_space<semaphore_mem>>) {add = true}
          %dma_wait3A_282 = arith.constant 0 : i32
          %dma_wait3A_283 = tpu.memref_slice %arg23[%mul3A_248, %dma_wait3A_282] : memref<16x80xi32, #tpu.memory_space<vmem>> -> memref<1x80xi32, #tpu.memory_space<vmem>>
          %dma_wait3A_284 = tpu.memref_squeeze %dma_wait3A_283 : memref<1x80xi32, #tpu.memory_space<vmem>> -> memref<80xi32, #tpu.memory_space<vmem>>
          %dma_wait3A_285 = arith.constant 0 : i32
          %dma_wait3A_286 = arith.constant 0 : i32
          %dma_wait3A_287 = tpu.memref_slice %arg19[%dma_wait3A_285, %dma_wait3A_286] : memref<10240x144xf32, #tpu.memory_space<vmem_shared>> -> memref<10240x144xf32, #tpu.memory_space<vmem_shared>>
          tpu.wait_indirect_dma semaphore(%run_scoped3A : memref<!tpu.dma_semaphore, #tpu.memory_space<semaphore_mem>>) src(%arg21 : memref<80x144xf32, #tpu.memory_space<vmem>>) dst(%dma_wait3A_287 : memref<10240x144xf32, #tpu.memory_space<vmem_shared>>)
          tpu.yield
        }) : () -> ()
        %min3A = arith.constant 15 : i32
        %min3A_264 = arith.minsi %add3A_252, %min3A : i32
        %lt3A = arith.constant 16 : i32
        %lt3A_265 = arith.cmpi slt, %add3A_252, %lt3A : i32
        %convert_element_type3A_266 = arith.extui %lt3A_265 : i1 to i32
        %cond3A_267 = arith.constant 0 : i32
        %cond3A_268 = arith.cmpi ne, %convert_element_type3A_266, %cond3A_267 : i32
        scf.if %cond3A_268 {
          %dma_start3A_276 = arith.constant 0 : i32
          %dma_start3A_277 = tpu.memref_slice %arg24[%min3A_264, %dma_start3A_276] : memref<16x80xi32, #tpu.memory_space<vmem>> -> memref<1x80xi32, #tpu.memory_space<vmem>>
          %dma_start3A_278 = tpu.memref_squeeze %dma_start3A_277 : memref<1x80xi32, #tpu.memory_space<vmem>> -> memref<80xi32, #tpu.memory_space<vmem>>
          %dma_start3A_279 = arith.constant 0 : i32
          %dma_start3A_280 = arith.constant 0 : i32
          %dma_start3A_281 = tpu.memref_slice %arg2[%dma_start3A_279, %dma_start3A_280] : memref<10000x144xf32, #tpu.memory_space<hbm>> -> memref<10000x144xf32, #tpu.memory_space<hbm>>
          tpu.enqueue_indirect_dma source(%dma_start3A_281 : memref<10000x144xf32, #tpu.memory_space<hbm>>) target(%arg21 : memref<80x144xf32, #tpu.memory_space<vmem>>) offsets(%dma_start3A_278 : memref<80xi32, #tpu.memory_space<vmem>>) semaphore(%arg25 : memref<!tpu.dma_semaphore, #tpu.memory_space<semaphore_mem>>)
        } else {
        }
        %dma_wait3A_269 = arith.constant 0 : i32
        %dma_wait3A_270 = tpu.memref_slice %arg24[%add3A_250, %dma_wait3A_269] : memref<16x80xi32, #tpu.memory_space<vmem>> -> memref<1x80xi32, #tpu.memory_space<vmem>>
        %dma_wait3A_271 = tpu.memref_squeeze %dma_wait3A_270 : memref<1x80xi32, #tpu.memory_space<vmem>> -> memref<80xi32, #tpu.memory_space<vmem>>
        %dma_wait3A_272 = arith.constant 0 : i32
        %dma_wait3A_273 = arith.constant 0 : i32
        %dma_wait3A_274 = tpu.memref_slice %arg2[%dma_wait3A_272, %dma_wait3A_273] : memref<10000x144xf32, #tpu.memory_space<hbm>> -> memref<10000x144xf32, #tpu.memory_space<hbm>>
        tpu.wait_indirect_dma semaphore(%arg26 : memref<!tpu.dma_semaphore, #tpu.memory_space<semaphore_mem>>) src(%dma_wait3A_274 : memref<10000x144xf32, #tpu.memory_space<hbm>>) dst(%arg22 : memref<80x144xf32, #tpu.memory_space<vmem>>)
        "tpu.region"() ({
          %run_scoped3A = tpu.sem_alloc : memref<!tpu.dma_semaphore, #tpu.memory_space<semaphore_mem>>
          %dma_start3A_276 = arith.constant 0 : i32
          %dma_start3A_277 = tpu.memref_slice %arg23[%add3A_250, %dma_start3A_276] : memref<16x80xi32, #tpu.memory_space<vmem>> -> memref<1x80xi32, #tpu.memory_space<vmem>>
          %dma_start3A_278 = tpu.memref_squeeze %dma_start3A_277 : memref<1x80xi32, #tpu.memory_space<vmem>> -> memref<80xi32, #tpu.memory_space<vmem>>
          %dma_start3A_279 = arith.constant 0 : i32
          %dma_start3A_280 = arith.constant 0 : i32
          %dma_start3A_281 = tpu.memref_slice %arg19[%dma_start3A_279, %dma_start3A_280] : memref<10240x144xf32, #tpu.memory_space<vmem_shared>> -> memref<10240x144xf32, #tpu.memory_space<vmem_shared>>
          tpu.enqueue_indirect_dma source(%arg22 : memref<80x144xf32, #tpu.memory_space<vmem>>) target(%dma_start3A_281 : memref<10240x144xf32, #tpu.memory_space<vmem_shared>>) offsets(%dma_start3A_278 : memref<80xi32, #tpu.memory_space<vmem>>) semaphore(%run_scoped3A : memref<!tpu.dma_semaphore, #tpu.memory_space<semaphore_mem>>) {add = true}
          %dma_wait3A_282 = arith.constant 0 : i32
          %dma_wait3A_283 = tpu.memref_slice %arg23[%add3A_250, %dma_wait3A_282] : memref<16x80xi32, #tpu.memory_space<vmem>> -> memref<1x80xi32, #tpu.memory_space<vmem>>
          %dma_wait3A_284 = tpu.memref_squeeze %dma_wait3A_283 : memref<1x80xi32, #tpu.memory_space<vmem>> -> memref<80xi32, #tpu.memory_space<vmem>>
          %dma_wait3A_285 = arith.constant 0 : i32
          %dma_wait3A_286 = arith.constant 0 : i32
          %dma_wait3A_287 = tpu.memref_slice %arg19[%dma_wait3A_285, %dma_wait3A_286] : memref<10240x144xf32, #tpu.memory_space<vmem_shared>> -> memref<10240x144xf32, #tpu.memory_space<vmem_shared>>
          tpu.wait_indirect_dma semaphore(%run_scoped3A : memref<!tpu.dma_semaphore, #tpu.memory_space<semaphore_mem>>) src(%arg22 : memref<80x144xf32, #tpu.memory_space<vmem>>) dst(%dma_wait3A_287 : memref<10240x144xf32, #tpu.memory_space<vmem_shared>>)
          tpu.yield
        }) : () -> ()
        %scan3A_275 = arith.constant 0 : i32
        scf.yield %scan3A_275 : i32
      }
      %scan3A_67 = arith.constant 8 : i32
      %mul3A_68 = arith.constant 80 : i32
      %mul3A_69 = arith.muli %arg1, %mul3A_68 : i32
      %add3A_70 = arith.constant 32 : i32
      %add3A_71 = arith.addi %mul3A_69, %add3A_70 : i32
      "tpu.region"() ({
        %run_scoped3A = tpu.sem_alloc : memref<!tpu.dma_semaphore, #tpu.memory_space<semaphore_mem>>
        %dma_start3A_245 = arith.constant 0 : i32
        %dma_start3A_246 = tpu.memref_slice %arg3[%add3A_71, %dma_start3A_245] : memref<1280x80xi32, #tpu.memory_space<hbm>> -> memref<16x80xi32, #tpu.memory_space<hbm>>
        %dma_start3A_247 = arith.constant 0 : i32
        %dma_start3A_248 = tpu.memref_slice %arg3[%add3A_71, %dma_start3A_247] : memref<1280x80xi32, #tpu.memory_space<hbm>> -> memref<16x80xi32, #tpu.memory_space<hbm>>
        tpu.enqueue_dma source(%dma_start3A_248 : memref<16x80xi32, #tpu.memory_space<hbm>>) target(%arg23 : memref<16x80xi32, #tpu.memory_space<vmem>>) target_semaphore(%run_scoped3A : memref<!tpu.dma_semaphore, #tpu.memory_space<semaphore_mem>>)
        %dma_wait3A = arith.constant 0 : i32
        %dma_wait3A_249 = tpu.memref_slice %arg3[%add3A_71, %dma_wait3A] : memref<1280x80xi32, #tpu.memory_space<hbm>> -> memref<16x80xi32, #tpu.memory_space<hbm>>
        %dma_wait3A_250 = arith.constant 0 : i32
        %dma_wait3A_251 = tpu.memref_slice %arg3[%add3A_71, %dma_wait3A_250] : memref<1280x80xi32, #tpu.memory_space<hbm>> -> memref<16x80xi32, #tpu.memory_space<hbm>>
        tpu.wait_dma2 semaphore(%run_scoped3A : memref<!tpu.dma_semaphore, #tpu.memory_space<semaphore_mem>>) src(%dma_wait3A_251 : memref<16x80xi32, #tpu.memory_space<hbm>>) dst(%arg23 : memref<16x80xi32, #tpu.memory_space<vmem>>)
        tpu.yield
      }) : () -> ()
      "tpu.region"() ({
        %run_scoped3A = tpu.sem_alloc : memref<!tpu.dma_semaphore, #tpu.memory_space<semaphore_mem>>
        %dma_start3A_245 = arith.constant 0 : i32
        %dma_start3A_246 = tpu.memref_slice %arg5[%add3A_71, %dma_start3A_245] : memref<1280x80xi32, #tpu.memory_space<hbm>> -> memref<16x80xi32, #tpu.memory_space<hbm>>
        %dma_start3A_247 = arith.constant 0 : i32
        %dma_start3A_248 = tpu.memref_slice %arg5[%add3A_71, %dma_start3A_247] : memref<1280x80xi32, #tpu.memory_space<hbm>> -> memref<16x80xi32, #tpu.memory_space<hbm>>
        tpu.enqueue_dma source(%dma_start3A_248 : memref<16x80xi32, #tpu.memory_space<hbm>>) target(%arg24 : memref<16x80xi32, #tpu.memory_space<vmem>>) target_semaphore(%run_scoped3A : memref<!tpu.dma_semaphore, #tpu.memory_space<semaphore_mem>>)
        %dma_wait3A = arith.constant 0 : i32
        %dma_wait3A_249 = tpu.memref_slice %arg5[%add3A_71, %dma_wait3A] : memref<1280x80xi32, #tpu.memory_space<hbm>> -> memref<16x80xi32, #tpu.memory_space<hbm>>
        %dma_wait3A_250 = arith.constant 0 : i32
        %dma_wait3A_251 = tpu.memref_slice %arg5[%add3A_71, %dma_wait3A_250] : memref<1280x80xi32, #tpu.memory_space<hbm>> -> memref<16x80xi32, #tpu.memory_space<hbm>>
        tpu.wait_dma2 semaphore(%run_scoped3A : memref<!tpu.dma_semaphore, #tpu.memory_space<semaphore_mem>>) src(%dma_wait3A_251 : memref<16x80xi32, #tpu.memory_space<hbm>>) dst(%arg24 : memref<16x80xi32, #tpu.memory_space<vmem>>)
        tpu.yield
      }) : () -> ()
      %dma_start3A_72 = arith.constant 0 : i32
      %dma_start3A_73 = arith.constant 0 : i32
      %dma_start3A_74 = tpu.memref_slice %arg24[%dma_start3A_72, %dma_start3A_73] : memref<16x80xi32, #tpu.memory_space<vmem>> -> memref<1x80xi32, #tpu.memory_space<vmem>>
      %dma_start3A_75 = tpu.memref_squeeze %dma_start3A_74 : memref<1x80xi32, #tpu.memory_space<vmem>> -> memref<80xi32, #tpu.memory_space<vmem>>
      %dma_start3A_76 = arith.constant 0 : i32
      %dma_start3A_77 = arith.constant 0 : i32
      %dma_start3A_78 = tpu.memref_slice %arg2[%dma_start3A_76, %dma_start3A_77] : memref<10000x144xf32, #tpu.memory_space<hbm>> -> memref<10000x144xf32, #tpu.memory_space<hbm>>
      tpu.enqueue_indirect_dma source(%dma_start3A_78 : memref<10000x144xf32, #tpu.memory_space<hbm>>) target(%arg21 : memref<80x144xf32, #tpu.memory_space<vmem>>) offsets(%dma_start3A_75 : memref<80xi32, #tpu.memory_space<vmem>>) semaphore(%arg25 : memref<!tpu.dma_semaphore, #tpu.memory_space<semaphore_mem>>)
      %scan3A_79 = arith.constant 0 : i32
      %scan3A_80 = arith.constant 0 : i32
      %scan3A_81 = arith.constant 8 : i32
      %scan3A_82 = arith.addi %scan3A_80, %scan3A_81 : i32
      %scan3A_83 = arith.constant 1 : i32
      %scan3A_84 = scf.for %scan3A_245 = %scan3A_80 to %scan3A_82 step %scan3A_83 iter_args(%scan3A_246 = %scan3A_79) -> (i32)  : i32 {
        %mul3A_247 = arith.constant 2 : i32
        %mul3A_248 = arith.muli %mul3A_247, %scan3A_245 : i32
        %add3A_249 = arith.constant 1 : i32
        %add3A_250 = arith.addi %mul3A_248, %add3A_249 : i32
        %add3A_251 = arith.constant 2 : i32
        %add3A_252 = arith.addi %mul3A_248, %add3A_251 : i32
        %dma_wait3A = arith.constant 0 : i32
        %dma_wait3A_253 = tpu.memref_slice %arg24[%mul3A_248, %dma_wait3A] : memref<16x80xi32, #tpu.memory_space<vmem>> -> memref<1x80xi32, #tpu.memory_space<vmem>>
        %dma_wait3A_254 = tpu.memref_squeeze %dma_wait3A_253 : memref<1x80xi32, #tpu.memory_space<vmem>> -> memref<80xi32, #tpu.memory_space<vmem>>
        %dma_wait3A_255 = arith.constant 0 : i32
        %dma_wait3A_256 = arith.constant 0 : i32
        %dma_wait3A_257 = tpu.memref_slice %arg2[%dma_wait3A_255, %dma_wait3A_256] : memref<10000x144xf32, #tpu.memory_space<hbm>> -> memref<10000x144xf32, #tpu.memory_space<hbm>>
        tpu.wait_indirect_dma semaphore(%arg25 : memref<!tpu.dma_semaphore, #tpu.memory_space<semaphore_mem>>) src(%dma_wait3A_257 : memref<10000x144xf32, #tpu.memory_space<hbm>>) dst(%arg21 : memref<80x144xf32, #tpu.memory_space<vmem>>)
        %dma_start3A_258 = arith.constant 0 : i32
        %dma_start3A_259 = tpu.memref_slice %arg24[%add3A_250, %dma_start3A_258] : memref<16x80xi32, #tpu.memory_space<vmem>> -> memref<1x80xi32, #tpu.memory_space<vmem>>
        %dma_start3A_260 = tpu.memref_squeeze %dma_start3A_259 : memref<1x80xi32, #tpu.memory_space<vmem>> -> memref<80xi32, #tpu.memory_space<vmem>>
        %dma_start3A_261 = arith.constant 0 : i32
        %dma_start3A_262 = arith.constant 0 : i32
        %dma_start3A_263 = tpu.memref_slice %arg2[%dma_start3A_261, %dma_start3A_262] : memref<10000x144xf32, #tpu.memory_space<hbm>> -> memref<10000x144xf32, #tpu.memory_space<hbm>>
        tpu.enqueue_indirect_dma source(%dma_start3A_263 : memref<10000x144xf32, #tpu.memory_space<hbm>>) target(%arg22 : memref<80x144xf32, #tpu.memory_space<vmem>>) offsets(%dma_start3A_260 : memref<80xi32, #tpu.memory_space<vmem>>) semaphore(%arg26 : memref<!tpu.dma_semaphore, #tpu.memory_space<semaphore_mem>>)
        "tpu.region"() ({
          %run_scoped3A = tpu.sem_alloc : memref<!tpu.dma_semaphore, #tpu.memory_space<semaphore_mem>>
          %dma_start3A_276 = arith.constant 0 : i32
          %dma_start3A_277 = tpu.memref_slice %arg23[%mul3A_248, %dma_start3A_276] : memref<16x80xi32, #tpu.memory_space<vmem>> -> memref<1x80xi32, #tpu.memory_space<vmem>>
          %dma_start3A_278 = tpu.memref_squeeze %dma_start3A_277 : memref<1x80xi32, #tpu.memory_space<vmem>> -> memref<80xi32, #tpu.memory_space<vmem>>
          %dma_start3A_279 = arith.constant 0 : i32
          %dma_start3A_280 = arith.constant 0 : i32
          %dma_start3A_281 = tpu.memref_slice %arg19[%dma_start3A_279, %dma_start3A_280] : memref<10240x144xf32, #tpu.memory_space<vmem_shared>> -> memref<10240x144xf32, #tpu.memory_space<vmem_shared>>
          tpu.enqueue_indirect_dma source(%arg21 : memref<80x144xf32, #tpu.memory_space<vmem>>) target(%dma_start3A_281 : memref<10240x144xf32, #tpu.memory_space<vmem_shared>>) offsets(%dma_start3A_278 : memref<80xi32, #tpu.memory_space<vmem>>) semaphore(%run_scoped3A : memref<!tpu.dma_semaphore, #tpu.memory_space<semaphore_mem>>) {add = true}
          %dma_wait3A_282 = arith.constant 0 : i32
          %dma_wait3A_283 = tpu.memref_slice %arg23[%mul3A_248, %dma_wait3A_282] : memref<16x80xi32, #tpu.memory_space<vmem>> -> memref<1x80xi32, #tpu.memory_space<vmem>>
          %dma_wait3A_284 = tpu.memref_squeeze %dma_wait3A_283 : memref<1x80xi32, #tpu.memory_space<vmem>> -> memref<80xi32, #tpu.memory_space<vmem>>
          %dma_wait3A_285 = arith.constant 0 : i32
          %dma_wait3A_286 = arith.constant 0 : i32
          %dma_wait3A_287 = tpu.memref_slice %arg19[%dma_wait3A_285, %dma_wait3A_286] : memref<10240x144xf32, #tpu.memory_space<vmem_shared>> -> memref<10240x144xf32, #tpu.memory_space<vmem_shared>>
          tpu.wait_indirect_dma semaphore(%run_scoped3A : memref<!tpu.dma_semaphore, #tpu.memory_space<semaphore_mem>>) src(%arg21 : memref<80x144xf32, #tpu.memory_space<vmem>>) dst(%dma_wait3A_287 : memref<10240x144xf32, #tpu.memory_space<vmem_shared>>)
          tpu.yield
        }) : () -> ()
        %min3A = arith.constant 15 : i32
        %min3A_264 = arith.minsi %add3A_252, %min3A : i32
        %lt3A = arith.constant 16 : i32
        %lt3A_265 = arith.cmpi slt, %add3A_252, %lt3A : i32
        %convert_element_type3A_266 = arith.extui %lt3A_265 : i1 to i32
        %cond3A_267 = arith.constant 0 : i32
        %cond3A_268 = arith.cmpi ne, %convert_element_type3A_266, %cond3A_267 : i32
        scf.if %cond3A_268 {
          %dma_start3A_276 = arith.constant 0 : i32
          %dma_start3A_277 = tpu.memref_slice %arg24[%min3A_264, %dma_start3A_276] : memref<16x80xi32, #tpu.memory_space<vmem>> -> memref<1x80xi32, #tpu.memory_space<vmem>>
          %dma_start3A_278 = tpu.memref_squeeze %dma_start3A_277 : memref<1x80xi32, #tpu.memory_space<vmem>> -> memref<80xi32, #tpu.memory_space<vmem>>
          %dma_start3A_279 = arith.constant 0 : i32
          %dma_start3A_280 = arith.constant 0 : i32
          %dma_start3A_281 = tpu.memref_slice %arg2[%dma_start3A_279, %dma_start3A_280] : memref<10000x144xf32, #tpu.memory_space<hbm>> -> memref<10000x144xf32, #tpu.memory_space<hbm>>
          tpu.enqueue_indirect_dma source(%dma_start3A_281 : memref<10000x144xf32, #tpu.memory_space<hbm>>) target(%arg21 : memref<80x144xf32, #tpu.memory_space<vmem>>) offsets(%dma_start3A_278 : memref<80xi32, #tpu.memory_space<vmem>>) semaphore(%arg25 : memref<!tpu.dma_semaphore, #tpu.memory_space<semaphore_mem>>)
        } else {
        }
        %dma_wait3A_269 = arith.constant 0 : i32
        %dma_wait3A_270 = tpu.memref_slice %arg24[%add3A_250, %dma_wait3A_269] : memref<16x80xi32, #tpu.memory_space<vmem>> -> memref<1x80xi32, #tpu.memory_space<vmem>>
        %dma_wait3A_271 = tpu.memref_squeeze %dma_wait3A_270 : memref<1x80xi32, #tpu.memory_space<vmem>> -> memref<80xi32, #tpu.memory_space<vmem>>
        %dma_wait3A_272 = arith.constant 0 : i32
        %dma_wait3A_273 = arith.constant 0 : i32
        %dma_wait3A_274 = tpu.memref_slice %arg2[%dma_wait3A_272, %dma_wait3A_273] : memref<10000x144xf32, #tpu.memory_space<hbm>> -> memref<10000x144xf32, #tpu.memory_space<hbm>>
        tpu.wait_indirect_dma semaphore(%arg26 : memref<!tpu.dma_semaphore, #tpu.memory_space<semaphore_mem>>) src(%dma_wait3A_274 : memref<10000x144xf32, #tpu.memory_space<hbm>>) dst(%arg22 : memref<80x144xf32, #tpu.memory_space<vmem>>)
        "tpu.region"() ({
          %run_scoped3A = tpu.sem_alloc : memref<!tpu.dma_semaphore, #tpu.memory_space<semaphore_mem>>
          %dma_start3A_276 = arith.constant 0 : i32
          %dma_start3A_277 = tpu.memref_slice %arg23[%add3A_250, %dma_start3A_276] : memref<16x80xi32, #tpu.memory_space<vmem>> -> memref<1x80xi32, #tpu.memory_space<vmem>>
          %dma_start3A_278 = tpu.memref_squeeze %dma_start3A_277 : memref<1x80xi32, #tpu.memory_space<vmem>> -> memref<80xi32, #tpu.memory_space<vmem>>
          %dma_start3A_279 = arith.constant 0 : i32
          %dma_start3A_280 = arith.constant 0 : i32
          %dma_start3A_281 = tpu.memref_slice %arg19[%dma_start3A_279, %dma_start3A_280] : memref<10240x144xf32, #tpu.memory_space<vmem_shared>> -> memref<10240x144xf32, #tpu.memory_space<vmem_shared>>
          tpu.enqueue_indirect_dma source(%arg22 : memref<80x144xf32, #tpu.memory_space<vmem>>) target(%dma_start3A_281 : memref<10240x144xf32, #tpu.memory_space<vmem_shared>>) offsets(%dma_start3A_278 : memref<80xi32, #tpu.memory_space<vmem>>) semaphore(%run_scoped3A : memref<!tpu.dma_semaphore, #tpu.memory_space<semaphore_mem>>) {add = true}
          %dma_wait3A_282 = arith.constant 0 : i32
          %dma_wait3A_283 = tpu.memref_slice %arg23[%add3A_250, %dma_wait3A_282] : memref<16x80xi32, #tpu.memory_space<vmem>> -> memref<1x80xi32, #tpu.memory_space<vmem>>
          %dma_wait3A_284 = tpu.memref_squeeze %dma_wait3A_283 : memref<1x80xi32, #tpu.memory_space<vmem>> -> memref<80xi32, #tpu.memory_space<vmem>>
          %dma_wait3A_285 = arith.constant 0 : i32
          %dma_wait3A_286 = arith.constant 0 : i32
          %dma_wait3A_287 = tpu.memref_slice %arg19[%dma_wait3A_285, %dma_wait3A_286] : memref<10240x144xf32, #tpu.memory_space<vmem_shared>> -> memref<10240x144xf32, #tpu.memory_space<vmem_shared>>
          tpu.wait_indirect_dma semaphore(%run_scoped3A : memref<!tpu.dma_semaphore, #tpu.memory_space<semaphore_mem>>) src(%arg22 : memref<80x144xf32, #tpu.memory_space<vmem>>) dst(%dma_wait3A_287 : memref<10240x144xf32, #tpu.memory_space<vmem_shared>>)
          tpu.yield
        }) : () -> ()
        %scan3A_275 = arith.constant 0 : i32
        scf.yield %scan3A_275 : i32
      }
      %scan3A_85 = arith.constant 8 : i32
      %mul3A_86 = arith.constant 80 : i32
      %mul3A_87 = arith.muli %arg1, %mul3A_86 : i32
      %add3A_88 = arith.constant 48 : i32
      %add3A_89 = arith.addi %mul3A_87, %add3A_88 : i32
      "tpu.region"() ({
        %run_scoped3A = tpu.sem_alloc : memref<!tpu.dma_semaphore, #tpu.memory_space<semaphore_mem>>
        %dma_start3A_245 = arith.constant 0 : i32
        %dma_start3A_246 = tpu.memref_slice %arg3[%add3A_89, %dma_start3A_245] : memref<1280x80xi32, #tpu.memory_space<hbm>> -> memref<16x80xi32, #tpu.memory_space<hbm>>
        %dma_start3A_247 = arith.constant 0 : i32
        %dma_start3A_248 = tpu.memref_slice %arg3[%add3A_89, %dma_start3A_247] : memref<1280x80xi32, #tpu.memory_space<hbm>> -> memref<16x80xi32, #tpu.memory_space<hbm>>
        tpu.enqueue_dma source(%dma_start3A_248 : memref<16x80xi32, #tpu.memory_space<hbm>>) target(%arg23 : memref<16x80xi32, #tpu.memory_space<vmem>>) target_semaphore(%run_scoped3A : memref<!tpu.dma_semaphore, #tpu.memory_space<semaphore_mem>>)
        %dma_wait3A = arith.constant 0 : i32
        %dma_wait3A_249 = tpu.memref_slice %arg3[%add3A_89, %dma_wait3A] : memref<1280x80xi32, #tpu.memory_space<hbm>> -> memref<16x80xi32, #tpu.memory_space<hbm>>
        %dma_wait3A_250 = arith.constant 0 : i32
        %dma_wait3A_251 = tpu.memref_slice %arg3[%add3A_89, %dma_wait3A_250] : memref<1280x80xi32, #tpu.memory_space<hbm>> -> memref<16x80xi32, #tpu.memory_space<hbm>>
        tpu.wait_dma2 semaphore(%run_scoped3A : memref<!tpu.dma_semaphore, #tpu.memory_space<semaphore_mem>>) src(%dma_wait3A_251 : memref<16x80xi32, #tpu.memory_space<hbm>>) dst(%arg23 : memref<16x80xi32, #tpu.memory_space<vmem>>)
        tpu.yield
      }) : () -> ()
      "tpu.region"() ({
        %run_scoped3A = tpu.sem_alloc : memref<!tpu.dma_semaphore, #tpu.memory_space<semaphore_mem>>
        %dma_start3A_245 = arith.constant 0 : i32
        %dma_start3A_246 = tpu.memref_slice %arg5[%add3A_89, %dma_start3A_245] : memref<1280x80xi32, #tpu.memory_space<hbm>> -> memref<16x80xi32, #tpu.memory_space<hbm>>
        %dma_start3A_247 = arith.constant 0 : i32
        %dma_start3A_248 = tpu.memref_slice %arg5[%add3A_89, %dma_start3A_247] : memref<1280x80xi32, #tpu.memory_space<hbm>> -> memref<16x80xi32, #tpu.memory_space<hbm>>
        tpu.enqueue_dma source(%dma_start3A_248 : memref<16x80xi32, #tpu.memory_space<hbm>>) target(%arg24 : memref<16x80xi32, #tpu.memory_space<vmem>>) target_semaphore(%run_scoped3A : memref<!tpu.dma_semaphore, #tpu.memory_space<semaphore_mem>>)
        %dma_wait3A = arith.constant 0 : i32
        %dma_wait3A_249 = tpu.memref_slice %arg5[%add3A_89, %dma_wait3A] : memref<1280x80xi32, #tpu.memory_space<hbm>> -> memref<16x80xi32, #tpu.memory_space<hbm>>
        %dma_wait3A_250 = arith.constant 0 : i32
        %dma_wait3A_251 = tpu.memref_slice %arg5[%add3A_89, %dma_wait3A_250] : memref<1280x80xi32, #tpu.memory_space<hbm>> -> memref<16x80xi32, #tpu.memory_space<hbm>>
        tpu.wait_dma2 semaphore(%run_scoped3A : memref<!tpu.dma_semaphore, #tpu.memory_space<semaphore_mem>>) src(%dma_wait3A_251 : memref<16x80xi32, #tpu.memory_space<hbm>>) dst(%arg24 : memref<16x80xi32, #tpu.memory_space<vmem>>)
        tpu.yield
      }) : () -> ()
      %dma_start3A_90 = arith.constant 0 : i32
      %dma_start3A_91 = arith.constant 0 : i32
      %dma_start3A_92 = tpu.memref_slice %arg24[%dma_start3A_90, %dma_start3A_91] : memref<16x80xi32, #tpu.memory_space<vmem>> -> memref<1x80xi32, #tpu.memory_space<vmem>>
      %dma_start3A_93 = tpu.memref_squeeze %dma_start3A_92 : memref<1x80xi32, #tpu.memory_space<vmem>> -> memref<80xi32, #tpu.memory_space<vmem>>
      %dma_start3A_94 = arith.constant 0 : i32
      %dma_start3A_95 = arith.constant 0 : i32
      %dma_start3A_96 = tpu.memref_slice %arg2[%dma_start3A_94, %dma_start3A_95] : memref<10000x144xf32, #tpu.memory_space<hbm>> -> memref<10000x144xf32, #tpu.memory_space<hbm>>
      tpu.enqueue_indirect_dma source(%dma_start3A_96 : memref<10000x144xf32, #tpu.memory_space<hbm>>) target(%arg21 : memref<80x144xf32, #tpu.memory_space<vmem>>) offsets(%dma_start3A_93 : memref<80xi32, #tpu.memory_space<vmem>>) semaphore(%arg25 : memref<!tpu.dma_semaphore, #tpu.memory_space<semaphore_mem>>)
      %scan3A_97 = arith.constant 0 : i32
      %scan3A_98 = arith.constant 0 : i32
      %scan3A_99 = arith.constant 8 : i32
      %scan3A_100 = arith.addi %scan3A_98, %scan3A_99 : i32
      %scan3A_101 = arith.constant 1 : i32
      %scan3A_102 = scf.for %scan3A_245 = %scan3A_98 to %scan3A_100 step %scan3A_101 iter_args(%scan3A_246 = %scan3A_97) -> (i32)  : i32 {
        %mul3A_247 = arith.constant 2 : i32
        %mul3A_248 = arith.muli %mul3A_247, %scan3A_245 : i32
        %add3A_249 = arith.constant 1 : i32
        %add3A_250 = arith.addi %mul3A_248, %add3A_249 : i32
        %add3A_251 = arith.constant 2 : i32
        %add3A_252 = arith.addi %mul3A_248, %add3A_251 : i32
        %dma_wait3A = arith.constant 0 : i32
        %dma_wait3A_253 = tpu.memref_slice %arg24[%mul3A_248, %dma_wait3A] : memref<16x80xi32, #tpu.memory_space<vmem>> -> memref<1x80xi32, #tpu.memory_space<vmem>>
        %dma_wait3A_254 = tpu.memref_squeeze %dma_wait3A_253 : memref<1x80xi32, #tpu.memory_space<vmem>> -> memref<80xi32, #tpu.memory_space<vmem>>
        %dma_wait3A_255 = arith.constant 0 : i32
        %dma_wait3A_256 = arith.constant 0 : i32
        %dma_wait3A_257 = tpu.memref_slice %arg2[%dma_wait3A_255, %dma_wait3A_256] : memref<10000x144xf32, #tpu.memory_space<hbm>> -> memref<10000x144xf32, #tpu.memory_space<hbm>>
        tpu.wait_indirect_dma semaphore(%arg25 : memref<!tpu.dma_semaphore, #tpu.memory_space<semaphore_mem>>) src(%dma_wait3A_257 : memref<10000x144xf32, #tpu.memory_space<hbm>>) dst(%arg21 : memref<80x144xf32, #tpu.memory_space<vmem>>)
        %dma_start3A_258 = arith.constant 0 : i32
        %dma_start3A_259 = tpu.memref_slice %arg24[%add3A_250, %dma_start3A_258] : memref<16x80xi32, #tpu.memory_space<vmem>> -> memref<1x80xi32, #tpu.memory_space<vmem>>
        %dma_start3A_260 = tpu.memref_squeeze %dma_start3A_259 : memref<1x80xi32, #tpu.memory_space<vmem>> -> memref<80xi32, #tpu.memory_space<vmem>>
        %dma_start3A_261 = arith.constant 0 : i32
        %dma_start3A_262 = arith.constant 0 : i32
        %dma_start3A_263 = tpu.memref_slice %arg2[%dma_start3A_261, %dma_start3A_262] : memref<10000x144xf32, #tpu.memory_space<hbm>> -> memref<10000x144xf32, #tpu.memory_space<hbm>>
        tpu.enqueue_indirect_dma source(%dma_start3A_263 : memref<10000x144xf32, #tpu.memory_space<hbm>>) target(%arg22 : memref<80x144xf32, #tpu.memory_space<vmem>>) offsets(%dma_start3A_260 : memref<80xi32, #tpu.memory_space<vmem>>) semaphore(%arg26 : memref<!tpu.dma_semaphore, #tpu.memory_space<semaphore_mem>>)
        "tpu.region"() ({
          %run_scoped3A = tpu.sem_alloc : memref<!tpu.dma_semaphore, #tpu.memory_space<semaphore_mem>>
          %dma_start3A_276 = arith.constant 0 : i32
          %dma_start3A_277 = tpu.memref_slice %arg23[%mul3A_248, %dma_start3A_276] : memref<16x80xi32, #tpu.memory_space<vmem>> -> memref<1x80xi32, #tpu.memory_space<vmem>>
          %dma_start3A_278 = tpu.memref_squeeze %dma_start3A_277 : memref<1x80xi32, #tpu.memory_space<vmem>> -> memref<80xi32, #tpu.memory_space<vmem>>
          %dma_start3A_279 = arith.constant 0 : i32
          %dma_start3A_280 = arith.constant 0 : i32
          %dma_start3A_281 = tpu.memref_slice %arg19[%dma_start3A_279, %dma_start3A_280] : memref<10240x144xf32, #tpu.memory_space<vmem_shared>> -> memref<10240x144xf32, #tpu.memory_space<vmem_shared>>
          tpu.enqueue_indirect_dma source(%arg21 : memref<80x144xf32, #tpu.memory_space<vmem>>) target(%dma_start3A_281 : memref<10240x144xf32, #tpu.memory_space<vmem_shared>>) offsets(%dma_start3A_278 : memref<80xi32, #tpu.memory_space<vmem>>) semaphore(%run_scoped3A : memref<!tpu.dma_semaphore, #tpu.memory_space<semaphore_mem>>) {add = true}
          %dma_wait3A_282 = arith.constant 0 : i32
          %dma_wait3A_283 = tpu.memref_slice %arg23[%mul3A_248, %dma_wait3A_282] : memref<16x80xi32, #tpu.memory_space<vmem>> -> memref<1x80xi32, #tpu.memory_space<vmem>>
          %dma_wait3A_284 = tpu.memref_squeeze %dma_wait3A_283 : memref<1x80xi32, #tpu.memory_space<vmem>> -> memref<80xi32, #tpu.memory_space<vmem>>
          %dma_wait3A_285 = arith.constant 0 : i32
          %dma_wait3A_286 = arith.constant 0 : i32
          %dma_wait3A_287 = tpu.memref_slice %arg19[%dma_wait3A_285, %dma_wait3A_286] : memref<10240x144xf32, #tpu.memory_space<vmem_shared>> -> memref<10240x144xf32, #tpu.memory_space<vmem_shared>>
          tpu.wait_indirect_dma semaphore(%run_scoped3A : memref<!tpu.dma_semaphore, #tpu.memory_space<semaphore_mem>>) src(%arg21 : memref<80x144xf32, #tpu.memory_space<vmem>>) dst(%dma_wait3A_287 : memref<10240x144xf32, #tpu.memory_space<vmem_shared>>)
          tpu.yield
        }) : () -> ()
        %min3A = arith.constant 15 : i32
        %min3A_264 = arith.minsi %add3A_252, %min3A : i32
        %lt3A = arith.constant 16 : i32
        %lt3A_265 = arith.cmpi slt, %add3A_252, %lt3A : i32
        %convert_element_type3A_266 = arith.extui %lt3A_265 : i1 to i32
        %cond3A_267 = arith.constant 0 : i32
        %cond3A_268 = arith.cmpi ne, %convert_element_type3A_266, %cond3A_267 : i32
        scf.if %cond3A_268 {
          %dma_start3A_276 = arith.constant 0 : i32
          %dma_start3A_277 = tpu.memref_slice %arg24[%min3A_264, %dma_start3A_276] : memref<16x80xi32, #tpu.memory_space<vmem>> -> memref<1x80xi32, #tpu.memory_space<vmem>>
          %dma_start3A_278 = tpu.memref_squeeze %dma_start3A_277 : memref<1x80xi32, #tpu.memory_space<vmem>> -> memref<80xi32, #tpu.memory_space<vmem>>
          %dma_start3A_279 = arith.constant 0 : i32
          %dma_start3A_280 = arith.constant 0 : i32
          %dma_start3A_281 = tpu.memref_slice %arg2[%dma_start3A_279, %dma_start3A_280] : memref<10000x144xf32, #tpu.memory_space<hbm>> -> memref<10000x144xf32, #tpu.memory_space<hbm>>
          tpu.enqueue_indirect_dma source(%dma_start3A_281 : memref<10000x144xf32, #tpu.memory_space<hbm>>) target(%arg21 : memref<80x144xf32, #tpu.memory_space<vmem>>) offsets(%dma_start3A_278 : memref<80xi32, #tpu.memory_space<vmem>>) semaphore(%arg25 : memref<!tpu.dma_semaphore, #tpu.memory_space<semaphore_mem>>)
        } else {
        }
        %dma_wait3A_269 = arith.constant 0 : i32
        %dma_wait3A_270 = tpu.memref_slice %arg24[%add3A_250, %dma_wait3A_269] : memref<16x80xi32, #tpu.memory_space<vmem>> -> memref<1x80xi32, #tpu.memory_space<vmem>>
        %dma_wait3A_271 = tpu.memref_squeeze %dma_wait3A_270 : memref<1x80xi32, #tpu.memory_space<vmem>> -> memref<80xi32, #tpu.memory_space<vmem>>
        %dma_wait3A_272 = arith.constant 0 : i32
        %dma_wait3A_273 = arith.constant 0 : i32
        %dma_wait3A_274 = tpu.memref_slice %arg2[%dma_wait3A_272, %dma_wait3A_273] : memref<10000x144xf32, #tpu.memory_space<hbm>> -> memref<10000x144xf32, #tpu.memory_space<hbm>>
        tpu.wait_indirect_dma semaphore(%arg26 : memref<!tpu.dma_semaphore, #tpu.memory_space<semaphore_mem>>) src(%dma_wait3A_274 : memref<10000x144xf32, #tpu.memory_space<hbm>>) dst(%arg22 : memref<80x144xf32, #tpu.memory_space<vmem>>)
        "tpu.region"() ({
          %run_scoped3A = tpu.sem_alloc : memref<!tpu.dma_semaphore, #tpu.memory_space<semaphore_mem>>
          %dma_start3A_276 = arith.constant 0 : i32
          %dma_start3A_277 = tpu.memref_slice %arg23[%add3A_250, %dma_start3A_276] : memref<16x80xi32, #tpu.memory_space<vmem>> -> memref<1x80xi32, #tpu.memory_space<vmem>>
          %dma_start3A_278 = tpu.memref_squeeze %dma_start3A_277 : memref<1x80xi32, #tpu.memory_space<vmem>> -> memref<80xi32, #tpu.memory_space<vmem>>
          %dma_start3A_279 = arith.constant 0 : i32
          %dma_start3A_280 = arith.constant 0 : i32
          %dma_start3A_281 = tpu.memref_slice %arg19[%dma_start3A_279, %dma_start3A_280] : memref<10240x144xf32, #tpu.memory_space<vmem_shared>> -> memref<10240x144xf32, #tpu.memory_space<vmem_shared>>
          tpu.enqueue_indirect_dma source(%arg22 : memref<80x144xf32, #tpu.memory_space<vmem>>) target(%dma_start3A_281 : memref<10240x144xf32, #tpu.memory_space<vmem_shared>>) offsets(%dma_start3A_278 : memref<80xi32, #tpu.memory_space<vmem>>) semaphore(%run_scoped3A : memref<!tpu.dma_semaphore, #tpu.memory_space<semaphore_mem>>) {add = true}
          %dma_wait3A_282 = arith.constant 0 : i32
          %dma_wait3A_283 = tpu.memref_slice %arg23[%add3A_250, %dma_wait3A_282] : memref<16x80xi32, #tpu.memory_space<vmem>> -> memref<1x80xi32, #tpu.memory_space<vmem>>
          %dma_wait3A_284 = tpu.memref_squeeze %dma_wait3A_283 : memref<1x80xi32, #tpu.memory_space<vmem>> -> memref<80xi32, #tpu.memory_space<vmem>>
          %dma_wait3A_285 = arith.constant 0 : i32
          %dma_wait3A_286 = arith.constant 0 : i32
          %dma_wait3A_287 = tpu.memref_slice %arg19[%dma_wait3A_285, %dma_wait3A_286] : memref<10240x144xf32, #tpu.memory_space<vmem_shared>> -> memref<10240x144xf32, #tpu.memory_space<vmem_shared>>
          tpu.wait_indirect_dma semaphore(%run_scoped3A : memref<!tpu.dma_semaphore, #tpu.memory_space<semaphore_mem>>) src(%arg22 : memref<80x144xf32, #tpu.memory_space<vmem>>) dst(%dma_wait3A_287 : memref<10240x144xf32, #tpu.memory_space<vmem_shared>>)
          tpu.yield
        }) : () -> ()
        %scan3A_275 = arith.constant 0 : i32
        scf.yield %scan3A_275 : i32
      }
      %scan3A_103 = arith.constant 8 : i32
      %mul3A_104 = arith.constant 80 : i32
      %mul3A_105 = arith.muli %arg1, %mul3A_104 : i32
      %add3A_106 = arith.constant 64 : i32
      %add3A_107 = arith.addi %mul3A_105, %add3A_106 : i32
      "tpu.region"() ({
        %run_scoped3A = tpu.sem_alloc : memref<!tpu.dma_semaphore, #tpu.memory_space<semaphore_mem>>
        %dma_start3A_245 = arith.constant 0 : i32
        %dma_start3A_246 = tpu.memref_slice %arg3[%add3A_107, %dma_start3A_245] : memref<1280x80xi32, #tpu.memory_space<hbm>> -> memref<16x80xi32, #tpu.memory_space<hbm>>
        %dma_start3A_247 = arith.constant 0 : i32
        %dma_start3A_248 = tpu.memref_slice %arg3[%add3A_107, %dma_start3A_247] : memref<1280x80xi32, #tpu.memory_space<hbm>> -> memref<16x80xi32, #tpu.memory_space<hbm>>
        tpu.enqueue_dma source(%dma_start3A_248 : memref<16x80xi32, #tpu.memory_space<hbm>>) target(%arg23 : memref<16x80xi32, #tpu.memory_space<vmem>>) target_semaphore(%run_scoped3A : memref<!tpu.dma_semaphore, #tpu.memory_space<semaphore_mem>>)
        %dma_wait3A = arith.constant 0 : i32
        %dma_wait3A_249 = tpu.memref_slice %arg3[%add3A_107, %dma_wait3A] : memref<1280x80xi32, #tpu.memory_space<hbm>> -> memref<16x80xi32, #tpu.memory_space<hbm>>
        %dma_wait3A_250 = arith.constant 0 : i32
        %dma_wait3A_251 = tpu.memref_slice %arg3[%add3A_107, %dma_wait3A_250] : memref<1280x80xi32, #tpu.memory_space<hbm>> -> memref<16x80xi32, #tpu.memory_space<hbm>>
        tpu.wait_dma2 semaphore(%run_scoped3A : memref<!tpu.dma_semaphore, #tpu.memory_space<semaphore_mem>>) src(%dma_wait3A_251 : memref<16x80xi32, #tpu.memory_space<hbm>>) dst(%arg23 : memref<16x80xi32, #tpu.memory_space<vmem>>)
        tpu.yield
      }) : () -> ()
      "tpu.region"() ({
        %run_scoped3A = tpu.sem_alloc : memref<!tpu.dma_semaphore, #tpu.memory_space<semaphore_mem>>
        %dma_start3A_245 = arith.constant 0 : i32
        %dma_start3A_246 = tpu.memref_slice %arg5[%add3A_107, %dma_start3A_245] : memref<1280x80xi32, #tpu.memory_space<hbm>> -> memref<16x80xi32, #tpu.memory_space<hbm>>
        %dma_start3A_247 = arith.constant 0 : i32
        %dma_start3A_248 = tpu.memref_slice %arg5[%add3A_107, %dma_start3A_247] : memref<1280x80xi32, #tpu.memory_space<hbm>> -> memref<16x80xi32, #tpu.memory_space<hbm>>
        tpu.enqueue_dma source(%dma_start3A_248 : memref<16x80xi32, #tpu.memory_space<hbm>>) target(%arg24 : memref<16x80xi32, #tpu.memory_space<vmem>>) target_semaphore(%run_scoped3A : memref<!tpu.dma_semaphore, #tpu.memory_space<semaphore_mem>>)
        %dma_wait3A = arith.constant 0 : i32
        %dma_wait3A_249 = tpu.memref_slice %arg5[%add3A_107, %dma_wait3A] : memref<1280x80xi32, #tpu.memory_space<hbm>> -> memref<16x80xi32, #tpu.memory_space<hbm>>
        %dma_wait3A_250 = arith.constant 0 : i32
        %dma_wait3A_251 = tpu.memref_slice %arg5[%add3A_107, %dma_wait3A_250] : memref<1280x80xi32, #tpu.memory_space<hbm>> -> memref<16x80xi32, #tpu.memory_space<hbm>>
        tpu.wait_dma2 semaphore(%run_scoped3A : memref<!tpu.dma_semaphore, #tpu.memory_space<semaphore_mem>>) src(%dma_wait3A_251 : memref<16x80xi32, #tpu.memory_space<hbm>>) dst(%arg24 : memref<16x80xi32, #tpu.memory_space<vmem>>)
        tpu.yield
      }) : () -> ()
      %dma_start3A_108 = arith.constant 0 : i32
      %dma_start3A_109 = arith.constant 0 : i32
      %dma_start3A_110 = tpu.memref_slice %arg24[%dma_start3A_108, %dma_start3A_109] : memref<16x80xi32, #tpu.memory_space<vmem>> -> memref<1x80xi32, #tpu.memory_space<vmem>>
      %dma_start3A_111 = tpu.memref_squeeze %dma_start3A_110 : memref<1x80xi32, #tpu.memory_space<vmem>> -> memref<80xi32, #tpu.memory_space<vmem>>
      %dma_start3A_112 = arith.constant 0 : i32
      %dma_start3A_113 = arith.constant 0 : i32
      %dma_start3A_114 = tpu.memref_slice %arg2[%dma_start3A_112, %dma_start3A_113] : memref<10000x144xf32, #tpu.memory_space<hbm>> -> memref<10000x144xf32, #tpu.memory_space<hbm>>
      tpu.enqueue_indirect_dma source(%dma_start3A_114 : memref<10000x144xf32, #tpu.memory_space<hbm>>) target(%arg21 : memref<80x144xf32, #tpu.memory_space<vmem>>) offsets(%dma_start3A_111 : memref<80xi32, #tpu.memory_space<vmem>>) semaphore(%arg25 : memref<!tpu.dma_semaphore, #tpu.memory_space<semaphore_mem>>)
      %scan3A_115 = arith.constant 0 : i32
      %scan3A_116 = arith.constant 0 : i32
      %scan3A_117 = arith.constant 8 : i32
      %scan3A_118 = arith.addi %scan3A_116, %scan3A_117 : i32
      %scan3A_119 = arith.constant 1 : i32
      %scan3A_120 = scf.for %scan3A_245 = %scan3A_116 to %scan3A_118 step %scan3A_119 iter_args(%scan3A_246 = %scan3A_115) -> (i32)  : i32 {
        %mul3A_247 = arith.constant 2 : i32
        %mul3A_248 = arith.muli %mul3A_247, %scan3A_245 : i32
        %add3A_249 = arith.constant 1 : i32
        %add3A_250 = arith.addi %mul3A_248, %add3A_249 : i32
        %add3A_251 = arith.constant 2 : i32
        %add3A_252 = arith.addi %mul3A_248, %add3A_251 : i32
        %dma_wait3A = arith.constant 0 : i32
        %dma_wait3A_253 = tpu.memref_slice %arg24[%mul3A_248, %dma_wait3A] : memref<16x80xi32, #tpu.memory_space<vmem>> -> memref<1x80xi32, #tpu.memory_space<vmem>>
        %dma_wait3A_254 = tpu.memref_squeeze %dma_wait3A_253 : memref<1x80xi32, #tpu.memory_space<vmem>> -> memref<80xi32, #tpu.memory_space<vmem>>
        %dma_wait3A_255 = arith.constant 0 : i32
        %dma_wait3A_256 = arith.constant 0 : i32
        %dma_wait3A_257 = tpu.memref_slice %arg2[%dma_wait3A_255, %dma_wait3A_256] : memref<10000x144xf32, #tpu.memory_space<hbm>> -> memref<10000x144xf32, #tpu.memory_space<hbm>>
        tpu.wait_indirect_dma semaphore(%arg25 : memref<!tpu.dma_semaphore, #tpu.memory_space<semaphore_mem>>) src(%dma_wait3A_257 : memref<10000x144xf32, #tpu.memory_space<hbm>>) dst(%arg21 : memref<80x144xf32, #tpu.memory_space<vmem>>)
        %dma_start3A_258 = arith.constant 0 : i32
        %dma_start3A_259 = tpu.memref_slice %arg24[%add3A_250, %dma_start3A_258] : memref<16x80xi32, #tpu.memory_space<vmem>> -> memref<1x80xi32, #tpu.memory_space<vmem>>
        %dma_start3A_260 = tpu.memref_squeeze %dma_start3A_259 : memref<1x80xi32, #tpu.memory_space<vmem>> -> memref<80xi32, #tpu.memory_space<vmem>>
        %dma_start3A_261 = arith.constant 0 : i32
        %dma_start3A_262 = arith.constant 0 : i32
        %dma_start3A_263 = tpu.memref_slice %arg2[%dma_start3A_261, %dma_start3A_262] : memref<10000x144xf32, #tpu.memory_space<hbm>> -> memref<10000x144xf32, #tpu.memory_space<hbm>>
        tpu.enqueue_indirect_dma source(%dma_start3A_263 : memref<10000x144xf32, #tpu.memory_space<hbm>>) target(%arg22 : memref<80x144xf32, #tpu.memory_space<vmem>>) offsets(%dma_start3A_260 : memref<80xi32, #tpu.memory_space<vmem>>) semaphore(%arg26 : memref<!tpu.dma_semaphore, #tpu.memory_space<semaphore_mem>>)
        "tpu.region"() ({
          %run_scoped3A = tpu.sem_alloc : memref<!tpu.dma_semaphore, #tpu.memory_space<semaphore_mem>>
          %dma_start3A_276 = arith.constant 0 : i32
          %dma_start3A_277 = tpu.memref_slice %arg23[%mul3A_248, %dma_start3A_276] : memref<16x80xi32, #tpu.memory_space<vmem>> -> memref<1x80xi32, #tpu.memory_space<vmem>>
          %dma_start3A_278 = tpu.memref_squeeze %dma_start3A_277 : memref<1x80xi32, #tpu.memory_space<vmem>> -> memref<80xi32, #tpu.memory_space<vmem>>
          %dma_start3A_279 = arith.constant 0 : i32
          %dma_start3A_280 = arith.constant 0 : i32
          %dma_start3A_281 = tpu.memref_slice %arg19[%dma_start3A_279, %dma_start3A_280] : memref<10240x144xf32, #tpu.memory_space<vmem_shared>> -> memref<10240x144xf32, #tpu.memory_space<vmem_shared>>
          tpu.enqueue_indirect_dma source(%arg21 : memref<80x144xf32, #tpu.memory_space<vmem>>) target(%dma_start3A_281 : memref<10240x144xf32, #tpu.memory_space<vmem_shared>>) offsets(%dma_start3A_278 : memref<80xi32, #tpu.memory_space<vmem>>) semaphore(%run_scoped3A : memref<!tpu.dma_semaphore, #tpu.memory_space<semaphore_mem>>) {add = true}
          %dma_wait3A_282 = arith.constant 0 : i32
          %dma_wait3A_283 = tpu.memref_slice %arg23[%mul3A_248, %dma_wait3A_282] : memref<16x80xi32, #tpu.memory_space<vmem>> -> memref<1x80xi32, #tpu.memory_space<vmem>>
          %dma_wait3A_284 = tpu.memref_squeeze %dma_wait3A_283 : memref<1x80xi32, #tpu.memory_space<vmem>> -> memref<80xi32, #tpu.memory_space<vmem>>
          %dma_wait3A_285 = arith.constant 0 : i32
          %dma_wait3A_286 = arith.constant 0 : i32
          %dma_wait3A_287 = tpu.memref_slice %arg19[%dma_wait3A_285, %dma_wait3A_286] : memref<10240x144xf32, #tpu.memory_space<vmem_shared>> -> memref<10240x144xf32, #tpu.memory_space<vmem_shared>>
          tpu.wait_indirect_dma semaphore(%run_scoped3A : memref<!tpu.dma_semaphore, #tpu.memory_space<semaphore_mem>>) src(%arg21 : memref<80x144xf32, #tpu.memory_space<vmem>>) dst(%dma_wait3A_287 : memref<10240x144xf32, #tpu.memory_space<vmem_shared>>)
          tpu.yield
        }) : () -> ()
        %min3A = arith.constant 15 : i32
        %min3A_264 = arith.minsi %add3A_252, %min3A : i32
        %lt3A = arith.constant 16 : i32
        %lt3A_265 = arith.cmpi slt, %add3A_252, %lt3A : i32
        %convert_element_type3A_266 = arith.extui %lt3A_265 : i1 to i32
        %cond3A_267 = arith.constant 0 : i32
        %cond3A_268 = arith.cmpi ne, %convert_element_type3A_266, %cond3A_267 : i32
        scf.if %cond3A_268 {
          %dma_start3A_276 = arith.constant 0 : i32
          %dma_start3A_277 = tpu.memref_slice %arg24[%min3A_264, %dma_start3A_276] : memref<16x80xi32, #tpu.memory_space<vmem>> -> memref<1x80xi32, #tpu.memory_space<vmem>>
          %dma_start3A_278 = tpu.memref_squeeze %dma_start3A_277 : memref<1x80xi32, #tpu.memory_space<vmem>> -> memref<80xi32, #tpu.memory_space<vmem>>
          %dma_start3A_279 = arith.constant 0 : i32
          %dma_start3A_280 = arith.constant 0 : i32
          %dma_start3A_281 = tpu.memref_slice %arg2[%dma_start3A_279, %dma_start3A_280] : memref<10000x144xf32, #tpu.memory_space<hbm>> -> memref<10000x144xf32, #tpu.memory_space<hbm>>
          tpu.enqueue_indirect_dma source(%dma_start3A_281 : memref<10000x144xf32, #tpu.memory_space<hbm>>) target(%arg21 : memref<80x144xf32, #tpu.memory_space<vmem>>) offsets(%dma_start3A_278 : memref<80xi32, #tpu.memory_space<vmem>>) semaphore(%arg25 : memref<!tpu.dma_semaphore, #tpu.memory_space<semaphore_mem>>)
        } else {
        }
        %dma_wait3A_269 = arith.constant 0 : i32
        %dma_wait3A_270 = tpu.memref_slice %arg24[%add3A_250, %dma_wait3A_269] : memref<16x80xi32, #tpu.memory_space<vmem>> -> memref<1x80xi32, #tpu.memory_space<vmem>>
        %dma_wait3A_271 = tpu.memref_squeeze %dma_wait3A_270 : memref<1x80xi32, #tpu.memory_space<vmem>> -> memref<80xi32, #tpu.memory_space<vmem>>
        %dma_wait3A_272 = arith.constant 0 : i32
        %dma_wait3A_273 = arith.constant 0 : i32
        %dma_wait3A_274 = tpu.memref_slice %arg2[%dma_wait3A_272, %dma_wait3A_273] : memref<10000x144xf32, #tpu.memory_space<hbm>> -> memref<10000x144xf32, #tpu.memory_space<hbm>>
        tpu.wait_indirect_dma semaphore(%arg26 : memref<!tpu.dma_semaphore, #tpu.memory_space<semaphore_mem>>) src(%dma_wait3A_274 : memref<10000x144xf32, #tpu.memory_space<hbm>>) dst(%arg22 : memref<80x144xf32, #tpu.memory_space<vmem>>)
        "tpu.region"() ({
          %run_scoped3A = tpu.sem_alloc : memref<!tpu.dma_semaphore, #tpu.memory_space<semaphore_mem>>
          %dma_start3A_276 = arith.constant 0 : i32
          %dma_start3A_277 = tpu.memref_slice %arg23[%add3A_250, %dma_start3A_276] : memref<16x80xi32, #tpu.memory_space<vmem>> -> memref<1x80xi32, #tpu.memory_space<vmem>>
          %dma_start3A_278 = tpu.memref_squeeze %dma_start3A_277 : memref<1x80xi32, #tpu.memory_space<vmem>> -> memref<80xi32, #tpu.memory_space<vmem>>
          %dma_start3A_279 = arith.constant 0 : i32
          %dma_start3A_280 = arith.constant 0 : i32
          %dma_start3A_281 = tpu.memref_slice %arg19[%dma_start3A_279, %dma_start3A_280] : memref<10240x144xf32, #tpu.memory_space<vmem_shared>> -> memref<10240x144xf32, #tpu.memory_space<vmem_shared>>
          tpu.enqueue_indirect_dma source(%arg22 : memref<80x144xf32, #tpu.memory_space<vmem>>) target(%dma_start3A_281 : memref<10240x144xf32, #tpu.memory_space<vmem_shared>>) offsets(%dma_start3A_278 : memref<80xi32, #tpu.memory_space<vmem>>) semaphore(%run_scoped3A : memref<!tpu.dma_semaphore, #tpu.memory_space<semaphore_mem>>) {add = true}
          %dma_wait3A_282 = arith.constant 0 : i32
          %dma_wait3A_283 = tpu.memref_slice %arg23[%add3A_250, %dma_wait3A_282] : memref<16x80xi32, #tpu.memory_space<vmem>> -> memref<1x80xi32, #tpu.memory_space<vmem>>
          %dma_wait3A_284 = tpu.memref_squeeze %dma_wait3A_283 : memref<1x80xi32, #tpu.memory_space<vmem>> -> memref<80xi32, #tpu.memory_space<vmem>>
          %dma_wait3A_285 = arith.constant 0 : i32
          %dma_wait3A_286 = arith.constant 0 : i32
          %dma_wait3A_287 = tpu.memref_slice %arg19[%dma_wait3A_285, %dma_wait3A_286] : memref<10240x144xf32, #tpu.memory_space<vmem_shared>> -> memref<10240x144xf32, #tpu.memory_space<vmem_shared>>
          tpu.wait_indirect_dma semaphore(%run_scoped3A : memref<!tpu.dma_semaphore, #tpu.memory_space<semaphore_mem>>) src(%arg22 : memref<80x144xf32, #tpu.memory_space<vmem>>) dst(%dma_wait3A_287 : memref<10240x144xf32, #tpu.memory_space<vmem_shared>>)
          tpu.yield
        }) : () -> ()
        %scan3A_275 = arith.constant 0 : i32
        scf.yield %scan3A_275 : i32
      }
      %scan3A_121 = arith.constant 8 : i32
      %barrier3A_122 = arith.constant 0 : index
      tpu.barrier barrier_id(%barrier3A_122)
      %scan3A_123 = arith.constant 0 : i32
      %scan3A_124 = arith.constant 0 : i32
      %scan3A_125 = arith.constant 8 : i32
      %scan3A_126 = arith.addi %scan3A_124, %scan3A_125 : i32
      %scan3A_127 = arith.constant 1 : i32
      %scan3A_128 = scf.for %scan3A_245 = %scan3A_124 to %scan3A_126 step %scan3A_127 iter_args(%scan3A_246 = %scan3A_123) -> (i32)  : i32 {
        %mul3A_247 = arith.constant 80 : i32
        %mul3A_248 = arith.muli %scan3A_245, %mul3A_247 : i32
        %add3A_249 = arith.addi %mul3A_0, %mul3A_248 : i32
        "tpu.region"() ({
          %run_scoped3A = tpu.sem_alloc : memref<!tpu.dma_semaphore, #tpu.memory_space<semaphore_mem>>
          %dma_start3A_254 = arith.constant 0 : i32
          %dma_start3A_255 = tpu.memref_slice %arg19[%add3A_249, %dma_start3A_254] : memref<10240x144xf32, #tpu.memory_space<vmem_shared>> -> memref<80x144xf32, #tpu.memory_space<vmem_shared>>
          %dma_start3A_256 = arith.constant 0 : i32
          %dma_start3A_257 = tpu.memref_slice %arg19[%add3A_249, %dma_start3A_256] : memref<10240x144xf32, #tpu.memory_space<vmem_shared>> -> memref<80x144xf32, #tpu.memory_space<vmem_shared>>
          tpu.enqueue_dma source(%dma_start3A_257 : memref<80x144xf32, #tpu.memory_space<vmem_shared>>) target(%arg21 : memref<80x144xf32, #tpu.memory_space<vmem>>) target_semaphore(%run_scoped3A : memref<!tpu.dma_semaphore, #tpu.memory_space<semaphore_mem>>)
          %dma_wait3A = arith.constant 0 : i32
          %dma_wait3A_258 = tpu.memref_slice %arg19[%add3A_249, %dma_wait3A] : memref<10240x144xf32, #tpu.memory_space<vmem_shared>> -> memref<80x144xf32, #tpu.memory_space<vmem_shared>>
          %dma_wait3A_259 = arith.constant 0 : i32
          %dma_wait3A_260 = tpu.memref_slice %arg19[%add3A_249, %dma_wait3A_259] : memref<10240x144xf32, #tpu.memory_space<vmem_shared>> -> memref<80x144xf32, #tpu.memory_space<vmem_shared>>
          tpu.wait_dma2 semaphore(%run_scoped3A : memref<!tpu.dma_semaphore, #tpu.memory_space<semaphore_mem>>) src(%dma_wait3A_260 : memref<80x144xf32, #tpu.memory_space<vmem_shared>>) dst(%arg21 : memref<80x144xf32, #tpu.memory_space<vmem>>)
          tpu.yield
        }) : () -> ()
        %mul3A_250 = arith.constant 80 : i32
        %mul3A_251 = arith.muli %scan3A_245, %mul3A_250 : i32
        %add3A_252 = arith.addi %mul3A_0, %mul3A_251 : i32
        "tpu.region"() ({
          %run_scoped3A = tpu.sem_alloc : memref<!tpu.dma_semaphore, #tpu.memory_space<semaphore_mem>>
          %dma_start3A_254 = arith.constant 0 : i32
          %dma_start3A_255 = tpu.memref_slice %arg14[%add3A_252, %dma_start3A_254] : memref<10240x144xf32, #tpu.memory_space<hbm>> -> memref<80x144xf32, #tpu.memory_space<hbm>>
          %dma_start3A_256 = arith.constant 0 : i32
          %dma_start3A_257 = tpu.memref_slice %arg14[%add3A_252, %dma_start3A_256] : memref<10240x144xf32, #tpu.memory_space<hbm>> -> memref<80x144xf32, #tpu.memory_space<hbm>>
          tpu.enqueue_dma source(%arg21 : memref<80x144xf32, #tpu.memory_space<vmem>>) target(%dma_start3A_257 : memref<80x144xf32, #tpu.memory_space<hbm>>) target_semaphore(%run_scoped3A : memref<!tpu.dma_semaphore, #tpu.memory_space<semaphore_mem>>)
          %dma_wait3A = arith.constant 0 : i32
          %dma_wait3A_258 = tpu.memref_slice %arg14[%add3A_252, %dma_wait3A] : memref<10240x144xf32, #tpu.memory_space<hbm>> -> memref<80x144xf32, #tpu.memory_space<hbm>>
          %dma_wait3A_259 = arith.constant 0 : i32
          %dma_wait3A_260 = tpu.memref_slice %arg14[%add3A_252, %dma_wait3A_259] : memref<10240x144xf32, #tpu.memory_space<hbm>> -> memref<80x144xf32, #tpu.memory_space<hbm>>
          tpu.wait_dma2 semaphore(%run_scoped3A : memref<!tpu.dma_semaphore, #tpu.memory_space<semaphore_mem>>) src(%arg21 : memref<80x144xf32, #tpu.memory_space<vmem>>) dst(%dma_wait3A_260 : memref<80x144xf32, #tpu.memory_space<hbm>>)
          tpu.yield
        }) : () -> ()
        %scan3A_253 = arith.constant 0 : i32
        scf.yield %scan3A_253 : i32
      }
      %scan3A_129 = arith.constant 8 : i32
      %barrier3A_130 = arith.constant 0 : index
      tpu.barrier barrier_id(%barrier3A_130)
      %add3A_131 = arith.constant 0 : i32
      %add3A_132 = arith.addi %mul3A_0, %add3A_131 : i32
      "tpu.region"() ({
        %run_scoped3A = tpu.sem_alloc : memref<!tpu.dma_semaphore, #tpu.memory_space<semaphore_mem>>
        %dma_start3A_245 = arith.constant 0 : i32
        %dma_start3A_246 = tpu.memref_slice %arg19[%add3A_132, %dma_start3A_245] : memref<10240x144xf32, #tpu.memory_space<vmem_shared>> -> memref<64x144xf32, #tpu.memory_space<vmem_shared>>
        %dma_start3A_247 = arith.constant 0 : i32
        %dma_start3A_248 = tpu.memref_slice %arg19[%add3A_132, %dma_start3A_247] : memref<10240x144xf32, #tpu.memory_space<vmem_shared>> -> memref<64x144xf32, #tpu.memory_space<vmem_shared>>
        tpu.enqueue_dma source(%arg20 : memref<64x144xf32, #tpu.memory_space<vmem>>) target(%dma_start3A_248 : memref<64x144xf32, #tpu.memory_space<vmem_shared>>) target_semaphore(%run_scoped3A : memref<!tpu.dma_semaphore, #tpu.memory_space<semaphore_mem>>)
        %dma_wait3A = arith.constant 0 : i32
        %dma_wait3A_249 = tpu.memref_slice %arg19[%add3A_132, %dma_wait3A] : memref<10240x144xf32, #tpu.memory_space<vmem_shared>> -> memref<64x144xf32, #tpu.memory_space<vmem_shared>>
        %dma_wait3A_250 = arith.constant 0 : i32
        %dma_wait3A_251 = tpu.memref_slice %arg19[%add3A_132, %dma_wait3A_250] : memref<10240x144xf32, #tpu.memory_space<vmem_shared>> -> memref<64x144xf32, #tpu.memory_space<vmem_shared>>
        tpu.wait_dma2 semaphore(%run_scoped3A : memref<!tpu.dma_semaphore, #tpu.memory_space<semaphore_mem>>) src(%arg20 : memref<64x144xf32, #tpu.memory_space<vmem>>) dst(%dma_wait3A_251 : memref<64x144xf32, #tpu.memory_space<vmem_shared>>)
        tpu.yield
      }) : () -> ()
      %add3A_133 = arith.constant 64 : i32
      %add3A_134 = arith.addi %mul3A_0, %add3A_133 : i32
      "tpu.region"() ({
        %run_scoped3A = tpu.sem_alloc : memref<!tpu.dma_semaphore, #tpu.memory_space<semaphore_mem>>
        %dma_start3A_245 = arith.constant 0 : i32
        %dma_start3A_246 = tpu.memref_slice %arg19[%add3A_134, %dma_start3A_245] : memref<10240x144xf32, #tpu.memory_space<vmem_shared>> -> memref<64x144xf32, #tpu.memory_space<vmem_shared>>
        %dma_start3A_247 = arith.constant 0 : i32
        %dma_start3A_248 = tpu.memref_slice %arg19[%add3A_134, %dma_start3A_247] : memref<10240x144xf32, #tpu.memory_space<vmem_shared>> -> memref<64x144xf32, #tpu.memory_space<vmem_shared>>
        tpu.enqueue_dma source(%arg20 : memref<64x144xf32, #tpu.memory_space<vmem>>) target(%dma_start3A_248 : memref<64x144xf32, #tpu.memory_space<vmem_shared>>) target_semaphore(%run_scoped3A : memref<!tpu.dma_semaphore, #tpu.memory_space<semaphore_mem>>)
        %dma_wait3A = arith.constant 0 : i32
        %dma_wait3A_249 = tpu.memref_slice %arg19[%add3A_134, %dma_wait3A] : memref<10240x144xf32, #tpu.memory_space<vmem_shared>> -> memref<64x144xf32, #tpu.memory_space<vmem_shared>>
        %dma_wait3A_250 = arith.constant 0 : i32
        %dma_wait3A_251 = tpu.memref_slice %arg19[%add3A_134, %dma_wait3A_250] : memref<10240x144xf32, #tpu.memory_space<vmem_shared>> -> memref<64x144xf32, #tpu.memory_space<vmem_shared>>
        tpu.wait_dma2 semaphore(%run_scoped3A : memref<!tpu.dma_semaphore, #tpu.memory_space<semaphore_mem>>) src(%arg20 : memref<64x144xf32, #tpu.memory_space<vmem>>) dst(%dma_wait3A_251 : memref<64x144xf32, #tpu.memory_space<vmem_shared>>)
        tpu.yield
      }) : () -> ()
      %add3A_135 = arith.constant 128 : i32
      %add3A_136 = arith.addi %mul3A_0, %add3A_135 : i32
      "tpu.region"() ({
        %run_scoped3A = tpu.sem_alloc : memref<!tpu.dma_semaphore, #tpu.memory_space<semaphore_mem>>
        %dma_start3A_245 = arith.constant 0 : i32
        %dma_start3A_246 = tpu.memref_slice %arg19[%add3A_136, %dma_start3A_245] : memref<10240x144xf32, #tpu.memory_space<vmem_shared>> -> memref<64x144xf32, #tpu.memory_space<vmem_shared>>
        %dma_start3A_247 = arith.constant 0 : i32
        %dma_start3A_248 = tpu.memref_slice %arg19[%add3A_136, %dma_start3A_247] : memref<10240x144xf32, #tpu.memory_space<vmem_shared>> -> memref<64x144xf32, #tpu.memory_space<vmem_shared>>
        tpu.enqueue_dma source(%arg20 : memref<64x144xf32, #tpu.memory_space<vmem>>) target(%dma_start3A_248 : memref<64x144xf32, #tpu.memory_space<vmem_shared>>) target_semaphore(%run_scoped3A : memref<!tpu.dma_semaphore, #tpu.memory_space<semaphore_mem>>)
        %dma_wait3A = arith.constant 0 : i32
        %dma_wait3A_249 = tpu.memref_slice %arg19[%add3A_136, %dma_wait3A] : memref<10240x144xf32, #tpu.memory_space<vmem_shared>> -> memref<64x144xf32, #tpu.memory_space<vmem_shared>>
        %dma_wait3A_250 = arith.constant 0 : i32
        %dma_wait3A_251 = tpu.memref_slice %arg19[%add3A_136, %dma_wait3A_250] : memref<10240x144xf32, #tpu.memory_space<vmem_shared>> -> memref<64x144xf32, #tpu.memory_space<vmem_shared>>
        tpu.wait_dma2 semaphore(%run_scoped3A : memref<!tpu.dma_semaphore, #tpu.memory_space<semaphore_mem>>) src(%arg20 : memref<64x144xf32, #tpu.memory_space<vmem>>) dst(%dma_wait3A_251 : memref<64x144xf32, #tpu.memory_space<vmem_shared>>)
        tpu.yield
      }) : () -> ()
      %add3A_137 = arith.constant 192 : i32
      %add3A_138 = arith.addi %mul3A_0, %add3A_137 : i32
      "tpu.region"() ({
        %run_scoped3A = tpu.sem_alloc : memref<!tpu.dma_semaphore, #tpu.memory_space<semaphore_mem>>
        %dma_start3A_245 = arith.constant 0 : i32
        %dma_start3A_246 = tpu.memref_slice %arg19[%add3A_138, %dma_start3A_245] : memref<10240x144xf32, #tpu.memory_space<vmem_shared>> -> memref<64x144xf32, #tpu.memory_space<vmem_shared>>
        %dma_start3A_247 = arith.constant 0 : i32
        %dma_start3A_248 = tpu.memref_slice %arg19[%add3A_138, %dma_start3A_247] : memref<10240x144xf32, #tpu.memory_space<vmem_shared>> -> memref<64x144xf32, #tpu.memory_space<vmem_shared>>
        tpu.enqueue_dma source(%arg20 : memref<64x144xf32, #tpu.memory_space<vmem>>) target(%dma_start3A_248 : memref<64x144xf32, #tpu.memory_space<vmem_shared>>) target_semaphore(%run_scoped3A : memref<!tpu.dma_semaphore, #tpu.memory_space<semaphore_mem>>)
        %dma_wait3A = arith.constant 0 : i32
        %dma_wait3A_249 = tpu.memref_slice %arg19[%add3A_138, %dma_wait3A] : memref<10240x144xf32, #tpu.memory_space<vmem_shared>> -> memref<64x144xf32, #tpu.memory_space<vmem_shared>>
        %dma_wait3A_250 = arith.constant 0 : i32
        %dma_wait3A_251 = tpu.memref_slice %arg19[%add3A_138, %dma_wait3A_250] : memref<10240x144xf32, #tpu.memory_space<vmem_shared>> -> memref<64x144xf32, #tpu.memory_space<vmem_shared>>
        tpu.wait_dma2 semaphore(%run_scoped3A : memref<!tpu.dma_semaphore, #tpu.memory_space<semaphore_mem>>) src(%arg20 : memref<64x144xf32, #tpu.memory_space<vmem>>) dst(%dma_wait3A_251 : memref<64x144xf32, #tpu.memory_space<vmem_shared>>)
        tpu.yield
      }) : () -> ()
      %add3A_139 = arith.constant 256 : i32
      %add3A_140 = arith.addi %mul3A_0, %add3A_139 : i32
      "tpu.region"() ({
        %run_scoped3A = tpu.sem_alloc : memref<!tpu.dma_semaphore, #tpu.memory_space<semaphore_mem>>
        %dma_start3A_245 = arith.constant 0 : i32
        %dma_start3A_246 = tpu.memref_slice %arg19[%add3A_140, %dma_start3A_245] : memref<10240x144xf32, #tpu.memory_space<vmem_shared>> -> memref<64x144xf32, #tpu.memory_space<vmem_shared>>
        %dma_start3A_247 = arith.constant 0 : i32
        %dma_start3A_248 = tpu.memref_slice %arg19[%add3A_140, %dma_start3A_247] : memref<10240x144xf32, #tpu.memory_space<vmem_shared>> -> memref<64x144xf32, #tpu.memory_space<vmem_shared>>
        tpu.enqueue_dma source(%arg20 : memref<64x144xf32, #tpu.memory_space<vmem>>) target(%dma_start3A_248 : memref<64x144xf32, #tpu.memory_space<vmem_shared>>) target_semaphore(%run_scoped3A : memref<!tpu.dma_semaphore, #tpu.memory_space<semaphore_mem>>)
        %dma_wait3A = arith.constant 0 : i32
        %dma_wait3A_249 = tpu.memref_slice %arg19[%add3A_140, %dma_wait3A] : memref<10240x144xf32, #tpu.memory_space<vmem_shared>> -> memref<64x144xf32, #tpu.memory_space<vmem_shared>>
        %dma_wait3A_250 = arith.constant 0 : i32
        %dma_wait3A_251 = tpu.memref_slice %arg19[%add3A_140, %dma_wait3A_250] : memref<10240x144xf32, #tpu.memory_space<vmem_shared>> -> memref<64x144xf32, #tpu.memory_space<vmem_shared>>
        tpu.wait_dma2 semaphore(%run_scoped3A : memref<!tpu.dma_semaphore, #tpu.memory_space<semaphore_mem>>) src(%arg20 : memref<64x144xf32, #tpu.memory_space<vmem>>) dst(%dma_wait3A_251 : memref<64x144xf32, #tpu.memory_space<vmem_shared>>)
        tpu.yield
      }) : () -> ()
      %add3A_141 = arith.constant 320 : i32
      %add3A_142 = arith.addi %mul3A_0, %add3A_141 : i32
      "tpu.region"() ({
        %run_scoped3A = tpu.sem_alloc : memref<!tpu.dma_semaphore, #tpu.memory_space<semaphore_mem>>
        %dma_start3A_245 = arith.constant 0 : i32
        %dma_start3A_246 = tpu.memref_slice %arg19[%add3A_142, %dma_start3A_245] : memref<10240x144xf32, #tpu.memory_space<vmem_shared>> -> memref<64x144xf32, #tpu.memory_space<vmem_shared>>
        %dma_start3A_247 = arith.constant 0 : i32
        %dma_start3A_248 = tpu.memref_slice %arg19[%add3A_142, %dma_start3A_247] : memref<10240x144xf32, #tpu.memory_space<vmem_shared>> -> memref<64x144xf32, #tpu.memory_space<vmem_shared>>
        tpu.enqueue_dma source(%arg20 : memref<64x144xf32, #tpu.memory_space<vmem>>) target(%dma_start3A_248 : memref<64x144xf32, #tpu.memory_space<vmem_shared>>) target_semaphore(%run_scoped3A : memref<!tpu.dma_semaphore, #tpu.memory_space<semaphore_mem>>)
        %dma_wait3A = arith.constant 0 : i32
        %dma_wait3A_249 = tpu.memref_slice %arg19[%add3A_142, %dma_wait3A] : memref<10240x144xf32, #tpu.memory_space<vmem_shared>> -> memref<64x144xf32, #tpu.memory_space<vmem_shared>>
        %dma_wait3A_250 = arith.constant 0 : i32
        %dma_wait3A_251 = tpu.memref_slice %arg19[%add3A_142, %dma_wait3A_250] : memref<10240x144xf32, #tpu.memory_space<vmem_shared>> -> memref<64x144xf32, #tpu.memory_space<vmem_shared>>
        tpu.wait_dma2 semaphore(%run_scoped3A : memref<!tpu.dma_semaphore, #tpu.memory_space<semaphore_mem>>) src(%arg20 : memref<64x144xf32, #tpu.memory_space<vmem>>) dst(%dma_wait3A_251 : memref<64x144xf32, #tpu.memory_space<vmem_shared>>)
        tpu.yield
      }) : () -> ()
      %add3A_143 = arith.constant 384 : i32
      %add3A_144 = arith.addi %mul3A_0, %add3A_143 : i32
      "tpu.region"() ({
        %run_scoped3A = tpu.sem_alloc : memref<!tpu.dma_semaphore, #tpu.memory_space<semaphore_mem>>
        %dma_start3A_245 = arith.constant 0 : i32
        %dma_start3A_246 = tpu.memref_slice %arg19[%add3A_144, %dma_start3A_245] : memref<10240x144xf32, #tpu.memory_space<vmem_shared>> -> memref<64x144xf32, #tpu.memory_space<vmem_shared>>
        %dma_start3A_247 = arith.constant 0 : i32
        %dma_start3A_248 = tpu.memref_slice %arg19[%add3A_144, %dma_start3A_247] : memref<10240x144xf32, #tpu.memory_space<vmem_shared>> -> memref<64x144xf32, #tpu.memory_space<vmem_shared>>
        tpu.enqueue_dma source(%arg20 : memref<64x144xf32, #tpu.memory_space<vmem>>) target(%dma_start3A_248 : memref<64x144xf32, #tpu.memory_space<vmem_shared>>) target_semaphore(%run_scoped3A : memref<!tpu.dma_semaphore, #tpu.memory_space<semaphore_mem>>)
        %dma_wait3A = arith.constant 0 : i32
        %dma_wait3A_249 = tpu.memref_slice %arg19[%add3A_144, %dma_wait3A] : memref<10240x144xf32, #tpu.memory_space<vmem_shared>> -> memref<64x144xf32, #tpu.memory_space<vmem_shared>>
        %dma_wait3A_250 = arith.constant 0 : i32
        %dma_wait3A_251 = tpu.memref_slice %arg19[%add3A_144, %dma_wait3A_250] : memref<10240x144xf32, #tpu.memory_space<vmem_shared>> -> memref<64x144xf32, #tpu.memory_space<vmem_shared>>
        tpu.wait_dma2 semaphore(%run_scoped3A : memref<!tpu.dma_semaphore, #tpu.memory_space<semaphore_mem>>) src(%arg20 : memref<64x144xf32, #tpu.memory_space<vmem>>) dst(%dma_wait3A_251 : memref<64x144xf32, #tpu.memory_space<vmem_shared>>)
        tpu.yield
      }) : () -> ()
      %add3A_145 = arith.constant 448 : i32
      %add3A_146 = arith.addi %mul3A_0, %add3A_145 : i32
      "tpu.region"() ({
        %run_scoped3A = tpu.sem_alloc : memref<!tpu.dma_semaphore, #tpu.memory_space<semaphore_mem>>
        %dma_start3A_245 = arith.constant 0 : i32
        %dma_start3A_246 = tpu.memref_slice %arg19[%add3A_146, %dma_start3A_245] : memref<10240x144xf32, #tpu.memory_space<vmem_shared>> -> memref<64x144xf32, #tpu.memory_space<vmem_shared>>
        %dma_start3A_247 = arith.constant 0 : i32
        %dma_start3A_248 = tpu.memref_slice %arg19[%add3A_146, %dma_start3A_247] : memref<10240x144xf32, #tpu.memory_space<vmem_shared>> -> memref<64x144xf32, #tpu.memory_space<vmem_shared>>
        tpu.enqueue_dma source(%arg20 : memref<64x144xf32, #tpu.memory_space<vmem>>) target(%dma_start3A_248 : memref<64x144xf32, #tpu.memory_space<vmem_shared>>) target_semaphore(%run_scoped3A : memref<!tpu.dma_semaphore, #tpu.memory_space<semaphore_mem>>)
        %dma_wait3A = arith.constant 0 : i32
        %dma_wait3A_249 = tpu.memref_slice %arg19[%add3A_146, %dma_wait3A] : memref<10240x144xf32, #tpu.memory_space<vmem_shared>> -> memref<64x144xf32, #tpu.memory_space<vmem_shared>>
        %dma_wait3A_250 = arith.constant 0 : i32
        %dma_wait3A_251 = tpu.memref_slice %arg19[%add3A_146, %dma_wait3A_250] : memref<10240x144xf32, #tpu.memory_space<vmem_shared>> -> memref<64x144xf32, #tpu.memory_space<vmem_shared>>
        tpu.wait_dma2 semaphore(%run_scoped3A : memref<!tpu.dma_semaphore, #tpu.memory_space<semaphore_mem>>) src(%arg20 : memref<64x144xf32, #tpu.memory_space<vmem>>) dst(%dma_wait3A_251 : memref<64x144xf32, #tpu.memory_space<vmem_shared>>)
        tpu.yield
      }) : () -> ()
      %add3A_147 = arith.constant 512 : i32
      %add3A_148 = arith.addi %mul3A_0, %add3A_147 : i32
      "tpu.region"() ({
        %run_scoped3A = tpu.sem_alloc : memref<!tpu.dma_semaphore, #tpu.memory_space<semaphore_mem>>
        %dma_start3A_245 = arith.constant 0 : i32
        %dma_start3A_246 = tpu.memref_slice %arg19[%add3A_148, %dma_start3A_245] : memref<10240x144xf32, #tpu.memory_space<vmem_shared>> -> memref<64x144xf32, #tpu.memory_space<vmem_shared>>
        %dma_start3A_247 = arith.constant 0 : i32
        %dma_start3A_248 = tpu.memref_slice %arg19[%add3A_148, %dma_start3A_247] : memref<10240x144xf32, #tpu.memory_space<vmem_shared>> -> memref<64x144xf32, #tpu.memory_space<vmem_shared>>
        tpu.enqueue_dma source(%arg20 : memref<64x144xf32, #tpu.memory_space<vmem>>) target(%dma_start3A_248 : memref<64x144xf32, #tpu.memory_space<vmem_shared>>) target_semaphore(%run_scoped3A : memref<!tpu.dma_semaphore, #tpu.memory_space<semaphore_mem>>)
        %dma_wait3A = arith.constant 0 : i32
        %dma_wait3A_249 = tpu.memref_slice %arg19[%add3A_148, %dma_wait3A] : memref<10240x144xf32, #tpu.memory_space<vmem_shared>> -> memref<64x144xf32, #tpu.memory_space<vmem_shared>>
        %dma_wait3A_250 = arith.constant 0 : i32
        %dma_wait3A_251 = tpu.memref_slice %arg19[%add3A_148, %dma_wait3A_250] : memref<10240x144xf32, #tpu.memory_space<vmem_shared>> -> memref<64x144xf32, #tpu.memory_space<vmem_shared>>
        tpu.wait_dma2 semaphore(%run_scoped3A : memref<!tpu.dma_semaphore, #tpu.memory_space<semaphore_mem>>) src(%arg20 : memref<64x144xf32, #tpu.memory_space<vmem>>) dst(%dma_wait3A_251 : memref<64x144xf32, #tpu.memory_space<vmem_shared>>)
        tpu.yield
      }) : () -> ()
      %add3A_149 = arith.constant 576 : i32
      %add3A_150 = arith.addi %mul3A_0, %add3A_149 : i32
      "tpu.region"() ({
        %run_scoped3A = tpu.sem_alloc : memref<!tpu.dma_semaphore, #tpu.memory_space<semaphore_mem>>
        %dma_start3A_245 = arith.constant 0 : i32
        %dma_start3A_246 = tpu.memref_slice %arg19[%add3A_150, %dma_start3A_245] : memref<10240x144xf32, #tpu.memory_space<vmem_shared>> -> memref<64x144xf32, #tpu.memory_space<vmem_shared>>
        %dma_start3A_247 = arith.constant 0 : i32
        %dma_start3A_248 = tpu.memref_slice %arg19[%add3A_150, %dma_start3A_247] : memref<10240x144xf32, #tpu.memory_space<vmem_shared>> -> memref<64x144xf32, #tpu.memory_space<vmem_shared>>
        tpu.enqueue_dma source(%arg20 : memref<64x144xf32, #tpu.memory_space<vmem>>) target(%dma_start3A_248 : memref<64x144xf32, #tpu.memory_space<vmem_shared>>) target_semaphore(%run_scoped3A : memref<!tpu.dma_semaphore, #tpu.memory_space<semaphore_mem>>)
        %dma_wait3A = arith.constant 0 : i32
        %dma_wait3A_249 = tpu.memref_slice %arg19[%add3A_150, %dma_wait3A] : memref<10240x144xf32, #tpu.memory_space<vmem_shared>> -> memref<64x144xf32, #tpu.memory_space<vmem_shared>>
        %dma_wait3A_250 = arith.constant 0 : i32
        %dma_wait3A_251 = tpu.memref_slice %arg19[%add3A_150, %dma_wait3A_250] : memref<10240x144xf32, #tpu.memory_space<vmem_shared>> -> memref<64x144xf32, #tpu.memory_space<vmem_shared>>
        tpu.wait_dma2 semaphore(%run_scoped3A : memref<!tpu.dma_semaphore, #tpu.memory_space<semaphore_mem>>) src(%arg20 : memref<64x144xf32, #tpu.memory_space<vmem>>) dst(%dma_wait3A_251 : memref<64x144xf32, #tpu.memory_space<vmem_shared>>)
        tpu.yield
      }) : () -> ()
      %barrier3A_151 = arith.constant 0 : index
      tpu.barrier barrier_id(%barrier3A_151)
      %mul3A_152 = arith.constant 32 : i32
      %mul3A_153 = arith.muli %arg1, %mul3A_152 : i32
      %add3A_154 = arith.constant 0 : i32
      %add3A_155 = arith.addi %mul3A_153, %add3A_154 : i32
      "tpu.region"() ({
        %run_scoped3A = tpu.sem_alloc : memref<!tpu.dma_semaphore, #tpu.memory_space<semaphore_mem>>
        %dma_start3A_245 = arith.constant 0 : i32
        %dma_start3A_246 = tpu.memref_slice %arg6[%add3A_155, %dma_start3A_245] : memref<512x80xi32, #tpu.memory_space<hbm>> -> memref<16x80xi32, #tpu.memory_space<hbm>>
        %dma_start3A_247 = arith.constant 0 : i32
        %dma_start3A_248 = tpu.memref_slice %arg6[%add3A_155, %dma_start3A_247] : memref<512x80xi32, #tpu.memory_space<hbm>> -> memref<16x80xi32, #tpu.memory_space<hbm>>
        tpu.enqueue_dma source(%dma_start3A_248 : memref<16x80xi32, #tpu.memory_space<hbm>>) target(%arg23 : memref<16x80xi32, #tpu.memory_space<vmem>>) target_semaphore(%run_scoped3A : memref<!tpu.dma_semaphore, #tpu.memory_space<semaphore_mem>>)
        %dma_wait3A = arith.constant 0 : i32
        %dma_wait3A_249 = tpu.memref_slice %arg6[%add3A_155, %dma_wait3A] : memref<512x80xi32, #tpu.memory_space<hbm>> -> memref<16x80xi32, #tpu.memory_space<hbm>>
        %dma_wait3A_250 = arith.constant 0 : i32
        %dma_wait3A_251 = tpu.memref_slice %arg6[%add3A_155, %dma_wait3A_250] : memref<512x80xi32, #tpu.memory_space<hbm>> -> memref<16x80xi32, #tpu.memory_space<hbm>>
        tpu.wait_dma2 semaphore(%run_scoped3A : memref<!tpu.dma_semaphore, #tpu.memory_space<semaphore_mem>>) src(%dma_wait3A_251 : memref<16x80xi32, #tpu.memory_space<hbm>>) dst(%arg23 : memref<16x80xi32, #tpu.memory_space<vmem>>)
        tpu.yield
      }) : () -> ()
      "tpu.region"() ({
        %run_scoped3A = tpu.sem_alloc : memref<!tpu.dma_semaphore, #tpu.memory_space<semaphore_mem>>
        %dma_start3A_245 = arith.constant 0 : i32
        %dma_start3A_246 = tpu.memref_slice %arg8[%add3A_155, %dma_start3A_245] : memref<512x80xi32, #tpu.memory_space<hbm>> -> memref<16x80xi32, #tpu.memory_space<hbm>>
        %dma_start3A_247 = arith.constant 0 : i32
        %dma_start3A_248 = tpu.memref_slice %arg8[%add3A_155, %dma_start3A_247] : memref<512x80xi32, #tpu.memory_space<hbm>> -> memref<16x80xi32, #tpu.memory_space<hbm>>
        tpu.enqueue_dma source(%dma_start3A_248 : memref<16x80xi32, #tpu.memory_space<hbm>>) target(%arg24 : memref<16x80xi32, #tpu.memory_space<vmem>>) target_semaphore(%run_scoped3A : memref<!tpu.dma_semaphore, #tpu.memory_space<semaphore_mem>>)
        %dma_wait3A = arith.constant 0 : i32
        %dma_wait3A_249 = tpu.memref_slice %arg8[%add3A_155, %dma_wait3A] : memref<512x80xi32, #tpu.memory_space<hbm>> -> memref<16x80xi32, #tpu.memory_space<hbm>>
        %dma_wait3A_250 = arith.constant 0 : i32
        %dma_wait3A_251 = tpu.memref_slice %arg8[%add3A_155, %dma_wait3A_250] : memref<512x80xi32, #tpu.memory_space<hbm>> -> memref<16x80xi32, #tpu.memory_space<hbm>>
        tpu.wait_dma2 semaphore(%run_scoped3A : memref<!tpu.dma_semaphore, #tpu.memory_space<semaphore_mem>>) src(%dma_wait3A_251 : memref<16x80xi32, #tpu.memory_space<hbm>>) dst(%arg24 : memref<16x80xi32, #tpu.memory_space<vmem>>)
        tpu.yield
      }) : () -> ()
      %dma_start3A_156 = arith.constant 0 : i32
      %dma_start3A_157 = arith.constant 0 : i32
      %dma_start3A_158 = tpu.memref_slice %arg24[%dma_start3A_156, %dma_start3A_157] : memref<16x80xi32, #tpu.memory_space<vmem>> -> memref<1x80xi32, #tpu.memory_space<vmem>>
      %dma_start3A_159 = tpu.memref_squeeze %dma_start3A_158 : memref<1x80xi32, #tpu.memory_space<vmem>> -> memref<80xi32, #tpu.memory_space<vmem>>
      %dma_start3A_160 = arith.constant 0 : i32
      %dma_start3A_161 = arith.constant 0 : i32
      %dma_start3A_162 = tpu.memref_slice %arg2[%dma_start3A_160, %dma_start3A_161] : memref<10000x144xf32, #tpu.memory_space<hbm>> -> memref<10000x144xf32, #tpu.memory_space<hbm>>
      tpu.enqueue_indirect_dma source(%dma_start3A_162 : memref<10000x144xf32, #tpu.memory_space<hbm>>) target(%arg21 : memref<80x144xf32, #tpu.memory_space<vmem>>) offsets(%dma_start3A_159 : memref<80xi32, #tpu.memory_space<vmem>>) semaphore(%arg25 : memref<!tpu.dma_semaphore, #tpu.memory_space<semaphore_mem>>)
      %scan3A_163 = arith.constant 0 : i32
      %scan3A_164 = arith.constant 0 : i32
      %scan3A_165 = arith.constant 8 : i32
      %scan3A_166 = arith.addi %scan3A_164, %scan3A_165 : i32
      %scan3A_167 = arith.constant 1 : i32
      %scan3A_168 = scf.for %scan3A_245 = %scan3A_164 to %scan3A_166 step %scan3A_167 iter_args(%scan3A_246 = %scan3A_163) -> (i32)  : i32 {
        %mul3A_247 = arith.constant 2 : i32
        %mul3A_248 = arith.muli %mul3A_247, %scan3A_245 : i32
        %add3A_249 = arith.constant 1 : i32
        %add3A_250 = arith.addi %mul3A_248, %add3A_249 : i32
        %add3A_251 = arith.constant 2 : i32
        %add3A_252 = arith.addi %mul3A_248, %add3A_251 : i32
        %dma_wait3A = arith.constant 0 : i32
        %dma_wait3A_253 = tpu.memref_slice %arg24[%mul3A_248, %dma_wait3A] : memref<16x80xi32, #tpu.memory_space<vmem>> -> memref<1x80xi32, #tpu.memory_space<vmem>>
        %dma_wait3A_254 = tpu.memref_squeeze %dma_wait3A_253 : memref<1x80xi32, #tpu.memory_space<vmem>> -> memref<80xi32, #tpu.memory_space<vmem>>
        %dma_wait3A_255 = arith.constant 0 : i32
        %dma_wait3A_256 = arith.constant 0 : i32
        %dma_wait3A_257 = tpu.memref_slice %arg2[%dma_wait3A_255, %dma_wait3A_256] : memref<10000x144xf32, #tpu.memory_space<hbm>> -> memref<10000x144xf32, #tpu.memory_space<hbm>>
        tpu.wait_indirect_dma semaphore(%arg25 : memref<!tpu.dma_semaphore, #tpu.memory_space<semaphore_mem>>) src(%dma_wait3A_257 : memref<10000x144xf32, #tpu.memory_space<hbm>>) dst(%arg21 : memref<80x144xf32, #tpu.memory_space<vmem>>)
        %dma_start3A_258 = arith.constant 0 : i32
        %dma_start3A_259 = tpu.memref_slice %arg24[%add3A_250, %dma_start3A_258] : memref<16x80xi32, #tpu.memory_space<vmem>> -> memref<1x80xi32, #tpu.memory_space<vmem>>
        %dma_start3A_260 = tpu.memref_squeeze %dma_start3A_259 : memref<1x80xi32, #tpu.memory_space<vmem>> -> memref<80xi32, #tpu.memory_space<vmem>>
        %dma_start3A_261 = arith.constant 0 : i32
        %dma_start3A_262 = arith.constant 0 : i32
        %dma_start3A_263 = tpu.memref_slice %arg2[%dma_start3A_261, %dma_start3A_262] : memref<10000x144xf32, #tpu.memory_space<hbm>> -> memref<10000x144xf32, #tpu.memory_space<hbm>>
        tpu.enqueue_indirect_dma source(%dma_start3A_263 : memref<10000x144xf32, #tpu.memory_space<hbm>>) target(%arg22 : memref<80x144xf32, #tpu.memory_space<vmem>>) offsets(%dma_start3A_260 : memref<80xi32, #tpu.memory_space<vmem>>) semaphore(%arg26 : memref<!tpu.dma_semaphore, #tpu.memory_space<semaphore_mem>>)
        "tpu.region"() ({
          %run_scoped3A = tpu.sem_alloc : memref<!tpu.dma_semaphore, #tpu.memory_space<semaphore_mem>>
          %dma_start3A_276 = arith.constant 0 : i32
          %dma_start3A_277 = tpu.memref_slice %arg23[%mul3A_248, %dma_start3A_276] : memref<16x80xi32, #tpu.memory_space<vmem>> -> memref<1x80xi32, #tpu.memory_space<vmem>>
          %dma_start3A_278 = tpu.memref_squeeze %dma_start3A_277 : memref<1x80xi32, #tpu.memory_space<vmem>> -> memref<80xi32, #tpu.memory_space<vmem>>
          %dma_start3A_279 = arith.constant 0 : i32
          %dma_start3A_280 = arith.constant 0 : i32
          %dma_start3A_281 = tpu.memref_slice %arg19[%dma_start3A_279, %dma_start3A_280] : memref<10240x144xf32, #tpu.memory_space<vmem_shared>> -> memref<10240x144xf32, #tpu.memory_space<vmem_shared>>
          tpu.enqueue_indirect_dma source(%arg21 : memref<80x144xf32, #tpu.memory_space<vmem>>) target(%dma_start3A_281 : memref<10240x144xf32, #tpu.memory_space<vmem_shared>>) offsets(%dma_start3A_278 : memref<80xi32, #tpu.memory_space<vmem>>) semaphore(%run_scoped3A : memref<!tpu.dma_semaphore, #tpu.memory_space<semaphore_mem>>) {add = true}
          %dma_wait3A_282 = arith.constant 0 : i32
          %dma_wait3A_283 = tpu.memref_slice %arg23[%mul3A_248, %dma_wait3A_282] : memref<16x80xi32, #tpu.memory_space<vmem>> -> memref<1x80xi32, #tpu.memory_space<vmem>>
          %dma_wait3A_284 = tpu.memref_squeeze %dma_wait3A_283 : memref<1x80xi32, #tpu.memory_space<vmem>> -> memref<80xi32, #tpu.memory_space<vmem>>
          %dma_wait3A_285 = arith.constant 0 : i32
          %dma_wait3A_286 = arith.constant 0 : i32
          %dma_wait3A_287 = tpu.memref_slice %arg19[%dma_wait3A_285, %dma_wait3A_286] : memref<10240x144xf32, #tpu.memory_space<vmem_shared>> -> memref<10240x144xf32, #tpu.memory_space<vmem_shared>>
          tpu.wait_indirect_dma semaphore(%run_scoped3A : memref<!tpu.dma_semaphore, #tpu.memory_space<semaphore_mem>>) src(%arg21 : memref<80x144xf32, #tpu.memory_space<vmem>>) dst(%dma_wait3A_287 : memref<10240x144xf32, #tpu.memory_space<vmem_shared>>)
          tpu.yield
        }) : () -> ()
        %min3A = arith.constant 15 : i32
        %min3A_264 = arith.minsi %add3A_252, %min3A : i32
        %lt3A = arith.constant 16 : i32
        %lt3A_265 = arith.cmpi slt, %add3A_252, %lt3A : i32
        %convert_element_type3A_266 = arith.extui %lt3A_265 : i1 to i32
        %cond3A_267 = arith.constant 0 : i32
        %cond3A_268 = arith.cmpi ne, %convert_element_type3A_266, %cond3A_267 : i32
        scf.if %cond3A_268 {
          %dma_start3A_276 = arith.constant 0 : i32
          %dma_start3A_277 = tpu.memref_slice %arg24[%min3A_264, %dma_start3A_276] : memref<16x80xi32, #tpu.memory_space<vmem>> -> memref<1x80xi32, #tpu.memory_space<vmem>>
          %dma_start3A_278 = tpu.memref_squeeze %dma_start3A_277 : memref<1x80xi32, #tpu.memory_space<vmem>> -> memref<80xi32, #tpu.memory_space<vmem>>
          %dma_start3A_279 = arith.constant 0 : i32
          %dma_start3A_280 = arith.constant 0 : i32
          %dma_start3A_281 = tpu.memref_slice %arg2[%dma_start3A_279, %dma_start3A_280] : memref<10000x144xf32, #tpu.memory_space<hbm>> -> memref<10000x144xf32, #tpu.memory_space<hbm>>
          tpu.enqueue_indirect_dma source(%dma_start3A_281 : memref<10000x144xf32, #tpu.memory_space<hbm>>) target(%arg21 : memref<80x144xf32, #tpu.memory_space<vmem>>) offsets(%dma_start3A_278 : memref<80xi32, #tpu.memory_space<vmem>>) semaphore(%arg25 : memref<!tpu.dma_semaphore, #tpu.memory_space<semaphore_mem>>)
        } else {
        }
        %dma_wait3A_269 = arith.constant 0 : i32
        %dma_wait3A_270 = tpu.memref_slice %arg24[%add3A_250, %dma_wait3A_269] : memref<16x80xi32, #tpu.memory_space<vmem>> -> memref<1x80xi32, #tpu.memory_space<vmem>>
        %dma_wait3A_271 = tpu.memref_squeeze %dma_wait3A_270 : memref<1x80xi32, #tpu.memory_space<vmem>> -> memref<80xi32, #tpu.memory_space<vmem>>
        %dma_wait3A_272 = arith.constant 0 : i32
        %dma_wait3A_273 = arith.constant 0 : i32
        %dma_wait3A_274 = tpu.memref_slice %arg2[%dma_wait3A_272, %dma_wait3A_273] : memref<10000x144xf32, #tpu.memory_space<hbm>> -> memref<10000x144xf32, #tpu.memory_space<hbm>>
        tpu.wait_indirect_dma semaphore(%arg26 : memref<!tpu.dma_semaphore, #tpu.memory_space<semaphore_mem>>) src(%dma_wait3A_274 : memref<10000x144xf32, #tpu.memory_space<hbm>>) dst(%arg22 : memref<80x144xf32, #tpu.memory_space<vmem>>)
        "tpu.region"() ({
          %run_scoped3A = tpu.sem_alloc : memref<!tpu.dma_semaphore, #tpu.memory_space<semaphore_mem>>
          %dma_start3A_276 = arith.constant 0 : i32
          %dma_start3A_277 = tpu.memref_slice %arg23[%add3A_250, %dma_start3A_276] : memref<16x80xi32, #tpu.memory_space<vmem>> -> memref<1x80xi32, #tpu.memory_space<vmem>>
          %dma_start3A_278 = tpu.memref_squeeze %dma_start3A_277 : memref<1x80xi32, #tpu.memory_space<vmem>> -> memref<80xi32, #tpu.memory_space<vmem>>
          %dma_start3A_279 = arith.constant 0 : i32
          %dma_start3A_280 = arith.constant 0 : i32
          %dma_start3A_281 = tpu.memref_slice %arg19[%dma_start3A_279, %dma_start3A_280] : memref<10240x144xf32, #tpu.memory_space<vmem_shared>> -> memref<10240x144xf32, #tpu.memory_space<vmem_shared>>
          tpu.enqueue_indirect_dma source(%arg22 : memref<80x144xf32, #tpu.memory_space<vmem>>) target(%dma_start3A_281 : memref<10240x144xf32, #tpu.memory_space<vmem_shared>>) offsets(%dma_start3A_278 : memref<80xi32, #tpu.memory_space<vmem>>) semaphore(%run_scoped3A : memref<!tpu.dma_semaphore, #tpu.memory_space<semaphore_mem>>) {add = true}
          %dma_wait3A_282 = arith.constant 0 : i32
          %dma_wait3A_283 = tpu.memref_slice %arg23[%add3A_250, %dma_wait3A_282] : memref<16x80xi32, #tpu.memory_space<vmem>> -> memref<1x80xi32, #tpu.memory_space<vmem>>
          %dma_wait3A_284 = tpu.memref_squeeze %dma_wait3A_283 : memref<1x80xi32, #tpu.memory_space<vmem>> -> memref<80xi32, #tpu.memory_space<vmem>>
          %dma_wait3A_285 = arith.constant 0 : i32
          %dma_wait3A_286 = arith.constant 0 : i32
          %dma_wait3A_287 = tpu.memref_slice %arg19[%dma_wait3A_285, %dma_wait3A_286] : memref<10240x144xf32, #tpu.memory_space<vmem_shared>> -> memref<10240x144xf32, #tpu.memory_space<vmem_shared>>
          tpu.wait_indirect_dma semaphore(%run_scoped3A : memref<!tpu.dma_semaphore, #tpu.memory_space<semaphore_mem>>) src(%arg22 : memref<80x144xf32, #tpu.memory_space<vmem>>) dst(%dma_wait3A_287 : memref<10240x144xf32, #tpu.memory_space<vmem_shared>>)
          tpu.yield
        }) : () -> ()
        %scan3A_275 = arith.constant 0 : i32
        scf.yield %scan3A_275 : i32
      }
      %scan3A_169 = arith.constant 8 : i32
      %mul3A_170 = arith.constant 32 : i32
      %mul3A_171 = arith.muli %arg1, %mul3A_170 : i32
      %add3A_172 = arith.constant 16 : i32
      %add3A_173 = arith.addi %mul3A_171, %add3A_172 : i32
      "tpu.region"() ({
        %run_scoped3A = tpu.sem_alloc : memref<!tpu.dma_semaphore, #tpu.memory_space<semaphore_mem>>
        %dma_start3A_245 = arith.constant 0 : i32
        %dma_start3A_246 = tpu.memref_slice %arg6[%add3A_173, %dma_start3A_245] : memref<512x80xi32, #tpu.memory_space<hbm>> -> memref<16x80xi32, #tpu.memory_space<hbm>>
        %dma_start3A_247 = arith.constant 0 : i32
        %dma_start3A_248 = tpu.memref_slice %arg6[%add3A_173, %dma_start3A_247] : memref<512x80xi32, #tpu.memory_space<hbm>> -> memref<16x80xi32, #tpu.memory_space<hbm>>
        tpu.enqueue_dma source(%dma_start3A_248 : memref<16x80xi32, #tpu.memory_space<hbm>>) target(%arg23 : memref<16x80xi32, #tpu.memory_space<vmem>>) target_semaphore(%run_scoped3A : memref<!tpu.dma_semaphore, #tpu.memory_space<semaphore_mem>>)
        %dma_wait3A = arith.constant 0 : i32
        %dma_wait3A_249 = tpu.memref_slice %arg6[%add3A_173, %dma_wait3A] : memref<512x80xi32, #tpu.memory_space<hbm>> -> memref<16x80xi32, #tpu.memory_space<hbm>>
        %dma_wait3A_250 = arith.constant 0 : i32
        %dma_wait3A_251 = tpu.memref_slice %arg6[%add3A_173, %dma_wait3A_250] : memref<512x80xi32, #tpu.memory_space<hbm>> -> memref<16x80xi32, #tpu.memory_space<hbm>>
        tpu.wait_dma2 semaphore(%run_scoped3A : memref<!tpu.dma_semaphore, #tpu.memory_space<semaphore_mem>>) src(%dma_wait3A_251 : memref<16x80xi32, #tpu.memory_space<hbm>>) dst(%arg23 : memref<16x80xi32, #tpu.memory_space<vmem>>)
        tpu.yield
      }) : () -> ()
      "tpu.region"() ({
        %run_scoped3A = tpu.sem_alloc : memref<!tpu.dma_semaphore, #tpu.memory_space<semaphore_mem>>
        %dma_start3A_245 = arith.constant 0 : i32
        %dma_start3A_246 = tpu.memref_slice %arg8[%add3A_173, %dma_start3A_245] : memref<512x80xi32, #tpu.memory_space<hbm>> -> memref<16x80xi32, #tpu.memory_space<hbm>>
        %dma_start3A_247 = arith.constant 0 : i32
        %dma_start3A_248 = tpu.memref_slice %arg8[%add3A_173, %dma_start3A_247] : memref<512x80xi32, #tpu.memory_space<hbm>> -> memref<16x80xi32, #tpu.memory_space<hbm>>
        tpu.enqueue_dma source(%dma_start3A_248 : memref<16x80xi32, #tpu.memory_space<hbm>>) target(%arg24 : memref<16x80xi32, #tpu.memory_space<vmem>>) target_semaphore(%run_scoped3A : memref<!tpu.dma_semaphore, #tpu.memory_space<semaphore_mem>>)
        %dma_wait3A = arith.constant 0 : i32
        %dma_wait3A_249 = tpu.memref_slice %arg8[%add3A_173, %dma_wait3A] : memref<512x80xi32, #tpu.memory_space<hbm>> -> memref<16x80xi32, #tpu.memory_space<hbm>>
        %dma_wait3A_250 = arith.constant 0 : i32
        %dma_wait3A_251 = tpu.memref_slice %arg8[%add3A_173, %dma_wait3A_250] : memref<512x80xi32, #tpu.memory_space<hbm>> -> memref<16x80xi32, #tpu.memory_space<hbm>>
        tpu.wait_dma2 semaphore(%run_scoped3A : memref<!tpu.dma_semaphore, #tpu.memory_space<semaphore_mem>>) src(%dma_wait3A_251 : memref<16x80xi32, #tpu.memory_space<hbm>>) dst(%arg24 : memref<16x80xi32, #tpu.memory_space<vmem>>)
        tpu.yield
      }) : () -> ()
      %dma_start3A_174 = arith.constant 0 : i32
      %dma_start3A_175 = arith.constant 0 : i32
      %dma_start3A_176 = tpu.memref_slice %arg24[%dma_start3A_174, %dma_start3A_175] : memref<16x80xi32, #tpu.memory_space<vmem>> -> memref<1x80xi32, #tpu.memory_space<vmem>>
      %dma_start3A_177 = tpu.memref_squeeze %dma_start3A_176 : memref<1x80xi32, #tpu.memory_space<vmem>> -> memref<80xi32, #tpu.memory_space<vmem>>
      %dma_start3A_178 = arith.constant 0 : i32
      %dma_start3A_179 = arith.constant 0 : i32
      %dma_start3A_180 = tpu.memref_slice %arg2[%dma_start3A_178, %dma_start3A_179] : memref<10000x144xf32, #tpu.memory_space<hbm>> -> memref<10000x144xf32, #tpu.memory_space<hbm>>
      tpu.enqueue_indirect_dma source(%dma_start3A_180 : memref<10000x144xf32, #tpu.memory_space<hbm>>) target(%arg21 : memref<80x144xf32, #tpu.memory_space<vmem>>) offsets(%dma_start3A_177 : memref<80xi32, #tpu.memory_space<vmem>>) semaphore(%arg25 : memref<!tpu.dma_semaphore, #tpu.memory_space<semaphore_mem>>)
      %scan3A_181 = arith.constant 0 : i32
      %scan3A_182 = arith.constant 0 : i32
      %scan3A_183 = arith.constant 8 : i32
      %scan3A_184 = arith.addi %scan3A_182, %scan3A_183 : i32
      %scan3A_185 = arith.constant 1 : i32
      %scan3A_186 = scf.for %scan3A_245 = %scan3A_182 to %scan3A_184 step %scan3A_185 iter_args(%scan3A_246 = %scan3A_181) -> (i32)  : i32 {
        %mul3A_247 = arith.constant 2 : i32
        %mul3A_248 = arith.muli %mul3A_247, %scan3A_245 : i32
        %add3A_249 = arith.constant 1 : i32
        %add3A_250 = arith.addi %mul3A_248, %add3A_249 : i32
        %add3A_251 = arith.constant 2 : i32
        %add3A_252 = arith.addi %mul3A_248, %add3A_251 : i32
        %dma_wait3A = arith.constant 0 : i32
        %dma_wait3A_253 = tpu.memref_slice %arg24[%mul3A_248, %dma_wait3A] : memref<16x80xi32, #tpu.memory_space<vmem>> -> memref<1x80xi32, #tpu.memory_space<vmem>>
        %dma_wait3A_254 = tpu.memref_squeeze %dma_wait3A_253 : memref<1x80xi32, #tpu.memory_space<vmem>> -> memref<80xi32, #tpu.memory_space<vmem>>
        %dma_wait3A_255 = arith.constant 0 : i32
        %dma_wait3A_256 = arith.constant 0 : i32
        %dma_wait3A_257 = tpu.memref_slice %arg2[%dma_wait3A_255, %dma_wait3A_256] : memref<10000x144xf32, #tpu.memory_space<hbm>> -> memref<10000x144xf32, #tpu.memory_space<hbm>>
        tpu.wait_indirect_dma semaphore(%arg25 : memref<!tpu.dma_semaphore, #tpu.memory_space<semaphore_mem>>) src(%dma_wait3A_257 : memref<10000x144xf32, #tpu.memory_space<hbm>>) dst(%arg21 : memref<80x144xf32, #tpu.memory_space<vmem>>)
        %dma_start3A_258 = arith.constant 0 : i32
        %dma_start3A_259 = tpu.memref_slice %arg24[%add3A_250, %dma_start3A_258] : memref<16x80xi32, #tpu.memory_space<vmem>> -> memref<1x80xi32, #tpu.memory_space<vmem>>
        %dma_start3A_260 = tpu.memref_squeeze %dma_start3A_259 : memref<1x80xi32, #tpu.memory_space<vmem>> -> memref<80xi32, #tpu.memory_space<vmem>>
        %dma_start3A_261 = arith.constant 0 : i32
        %dma_start3A_262 = arith.constant 0 : i32
        %dma_start3A_263 = tpu.memref_slice %arg2[%dma_start3A_261, %dma_start3A_262] : memref<10000x144xf32, #tpu.memory_space<hbm>> -> memref<10000x144xf32, #tpu.memory_space<hbm>>
        tpu.enqueue_indirect_dma source(%dma_start3A_263 : memref<10000x144xf32, #tpu.memory_space<hbm>>) target(%arg22 : memref<80x144xf32, #tpu.memory_space<vmem>>) offsets(%dma_start3A_260 : memref<80xi32, #tpu.memory_space<vmem>>) semaphore(%arg26 : memref<!tpu.dma_semaphore, #tpu.memory_space<semaphore_mem>>)
        "tpu.region"() ({
          %run_scoped3A = tpu.sem_alloc : memref<!tpu.dma_semaphore, #tpu.memory_space<semaphore_mem>>
          %dma_start3A_276 = arith.constant 0 : i32
          %dma_start3A_277 = tpu.memref_slice %arg23[%mul3A_248, %dma_start3A_276] : memref<16x80xi32, #tpu.memory_space<vmem>> -> memref<1x80xi32, #tpu.memory_space<vmem>>
          %dma_start3A_278 = tpu.memref_squeeze %dma_start3A_277 : memref<1x80xi32, #tpu.memory_space<vmem>> -> memref<80xi32, #tpu.memory_space<vmem>>
          %dma_start3A_279 = arith.constant 0 : i32
          %dma_start3A_280 = arith.constant 0 : i32
          %dma_start3A_281 = tpu.memref_slice %arg19[%dma_start3A_279, %dma_start3A_280] : memref<10240x144xf32, #tpu.memory_space<vmem_shared>> -> memref<10240x144xf32, #tpu.memory_space<vmem_shared>>
          tpu.enqueue_indirect_dma source(%arg21 : memref<80x144xf32, #tpu.memory_space<vmem>>) target(%dma_start3A_281 : memref<10240x144xf32, #tpu.memory_space<vmem_shared>>) offsets(%dma_start3A_278 : memref<80xi32, #tpu.memory_space<vmem>>) semaphore(%run_scoped3A : memref<!tpu.dma_semaphore, #tpu.memory_space<semaphore_mem>>) {add = true}
          %dma_wait3A_282 = arith.constant 0 : i32
          %dma_wait3A_283 = tpu.memref_slice %arg23[%mul3A_248, %dma_wait3A_282] : memref<16x80xi32, #tpu.memory_space<vmem>> -> memref<1x80xi32, #tpu.memory_space<vmem>>
          %dma_wait3A_284 = tpu.memref_squeeze %dma_wait3A_283 : memref<1x80xi32, #tpu.memory_space<vmem>> -> memref<80xi32, #tpu.memory_space<vmem>>
          %dma_wait3A_285 = arith.constant 0 : i32
          %dma_wait3A_286 = arith.constant 0 : i32
          %dma_wait3A_287 = tpu.memref_slice %arg19[%dma_wait3A_285, %dma_wait3A_286] : memref<10240x144xf32, #tpu.memory_space<vmem_shared>> -> memref<10240x144xf32, #tpu.memory_space<vmem_shared>>
          tpu.wait_indirect_dma semaphore(%run_scoped3A : memref<!tpu.dma_semaphore, #tpu.memory_space<semaphore_mem>>) src(%arg21 : memref<80x144xf32, #tpu.memory_space<vmem>>) dst(%dma_wait3A_287 : memref<10240x144xf32, #tpu.memory_space<vmem_shared>>)
          tpu.yield
        }) : () -> ()
        %min3A = arith.constant 15 : i32
        %min3A_264 = arith.minsi %add3A_252, %min3A : i32
        %lt3A = arith.constant 16 : i32
        %lt3A_265 = arith.cmpi slt, %add3A_252, %lt3A : i32
        %convert_element_type3A_266 = arith.extui %lt3A_265 : i1 to i32
        %cond3A_267 = arith.constant 0 : i32
        %cond3A_268 = arith.cmpi ne, %convert_element_type3A_266, %cond3A_267 : i32
        scf.if %cond3A_268 {
          %dma_start3A_276 = arith.constant 0 : i32
          %dma_start3A_277 = tpu.memref_slice %arg24[%min3A_264, %dma_start3A_276] : memref<16x80xi32, #tpu.memory_space<vmem>> -> memref<1x80xi32, #tpu.memory_space<vmem>>
          %dma_start3A_278 = tpu.memref_squeeze %dma_start3A_277 : memref<1x80xi32, #tpu.memory_space<vmem>> -> memref<80xi32, #tpu.memory_space<vmem>>
          %dma_start3A_279 = arith.constant 0 : i32
          %dma_start3A_280 = arith.constant 0 : i32
          %dma_start3A_281 = tpu.memref_slice %arg2[%dma_start3A_279, %dma_start3A_280] : memref<10000x144xf32, #tpu.memory_space<hbm>> -> memref<10000x144xf32, #tpu.memory_space<hbm>>
          tpu.enqueue_indirect_dma source(%dma_start3A_281 : memref<10000x144xf32, #tpu.memory_space<hbm>>) target(%arg21 : memref<80x144xf32, #tpu.memory_space<vmem>>) offsets(%dma_start3A_278 : memref<80xi32, #tpu.memory_space<vmem>>) semaphore(%arg25 : memref<!tpu.dma_semaphore, #tpu.memory_space<semaphore_mem>>)
        } else {
        }
        %dma_wait3A_269 = arith.constant 0 : i32
        %dma_wait3A_270 = tpu.memref_slice %arg24[%add3A_250, %dma_wait3A_269] : memref<16x80xi32, #tpu.memory_space<vmem>> -> memref<1x80xi32, #tpu.memory_space<vmem>>
        %dma_wait3A_271 = tpu.memref_squeeze %dma_wait3A_270 : memref<1x80xi32, #tpu.memory_space<vmem>> -> memref<80xi32, #tpu.memory_space<vmem>>
        %dma_wait3A_272 = arith.constant 0 : i32
        %dma_wait3A_273 = arith.constant 0 : i32
        %dma_wait3A_274 = tpu.memref_slice %arg2[%dma_wait3A_272, %dma_wait3A_273] : memref<10000x144xf32, #tpu.memory_space<hbm>> -> memref<10000x144xf32, #tpu.memory_space<hbm>>
        tpu.wait_indirect_dma semaphore(%arg26 : memref<!tpu.dma_semaphore, #tpu.memory_space<semaphore_mem>>) src(%dma_wait3A_274 : memref<10000x144xf32, #tpu.memory_space<hbm>>) dst(%arg22 : memref<80x144xf32, #tpu.memory_space<vmem>>)
        "tpu.region"() ({
          %run_scoped3A = tpu.sem_alloc : memref<!tpu.dma_semaphore, #tpu.memory_space<semaphore_mem>>
          %dma_start3A_276 = arith.constant 0 : i32
          %dma_start3A_277 = tpu.memref_slice %arg23[%add3A_250, %dma_start3A_276] : memref<16x80xi32, #tpu.memory_space<vmem>> -> memref<1x80xi32, #tpu.memory_space<vmem>>
          %dma_start3A_278 = tpu.memref_squeeze %dma_start3A_277 : memref<1x80xi32, #tpu.memory_space<vmem>> -> memref<80xi32, #tpu.memory_space<vmem>>
          %dma_start3A_279 = arith.constant 0 : i32
          %dma_start3A_280 = arith.constant 0 : i32
          %dma_start3A_281 = tpu.memref_slice %arg19[%dma_start3A_279, %dma_start3A_280] : memref<10240x144xf32, #tpu.memory_space<vmem_shared>> -> memref<10240x144xf32, #tpu.memory_space<vmem_shared>>
          tpu.enqueue_indirect_dma source(%arg22 : memref<80x144xf32, #tpu.memory_space<vmem>>) target(%dma_start3A_281 : memref<10240x144xf32, #tpu.memory_space<vmem_shared>>) offsets(%dma_start3A_278 : memref<80xi32, #tpu.memory_space<vmem>>) semaphore(%run_scoped3A : memref<!tpu.dma_semaphore, #tpu.memory_space<semaphore_mem>>) {add = true}
          %dma_wait3A_282 = arith.constant 0 : i32
          %dma_wait3A_283 = tpu.memref_slice %arg23[%add3A_250, %dma_wait3A_282] : memref<16x80xi32, #tpu.memory_space<vmem>> -> memref<1x80xi32, #tpu.memory_space<vmem>>
          %dma_wait3A_284 = tpu.memref_squeeze %dma_wait3A_283 : memref<1x80xi32, #tpu.memory_space<vmem>> -> memref<80xi32, #tpu.memory_space<vmem>>
          %dma_wait3A_285 = arith.constant 0 : i32
          %dma_wait3A_286 = arith.constant 0 : i32
          %dma_wait3A_287 = tpu.memref_slice %arg19[%dma_wait3A_285, %dma_wait3A_286] : memref<10240x144xf32, #tpu.memory_space<vmem_shared>> -> memref<10240x144xf32, #tpu.memory_space<vmem_shared>>
          tpu.wait_indirect_dma semaphore(%run_scoped3A : memref<!tpu.dma_semaphore, #tpu.memory_space<semaphore_mem>>) src(%arg22 : memref<80x144xf32, #tpu.memory_space<vmem>>) dst(%dma_wait3A_287 : memref<10240x144xf32, #tpu.memory_space<vmem_shared>>)
          tpu.yield
        }) : () -> ()
        %scan3A_275 = arith.constant 0 : i32
        scf.yield %scan3A_275 : i32
      }
      %scan3A_187 = arith.constant 8 : i32
      %barrier3A_188 = arith.constant 0 : index
      tpu.barrier barrier_id(%barrier3A_188)
      %scan3A_189 = arith.constant 0 : i32
      %scan3A_190 = arith.constant 0 : i32
      %scan3A_191 = arith.constant 8 : i32
      %scan3A_192 = arith.addi %scan3A_190, %scan3A_191 : i32
      %scan3A_193 = arith.constant 1 : i32
      %scan3A_194 = scf.for %scan3A_245 = %scan3A_190 to %scan3A_192 step %scan3A_193 iter_args(%scan3A_246 = %scan3A_189) -> (i32)  : i32 {
        %mul3A_247 = arith.constant 80 : i32
        %mul3A_248 = arith.muli %scan3A_245, %mul3A_247 : i32
        %add3A_249 = arith.addi %mul3A_0, %mul3A_248 : i32
        "tpu.region"() ({
          %run_scoped3A = tpu.sem_alloc : memref<!tpu.dma_semaphore, #tpu.memory_space<semaphore_mem>>
          %dma_start3A_254 = arith.constant 0 : i32
          %dma_start3A_255 = tpu.memref_slice %arg19[%add3A_249, %dma_start3A_254] : memref<10240x144xf32, #tpu.memory_space<vmem_shared>> -> memref<80x144xf32, #tpu.memory_space<vmem_shared>>
          %dma_start3A_256 = arith.constant 0 : i32
          %dma_start3A_257 = tpu.memref_slice %arg19[%add3A_249, %dma_start3A_256] : memref<10240x144xf32, #tpu.memory_space<vmem_shared>> -> memref<80x144xf32, #tpu.memory_space<vmem_shared>>
          tpu.enqueue_dma source(%dma_start3A_257 : memref<80x144xf32, #tpu.memory_space<vmem_shared>>) target(%arg21 : memref<80x144xf32, #tpu.memory_space<vmem>>) target_semaphore(%run_scoped3A : memref<!tpu.dma_semaphore, #tpu.memory_space<semaphore_mem>>)
          %dma_wait3A = arith.constant 0 : i32
          %dma_wait3A_258 = tpu.memref_slice %arg19[%add3A_249, %dma_wait3A] : memref<10240x144xf32, #tpu.memory_space<vmem_shared>> -> memref<80x144xf32, #tpu.memory_space<vmem_shared>>
          %dma_wait3A_259 = arith.constant 0 : i32
          %dma_wait3A_260 = tpu.memref_slice %arg19[%add3A_249, %dma_wait3A_259] : memref<10240x144xf32, #tpu.memory_space<vmem_shared>> -> memref<80x144xf32, #tpu.memory_space<vmem_shared>>
          tpu.wait_dma2 semaphore(%run_scoped3A : memref<!tpu.dma_semaphore, #tpu.memory_space<semaphore_mem>>) src(%dma_wait3A_260 : memref<80x144xf32, #tpu.memory_space<vmem_shared>>) dst(%arg21 : memref<80x144xf32, #tpu.memory_space<vmem>>)
          tpu.yield
        }) : () -> ()
        %mul3A_250 = arith.constant 80 : i32
        %mul3A_251 = arith.muli %scan3A_245, %mul3A_250 : i32
        %add3A_252 = arith.addi %mul3A_0, %mul3A_251 : i32
        "tpu.region"() ({
          %run_scoped3A = tpu.sem_alloc : memref<!tpu.dma_semaphore, #tpu.memory_space<semaphore_mem>>
          %dma_start3A_254 = arith.constant 0 : i32
          %dma_start3A_255 = tpu.memref_slice %arg16[%add3A_252, %dma_start3A_254] : memref<10240x144xf32, #tpu.memory_space<hbm>> -> memref<80x144xf32, #tpu.memory_space<hbm>>
          %dma_start3A_256 = arith.constant 0 : i32
          %dma_start3A_257 = tpu.memref_slice %arg16[%add3A_252, %dma_start3A_256] : memref<10240x144xf32, #tpu.memory_space<hbm>> -> memref<80x144xf32, #tpu.memory_space<hbm>>
          tpu.enqueue_dma source(%arg21 : memref<80x144xf32, #tpu.memory_space<vmem>>) target(%dma_start3A_257 : memref<80x144xf32, #tpu.memory_space<hbm>>) target_semaphore(%run_scoped3A : memref<!tpu.dma_semaphore, #tpu.memory_space<semaphore_mem>>)
          %dma_wait3A = arith.constant 0 : i32
          %dma_wait3A_258 = tpu.memref_slice %arg16[%add3A_252, %dma_wait3A] : memref<10240x144xf32, #tpu.memory_space<hbm>> -> memref<80x144xf32, #tpu.memory_space<hbm>>
          %dma_wait3A_259 = arith.constant 0 : i32
          %dma_wait3A_260 = tpu.memref_slice %arg16[%add3A_252, %dma_wait3A_259] : memref<10240x144xf32, #tpu.memory_space<hbm>> -> memref<80x144xf32, #tpu.memory_space<hbm>>
          tpu.wait_dma2 semaphore(%run_scoped3A : memref<!tpu.dma_semaphore, #tpu.memory_space<semaphore_mem>>) src(%arg21 : memref<80x144xf32, #tpu.memory_space<vmem>>) dst(%dma_wait3A_260 : memref<80x144xf32, #tpu.memory_space<hbm>>)
          tpu.yield
        }) : () -> ()
        %scan3A_253 = arith.constant 0 : i32
        scf.yield %scan3A_253 : i32
      }
      %scan3A_195 = arith.constant 8 : i32
      %barrier3A_196 = arith.constant 0 : index
      tpu.barrier barrier_id(%barrier3A_196)
      %add3A_197 = arith.constant 0 : i32
      %add3A_198 = arith.addi %mul3A_0, %add3A_197 : i32
      "tpu.region"() ({
        %run_scoped3A = tpu.sem_alloc : memref<!tpu.dma_semaphore, #tpu.memory_space<semaphore_mem>>
        %dma_start3A_245 = arith.constant 0 : i32
        %dma_start3A_246 = tpu.memref_slice %arg19[%add3A_198, %dma_start3A_245] : memref<10240x144xf32, #tpu.memory_space<vmem_shared>> -> memref<64x144xf32, #tpu.memory_space<vmem_shared>>
        %dma_start3A_247 = arith.constant 0 : i32
        %dma_start3A_248 = tpu.memref_slice %arg19[%add3A_198, %dma_start3A_247] : memref<10240x144xf32, #tpu.memory_space<vmem_shared>> -> memref<64x144xf32, #tpu.memory_space<vmem_shared>>
        tpu.enqueue_dma source(%arg20 : memref<64x144xf32, #tpu.memory_space<vmem>>) target(%dma_start3A_248 : memref<64x144xf32, #tpu.memory_space<vmem_shared>>) target_semaphore(%run_scoped3A : memref<!tpu.dma_semaphore, #tpu.memory_space<semaphore_mem>>)
        %dma_wait3A = arith.constant 0 : i32
        %dma_wait3A_249 = tpu.memref_slice %arg19[%add3A_198, %dma_wait3A] : memref<10240x144xf32, #tpu.memory_space<vmem_shared>> -> memref<64x144xf32, #tpu.memory_space<vmem_shared>>
        %dma_wait3A_250 = arith.constant 0 : i32
        %dma_wait3A_251 = tpu.memref_slice %arg19[%add3A_198, %dma_wait3A_250] : memref<10240x144xf32, #tpu.memory_space<vmem_shared>> -> memref<64x144xf32, #tpu.memory_space<vmem_shared>>
        tpu.wait_dma2 semaphore(%run_scoped3A : memref<!tpu.dma_semaphore, #tpu.memory_space<semaphore_mem>>) src(%arg20 : memref<64x144xf32, #tpu.memory_space<vmem>>) dst(%dma_wait3A_251 : memref<64x144xf32, #tpu.memory_space<vmem_shared>>)
        tpu.yield
      }) : () -> ()
      %add3A_199 = arith.constant 64 : i32
      %add3A_200 = arith.addi %mul3A_0, %add3A_199 : i32
      "tpu.region"() ({
        %run_scoped3A = tpu.sem_alloc : memref<!tpu.dma_semaphore, #tpu.memory_space<semaphore_mem>>
        %dma_start3A_245 = arith.constant 0 : i32
        %dma_start3A_246 = tpu.memref_slice %arg19[%add3A_200, %dma_start3A_245] : memref<10240x144xf32, #tpu.memory_space<vmem_shared>> -> memref<64x144xf32, #tpu.memory_space<vmem_shared>>
        %dma_start3A_247 = arith.constant 0 : i32
        %dma_start3A_248 = tpu.memref_slice %arg19[%add3A_200, %dma_start3A_247] : memref<10240x144xf32, #tpu.memory_space<vmem_shared>> -> memref<64x144xf32, #tpu.memory_space<vmem_shared>>
        tpu.enqueue_dma source(%arg20 : memref<64x144xf32, #tpu.memory_space<vmem>>) target(%dma_start3A_248 : memref<64x144xf32, #tpu.memory_space<vmem_shared>>) target_semaphore(%run_scoped3A : memref<!tpu.dma_semaphore, #tpu.memory_space<semaphore_mem>>)
        %dma_wait3A = arith.constant 0 : i32
        %dma_wait3A_249 = tpu.memref_slice %arg19[%add3A_200, %dma_wait3A] : memref<10240x144xf32, #tpu.memory_space<vmem_shared>> -> memref<64x144xf32, #tpu.memory_space<vmem_shared>>
        %dma_wait3A_250 = arith.constant 0 : i32
        %dma_wait3A_251 = tpu.memref_slice %arg19[%add3A_200, %dma_wait3A_250] : memref<10240x144xf32, #tpu.memory_space<vmem_shared>> -> memref<64x144xf32, #tpu.memory_space<vmem_shared>>
        tpu.wait_dma2 semaphore(%run_scoped3A : memref<!tpu.dma_semaphore, #tpu.memory_space<semaphore_mem>>) src(%arg20 : memref<64x144xf32, #tpu.memory_space<vmem>>) dst(%dma_wait3A_251 : memref<64x144xf32, #tpu.memory_space<vmem_shared>>)
        tpu.yield
      }) : () -> ()
      %add3A_201 = arith.constant 128 : i32
      %add3A_202 = arith.addi %mul3A_0, %add3A_201 : i32
      "tpu.region"() ({
        %run_scoped3A = tpu.sem_alloc : memref<!tpu.dma_semaphore, #tpu.memory_space<semaphore_mem>>
        %dma_start3A_245 = arith.constant 0 : i32
        %dma_start3A_246 = tpu.memref_slice %arg19[%add3A_202, %dma_start3A_245] : memref<10240x144xf32, #tpu.memory_space<vmem_shared>> -> memref<64x144xf32, #tpu.memory_space<vmem_shared>>
        %dma_start3A_247 = arith.constant 0 : i32
        %dma_start3A_248 = tpu.memref_slice %arg19[%add3A_202, %dma_start3A_247] : memref<10240x144xf32, #tpu.memory_space<vmem_shared>> -> memref<64x144xf32, #tpu.memory_space<vmem_shared>>
        tpu.enqueue_dma source(%arg20 : memref<64x144xf32, #tpu.memory_space<vmem>>) target(%dma_start3A_248 : memref<64x144xf32, #tpu.memory_space<vmem_shared>>) target_semaphore(%run_scoped3A : memref<!tpu.dma_semaphore, #tpu.memory_space<semaphore_mem>>)
        %dma_wait3A = arith.constant 0 : i32
        %dma_wait3A_249 = tpu.memref_slice %arg19[%add3A_202, %dma_wait3A] : memref<10240x144xf32, #tpu.memory_space<vmem_shared>> -> memref<64x144xf32, #tpu.memory_space<vmem_shared>>
        %dma_wait3A_250 = arith.constant 0 : i32
        %dma_wait3A_251 = tpu.memref_slice %arg19[%add3A_202, %dma_wait3A_250] : memref<10240x144xf32, #tpu.memory_space<vmem_shared>> -> memref<64x144xf32, #tpu.memory_space<vmem_shared>>
        tpu.wait_dma2 semaphore(%run_scoped3A : memref<!tpu.dma_semaphore, #tpu.memory_space<semaphore_mem>>) src(%arg20 : memref<64x144xf32, #tpu.memory_space<vmem>>) dst(%dma_wait3A_251 : memref<64x144xf32, #tpu.memory_space<vmem_shared>>)
        tpu.yield
      }) : () -> ()
      %add3A_203 = arith.constant 192 : i32
      %add3A_204 = arith.addi %mul3A_0, %add3A_203 : i32
      "tpu.region"() ({
        %run_scoped3A = tpu.sem_alloc : memref<!tpu.dma_semaphore, #tpu.memory_space<semaphore_mem>>
        %dma_start3A_245 = arith.constant 0 : i32
        %dma_start3A_246 = tpu.memref_slice %arg19[%add3A_204, %dma_start3A_245] : memref<10240x144xf32, #tpu.memory_space<vmem_shared>> -> memref<64x144xf32, #tpu.memory_space<vmem_shared>>
        %dma_start3A_247 = arith.constant 0 : i32
        %dma_start3A_248 = tpu.memref_slice %arg19[%add3A_204, %dma_start3A_247] : memref<10240x144xf32, #tpu.memory_space<vmem_shared>> -> memref<64x144xf32, #tpu.memory_space<vmem_shared>>
        tpu.enqueue_dma source(%arg20 : memref<64x144xf32, #tpu.memory_space<vmem>>) target(%dma_start3A_248 : memref<64x144xf32, #tpu.memory_space<vmem_shared>>) target_semaphore(%run_scoped3A : memref<!tpu.dma_semaphore, #tpu.memory_space<semaphore_mem>>)
        %dma_wait3A = arith.constant 0 : i32
        %dma_wait3A_249 = tpu.memref_slice %arg19[%add3A_204, %dma_wait3A] : memref<10240x144xf32, #tpu.memory_space<vmem_shared>> -> memref<64x144xf32, #tpu.memory_space<vmem_shared>>
        %dma_wait3A_250 = arith.constant 0 : i32
        %dma_wait3A_251 = tpu.memref_slice %arg19[%add3A_204, %dma_wait3A_250] : memref<10240x144xf32, #tpu.memory_space<vmem_shared>> -> memref<64x144xf32, #tpu.memory_space<vmem_shared>>
        tpu.wait_dma2 semaphore(%run_scoped3A : memref<!tpu.dma_semaphore, #tpu.memory_space<semaphore_mem>>) src(%arg20 : memref<64x144xf32, #tpu.memory_space<vmem>>) dst(%dma_wait3A_251 : memref<64x144xf32, #tpu.memory_space<vmem_shared>>)
        tpu.yield
      }) : () -> ()
      %add3A_205 = arith.constant 256 : i32
      %add3A_206 = arith.addi %mul3A_0, %add3A_205 : i32
      "tpu.region"() ({
        %run_scoped3A = tpu.sem_alloc : memref<!tpu.dma_semaphore, #tpu.memory_space<semaphore_mem>>
        %dma_start3A_245 = arith.constant 0 : i32
        %dma_start3A_246 = tpu.memref_slice %arg19[%add3A_206, %dma_start3A_245] : memref<10240x144xf32, #tpu.memory_space<vmem_shared>> -> memref<64x144xf32, #tpu.memory_space<vmem_shared>>
        %dma_start3A_247 = arith.constant 0 : i32
        %dma_start3A_248 = tpu.memref_slice %arg19[%add3A_206, %dma_start3A_247] : memref<10240x144xf32, #tpu.memory_space<vmem_shared>> -> memref<64x144xf32, #tpu.memory_space<vmem_shared>>
        tpu.enqueue_dma source(%arg20 : memref<64x144xf32, #tpu.memory_space<vmem>>) target(%dma_start3A_248 : memref<64x144xf32, #tpu.memory_space<vmem_shared>>) target_semaphore(%run_scoped3A : memref<!tpu.dma_semaphore, #tpu.memory_space<semaphore_mem>>)
        %dma_wait3A = arith.constant 0 : i32
        %dma_wait3A_249 = tpu.memref_slice %arg19[%add3A_206, %dma_wait3A] : memref<10240x144xf32, #tpu.memory_space<vmem_shared>> -> memref<64x144xf32, #tpu.memory_space<vmem_shared>>
        %dma_wait3A_250 = arith.constant 0 : i32
        %dma_wait3A_251 = tpu.memref_slice %arg19[%add3A_206, %dma_wait3A_250] : memref<10240x144xf32, #tpu.memory_space<vmem_shared>> -> memref<64x144xf32, #tpu.memory_space<vmem_shared>>
        tpu.wait_dma2 semaphore(%run_scoped3A : memref<!tpu.dma_semaphore, #tpu.memory_space<semaphore_mem>>) src(%arg20 : memref<64x144xf32, #tpu.memory_space<vmem>>) dst(%dma_wait3A_251 : memref<64x144xf32, #tpu.memory_space<vmem_shared>>)
        tpu.yield
      }) : () -> ()
      %add3A_207 = arith.constant 320 : i32
      %add3A_208 = arith.addi %mul3A_0, %add3A_207 : i32
      "tpu.region"() ({
        %run_scoped3A = tpu.sem_alloc : memref<!tpu.dma_semaphore, #tpu.memory_space<semaphore_mem>>
        %dma_start3A_245 = arith.constant 0 : i32
        %dma_start3A_246 = tpu.memref_slice %arg19[%add3A_208, %dma_start3A_245] : memref<10240x144xf32, #tpu.memory_space<vmem_shared>> -> memref<64x144xf32, #tpu.memory_space<vmem_shared>>
        %dma_start3A_247 = arith.constant 0 : i32
        %dma_start3A_248 = tpu.memref_slice %arg19[%add3A_208, %dma_start3A_247] : memref<10240x144xf32, #tpu.memory_space<vmem_shared>> -> memref<64x144xf32, #tpu.memory_space<vmem_shared>>
        tpu.enqueue_dma source(%arg20 : memref<64x144xf32, #tpu.memory_space<vmem>>) target(%dma_start3A_248 : memref<64x144xf32, #tpu.memory_space<vmem_shared>>) target_semaphore(%run_scoped3A : memref<!tpu.dma_semaphore, #tpu.memory_space<semaphore_mem>>)
        %dma_wait3A = arith.constant 0 : i32
        %dma_wait3A_249 = tpu.memref_slice %arg19[%add3A_208, %dma_wait3A] : memref<10240x144xf32, #tpu.memory_space<vmem_shared>> -> memref<64x144xf32, #tpu.memory_space<vmem_shared>>
        %dma_wait3A_250 = arith.constant 0 : i32
        %dma_wait3A_251 = tpu.memref_slice %arg19[%add3A_208, %dma_wait3A_250] : memref<10240x144xf32, #tpu.memory_space<vmem_shared>> -> memref<64x144xf32, #tpu.memory_space<vmem_shared>>
        tpu.wait_dma2 semaphore(%run_scoped3A : memref<!tpu.dma_semaphore, #tpu.memory_space<semaphore_mem>>) src(%arg20 : memref<64x144xf32, #tpu.memory_space<vmem>>) dst(%dma_wait3A_251 : memref<64x144xf32, #tpu.memory_space<vmem_shared>>)
        tpu.yield
      }) : () -> ()
      %add3A_209 = arith.constant 384 : i32
      %add3A_210 = arith.addi %mul3A_0, %add3A_209 : i32
      "tpu.region"() ({
        %run_scoped3A = tpu.sem_alloc : memref<!tpu.dma_semaphore, #tpu.memory_space<semaphore_mem>>
        %dma_start3A_245 = arith.constant 0 : i32
        %dma_start3A_246 = tpu.memref_slice %arg19[%add3A_210, %dma_start3A_245] : memref<10240x144xf32, #tpu.memory_space<vmem_shared>> -> memref<64x144xf32, #tpu.memory_space<vmem_shared>>
        %dma_start3A_247 = arith.constant 0 : i32
        %dma_start3A_248 = tpu.memref_slice %arg19[%add3A_210, %dma_start3A_247] : memref<10240x144xf32, #tpu.memory_space<vmem_shared>> -> memref<64x144xf32, #tpu.memory_space<vmem_shared>>
        tpu.enqueue_dma source(%arg20 : memref<64x144xf32, #tpu.memory_space<vmem>>) target(%dma_start3A_248 : memref<64x144xf32, #tpu.memory_space<vmem_shared>>) target_semaphore(%run_scoped3A : memref<!tpu.dma_semaphore, #tpu.memory_space<semaphore_mem>>)
        %dma_wait3A = arith.constant 0 : i32
        %dma_wait3A_249 = tpu.memref_slice %arg19[%add3A_210, %dma_wait3A] : memref<10240x144xf32, #tpu.memory_space<vmem_shared>> -> memref<64x144xf32, #tpu.memory_space<vmem_shared>>
        %dma_wait3A_250 = arith.constant 0 : i32
        %dma_wait3A_251 = tpu.memref_slice %arg19[%add3A_210, %dma_wait3A_250] : memref<10240x144xf32, #tpu.memory_space<vmem_shared>> -> memref<64x144xf32, #tpu.memory_space<vmem_shared>>
        tpu.wait_dma2 semaphore(%run_scoped3A : memref<!tpu.dma_semaphore, #tpu.memory_space<semaphore_mem>>) src(%arg20 : memref<64x144xf32, #tpu.memory_space<vmem>>) dst(%dma_wait3A_251 : memref<64x144xf32, #tpu.memory_space<vmem_shared>>)
        tpu.yield
      }) : () -> ()
      %add3A_211 = arith.constant 448 : i32
      %add3A_212 = arith.addi %mul3A_0, %add3A_211 : i32
      "tpu.region"() ({
        %run_scoped3A = tpu.sem_alloc : memref<!tpu.dma_semaphore, #tpu.memory_space<semaphore_mem>>
        %dma_start3A_245 = arith.constant 0 : i32
        %dma_start3A_246 = tpu.memref_slice %arg19[%add3A_212, %dma_start3A_245] : memref<10240x144xf32, #tpu.memory_space<vmem_shared>> -> memref<64x144xf32, #tpu.memory_space<vmem_shared>>
        %dma_start3A_247 = arith.constant 0 : i32
        %dma_start3A_248 = tpu.memref_slice %arg19[%add3A_212, %dma_start3A_247] : memref<10240x144xf32, #tpu.memory_space<vmem_shared>> -> memref<64x144xf32, #tpu.memory_space<vmem_shared>>
        tpu.enqueue_dma source(%arg20 : memref<64x144xf32, #tpu.memory_space<vmem>>) target(%dma_start3A_248 : memref<64x144xf32, #tpu.memory_space<vmem_shared>>) target_semaphore(%run_scoped3A : memref<!tpu.dma_semaphore, #tpu.memory_space<semaphore_mem>>)
        %dma_wait3A = arith.constant 0 : i32
        %dma_wait3A_249 = tpu.memref_slice %arg19[%add3A_212, %dma_wait3A] : memref<10240x144xf32, #tpu.memory_space<vmem_shared>> -> memref<64x144xf32, #tpu.memory_space<vmem_shared>>
        %dma_wait3A_250 = arith.constant 0 : i32
        %dma_wait3A_251 = tpu.memref_slice %arg19[%add3A_212, %dma_wait3A_250] : memref<10240x144xf32, #tpu.memory_space<vmem_shared>> -> memref<64x144xf32, #tpu.memory_space<vmem_shared>>
        tpu.wait_dma2 semaphore(%run_scoped3A : memref<!tpu.dma_semaphore, #tpu.memory_space<semaphore_mem>>) src(%arg20 : memref<64x144xf32, #tpu.memory_space<vmem>>) dst(%dma_wait3A_251 : memref<64x144xf32, #tpu.memory_space<vmem_shared>>)
        tpu.yield
      }) : () -> ()
      %add3A_213 = arith.constant 512 : i32
      %add3A_214 = arith.addi %mul3A_0, %add3A_213 : i32
      "tpu.region"() ({
        %run_scoped3A = tpu.sem_alloc : memref<!tpu.dma_semaphore, #tpu.memory_space<semaphore_mem>>
        %dma_start3A_245 = arith.constant 0 : i32
        %dma_start3A_246 = tpu.memref_slice %arg19[%add3A_214, %dma_start3A_245] : memref<10240x144xf32, #tpu.memory_space<vmem_shared>> -> memref<64x144xf32, #tpu.memory_space<vmem_shared>>
        %dma_start3A_247 = arith.constant 0 : i32
        %dma_start3A_248 = tpu.memref_slice %arg19[%add3A_214, %dma_start3A_247] : memref<10240x144xf32, #tpu.memory_space<vmem_shared>> -> memref<64x144xf32, #tpu.memory_space<vmem_shared>>
        tpu.enqueue_dma source(%arg20 : memref<64x144xf32, #tpu.memory_space<vmem>>) target(%dma_start3A_248 : memref<64x144xf32, #tpu.memory_space<vmem_shared>>) target_semaphore(%run_scoped3A : memref<!tpu.dma_semaphore, #tpu.memory_space<semaphore_mem>>)
        %dma_wait3A = arith.constant 0 : i32
        %dma_wait3A_249 = tpu.memref_slice %arg19[%add3A_214, %dma_wait3A] : memref<10240x144xf32, #tpu.memory_space<vmem_shared>> -> memref<64x144xf32, #tpu.memory_space<vmem_shared>>
        %dma_wait3A_250 = arith.constant 0 : i32
        %dma_wait3A_251 = tpu.memref_slice %arg19[%add3A_214, %dma_wait3A_250] : memref<10240x144xf32, #tpu.memory_space<vmem_shared>> -> memref<64x144xf32, #tpu.memory_space<vmem_shared>>
        tpu.wait_dma2 semaphore(%run_scoped3A : memref<!tpu.dma_semaphore, #tpu.memory_space<semaphore_mem>>) src(%arg20 : memref<64x144xf32, #tpu.memory_space<vmem>>) dst(%dma_wait3A_251 : memref<64x144xf32, #tpu.memory_space<vmem_shared>>)
        tpu.yield
      }) : () -> ()
      %add3A_215 = arith.constant 576 : i32
      %add3A_216 = arith.addi %mul3A_0, %add3A_215 : i32
      "tpu.region"() ({
        %run_scoped3A = tpu.sem_alloc : memref<!tpu.dma_semaphore, #tpu.memory_space<semaphore_mem>>
        %dma_start3A_245 = arith.constant 0 : i32
        %dma_start3A_246 = tpu.memref_slice %arg19[%add3A_216, %dma_start3A_245] : memref<10240x144xf32, #tpu.memory_space<vmem_shared>> -> memref<64x144xf32, #tpu.memory_space<vmem_shared>>
        %dma_start3A_247 = arith.constant 0 : i32
        %dma_start3A_248 = tpu.memref_slice %arg19[%add3A_216, %dma_start3A_247] : memref<10240x144xf32, #tpu.memory_space<vmem_shared>> -> memref<64x144xf32, #tpu.memory_space<vmem_shared>>
        tpu.enqueue_dma source(%arg20 : memref<64x144xf32, #tpu.memory_space<vmem>>) target(%dma_start3A_248 : memref<64x144xf32, #tpu.memory_space<vmem_shared>>) target_semaphore(%run_scoped3A : memref<!tpu.dma_semaphore, #tpu.memory_space<semaphore_mem>>)
        %dma_wait3A = arith.constant 0 : i32
        %dma_wait3A_249 = tpu.memref_slice %arg19[%add3A_216, %dma_wait3A] : memref<10240x144xf32, #tpu.memory_space<vmem_shared>> -> memref<64x144xf32, #tpu.memory_space<vmem_shared>>
        %dma_wait3A_250 = arith.constant 0 : i32
        %dma_wait3A_251 = tpu.memref_slice %arg19[%add3A_216, %dma_wait3A_250] : memref<10240x144xf32, #tpu.memory_space<vmem_shared>> -> memref<64x144xf32, #tpu.memory_space<vmem_shared>>
        tpu.wait_dma2 semaphore(%run_scoped3A : memref<!tpu.dma_semaphore, #tpu.memory_space<semaphore_mem>>) src(%arg20 : memref<64x144xf32, #tpu.memory_space<vmem>>) dst(%dma_wait3A_251 : memref<64x144xf32, #tpu.memory_space<vmem_shared>>)
        tpu.yield
      }) : () -> ()
      %barrier3A_217 = arith.constant 0 : index
      tpu.barrier barrier_id(%barrier3A_217)
      %mul3A_218 = arith.constant 16 : i32
      %mul3A_219 = arith.muli %arg1, %mul3A_218 : i32
      %add3A_220 = arith.constant 0 : i32
      %add3A_221 = arith.addi %mul3A_219, %add3A_220 : i32
      "tpu.region"() ({
        %run_scoped3A = tpu.sem_alloc : memref<!tpu.dma_semaphore, #tpu.memory_space<semaphore_mem>>
        %dma_start3A_245 = arith.constant 0 : i32
        %dma_start3A_246 = tpu.memref_slice %arg11[%add3A_221, %dma_start3A_245] : memref<256x80xi32, #tpu.memory_space<hbm>> -> memref<16x80xi32, #tpu.memory_space<hbm>>
        %dma_start3A_247 = arith.constant 0 : i32
        %dma_start3A_248 = tpu.memref_slice %arg11[%add3A_221, %dma_start3A_247] : memref<256x80xi32, #tpu.memory_space<hbm>> -> memref<16x80xi32, #tpu.memory_space<hbm>>
        tpu.enqueue_dma source(%dma_start3A_248 : memref<16x80xi32, #tpu.memory_space<hbm>>) target(%arg23 : memref<16x80xi32, #tpu.memory_space<vmem>>) target_semaphore(%run_scoped3A : memref<!tpu.dma_semaphore, #tpu.memory_space<semaphore_mem>>)
        %dma_wait3A = arith.constant 0 : i32
        %dma_wait3A_249 = tpu.memref_slice %arg11[%add3A_221, %dma_wait3A] : memref<256x80xi32, #tpu.memory_space<hbm>> -> memref<16x80xi32, #tpu.memory_space<hbm>>
        %dma_wait3A_250 = arith.constant 0 : i32
        %dma_wait3A_251 = tpu.memref_slice %arg11[%add3A_221, %dma_wait3A_250] : memref<256x80xi32, #tpu.memory_space<hbm>> -> memref<16x80xi32, #tpu.memory_space<hbm>>
        tpu.wait_dma2 semaphore(%run_scoped3A : memref<!tpu.dma_semaphore, #tpu.memory_space<semaphore_mem>>) src(%dma_wait3A_251 : memref<16x80xi32, #tpu.memory_space<hbm>>) dst(%arg23 : memref<16x80xi32, #tpu.memory_space<vmem>>)
        tpu.yield
      }) : () -> ()
      "tpu.region"() ({
        %run_scoped3A = tpu.sem_alloc : memref<!tpu.dma_semaphore, #tpu.memory_space<semaphore_mem>>
        %dma_start3A_245 = arith.constant 0 : i32
        %dma_start3A_246 = tpu.memref_slice %arg12[%add3A_221, %dma_start3A_245] : memref<256x80xi32, #tpu.memory_space<hbm>> -> memref<16x80xi32, #tpu.memory_space<hbm>>
        %dma_start3A_247 = arith.constant 0 : i32
        %dma_start3A_248 = tpu.memref_slice %arg12[%add3A_221, %dma_start3A_247] : memref<256x80xi32, #tpu.memory_space<hbm>> -> memref<16x80xi32, #tpu.memory_space<hbm>>
        tpu.enqueue_dma source(%dma_start3A_248 : memref<16x80xi32, #tpu.memory_space<hbm>>) target(%arg24 : memref<16x80xi32, #tpu.memory_space<vmem>>) target_semaphore(%run_scoped3A : memref<!tpu.dma_semaphore, #tpu.memory_space<semaphore_mem>>)
        %dma_wait3A = arith.constant 0 : i32
        %dma_wait3A_249 = tpu.memref_slice %arg12[%add3A_221, %dma_wait3A] : memref<256x80xi32, #tpu.memory_space<hbm>> -> memref<16x80xi32, #tpu.memory_space<hbm>>
        %dma_wait3A_250 = arith.constant 0 : i32
        %dma_wait3A_251 = tpu.memref_slice %arg12[%add3A_221, %dma_wait3A_250] : memref<256x80xi32, #tpu.memory_space<hbm>> -> memref<16x80xi32, #tpu.memory_space<hbm>>
        tpu.wait_dma2 semaphore(%run_scoped3A : memref<!tpu.dma_semaphore, #tpu.memory_space<semaphore_mem>>) src(%dma_wait3A_251 : memref<16x80xi32, #tpu.memory_space<hbm>>) dst(%arg24 : memref<16x80xi32, #tpu.memory_space<vmem>>)
        tpu.yield
      }) : () -> ()
      %dma_start3A_222 = arith.constant 0 : i32
      %dma_start3A_223 = arith.constant 0 : i32
      %dma_start3A_224 = tpu.memref_slice %arg24[%dma_start3A_222, %dma_start3A_223] : memref<16x80xi32, #tpu.memory_space<vmem>> -> memref<1x80xi32, #tpu.memory_space<vmem>>
      %dma_start3A_225 = tpu.memref_squeeze %dma_start3A_224 : memref<1x80xi32, #tpu.memory_space<vmem>> -> memref<80xi32, #tpu.memory_space<vmem>>
      %dma_start3A_226 = arith.constant 0 : i32
      %dma_start3A_227 = arith.constant 0 : i32
      %dma_start3A_228 = tpu.memref_slice %arg2[%dma_start3A_226, %dma_start3A_227] : memref<10000x144xf32, #tpu.memory_space<hbm>> -> memref<10000x144xf32, #tpu.memory_space<hbm>>
      tpu.enqueue_indirect_dma source(%dma_start3A_228 : memref<10000x144xf32, #tpu.memory_space<hbm>>) target(%arg21 : memref<80x144xf32, #tpu.memory_space<vmem>>) offsets(%dma_start3A_225 : memref<80xi32, #tpu.memory_space<vmem>>) semaphore(%arg25 : memref<!tpu.dma_semaphore, #tpu.memory_space<semaphore_mem>>)
      %scan3A_229 = arith.constant 0 : i32
      %scan3A_230 = arith.constant 0 : i32
      %scan3A_231 = arith.constant 8 : i32
      %scan3A_232 = arith.addi %scan3A_230, %scan3A_231 : i32
      %scan3A_233 = arith.constant 1 : i32
      %scan3A_234 = scf.for %scan3A_245 = %scan3A_230 to %scan3A_232 step %scan3A_233 iter_args(%scan3A_246 = %scan3A_229) -> (i32)  : i32 {
        %mul3A_247 = arith.constant 2 : i32
        %mul3A_248 = arith.muli %mul3A_247, %scan3A_245 : i32
        %add3A_249 = arith.constant 1 : i32
        %add3A_250 = arith.addi %mul3A_248, %add3A_249 : i32
        %add3A_251 = arith.constant 2 : i32
        %add3A_252 = arith.addi %mul3A_248, %add3A_251 : i32
        %dma_wait3A = arith.constant 0 : i32
        %dma_wait3A_253 = tpu.memref_slice %arg24[%mul3A_248, %dma_wait3A] : memref<16x80xi32, #tpu.memory_space<vmem>> -> memref<1x80xi32, #tpu.memory_space<vmem>>
        %dma_wait3A_254 = tpu.memref_squeeze %dma_wait3A_253 : memref<1x80xi32, #tpu.memory_space<vmem>> -> memref<80xi32, #tpu.memory_space<vmem>>
        %dma_wait3A_255 = arith.constant 0 : i32
        %dma_wait3A_256 = arith.constant 0 : i32
        %dma_wait3A_257 = tpu.memref_slice %arg2[%dma_wait3A_255, %dma_wait3A_256] : memref<10000x144xf32, #tpu.memory_space<hbm>> -> memref<10000x144xf32, #tpu.memory_space<hbm>>
        tpu.wait_indirect_dma semaphore(%arg25 : memref<!tpu.dma_semaphore, #tpu.memory_space<semaphore_mem>>) src(%dma_wait3A_257 : memref<10000x144xf32, #tpu.memory_space<hbm>>) dst(%arg21 : memref<80x144xf32, #tpu.memory_space<vmem>>)
        %dma_start3A_258 = arith.constant 0 : i32
        %dma_start3A_259 = tpu.memref_slice %arg24[%add3A_250, %dma_start3A_258] : memref<16x80xi32, #tpu.memory_space<vmem>> -> memref<1x80xi32, #tpu.memory_space<vmem>>
        %dma_start3A_260 = tpu.memref_squeeze %dma_start3A_259 : memref<1x80xi32, #tpu.memory_space<vmem>> -> memref<80xi32, #tpu.memory_space<vmem>>
        %dma_start3A_261 = arith.constant 0 : i32
        %dma_start3A_262 = arith.constant 0 : i32
        %dma_start3A_263 = tpu.memref_slice %arg2[%dma_start3A_261, %dma_start3A_262] : memref<10000x144xf32, #tpu.memory_space<hbm>> -> memref<10000x144xf32, #tpu.memory_space<hbm>>
        tpu.enqueue_indirect_dma source(%dma_start3A_263 : memref<10000x144xf32, #tpu.memory_space<hbm>>) target(%arg22 : memref<80x144xf32, #tpu.memory_space<vmem>>) offsets(%dma_start3A_260 : memref<80xi32, #tpu.memory_space<vmem>>) semaphore(%arg26 : memref<!tpu.dma_semaphore, #tpu.memory_space<semaphore_mem>>)
        "tpu.region"() ({
          %run_scoped3A = tpu.sem_alloc : memref<!tpu.dma_semaphore, #tpu.memory_space<semaphore_mem>>
          %dma_start3A_276 = arith.constant 0 : i32
          %dma_start3A_277 = tpu.memref_slice %arg23[%mul3A_248, %dma_start3A_276] : memref<16x80xi32, #tpu.memory_space<vmem>> -> memref<1x80xi32, #tpu.memory_space<vmem>>
          %dma_start3A_278 = tpu.memref_squeeze %dma_start3A_277 : memref<1x80xi32, #tpu.memory_space<vmem>> -> memref<80xi32, #tpu.memory_space<vmem>>
          %dma_start3A_279 = arith.constant 0 : i32
          %dma_start3A_280 = arith.constant 0 : i32
          %dma_start3A_281 = tpu.memref_slice %arg19[%dma_start3A_279, %dma_start3A_280] : memref<10240x144xf32, #tpu.memory_space<vmem_shared>> -> memref<10240x144xf32, #tpu.memory_space<vmem_shared>>
          tpu.enqueue_indirect_dma source(%arg21 : memref<80x144xf32, #tpu.memory_space<vmem>>) target(%dma_start3A_281 : memref<10240x144xf32, #tpu.memory_space<vmem_shared>>) offsets(%dma_start3A_278 : memref<80xi32, #tpu.memory_space<vmem>>) semaphore(%run_scoped3A : memref<!tpu.dma_semaphore, #tpu.memory_space<semaphore_mem>>) {add = true}
          %dma_wait3A_282 = arith.constant 0 : i32
          %dma_wait3A_283 = tpu.memref_slice %arg23[%mul3A_248, %dma_wait3A_282] : memref<16x80xi32, #tpu.memory_space<vmem>> -> memref<1x80xi32, #tpu.memory_space<vmem>>
          %dma_wait3A_284 = tpu.memref_squeeze %dma_wait3A_283 : memref<1x80xi32, #tpu.memory_space<vmem>> -> memref<80xi32, #tpu.memory_space<vmem>>
          %dma_wait3A_285 = arith.constant 0 : i32
          %dma_wait3A_286 = arith.constant 0 : i32
          %dma_wait3A_287 = tpu.memref_slice %arg19[%dma_wait3A_285, %dma_wait3A_286] : memref<10240x144xf32, #tpu.memory_space<vmem_shared>> -> memref<10240x144xf32, #tpu.memory_space<vmem_shared>>
          tpu.wait_indirect_dma semaphore(%run_scoped3A : memref<!tpu.dma_semaphore, #tpu.memory_space<semaphore_mem>>) src(%arg21 : memref<80x144xf32, #tpu.memory_space<vmem>>) dst(%dma_wait3A_287 : memref<10240x144xf32, #tpu.memory_space<vmem_shared>>)
          tpu.yield
        }) : () -> ()
        %min3A = arith.constant 15 : i32
        %min3A_264 = arith.minsi %add3A_252, %min3A : i32
        %lt3A = arith.constant 16 : i32
        %lt3A_265 = arith.cmpi slt, %add3A_252, %lt3A : i32
        %convert_element_type3A_266 = arith.extui %lt3A_265 : i1 to i32
        %cond3A_267 = arith.constant 0 : i32
        %cond3A_268 = arith.cmpi ne, %convert_element_type3A_266, %cond3A_267 : i32
        scf.if %cond3A_268 {
          %dma_start3A_276 = arith.constant 0 : i32
          %dma_start3A_277 = tpu.memref_slice %arg24[%min3A_264, %dma_start3A_276] : memref<16x80xi32, #tpu.memory_space<vmem>> -> memref<1x80xi32, #tpu.memory_space<vmem>>
          %dma_start3A_278 = tpu.memref_squeeze %dma_start3A_277 : memref<1x80xi32, #tpu.memory_space<vmem>> -> memref<80xi32, #tpu.memory_space<vmem>>
          %dma_start3A_279 = arith.constant 0 : i32
          %dma_start3A_280 = arith.constant 0 : i32
          %dma_start3A_281 = tpu.memref_slice %arg2[%dma_start3A_279, %dma_start3A_280] : memref<10000x144xf32, #tpu.memory_space<hbm>> -> memref<10000x144xf32, #tpu.memory_space<hbm>>
          tpu.enqueue_indirect_dma source(%dma_start3A_281 : memref<10000x144xf32, #tpu.memory_space<hbm>>) target(%arg21 : memref<80x144xf32, #tpu.memory_space<vmem>>) offsets(%dma_start3A_278 : memref<80xi32, #tpu.memory_space<vmem>>) semaphore(%arg25 : memref<!tpu.dma_semaphore, #tpu.memory_space<semaphore_mem>>)
        } else {
        }
        %dma_wait3A_269 = arith.constant 0 : i32
        %dma_wait3A_270 = tpu.memref_slice %arg24[%add3A_250, %dma_wait3A_269] : memref<16x80xi32, #tpu.memory_space<vmem>> -> memref<1x80xi32, #tpu.memory_space<vmem>>
        %dma_wait3A_271 = tpu.memref_squeeze %dma_wait3A_270 : memref<1x80xi32, #tpu.memory_space<vmem>> -> memref<80xi32, #tpu.memory_space<vmem>>
        %dma_wait3A_272 = arith.constant 0 : i32
        %dma_wait3A_273 = arith.constant 0 : i32
        %dma_wait3A_274 = tpu.memref_slice %arg2[%dma_wait3A_272, %dma_wait3A_273] : memref<10000x144xf32, #tpu.memory_space<hbm>> -> memref<10000x144xf32, #tpu.memory_space<hbm>>
        tpu.wait_indirect_dma semaphore(%arg26 : memref<!tpu.dma_semaphore, #tpu.memory_space<semaphore_mem>>) src(%dma_wait3A_274 : memref<10000x144xf32, #tpu.memory_space<hbm>>) dst(%arg22 : memref<80x144xf32, #tpu.memory_space<vmem>>)
        "tpu.region"() ({
          %run_scoped3A = tpu.sem_alloc : memref<!tpu.dma_semaphore, #tpu.memory_space<semaphore_mem>>
          %dma_start3A_276 = arith.constant 0 : i32
          %dma_start3A_277 = tpu.memref_slice %arg23[%add3A_250, %dma_start3A_276] : memref<16x80xi32, #tpu.memory_space<vmem>> -> memref<1x80xi32, #tpu.memory_space<vmem>>
          %dma_start3A_278 = tpu.memref_squeeze %dma_start3A_277 : memref<1x80xi32, #tpu.memory_space<vmem>> -> memref<80xi32, #tpu.memory_space<vmem>>
          %dma_start3A_279 = arith.constant 0 : i32
          %dma_start3A_280 = arith.constant 0 : i32
          %dma_start3A_281 = tpu.memref_slice %arg19[%dma_start3A_279, %dma_start3A_280] : memref<10240x144xf32, #tpu.memory_space<vmem_shared>> -> memref<10240x144xf32, #tpu.memory_space<vmem_shared>>
          tpu.enqueue_indirect_dma source(%arg22 : memref<80x144xf32, #tpu.memory_space<vmem>>) target(%dma_start3A_281 : memref<10240x144xf32, #tpu.memory_space<vmem_shared>>) offsets(%dma_start3A_278 : memref<80xi32, #tpu.memory_space<vmem>>) semaphore(%run_scoped3A : memref<!tpu.dma_semaphore, #tpu.memory_space<semaphore_mem>>) {add = true}
          %dma_wait3A_282 = arith.constant 0 : i32
          %dma_wait3A_283 = tpu.memref_slice %arg23[%add3A_250, %dma_wait3A_282] : memref<16x80xi32, #tpu.memory_space<vmem>> -> memref<1x80xi32, #tpu.memory_space<vmem>>
          %dma_wait3A_284 = tpu.memref_squeeze %dma_wait3A_283 : memref<1x80xi32, #tpu.memory_space<vmem>> -> memref<80xi32, #tpu.memory_space<vmem>>
          %dma_wait3A_285 = arith.constant 0 : i32
          %dma_wait3A_286 = arith.constant 0 : i32
          %dma_wait3A_287 = tpu.memref_slice %arg19[%dma_wait3A_285, %dma_wait3A_286] : memref<10240x144xf32, #tpu.memory_space<vmem_shared>> -> memref<10240x144xf32, #tpu.memory_space<vmem_shared>>
          tpu.wait_indirect_dma semaphore(%run_scoped3A : memref<!tpu.dma_semaphore, #tpu.memory_space<semaphore_mem>>) src(%arg22 : memref<80x144xf32, #tpu.memory_space<vmem>>) dst(%dma_wait3A_287 : memref<10240x144xf32, #tpu.memory_space<vmem_shared>>)
          tpu.yield
        }) : () -> ()
        %scan3A_275 = arith.constant 0 : i32
        scf.yield %scan3A_275 : i32
      }
      %scan3A_235 = arith.constant 8 : i32
      %barrier3A_236 = arith.constant 0 : index
      tpu.barrier barrier_id(%barrier3A_236)
      %scan3A_237 = arith.constant 0 : i32
      %scan3A_238 = arith.constant 0 : i32
      %scan3A_239 = arith.constant 8 : i32
      %scan3A_240 = arith.addi %scan3A_238, %scan3A_239 : i32
      %scan3A_241 = arith.constant 1 : i32
      %scan3A_242 = scf.for %scan3A_245 = %scan3A_238 to %scan3A_240 step %scan3A_241 iter_args(%scan3A_246 = %scan3A_237) -> (i32)  : i32 {
        %mul3A_247 = arith.constant 80 : i32
        %mul3A_248 = arith.muli %scan3A_245, %mul3A_247 : i32
        %add3A_249 = arith.addi %mul3A_0, %mul3A_248 : i32
        "tpu.region"() ({
          %run_scoped3A = tpu.sem_alloc : memref<!tpu.dma_semaphore, #tpu.memory_space<semaphore_mem>>
          %dma_start3A_254 = arith.constant 0 : i32
          %dma_start3A_255 = tpu.memref_slice %arg19[%add3A_249, %dma_start3A_254] : memref<10240x144xf32, #tpu.memory_space<vmem_shared>> -> memref<80x144xf32, #tpu.memory_space<vmem_shared>>
          %dma_start3A_256 = arith.constant 0 : i32
          %dma_start3A_257 = tpu.memref_slice %arg19[%add3A_249, %dma_start3A_256] : memref<10240x144xf32, #tpu.memory_space<vmem_shared>> -> memref<80x144xf32, #tpu.memory_space<vmem_shared>>
          tpu.enqueue_dma source(%dma_start3A_257 : memref<80x144xf32, #tpu.memory_space<vmem_shared>>) target(%arg21 : memref<80x144xf32, #tpu.memory_space<vmem>>) target_semaphore(%run_scoped3A : memref<!tpu.dma_semaphore, #tpu.memory_space<semaphore_mem>>)
          %dma_wait3A = arith.constant 0 : i32
          %dma_wait3A_258 = tpu.memref_slice %arg19[%add3A_249, %dma_wait3A] : memref<10240x144xf32, #tpu.memory_space<vmem_shared>> -> memref<80x144xf32, #tpu.memory_space<vmem_shared>>
          %dma_wait3A_259 = arith.constant 0 : i32
          %dma_wait3A_260 = tpu.memref_slice %arg19[%add3A_249, %dma_wait3A_259] : memref<10240x144xf32, #tpu.memory_space<vmem_shared>> -> memref<80x144xf32, #tpu.memory_space<vmem_shared>>
          tpu.wait_dma2 semaphore(%run_scoped3A : memref<!tpu.dma_semaphore, #tpu.memory_space<semaphore_mem>>) src(%dma_wait3A_260 : memref<80x144xf32, #tpu.memory_space<vmem_shared>>) dst(%arg21 : memref<80x144xf32, #tpu.memory_space<vmem>>)
          tpu.yield
        }) : () -> ()
        %mul3A_250 = arith.constant 80 : i32
        %mul3A_251 = arith.muli %scan3A_245, %mul3A_250 : i32
        %add3A_252 = arith.addi %mul3A_0, %mul3A_251 : i32
        "tpu.region"() ({
          %run_scoped3A = tpu.sem_alloc : memref<!tpu.dma_semaphore, #tpu.memory_space<semaphore_mem>>
          %dma_start3A_254 = arith.constant 0 : i32
          %dma_start3A_255 = tpu.memref_slice %arg18[%add3A_252, %dma_start3A_254] : memref<10240x144xf32, #tpu.memory_space<hbm>> -> memref<80x144xf32, #tpu.memory_space<hbm>>
          %dma_start3A_256 = arith.constant 0 : i32
          %dma_start3A_257 = tpu.memref_slice %arg18[%add3A_252, %dma_start3A_256] : memref<10240x144xf32, #tpu.memory_space<hbm>> -> memref<80x144xf32, #tpu.memory_space<hbm>>
          tpu.enqueue_dma source(%arg21 : memref<80x144xf32, #tpu.memory_space<vmem>>) target(%dma_start3A_257 : memref<80x144xf32, #tpu.memory_space<hbm>>) target_semaphore(%run_scoped3A : memref<!tpu.dma_semaphore, #tpu.memory_space<semaphore_mem>>)
          %dma_wait3A = arith.constant 0 : i32
          %dma_wait3A_258 = tpu.memref_slice %arg18[%add3A_252, %dma_wait3A] : memref<10240x144xf32, #tpu.memory_space<hbm>> -> memref<80x144xf32, #tpu.memory_space<hbm>>
          %dma_wait3A_259 = arith.constant 0 : i32
          %dma_wait3A_260 = tpu.memref_slice %arg18[%add3A_252, %dma_wait3A_259] : memref<10240x144xf32, #tpu.memory_space<hbm>> -> memref<80x144xf32, #tpu.memory_space<hbm>>
          tpu.wait_dma2 semaphore(%run_scoped3A : memref<!tpu.dma_semaphore, #tpu.memory_space<semaphore_mem>>) src(%arg21 : memref<80x144xf32, #tpu.memory_space<vmem>>) dst(%dma_wait3A_260 : memref<80x144xf32, #tpu.memory_space<hbm>>)
          tpu.yield
        }) : () -> ()
        %scan3A_253 = arith.constant 0 : i32
        scf.yield %scan3A_253 : i32
      }
      %scan3A_243 = arith.constant 8 : i32
      %barrier3A_244 = arith.constant 0 : index
      tpu.barrier barrier_id(%barrier3A_244)
    } else {
    }
    return
  }
}

module attributes {stable_mosaic.version = 14 : i64} {
  func.func @_tc_body(%arg0: i32, %arg1: memref<1000x128xf32, #tpu.memory_space<vmem>>, %arg2: memref<1000x144xf32, #tpu.memory_space<vmem>>, %arg3: memref<1000x144xf32, #tpu.memory_space<vmem>>, %arg4: memref<1000x144xf32, #tpu.memory_space<vmem>>, %arg5: memref<1000x144xf32, #tpu.memory_space<vmem>>, %arg6: memref<1000x144xf32, #tpu.memory_space<vmem>>, %arg7: memref<1000x144xf32, #tpu.memory_space<vmem>>, %arg8: memref<128x128xf32, #tpu.memory_space<vmem>>, %arg9: memref<128x128xf32, #tpu.memory_space<vmem>>, %arg10: memref<128x128xf32, #tpu.memory_space<vmem>>, %arg11: memref<128x128xf32, #tpu.memory_space<vmem>>, %arg12: memref<128x128xf32, #tpu.memory_space<vmem>>, %arg13: memref<128x128xf32, #tpu.memory_space<vmem>>, %arg14: memref<1x128xf32, #tpu.memory_space<vmem>>, %arg15: memref<1000x128xf32, #tpu.memory_space<vmem>>) attributes {dimension_semantics = [#tpu.dimension_semantics<arbitrary>], iteration_bounds = array<i64: 10>, scalar_prefetch = 0 : i64, scratch_operands = 0 : i64, tpu.core_type = #tpu.core_type<tc>, window_params = [{transform_indices = @transform_0, window_bounds = array<i64: 1000, 128>}, {transform_indices = @transform_1, window_bounds = array<i64: 1000, 144>}, {transform_indices = @transform_2, window_bounds = array<i64: 1000, 144>}, {transform_indices = @transform_3, window_bounds = array<i64: 1000, 144>}, {transform_indices = @transform_4, window_bounds = array<i64: 1000, 144>}, {transform_indices = @transform_5, window_bounds = array<i64: 1000, 144>}, {transform_indices = @transform_6, window_bounds = array<i64: 1000, 144>}, {pipeline_mode = #tpu.pipeline_mode<synchronous>, transform_indices = @transform_7, window_bounds = array<i64: 128, 128>}, {pipeline_mode = #tpu.pipeline_mode<synchronous>, transform_indices = @transform_8, window_bounds = array<i64: 128, 128>}, {pipeline_mode = #tpu.pipeline_mode<synchronous>, transform_indices = @transform_9, window_bounds = array<i64: 128, 128>}, {pipeline_mode = #tpu.pipeline_mode<synchronous>, transform_indices = @transform_10, window_bounds = array<i64: 128, 128>}, {pipeline_mode = #tpu.pipeline_mode<synchronous>, transform_indices = @transform_11, window_bounds = array<i64: 128, 128>}, {pipeline_mode = #tpu.pipeline_mode<synchronous>, transform_indices = @transform_12, window_bounds = array<i64: 128, 128>}, {pipeline_mode = #tpu.pipeline_mode<synchronous>, transform_indices = @transform_13, window_bounds = array<i64: 1, 128>}, {transform_indices = @transform_14, window_bounds = array<i64: 1000, 128>}]} {
    %get3A = arith.constant 0 : index
    %get3A_0 = arith.constant 0 : index
    %get3A_1 = vector.load %arg1[%get3A, %get3A_0] : memref<1000x128xf32, #tpu.memory_space<vmem>>, vector<1000x128xf32>
    %get3A_2 = arith.constant 0 : index
    %get3A_3 = arith.constant 0 : index
    %get3A_4 = vector.load %arg13[%get3A_2, %get3A_3] : memref<128x128xf32, #tpu.memory_space<vmem>>, vector<128x128xf32>
    %dot_general3A = arith.constant dense<0.000000e+00> : vector<1000x128xf32>
    %dot_general3A_5 = tpu.matmul %get3A_1, %get3A_4, %dot_general3A {dimension_numbers = #tpu.dot_dimension_numbers<[1], [0], [0], [1], [0, 0, 1, 1], [], []>, transpose_lhs_hint = false} : vector<1000x128xf32>, vector<128x128xf32>, vector<1000x128xf32> -> vector<1000x128xf32>
    %get3A_6 = arith.constant 0 : index
    %get3A_7 = arith.constant 0 : index
    %get3A_8 = vector.load %arg14[%get3A_6, %get3A_7] : memref<1x128xf32, #tpu.memory_space<vmem>>, vector<1x128xf32>
    %add3A = vector.broadcast %get3A_8 : vector<1x128xf32> to vector<1000x128xf32>
    %add3A_9 = arith.addf %dot_general3A_5, %add3A : vector<1000x128xf32>
    %get3A_10 = arith.constant 0 : index
    %get3A_11 = arith.constant 128 : index
    %get3A_12 = vector.load %arg2[%get3A_10, %get3A_11] : memref<1000x144xf32, #tpu.memory_space<vmem>>, vector<1000x1xf32>
    %gt3A = arith.constant 0.000000e+00 : f32
    %gt3A_13 = vector.broadcast %gt3A : f32 to vector<1000x1xf32>
    %gt3A_14 = arith.cmpf ogt, %get3A_12, %gt3A_13 : vector<1000x1xf32>
    %div3A = arith.constant 1.000000e+00 : f32
    %div3A_15 = vector.broadcast %div3A : f32 to vector<1000x1xf32>
    %div3A_16 = arith.divf %div3A_15, %get3A_12 : vector<1000x1xf32>
    %jit3A = arith.constant 0.000000e+00 : f32
    %broadcast_in_dim3A = vector.broadcast %jit3A : f32 to vector<1000x1xf32>
    %select_n3A = arith.select %gt3A_14, %div3A_16, %broadcast_in_dim3A : vector<1000x1xi1>, vector<1000x1xf32>
    %get3A_17 = arith.constant 0 : index
    %get3A_18 = arith.constant 0 : index
    %get3A_19 = vector.load %arg2[%get3A_17, %get3A_18] : memref<1000x144xf32, #tpu.memory_space<vmem>>, vector<1000x128xf32>
    %get3A_20 = arith.constant 0 : index
    %get3A_21 = arith.constant 0 : index
    %get3A_22 = vector.load %arg8[%get3A_20, %get3A_21] : memref<128x128xf32, #tpu.memory_space<vmem>>, vector<128x128xf32>
    %dot_general3A_23 = arith.constant dense<0.000000e+00> : vector<1000x128xf32>
    %dot_general3A_24 = tpu.matmul %get3A_19, %get3A_22, %dot_general3A_23 {dimension_numbers = #tpu.dot_dimension_numbers<[1], [0], [0], [1], [0, 0, 1, 1], [], []>, transpose_lhs_hint = false} : vector<1000x128xf32>, vector<128x128xf32>, vector<1000x128xf32> -> vector<1000x128xf32>
    %get3A_25 = arith.constant 0 : index
    %get3A_26 = arith.constant 0 : index
    %get3A_27 = vector.load %arg3[%get3A_25, %get3A_26] : memref<1000x144xf32, #tpu.memory_space<vmem>>, vector<1000x128xf32>
    %get3A_28 = arith.constant 0 : index
    %get3A_29 = arith.constant 0 : index
    %get3A_30 = vector.load %arg9[%get3A_28, %get3A_29] : memref<128x128xf32, #tpu.memory_space<vmem>>, vector<128x128xf32>
    %dot_general3A_31 = arith.constant dense<0.000000e+00> : vector<1000x128xf32>
    %dot_general3A_32 = tpu.matmul %get3A_27, %get3A_30, %dot_general3A_31 {dimension_numbers = #tpu.dot_dimension_numbers<[1], [0], [0], [1], [0, 0, 1, 1], [], []>, transpose_lhs_hint = false} : vector<1000x128xf32>, vector<128x128xf32>, vector<1000x128xf32> -> vector<1000x128xf32>
    %add3A_33 = arith.addf %dot_general3A_24, %dot_general3A_32 : vector<1000x128xf32>
    %get3A_34 = arith.constant 0 : index
    %get3A_35 = arith.constant 128 : index
    %get3A_36 = vector.load %arg4[%get3A_34, %get3A_35] : memref<1000x144xf32, #tpu.memory_space<vmem>>, vector<1000x1xf32>
    %gt3A_37 = arith.constant 0.000000e+00 : f32
    %gt3A_38 = vector.broadcast %gt3A_37 : f32 to vector<1000x1xf32>
    %gt3A_39 = arith.cmpf ogt, %get3A_36, %gt3A_38 : vector<1000x1xf32>
    %div3A_40 = arith.constant 1.000000e+00 : f32
    %div3A_41 = vector.broadcast %div3A_40 : f32 to vector<1000x1xf32>
    %div3A_42 = arith.divf %div3A_41, %get3A_36 : vector<1000x1xf32>
    %jit3A_43 = arith.constant 0.000000e+00 : f32
    %broadcast_in_dim3A_44 = vector.broadcast %jit3A_43 : f32 to vector<1000x1xf32>
    %select_n3A_45 = arith.select %gt3A_39, %div3A_42, %broadcast_in_dim3A_44 : vector<1000x1xi1>, vector<1000x1xf32>
    %get3A_46 = arith.constant 0 : index
    %get3A_47 = arith.constant 0 : index
    %get3A_48 = vector.load %arg4[%get3A_46, %get3A_47] : memref<1000x144xf32, #tpu.memory_space<vmem>>, vector<1000x128xf32>
    %get3A_49 = arith.constant 0 : index
    %get3A_50 = arith.constant 0 : index
    %get3A_51 = vector.load %arg10[%get3A_49, %get3A_50] : memref<128x128xf32, #tpu.memory_space<vmem>>, vector<128x128xf32>
    %dot_general3A_52 = arith.constant dense<0.000000e+00> : vector<1000x128xf32>
    %dot_general3A_53 = tpu.matmul %get3A_48, %get3A_51, %dot_general3A_52 {dimension_numbers = #tpu.dot_dimension_numbers<[1], [0], [0], [1], [0, 0, 1, 1], [], []>, transpose_lhs_hint = false} : vector<1000x128xf32>, vector<128x128xf32>, vector<1000x128xf32> -> vector<1000x128xf32>
    %get3A_54 = arith.constant 0 : index
    %get3A_55 = arith.constant 0 : index
    %get3A_56 = vector.load %arg5[%get3A_54, %get3A_55] : memref<1000x144xf32, #tpu.memory_space<vmem>>, vector<1000x128xf32>
    %get3A_57 = arith.constant 0 : index
    %get3A_58 = arith.constant 0 : index
    %get3A_59 = vector.load %arg11[%get3A_57, %get3A_58] : memref<128x128xf32, #tpu.memory_space<vmem>>, vector<128x128xf32>
    %dot_general3A_60 = arith.constant dense<0.000000e+00> : vector<1000x128xf32>
    %dot_general3A_61 = tpu.matmul %get3A_56, %get3A_59, %dot_general3A_60 {dimension_numbers = #tpu.dot_dimension_numbers<[1], [0], [0], [1], [0, 0, 1, 1], [], []>, transpose_lhs_hint = false} : vector<1000x128xf32>, vector<128x128xf32>, vector<1000x128xf32> -> vector<1000x128xf32>
    %add3A_62 = arith.addf %dot_general3A_53, %dot_general3A_61 : vector<1000x128xf32>
    %get3A_63 = arith.constant 0 : index
    %get3A_64 = arith.constant 0 : index
    %get3A_65 = vector.load %arg6[%get3A_63, %get3A_64] : memref<1000x144xf32, #tpu.memory_space<vmem>>, vector<1000x128xf32>
    %get3A_66 = arith.constant 0 : index
    %get3A_67 = arith.constant 0 : index
    %get3A_68 = vector.load %arg7[%get3A_66, %get3A_67] : memref<1000x144xf32, #tpu.memory_space<vmem>>, vector<1000x128xf32>
    %add3A_69 = arith.addf %get3A_65, %get3A_68 : vector<1000x128xf32>
    %get3A_70 = arith.constant 0 : index
    %get3A_71 = arith.constant 0 : index
    %get3A_72 = vector.load %arg12[%get3A_70, %get3A_71] : memref<128x128xf32, #tpu.memory_space<vmem>>, vector<128x128xf32>
    %dot_general3A_73 = arith.constant dense<0.000000e+00> : vector<1000x128xf32>
    %dot_general3A_74 = tpu.matmul %add3A_69, %get3A_72, %dot_general3A_73 {dimension_numbers = #tpu.dot_dimension_numbers<[1], [0], [0], [1], [0, 0, 1, 1], [], []>, transpose_lhs_hint = false} : vector<1000x128xf32>, vector<128x128xf32>, vector<1000x128xf32> -> vector<1000x128xf32>
    %add3A_75 = arith.addf %add3A_62, %dot_general3A_74 : vector<1000x128xf32>
    %mul3A = vector.broadcast %select_n3A : vector<1000x1xf32> to vector<1000x128xf32>
    %mul3A_76 = arith.mulf %mul3A, %add3A_33 : vector<1000x128xf32>
    %add3A_77 = arith.addf %add3A_9, %mul3A_76 : vector<1000x128xf32>
    %mul3A_78 = vector.broadcast %select_n3A_45 : vector<1000x1xf32> to vector<1000x128xf32>
    %mul3A_79 = arith.mulf %mul3A_78, %add3A_75 : vector<1000x128xf32>
    %add3A_80 = arith.addf %add3A_77, %mul3A_79 : vector<1000x128xf32>
    %swap3A = arith.constant 0 : index
    %swap3A_81 = arith.constant 0 : index
    %swap3A_82 = vector.load %arg15[%swap3A, %swap3A_81] : memref<1000x128xf32, #tpu.memory_space<vmem>>, vector<1000x128xf32>
    tpu.vector_store %arg15[%swap3A, %swap3A_81], %add3A_80 {strides = array<i32>} : memref<1000x128xf32, #tpu.memory_space<vmem>>, vector<1000x128xf32>,
    return
  }
  func.func @transform_0(%arg0: i32) -> (i32, i32) {
    %c0_i32 = arith.constant 0 : i32
    %c0_i32_0 = arith.constant 0 : i32
    return %arg0, %c0_i32 : i32, i32
  }
  func.func @transform_1(%arg0: i32) -> (i32, i32) {
    %c0_i32 = arith.constant 0 : i32
    %c0_i32_0 = arith.constant 0 : i32
    return %arg0, %c0_i32 : i32, i32
  }
  func.func @transform_2(%arg0: i32) -> (i32, i32) {
    %c0_i32 = arith.constant 0 : i32
    %c0_i32_0 = arith.constant 0 : i32
    return %arg0, %c0_i32 : i32, i32
  }
  func.func @transform_3(%arg0: i32) -> (i32, i32) {
    %c0_i32 = arith.constant 0 : i32
    %c0_i32_0 = arith.constant 0 : i32
    return %arg0, %c0_i32 : i32, i32
  }
  func.func @transform_4(%arg0: i32) -> (i32, i32) {
    %c0_i32 = arith.constant 0 : i32
    %c0_i32_0 = arith.constant 0 : i32
    return %arg0, %c0_i32 : i32, i32
  }
  func.func @transform_5(%arg0: i32) -> (i32, i32) {
    %c0_i32 = arith.constant 0 : i32
    %c0_i32_0 = arith.constant 0 : i32
    return %arg0, %c0_i32 : i32, i32
  }
  func.func @transform_6(%arg0: i32) -> (i32, i32) {
    %c0_i32 = arith.constant 0 : i32
    %c0_i32_0 = arith.constant 0 : i32
    return %arg0, %c0_i32 : i32, i32
  }
  func.func @transform_7(%arg0: i32) -> (i32, i32) {
    %c0_i32 = arith.constant 0 : i32
    %c0_i32_0 = arith.constant 0 : i32
    %c0_i32_1 = arith.constant 0 : i32
    return %c0_i32, %c0_i32_0 : i32, i32
  }
  func.func @transform_8(%arg0: i32) -> (i32, i32) {
    %c0_i32 = arith.constant 0 : i32
    %c0_i32_0 = arith.constant 0 : i32
    %c0_i32_1 = arith.constant 0 : i32
    return %c0_i32, %c0_i32_0 : i32, i32
  }
  func.func @transform_9(%arg0: i32) -> (i32, i32) {
    %c0_i32 = arith.constant 0 : i32
    %c0_i32_0 = arith.constant 0 : i32
    %c0_i32_1 = arith.constant 0 : i32
    return %c0_i32, %c0_i32_0 : i32, i32
  }
  func.func @transform_10(%arg0: i32) -> (i32, i32) {
    %c0_i32 = arith.constant 0 : i32
    %c0_i32_0 = arith.constant 0 : i32
    %c0_i32_1 = arith.constant 0 : i32
    return %c0_i32, %c0_i32_0 : i32, i32
  }
  func.func @transform_11(%arg0: i32) -> (i32, i32) {
    %c0_i32 = arith.constant 0 : i32
    %c0_i32_0 = arith.constant 0 : i32
    %c0_i32_1 = arith.constant 0 : i32
    return %c0_i32, %c0_i32_0 : i32, i32
  }
  func.func @transform_12(%arg0: i32) -> (i32, i32) {
    %c0_i32 = arith.constant 0 : i32
    %c0_i32_0 = arith.constant 0 : i32
    %c0_i32_1 = arith.constant 0 : i32
    return %c0_i32, %c0_i32_0 : i32, i32
  }
  func.func @transform_13(%arg0: i32) -> (i32, i32) {
    %c0_i32 = arith.constant 0 : i32
    %c0_i32_0 = arith.constant 0 : i32
    %c0_i32_1 = arith.constant 0 : i32
    return %c0_i32, %c0_i32_0 : i32, i32
  }
  func.func @transform_14(%arg0: i32) -> (i32, i32) {
    %c0_i32 = arith.constant 0 : i32
    %c0_i32_0 = arith.constant 0 : i32
    return %arg0, %c0_i32 : i32, i32
  }
}

</mosaic_0001>

<sc_bundles>
// kernel: kernel.4.cloned.1.call-start
scs
__scs_entry_jumppad:
0x0: {  	(pc) =	sbr.rel $0x88, $3  }
0x1: {  	(tag) =	ssettag $0x0;
	lr =	simm.s32 $0x1  }
0x2: {  	[smem:$0x3F9A] =	sst lr;
	_ =	strace $0xD0000000  }
0x3: {  	_ = 	snop  }
0x4: {  	_ = 	snop  }
0x5: {  	_ = 	snop  }
0x6: {  	_ = 	snop  }
0x7: {  	_ = 	snop  }
__scs_overlays_trampoline_lowered:
0x8: {  	[smem:$0x3FA9] =	sst s0  }
0x9: {  	[smem:$0x3FAA] =	sst s1  }
0xa: {  	[smem:$0x3FAB] =	sst s2  }
0xb: {  	[smem:$0x3FAC] =	sst s3  }
0xc: {  	[smem:$0x3FAD] =	sst s4  }
0xd: {  	[smem:$0x3FAE] =	sst s5  }
0xe: {  	[smem:$0x3FAF] =	sst s6  }
0xf: {  	[smem:$0x3FB0] =	sst s7  }
0x10: {  	[smem:$0x3FB1] =	sst s8  }
0x11: {  	[smem:$0x3FB2] =	sst s9;
	s0 =	simm.s32 @!p0 $0x0  }
0x12: {  	s1 =	sld [smem:$0x3F98];
	s0 =	simm.s32 @p0 $0x1  }
0x13: {  	[smem:$0x3FB3] =	sst s0;
	s0 =	simm.s32 @!p1 $0x0  }
0x14: {  	s2 =	sld [smem:$0x3F97];
	s0 =	simm.s32 @p1 $0x1  }
0x15: {  	[smem:$0x3FB4] =	sst s0;
	s0 =	simm.s32 @!p2 $0x0  }
0x16: {  	s3 =	sld [smem:$0x3FDB];
	s0 =	simm.s32 @p2 $0x1  }
0x17: {  	s4 =	simm.s32 $0x1BF5;
	[smem:$0x3FB6] =	sst s0  }
0x18: {  	s0 =	sld [smem:$0x3F99];
	_ =	swait.ge [sflag:s4], $0x0  }
0x19: {  	s7 =	sld [smem:$0x3F9A]  }
0x1a: {  	s8 =	sadd.s32 $0xFFFFE003, lr  }
0x1b: {  	s9 =	sadd.s32 $0xFFFFFEF7, lr;
	s5 =	simm.s32 $0xFFFFFFFF;
	p2 =	slt.u32 s8, $0xFFFFF086  }
0x1c: {  	p1 =	slt.u32 s9, $0xF7A;
	s5 =	simm.s32 @!p2 $0x0  }
0x1d: {  	s5 =	simm.s32 @p1 $0x1;
	p0 =	seq.s32 s7, s2  }
0x1e: {  	s7 =	smul.u32 @!p0 $0xF7A, s2;
	p2 =	seq.s32 @!p0 s5, $0x0  }
0x1f: {  	s9 =	smul.u32 $0xF7A, s1;
	s8 =	simm.s32 @!p0 $0x1BF5;
	p2 =	por !p2, p0  }
0x20: {  	[sflag:s8] =	ssyncset.s32 @!p0 $0xFFFFF086;
	s6 =	sadd.s32 @!p0 s3, s7;
	s7 =	simm.s32 @!p0 $0x108  }
0x21: {  	s3 =	sadd.s32 s3, s9;
	s6 =	sadd.s32 @!p0 $0x88, s6;
	s7 =	simm.s32 @p2 $0x1082  }
0x22: {  	[simem:s7], [sflag:s8] =	dma.local @!p0 [hbm:s6], $0xF7A  }
0x23: {  	s9 =	sor.u32 $0xD0000000, s2;
	s6 =	simm.s32 $0x108;
	_ =	swait.ge @!p0 [sflag:s8], $0x0  }
0x24: {  	s3 =	sadd.s32 $0x88, s3;
	s6 =	simm.s32 @!p1 $0x1082;
	[sflag:s4] =	ssyncset.s32 $0xFFFFF086  }
0x25: {  	[simem:s6], [sflag:s4] =	dma.local [hbm:s3], $0xF7A  }
0x26: {  	[smem:$0x3F9A] =	sst s1;
	(tag) =	ssettag s2;
	_ =	strace s9  }
0x27: {  	s1 =	sld [smem:$0x3FAA]  }
0x28: {  	s2 =	sld [smem:$0x3FAB]  }
0x29: {  	s4 =	sld [smem:$0x3FAD]  }
0x2a: {  	p0 =	seq.s32 s5, $0x0;
	s5 =	sld [smem:$0x3FAE]  }
0x2b: {  	s6 =	sld [smem:$0x3FAF]  }
0x2c: {  	s7 =	sld [smem:$0x3FB0]  }
0x2d: {  	s3 =	simm.s32 $0x108;
	s8 =	sld [smem:$0x3FB1]  }
0x2e: {  	s3 =	simm.s32 @!p0 $0x1082;
	s9 =	sld [smem:$0x3FB2]  }
0x2f: {  	lr =	sadd.s32 s0, s3;
	s0 =	sld [smem:$0x3FA9]  }
0x30: {  	s3 =	sld [smem:$0x3FAC]  }
0x31: {  	[smem:$0x3FB5] =	sst s10  }
0x32: {  	s10 =	sld [smem:$0x3FB3];
	_ =	sdelay $0x3  }
0x33: {  	p0 =	seq.s32 s10, $0x1;
	s10 =	sld [smem:$0x3FB5];
	_ =	sdelay $0x3  }
0x34: {  	[smem:$0x3FB5] =	sst s10  }
0x35: {  	s10 =	sld [smem:$0x3FB4];
	_ =	sdelay $0x3  }
0x36: {  	p1 =	seq.s32 s10, $0x1;
	s10 =	sld [smem:$0x3FB5];
	_ =	sdelay $0x3  }
0x37: {  	[smem:$0x3FB5] =	sst s10  }
0x38: {  	s10 =	sld [smem:$0x3FB6]  }
0x39: {  	_ = 	snop;
	(pc) =	sbr.ind lr, $3  }
0x3a: {  	_ = 	snop  }
0x3b: {  	_ = 	snop  }
0x3c: {  	p2 =	seq.s32 s10, $0x1;
	s10 =	sld [smem:$0x3FB5]  }
0x3d: {  	_ =	shalt  }
0x3e: {  	_ =	shalt  }
0x3f: {  	_ =	shalt  }
0x40: {  	_ =	shalt  }
0x41: {  	_ =	shalt  }
0x42: {  	_ =	shalt  }
0x43: {  	_ =	shalt  }
0x44: {  	_ =	shalt  }
0x45: {  	_ =	shalt  }
0x46: {  	_ =	shalt  }
0x47: {  	_ =	shalt  }
0x48: {  	_ =	shalt  }
0x49: {  	_ =	shalt  }
0x4a: {  	_ =	shalt  }
0x4b: {  	_ =	shalt  }
0x4c: {  	_ =	shalt  }
0x4d: {  	_ =	shalt  }
0x4e: {  	_ =	shalt  }
0x4f: {  	_ =	shalt  }
0x50: {  	_ =	shalt  }
0x51: {  	_ =	shalt  }
0x52: {  	_ =	shalt  }
0x53: {  	_ =	shalt  }
0x54: {  	_ =	shalt  }
0x55: {  	_ =	shalt  }
0x56: {  	_ =	shalt  }
0x57: {  	_ =	shalt  }
0x58: {  	_ =	shalt  }
0x59: {  	_ =	shalt  }
0x5a: {  	_ =	shalt  }
0x5b: {  	_ =	shalt  }
0x5c: {  	_ =	shalt  }
0x5d: {  	_ =	shalt  }
0x5e: {  	_ =	shalt  }
0x5f: {  	_ =	shalt  }
0x60: {  	_ =	shalt  }
0x61: {  	_ =	shalt  }
0x62: {  	_ =	shalt  }
0x63: {  	_ =	shalt  }
0x64: {  	_ =	shalt  }
0x65: {  	_ =	shalt  }
0x66: {  	_ =	shalt  }
0x67: {  	_ =	shalt  }
0x68: {  	_ =	shalt  }
0x69: {  	_ =	shalt  }
0x6a: {  	_ =	shalt  }
0x6b: {  	_ =	shalt  }
0x6c: {  	_ =	shalt  }
0x6d: {  	_ =	shalt  }
0x6e: {  	_ =	shalt  }
0x6f: {  	_ =	shalt  }
0x70: {  	_ =	shalt  }
0x71: {  	_ =	shalt  }
0x72: {  	_ =	shalt  }
0x73: {  	_ =	shalt  }
0x74: {  	_ =	shalt  }
0x75: {  	_ =	shalt  }
0x76: {  	_ =	shalt  }
0x77: {  	_ =	shalt  }
0x78: {  	_ =	shalt  }
0x79: {  	_ =	shalt  }
0x7a: {  	_ =	shalt  }
0x7b: {  	_ =	shalt  }
0x7c: {  	_ =	shalt  }
0x7d: {  	_ =	shalt  }
0x7e: {  	_ =	shalt  }
0x7f: {  	_ =	shalt  }
0x80: {  	_ =	shalt  }
0x81: {  	_ =	shalt  }
0x82: {  	_ =	shalt  }
0x83: {  	_ =	shalt  }
0x84: {  	_ =	shalt  }
0x85: {  	_ =	shalt  }
0x86: {  	_ =	shalt  }
0x87: {  	_ =	shalt  }
.Lfunc_end0:
.L_simem_size_0:
called_computation_lowered:
.L_overlay_start_0:
0x88: {  	s2 =	sld [smem:$0x3FD9]  }
0x89: {  	s3 =	sld [smem:$0x3FFE];
	_ =	sdelay $0x1  }
0x8a: {  	s1 =	srdreg.scid  }
0x8b: {  	s0 =	sand.u32 $0x1, s1  }
0x8c: {  	s17 =	sshll.u32 s0, $0xA;
	s2 =	sadd.s32 s3, s2  }
0x8d: {  	s2 =	sadd.s32 s2, s17  }
0x8e: {  	[smem:$0x3FC1] =	sst s2  }
0x8f: {  	_ = 	snop  }
0x90: {  	s2 =	sld [smem:$0x3FD0];
	(tm) =	ssettm $0x1  }
0x91: {  	s18 =	sld [smem:$0x3FFB];
	_ =	sdelay $0x3  }
0x92: {  	_ =	strace s18  }
0x93: {  	s3 =	sld [smem:$0x3FFC];
	_ =	sdelay $0x3  }
0x94: {  	_ =	strace s3  }
0x95: {  	s3 =	sld [smem:$0x3FFD];
	_ =	sdelay $0x3  }
0x96: {  	_ =	strace s3  }
0x97: {  	_ =	strace $0x8FFFFFFF  }
0x98: {  	s19 =	sld [smem:$0x3FDB];
	_ =	sdelay $0x1  }
0x99: {  	s4 =	simm.s32 $_scs_section_size  }
0x9a: {  	s5 =	simm.s32 $_size__tile_overlayer_lowered;
	s6 =	simm.s32 $_tile_overlayer_lowered  }
0x9b: {  	s22 =	simm.s32 $0x1BFF;
	s21 =	sshll.u32 s6, $0x1;
	s3 =	sadd.s32 s4, s19  }
0x9c: {  	s7 =	simm.s32 $0x0;
	s20 =	sshll.u32 s5, $0x1;
	s5 =	sadd.s32 s21, s3  }
0x9d: {  	[timem:s7], [sflag:s22] =	dma.local [hbm:s5], s20  }
0x9e: {  	_ =	swait.ge [sflag:s22], s20  }
0x9f: {  	s4 =	ssub.s32 $0x0, s20;
	[sflag:s22] =	ssyncset.done $0x0  }
0xa0: {  	[sflag:s22] =	ssyncadd.s32 s4;
	_ =	sdelay $0x1  }
0xa1: {  	s23 =	simm.s32 $0x1B8B  }
0xa2: {  	_ =	swait.ge [sflag:s23], $0x1  }
0xa3: {  	[sflag:s23] =	ssyncset.done $0x0  }
0xa4: {  	s25 =	simm.s32 $0x1B8E;
	s24 =	sld [smem:$0x3FFE];
	[sflag:s23] =	ssyncadd.s32 $0xFFFFFFFF  }
0xa5: {  	s26 =	simm.s32 $execute0_lowered;
	[smem:$0x3FD2] =	sst s25  }
0xa6: {  	s5 =	sshll.u32 s26, $0x1;
	_ =	strace $0x80000046;
	[dreg:$0x1] =	wrdreg $0xFFFFFFFF  }
0xa7: {  	s28 =	simm.s32 $_size_execute0_lowered;
	s3 =	sadd.s32 s3, s5;
	[dreg:$0x0] =	wrdreg $0x0  }
0xa8: {  	s5 =	sshll.u32 s28, $0x1;
	[dreg:$0x2] =	wrdreg s3  }
0xa9: {  	[dreg:$0x3] =	wrdreg s5  }
0xaa: {  	[dreg:$0x4] =	wrdreg $0xC0  }
0xab: {  	_ =	task [dreg:s7], $0x5FFFF  }
0xac: {  	[dreg:$0x1] =	wrdreg $0xFFFFFFFF  }
0xad: {  	[dreg:$0x0] =	wrdreg $0x60  }
0xae: {  	[dreg:$0x2] =	wrdreg s24  }
0xaf: {  	[dreg:$0x3] =	wrdreg s2  }
0xb0: {  	[dreg:$0x4] =	wrdreg $0x0  }
0xb1: {  	[dreg:$0x5] =	wrdreg $0x9  }
0xb2: {  	_ =	task.clear_ibuf [dreg:s7], $0x6FFFF;
	_ =	strace $0x90000046  }
0xb3: {  	s29 =	simm.s32 $0x9;
	_ =	strace $0x80000048  }
0xb4: {  	_ =	swait.ge [sflag:s29], $0x1  }
0xb5: {  	[sflag:s29] =	ssyncadd.s32 $0xFFFFFFFF  }
0xb6: {  	_ =	strace $0x90000048  }
0xb7: {  	_ =	sfence  }
0xb8: {  	s30 =	sld [smem:$0x0];
	_ =	sdelay $0x2  }
0xb9: {  	s31 =	sshll.u32 s1, $0xD;
	s1 =	sshrl.u32 s1, $0x2  }
0xba: {  	s3 =	sand.u32 $0x4000, s31;
	s1 =	sadd.s32 s1, s30  }
0xbb: {  	s0 =	sor.u32 s3, s0;
	s1 =	sshll.u32 s1, $0x11  }
0xbc: {  	s0 =	sor.u32 s1, s0  }
0xbd: {  	s0 =	sadd.s32 $0x8F2B, s0  }
0xbe: {  	[sflag:s0] =	ssyncadd.remote.s32 $0x1  }
0xbf: {  	_ =	sfence.sel $0xFFFF  }
0xc0: {  	[dreg:$0x0] =	wrdreg $0xFFFFFFFF;
	(pc) =	sbr.abs _section_cstart, $3  }
0xc1: {  	[dreg:$0x1] =	wrdreg $0xFFFFFFFF  }
0xc2: {  	_ =	task.clear_ibuf [dreg:s7], $0x2FFFF;
	_ =	strace $0x9FFFFFFF  }
0xc3: {  	(tm) =	ssettm $0x7FFFFFFF  }
tec
execute0_lowered:
.L_overlay_start_1:
0x0: {  	(tag) =	ssettag $0x1  }
0x1: {  	s1 =	rddreg [dreg:$0x0]  }
0x2: {  	s5 =	rddreg [dreg:$0x1];
	s0 =	simm.s32 $0x0;
	s3 =	srdreg.scid  }
0x3: {  	s23 =	stileid.u32;
	[smem:$0x7FF] =	sst s0  }
0x4: {  	s8 =	sadd.s32 $0x35600, s1;
	s9 =	sadd.s32 $0x32400, s1;
	s2 =	sadd.s32 $0x2E800, s1  }
0x5: {  	s10 =	sadd.s32 $0x2D400, s1;
	s11 =	sadd.s32 $0x31A00, s1;
	s12 =	sadd.s32 $0x30600, s1  }
0x6: {  	s13 =	sadd.s32 $0x31000, s1;
	s14 =	sadd.s32 $0x2FC00, s1;
	s7 =	sadd.s32 $0x119800, s1  }
0x7: {  	s15 =	sadd.s32 $0xEC800, s1;
	s6 =	sadd.s32 $0xBF800, s1;
	s18 =	smul.u32 $0x1900, s23  }
0x8: {  	s16 =	sand.u32 $0x1, s3;
	s17 =	sadd.s32 $0x92800, s1;
	s25 =	smul.u32 $0x320, s23  }
0x9: {  	s4 =	sadd.s32 $0x65800, s1;
	s19 =	sadd.s32 $0x38800, s1;
	s24 =	smul.u32 $0xA0, s23  }
0xa: {  	s3 =	ssub.s32 $0x2, s16;
	p0 =	seq.s32 s16, $0x1;
	s18 =	sshrl.u32 s18, $0x3  }
0xb: {  	s22 =	sadd.s32 s5, s25;
	s8 =	smov.u32 @p0 s9;
	s7 =	smov.u32 @p0 s15  }
0xc: {  	s11 =	smov.u32 @p0 s13;
	[dreg:$0x4] =	wrdreg s22;
	s15 =	sadd.s32 s8, s25  }
0xd: {  	s26 =	sadd.s32 $0xA0, s18;
	s11 =	sadd.s32 s11, s24;
	[dreg:$0x9] =	wrdreg s15  }
0xe: {  	s21 =	sadd.s32 $0x140, s18;
	s28 =	sadd.s32 s5, s26;
	[dreg:$0xe] =	wrdreg s11  }
0xf: {  	s30 =	sadd.s32 $0x1E0, s18;
	s29 =	sadd.s32 s5, s21;
	[dreg:$0x5] =	wrdreg s28  }
0x10: {  	s18 =	sadd.s32 $0x280, s18;
	s31 =	sadd.s32 s5, s30;
	[dreg:$0x6] =	wrdreg s29  }
0x11: {  	s20 =	sshrl.u32 s3, $0x1;
	s5 =	sadd.s32 s5, s18;
	[dreg:$0x7] =	wrdreg s31  }
0x12: {  	s3 =	ssub.s32 s3, s20;
	s20 =	sadd.s32 s8, s26;
	[dreg:$0x8] =	wrdreg s5  }
0x13: {  	s2 =	smov.u32 @p0 s10;
	s22 =	sadd.s32 s8, s21;
	[dreg:$0xa] =	wrdreg s20  }
0x14: {  	s12 =	smov.u32 @p0 s14;
	s9 =	sadd.s32 s8, s30;
	[dreg:$0xb] =	wrdreg s22  }
0x15: {  	s8 =	sadd.s32 s8, s18;
	s5 =	smul.u32 $0x16800, s23;
	[dreg:$0xc] =	wrdreg s9  }
0x16: {  	s6 =	smov.u32 @p0 s17;
	[dreg:$0xd] =	wrdreg s8;
	s8 =	sadd.s32 s12, s24  }
0x17: {  	s4 =	smov.u32 @p0 s19;
	[dreg:$0xf] =	wrdreg s8;
	s9 =	sshrl.u32 s5, $0x3  }
0x18: {  	s10 =	sadd.s32 $0x2D00, s5;
	s8 =	sadd.s32 $0x5A00, s5;
	s12 =	sadd.s32 $0x8700, s5  }
0x19: {  	s14 =	sadd.s32 $0xB400, s5;
	s17 =	sadd.s32 $0xE100, s5;
	s19 =	sadd.s32 $0x10E00, s5  }
0x1a: {  	s20 =	sadd.s32 $0x13B00, s5;
	s13 =	sshrl.u32 s10, $0x3;
	s24 =	sadd.s32 s7, s9  }
0x1b: {  	s11 =	sshrl.u32 s8, $0x3;
	[dreg:$0x10] =	wrdreg s24;
	s25 =	sadd.s32 s7, s13  }
0x1c: {  	s15 =	sshrl.u32 s12, $0x3;
	s26 =	sadd.s32 s7, s11;
	[dreg:$0x11] =	wrdreg s25  }
0x1d: {  	s16 =	sshrl.u32 s14, $0x3;
	s28 =	sadd.s32 s7, s15;
	[dreg:$0x12] =	wrdreg s26  }
0x1e: {  	s18 =	sshrl.u32 s17, $0x3;
	s29 =	sadd.s32 s7, s16;
	[dreg:$0x13] =	wrdreg s28  }
0x1f: {  	s21 =	sshrl.u32 s19, $0x3;
	s30 =	sadd.s32 s7, s18;
	[dreg:$0x14] =	wrdreg s29  }
0x20: {  	s22 =	sshrl.u32 s20, $0x3;
	s31 =	sadd.s32 s7, s21;
	[dreg:$0x15] =	wrdreg s30  }
0x21: {  	s7 =	sadd.s32 s7, s22;
	[dreg:$0x16] =	wrdreg s31  }
0x22: {  	s24 =	sadd.s32 s6, s9;
	[dreg:$0x17] =	wrdreg s7  }
0x23: {  	[dreg:$0x18] =	wrdreg s24;
	s25 =	sadd.s32 s6, s13  }
0x24: {  	s26 =	sadd.s32 s6, s11;
	[dreg:$0x19] =	wrdreg s25  }
0x25: {  	s28 =	sadd.s32 s6, s15;
	[dreg:$0x1a] =	wrdreg s26  }
0x26: {  	s29 =	sadd.s32 s6, s16;
	[dreg:$0x1b] =	wrdreg s28  }
0x27: {  	s30 =	sadd.s32 s6, s18;
	[dreg:$0x1c] =	wrdreg s29  }
0x28: {  	s31 =	sadd.s32 s6, s21;
	[dreg:$0x1d] =	wrdreg s30  }
0x29: {  	s6 =	sadd.s32 s6, s22;
	[dreg:$0x1e] =	wrdreg s31  }
0x2a: {  	s7 =	sadd.s32 s4, s9;
	[dreg:$0x1f] =	wrdreg s6  }
0x2b: {  	s9 =	sadd.s32 s4, s13;
	[smem:$0x7DF] =	sst s7  }
0x2c: {  	s11 =	sadd.s32 s4, s11;
	[smem:$0x7E0] =	sst s9  }
0x2d: {  	s13 =	sadd.s32 s4, s15;
	[smem:$0x7E1] =	sst s11  }
0x2e: {  	s15 =	sadd.s32 s4, s16;
	[smem:$0x7E2] =	sst s13  }
0x2f: {  	s18 =	sadd.s32 s4, s18;
	[smem:$0x7E3] =	sst s15  }
0x30: {  	[smem:$0x7E4] =	sst s18  }
0x31: {  	s6 =	rddreg [dreg:$0x2];
	s25 =	sadd.s32 s4, s21  }
0x32: {  	s4 =	sadd.s32 s4, s22;
	[smem:$0x7E5] =	sst s25  }
0x33: {  	[smem:$0x7E6] =	sst s4;
	s9 =	sadd.s32 s5, s6  }
0x34: {  	s10 =	sadd.s32 s10, s6;
	_ =	strace $0x80000047;
	[smem:$0x7EC] =	sst s9  }
0x35: {  	s16 =	smul.u32 $0x5A000, s23;
	s11 =	sadd.s32 s8, s6;
	[smem:$0x7ED] =	sst s10  }
0x36: {  	s15 =	sadd.s32 s12, s6;
	[smem:$0x7EE] =	sst s11  }
0x37: {  	s7 =	sshrl.u32 s16, $0x2;
	s16 =	sadd.s32 s14, s6;
	[smem:$0x7EF] =	sst s15  }
0x38: {  	s24 =	smul.u32 $0xA00, s23;
	s18 =	sadd.s32 s17, s6;
	[smem:$0x7F0] =	sst s16  }
0x39: {  	s26 =	smul.u32 $0x140, s23;
	s21 =	sadd.s32 s19, s6;
	[smem:$0x7F1] =	sst s18  }
0x3a: {  	s22 =	sadd.s32 s20, s6;
	[smem:$0x7F2] =	sst s21  }
0x3b: {  	s28 =	sshrl.u32 s24, $0x3;
	s29 =	sadd.s32 s1, s26;
	[smem:$0x7F3] =	sst s22  }
0x3c: {  	s4 =	sadd.s32 $0xA0, s28;
	s30 =	sadd.s32 s2, s26;
	[smem:$0x7E7] =	sst s29  }
0x3d: {  	[smem:$0x7E8] =	sst s30;
	s2 =	sadd.s32 s2, s4  }
0x3e: {  	s31 =	sadd.s32 s1, s4;
	[smem:$0x7E9] =	sst s2  }
0x3f: {  	s4 =	sadd.s32 s7, s6;
	s7 =	smax.u32 s3, $0x1;
	[smem:$0x7EA] =	sst s31  }
0x40: {  	[smem:$0x7EB] =	sst s7  }
0x41: {  	s23 =	sadd.s32 $0x2400, s4;
	[smem:$0x7FC] =	sst s4  }
0x42: {  	s24 =	sadd.s32 $0x4800, s4;
	[smem:$0x7F4] =	sst s23  }
0x43: {  	s13 =	sadd.s32 $0x1400, s1;
	s25 =	sadd.s32 $0x6C00, s4;
	[smem:$0x7F5] =	sst s24  }
0x44: {  	s19 =	simm.s32 $0x16800;
	s26 =	sadd.s32 $0x9000, s4;
	[smem:$0x7F6] =	sst s25  }
0x45: {  	s8 =	simm.s32 $0x50;
	s28 =	sadd.s32 $0xB400, s4;
	[smem:$0x7F7] =	sst s26  }
0x46: {  	s12 =	simm.s32 $0x1B900;
	s29 =	sadd.s32 $0xD800, s4;
	[smem:$0x7F8] =	sst s28  }
0x47: {  	s9 =	simm.s32 $0x18C00;
	s30 =	sadd.s32 $0xFC00, s4;
	[smem:$0x7F9] =	sst s29  }
0x48: {  	s10 =	simm.s32 $0x1;
	s31 =	sadd.s32 $0x12000, s4;
	[smem:$0x7FA] =	sst s30  }
0x49: {  	s16 =	simm.s32 $0x2;
	s1 =	sadd.s32 $0x14400, s4;
	[smem:$0x7FB] =	sst s31  }
0x4a: {  	v0 =	vimm.f32 $0.0e+00;
	s4 =	simm.s32 $0x3;
	s2 =	simm.s32 $0x0;
	[smem:$0x7FD] =	sst s1  }
.LBB2_1:
0x4b: {  	s28 =	smul.u32 $0xE38F, s0;
	_ =	sdelay $0x1  }
0x4c: {  	[smem:$0x7DE] =	sst s2;
	s29 =	sshrl.u32 s28, $0x13  }
0x4d: {  	s30 =	simm.s32 $0x0;
	s28 =	simm.s32 $0x1;
	s31 =	smul.u32 $0x9, s29  }
.LBB2_2:
0x4e: {  	s1 =	smul.u32 $0xE38F, s28  }
0x4f: {  	s2 =	smov.u32 s28;
	s29 =	smul.u32 $0x240, s29;
	p0 =	sne.s32 s28, $0x23F  }
.Ltmp0:
0x50: {  	s30 =	ssub.s32 s30, s31;
	(pc) =	sbr.rel @p0 .LBB2_2-.Ltmp0, $4  }
0x51: {  	s28 =	sadd.s32 $0x1, s28;
	s30 =	sand.u32 $0xFFFF, s30  }
0x52: {  	s31 =	sshrl.u32 s29, $0x2;
	s14 =	sshll.u32 s30, $0x4;
	s30 =	smov.u32 s2  }
0x53: {  	s29 =	sshrl.u32 s1, $0x13;
	s1 =	sadd.s32 s14, s31  }
0x54: {  	s31 =	smul.u32 $0x9, s29;
	[tilespmem:s1+$0x16800] =	vst v0  }
0x55: {  	_ = 	snop  }
0x56: {  	s2 =	smul.u32 $0x240, s29;
	s1 =	ssub.s32 s30, s31  }
0x57: {  	s1 =	sand.u32 $0xFFFF, s1  }
0x58: {  	s26 =	sld [smem:$0x7FC];
	s2 =	sshrl.u32 s2, $0x2;
	s1 =	sshll.u32 s1, $0x4  }
0x59: {  	s1 =	sadd.s32 s1, s2  }
0x5a: {  	[tilespmem:s1+$0x16800] =	vst v0  }
0x5b: {  	[spmem:s26] =	stream.linear.scatter [tilespmem:s19], [sflag:$0x3], $0x2400, $0x38;
	[tilespmem:$0x1F000] =	vst v63  }
0x5c: {  	_ =	swait.ge [sflag:s4], $0x2400  }
0x5d: {  	s28 =	sld [smem:$0x7F4]  }
0x5e: {  	[sflag:s4] =	ssyncset.done $0x0  }
0x5f: {  	[sflag:s4] =	ssyncadd.s32 $0xFFFFDC00  }
0x60: {  	[spmem:s28] =	stream.linear.scatter [tilespmem:s19], [sflag:$0x3], $0x2400, $0x38;
	[tilespmem:$0x1F000] =	vst v63  }
0x61: {  	_ =	swait.ge [sflag:s4], $0x2400  }
0x62: {  	s29 =	sld [smem:$0x7F5]  }
0x63: {  	[sflag:s4] =	ssyncset.done $0x0  }
0x64: {  	[sflag:s4] =	ssyncadd.s32 $0xFFFFDC00  }
0x65: {  	[spmem:s29] =	stream.linear.scatter [tilespmem:s19], [sflag:$0x3], $0x2400, $0x38;
	[tilespmem:$0x1F000] =	vst v63  }
0x66: {  	_ =	swait.ge [sflag:s4], $0x2400  }
0x67: {  	s30 =	sld [smem:$0x7F6]  }
0x68: {  	[sflag:s4] =	ssyncset.done $0x0  }
0x69: {  	[sflag:s4] =	ssyncadd.s32 $0xFFFFDC00  }
0x6a: {  	[spmem:s30] =	stream.linear.scatter [tilespmem:s19], [sflag:$0x3], $0x2400, $0x38;
	[tilespmem:$0x1F000] =	vst v63  }
0x6b: {  	_ =	swait.ge [sflag:s4], $0x2400  }
0x6c: {  	s31 =	sld [smem:$0x7F7]  }
0x6d: {  	[sflag:s4] =	ssyncset.done $0x0  }
0x6e: {  	[sflag:s4] =	ssyncadd.s32 $0xFFFFDC00  }
0x6f: {  	[spmem:s31] =	stream.linear.scatter [tilespmem:s19], [sflag:$0x3], $0x2400, $0x38;
	[tilespmem:$0x1F000] =	vst v63  }
0x70: {  	_ =	swait.ge [sflag:s4], $0x2400  }
0x71: {  	s2 =	sld [smem:$0x7F8]  }
0x72: {  	[sflag:s4] =	ssyncset.done $0x0  }
0x73: {  	[sflag:s4] =	ssyncadd.s32 $0xFFFFDC00  }
0x74: {  	[spmem:s2] =	stream.linear.scatter [tilespmem:s19], [sflag:$0x3], $0x2400, $0x38;
	[tilespmem:$0x1F000] =	vst v63  }
0x75: {  	_ =	swait.ge [sflag:s4], $0x2400  }
0x76: {  	s3 =	sld [smem:$0x7F9]  }
0x77: {  	[sflag:s4] =	ssyncset.done $0x0  }
0x78: {  	[sflag:s4] =	ssyncadd.s32 $0xFFFFDC00  }
0x79: {  	[spmem:s3] =	stream.linear.scatter [tilespmem:s19], [sflag:$0x3], $0x2400, $0x38;
	[tilespmem:$0x1F000] =	vst v63  }
0x7a: {  	_ =	swait.ge [sflag:s4], $0x2400  }
0x7b: {  	s5 =	sld [smem:$0x7FA]  }
0x7c: {  	[sflag:s4] =	ssyncset.done $0x0  }
0x7d: {  	[sflag:s4] =	ssyncadd.s32 $0xFFFFDC00  }
0x7e: {  	[spmem:s5] =	stream.linear.scatter [tilespmem:s19], [sflag:$0x3], $0x2400, $0x38;
	[tilespmem:$0x1F000] =	vst v63  }
0x7f: {  	_ =	swait.ge [sflag:s4], $0x2400  }
0x80: {  	s7 =	sld [smem:$0x7FB]  }
0x81: {  	[sflag:s4] =	ssyncset.done $0x0  }
0x82: {  	[sflag:s4] =	ssyncadd.s32 $0xFFFFDC00  }
0x83: {  	[spmem:s7] =	stream.linear.scatter [tilespmem:s19], [sflag:$0x3], $0x2400, $0x38;
	[tilespmem:$0x1F000] =	vst v63  }
0x84: {  	_ =	swait.ge [sflag:s4], $0x2400  }
0x85: {  	s11 =	sld [smem:$0x7FD]  }
0x86: {  	[sflag:s4] =	ssyncset.done $0x0  }
0x87: {  	[sflag:s4] =	ssyncadd.s32 $0xFFFFDC00  }
0x88: {  	[spmem:s11] =	stream.linear.scatter [tilespmem:s19], [sflag:$0x3], $0x2400, $0x38;
	[tilespmem:$0x1F000] =	vst v63  }
0x89: {  	_ =	swait.ge [sflag:s4], $0x2400  }
0x8a: {  	[sflag:s4] =	ssyncset.done $0x0  }
0x8b: {  	[sflag:s4] =	ssyncadd.s32 $0xFFFFDC00  }
0x8c: {  	[bflag:$0x0] =	sbarrier.arrive $0xFFFF  }
0x8d: {  	s15 =	simm.s32 $0x1E600;
	s14 =	rddreg [dreg:$0x4]  }
0x8e: {  	[tilespmem:s15], [sflag:$0x3] =	stream.linear.gather [hbm4b:s14+s0], $0x500, $0x38;
	[tilespmem:$0x1F000] =	vst v63  }
0x8f: {  	_ =	swait.ge [sflag:s4], $0x500  }
0x90: {  	[sflag:s4] =	ssyncset.done $0x0  }
0x91: {  	s3 =	simm.s32 $0x1EB00;
	s20 =	rddreg [dreg:$0x9];
	[sflag:s4] =	ssyncadd.s32 $0xFFFFFB00  }
0x92: {  	[tilespmem:s3], [sflag:$0x3] =	stream.linear.gather [hbm4b:s20+s0], $0x500, $0x38;
	[tilespmem:$0x1F000] =	vst v63  }
0x93: {  	_ =	swait.ge [sflag:s4], $0x500  }
0x94: {  	[sflag:s4] =	ssyncset.done $0x0  }
0x95: {  	[sflag:s4] =	ssyncadd.s32 $0xFFFFFB00  }
0x96: {  	[tilespmem:s9], [sflag:$0x1] =	stream.indirect.gather [hbm4b:s13+s8], $0x90, s3, s8, $0xb8;
	[tilespmem:$0x1F000] =	vst v63  }
0x97: {  	_ =	swait.ge [sflag:s10], $0x2D00  }
0x98: {  	[sflag:s10] =	ssyncset.done $0x0  }
0x99: {  	s21 =	simm.s32 $0x1EB50;
	[sflag:s10] =	ssyncadd.s32 $0xFFFFD300  }
0x9a: {  	[tilespmem:s12], [sflag:$0x2] =	stream.indirect.gather [hbm4b:s13+s8], $0x90, s21, s8, $0xb8;
	[tilespmem:$0x1F000] =	vst v63  }
0x9b: {  	s17 =	simm.s32 $0x1E600  }
0x9c: {  	[spmem:s6] =	stream.indirect.scatter.add.f32 [tilespmem:s9], [sflag:$0x3], $0x90, s17, s8, $0xb8;
	[tilespmem:$0x1F000] =	vst v63  }
0x9d: {  	_ =	swait.ge [sflag:s4], $0x2D00  }
0x9e: {  	[sflag:s4] =	ssyncset.done $0x0  }
0x9f: {  	s22 =	simm.s32 $0x1EBA0;
	[sflag:s4] =	ssyncadd.s32 $0xFFFFD300  }
0xa0: {  	[tilespmem:s9], [sflag:$0x1] =	stream.indirect.gather [hbm4b:s13+s8], $0x90, s22, s8, $0xb8;
	[tilespmem:$0x1F000] =	vst v63  }
0xa1: {  	_ =	swait.ge [sflag:s16], $0x2D00  }
0xa2: {  	[sflag:s16] =	ssyncset.done $0x0  }
0xa3: {  	s23 =	simm.s32 $0x1E650;
	[sflag:s16] =	ssyncadd.s32 $0xFFFFD300  }
0xa4: {  	[spmem:s6] =	stream.indirect.scatter.add.f32 [tilespmem:s12], [sflag:$0x3], $0x90, s23, s8, $0xb8;
	[tilespmem:$0x1F000] =	vst v63  }
0xa5: {  	_ =	swait.ge [sflag:s4], $0x2D00  }
0xa6: {  	[sflag:s4] =	ssyncset.done $0x0  }
0xa7: {  	[sflag:s4] =	ssyncadd.s32 $0xFFFFD300  }
0xa8: {  	_ =	swait.ge [sflag:s10], $0x2D00  }
0xa9: {  	[sflag:s10] =	ssyncset.done $0x0  }
0xaa: {  	s24 =	simm.s32 $0x1EBF0;
	[sflag:s10] =	ssyncadd.s32 $0xFFFFD300  }
0xab: {  	[tilespmem:s12], [sflag:$0x2] =	stream.indirect.gather [hbm4b:s13+s8], $0x90, s24, s8, $0xb8;
	[tilespmem:$0x1F000] =	vst v63  }
0xac: {  	s25 =	simm.s32 $0x1E6A0  }
0xad: {  	[spmem:s6] =	stream.indirect.scatter.add.f32 [tilespmem:s9], [sflag:$0x3], $0x90, s25, s8, $0xb8;
	[tilespmem:$0x1F000] =	vst v63  }
0xae: {  	_ =	swait.ge [sflag:s4], $0x2D00  }
0xaf: {  	[sflag:s4] =	ssyncset.done $0x0  }
0xb0: {  	s26 =	simm.s32 $0x1EC40;
	[sflag:s4] =	ssyncadd.s32 $0xFFFFD300  }
0xb1: {  	[tilespmem:s9], [sflag:$0x1] =	stream.indirect.gather [hbm4b:s13+s8], $0x90, s26, s8, $0xb8;
	[tilespmem:$0x1F000] =	vst v63  }
0xb2: {  	_ =	swait.ge [sflag:s16], $0x2D00  }
0xb3: {  	[sflag:s16] =	ssyncset.done $0x0  }
0xb4: {  	s28 =	simm.s32 $0x1E6F0;
	[sflag:s16] =	ssyncadd.s32 $0xFFFFD300  }
0xb5: {  	[spmem:s6] =	stream.indirect.scatter.add.f32 [tilespmem:s12], [sflag:$0x3], $0x90, s28, s8, $0xb8;
	[tilespmem:$0x1F000] =	vst v63  }
0xb6: {  	_ =	swait.ge [sflag:s4], $0x2D00  }
0xb7: {  	[sflag:s4] =	ssyncset.done $0x0  }
0xb8: {  	[sflag:s4] =	ssyncadd.s32 $0xFFFFD300  }
0xb9: {  	_ =	swait.ge [sflag:s10], $0x2D00  }
0xba: {  	[sflag:s10] =	ssyncset.done $0x0  }
0xbb: {  	s29 =	simm.s32 $0x1EC90;
	[sflag:s10] =	ssyncadd.s32 $0xFFFFD300  }
0xbc: {  	[tilespmem:s12], [sflag:$0x2] =	stream.indirect.gather [hbm4b:s13+s8], $0x90, s29, s8, $0xb8;
	[tilespmem:$0x1F000] =	vst v63  }
0xbd: {  	s30 =	simm.s32 $0x1E740  }
0xbe: {  	[spmem:s6] =	stream.indirect.scatter.add.f32 [tilespmem:s9], [sflag:$0x3], $0x90, s30, s8, $0xb8;
	[tilespmem:$0x1F000] =	vst v63  }
0xbf: {  	_ =	swait.ge [sflag:s4], $0x2D00  }
0xc0: {  	[sflag:s4] =	ssyncset.done $0x0  }
0xc1: {  	s31 =	simm.s32 $0x1ECE0;
	[sflag:s4] =	ssyncadd.s32 $0xFFFFD300  }
0xc2: {  	[tilespmem:s9], [sflag:$0x1] =	stream.indirect.gather [hbm4b:s13+s8], $0x90, s31, s8, $0xb8;
	[tilespmem:$0x1F000] =	vst v63  }
0xc3: {  	_ =	swait.ge [sflag:s16], $0x2D00  }
0xc4: {  	[sflag:s16] =	ssyncset.done $0x0  }
0xc5: {  	s2 =	simm.s32 $0x1E790;
	[sflag:s16] =	ssyncadd.s32 $0xFFFFD300  }
0xc6: {  	[spmem:s6] =	stream.indirect.scatter.add.f32 [tilespmem:s12], [sflag:$0x3], $0x90, s2, s8, $0xb8;
	[tilespmem:$0x1F000] =	vst v63  }
0xc7: {  	_ =	swait.ge [sflag:s4], $0x2D00  }
0xc8: {  	[sflag:s4] =	ssyncset.done $0x0  }
0xc9: {  	[sflag:s4] =	ssyncadd.s32 $0xFFFFD300  }
0xca: {  	_ =	swait.ge [sflag:s10], $0x2D00  }
0xcb: {  	[sflag:s10] =	ssyncset.done $0x0  }
0xcc: {  	s5 =	simm.s32 $0x1ED30;
	[sflag:s10] =	ssyncadd.s32 $0xFFFFD300  }
0xcd: {  	[tilespmem:s12], [sflag:$0x2] =	stream.indirect.gather [hbm4b:s13+s8], $0x90, s5, s8, $0xb8;
	[tilespmem:$0x1F000] =	vst v63  }
0xce: {  	s7 =	simm.s32 $0x1E7E0  }
0xcf: {  	[spmem:s6] =	stream.indirect.scatter.add.f32 [tilespmem:s9], [sflag:$0x3], $0x90, s7, s8, $0xb8;
	[tilespmem:$0x1F000] =	vst v63  }
0xd0: {  	_ =	swait.ge [sflag:s4], $0x2D00  }
0xd1: {  	[sflag:s4] =	ssyncset.done $0x0  }
0xd2: {  	s11 =	simm.s32 $0x1ED80;
	[sflag:s4] =	ssyncadd.s32 $0xFFFFD300  }
0xd3: {  	[tilespmem:s9], [sflag:$0x1] =	stream.indirect.gather [hbm4b:s13+s8], $0x90, s11, s8, $0xb8;
	[tilespmem:$0x1F000] =	vst v63  }
0xd4: {  	_ =	swait.ge [sflag:s16], $0x2D00  }
0xd5: {  	[sflag:s16] =	ssyncset.done $0x0  }
0xd6: {  	s14 =	simm.s32 $0x1E830;
	[sflag:s16] =	ssyncadd.s32 $0xFFFFD300  }
0xd7: {  	[spmem:s6] =	stream.indirect.scatter.add.f32 [tilespmem:s12], [sflag:$0x3], $0x90, s14, s8, $0xb8;
	[tilespmem:$0x1F000] =	vst v63  }
0xd8: {  	_ =	swait.ge [sflag:s4], $0x2D00  }
0xd9: {  	[sflag:s4] =	ssyncset.done $0x0  }
0xda: {  	[sflag:s4] =	ssyncadd.s32 $0xFFFFD300  }
0xdb: {  	_ =	swait.ge [sflag:s10], $0x2D00  }
0xdc: {  	[sflag:s10] =	ssyncset.done $0x0  }
0xdd: {  	s17 =	simm.s32 $0x1EDD0;
	[sflag:s10] =	ssyncadd.s32 $0xFFFFD300  }
0xde: {  	[tilespmem:s12], [sflag:$0x2] =	stream.indirect.gather [hbm4b:s13+s8], $0x90, s17, s8, $0xb8;
	[tilespmem:$0x1F000] =	vst v63  }
0xdf: {  	s24 =	simm.s32 $0x1E880  }
0xe0: {  	[spmem:s6] =	stream.indirect.scatter.add.f32 [tilespmem:s9], [sflag:$0x3], $0x90, s24, s8, $0xb8;
	[tilespmem:$0x1F000] =	vst v63  }
0xe1: {  	_ =	swait.ge [sflag:s4], $0x2D00  }
0xe2: {  	[sflag:s4] =	ssyncset.done $0x0  }
0xe3: {  	s25 =	simm.s32 $0x1EE20;
	[sflag:s4] =	ssyncadd.s32 $0xFFFFD300  }
0xe4: {  	[tilespmem:s9], [sflag:$0x1] =	stream.indirect.gather [hbm4b:s13+s8], $0x90, s25, s8, $0xb8;
	[tilespmem:$0x1F000] =	vst v63  }
0xe5: {  	_ =	swait.ge [sflag:s16], $0x2D00  }
0xe6: {  	[sflag:s16] =	ssyncset.done $0x0  }
0xe7: {  	s26 =	simm.s32 $0x1E8D0;
	[sflag:s16] =	ssyncadd.s32 $0xFFFFD300  }
0xe8: {  	[spmem:s6] =	stream.indirect.scatter.add.f32 [tilespmem:s12], [sflag:$0x3], $0x90, s26, s8, $0xb8;
	[tilespmem:$0x1F000] =	vst v63  }
0xe9: {  	_ =	swait.ge [sflag:s4], $0x2D00  }
0xea: {  	[sflag:s4] =	ssyncset.done $0x0  }
0xeb: {  	[sflag:s4] =	ssyncadd.s32 $0xFFFFD300  }
0xec: {  	_ =	swait.ge [sflag:s10], $0x2D00  }
0xed: {  	[sflag:s10] =	ssyncset.done $0x0  }
0xee: {  	s28 =	simm.s32 $0x1EE70;
	[sflag:s10] =	ssyncadd.s32 $0xFFFFD300  }
0xef: {  	[tilespmem:s12], [sflag:$0x2] =	stream.indirect.gather [hbm4b:s13+s8], $0x90, s28, s8, $0xb8;
	[tilespmem:$0x1F000] =	vst v63  }
0xf0: {  	s29 =	simm.s32 $0x1E920  }
0xf1: {  	[spmem:s6] =	stream.indirect.scatter.add.f32 [tilespmem:s9], [sflag:$0x3], $0x90, s29, s8, $0xb8;
	[tilespmem:$0x1F000] =	vst v63  }
0xf2: {  	_ =	swait.ge [sflag:s4], $0x2D00  }
0xf3: {  	[sflag:s4] =	ssyncset.done $0x0  }
0xf4: {  	s30 =	simm.s32 $0x1EEC0;
	[sflag:s4] =	ssyncadd.s32 $0xFFFFD300  }
0xf5: {  	[tilespmem:s9], [sflag:$0x1] =	stream.indirect.gather [hbm4b:s13+s8], $0x90, s30, s8, $0xb8;
	[tilespmem:$0x1F000] =	vst v63  }
0xf6: {  	_ =	swait.ge [sflag:s16], $0x2D00  }
0xf7: {  	[sflag:s16] =	ssyncset.done $0x0  }
0xf8: {  	s31 =	simm.s32 $0x1E970;
	[sflag:s16] =	ssyncadd.s32 $0xFFFFD300  }
0xf9: {  	[spmem:s6] =	stream.indirect.scatter.add.f32 [tilespmem:s12], [sflag:$0x3], $0x90, s31, s8, $0xb8;
	[tilespmem:$0x1F000] =	vst v63  }
0xfa: {  	_ =	swait.ge [sflag:s4], $0x2D00  }
0xfb: {  	[sflag:s4] =	ssyncset.done $0x0  }
0xfc: {  	[sflag:s4] =	ssyncadd.s32 $0xFFFFD300  }
0xfd: {  	_ =	swait.ge [sflag:s10], $0x2D00  }
0xfe: {  	[sflag:s10] =	ssyncset.done $0x0  }
0xff: {  	s5 =	simm.s32 $0x1EF10;
	[sflag:s10] =	ssyncadd.s32 $0xFFFFD300  }
0x100: {  	[tilespmem:s12], [sflag:$0x2] =	stream.indirect.gather [hbm4b:s13+s8], $0x90, s5, s8, $0xb8;
	[tilespmem:$0x1F000] =	vst v63  }
0x101: {  	s7 =	simm.s32 $0x1E9C0  }
0x102: {  	[spmem:s6] =	stream.indirect.scatter.add.f32 [tilespmem:s9], [sflag:$0x3], $0x90, s7, s8, $0xb8;
	[tilespmem:$0x1F000] =	vst v63  }
0x103: {  	_ =	swait.ge [sflag:s4], $0x2D00  }
0x104: {  	[sflag:s4] =	ssyncset.done $0x0  }
0x105: {  	s11 =	simm.s32 $0x1EF60;
	[sflag:s4] =	ssyncadd.s32 $0xFFFFD300  }
0x106: {  	[tilespmem:s9], [sflag:$0x1] =	stream.indirect.gather [hbm4b:s13+s8], $0x90, s11, s8, $0xb8;
	[tilespmem:$0x1F000] =	vst v63  }
0x107: {  	_ =	swait.ge [sflag:s16], $0x2D00  }
0x108: {  	[sflag:s16] =	ssyncset.done $0x0  }
0x109: {  	s14 =	simm.s32 $0x1EA10;
	[sflag:s16] =	ssyncadd.s32 $0xFFFFD300  }
0x10a: {  	[spmem:s6] =	stream.indirect.scatter.add.f32 [tilespmem:s12], [sflag:$0x3], $0x90, s14, s8, $0xb8;
	[tilespmem:$0x1F000] =	vst v63  }
0x10b: {  	_ =	swait.ge [sflag:s4], $0x2D00  }
0x10c: {  	[sflag:s4] =	ssyncset.done $0x0  }
0x10d: {  	[sflag:s4] =	ssyncadd.s32 $0xFFFFD300  }
0x10e: {  	_ =	swait.ge [sflag:s10], $0x2D00  }
0x10f: {  	[sflag:s10] =	ssyncset.done $0x0  }
0x110: {  	s31 =	simm.s32 $0x1EFB0;
	[sflag:s10] =	ssyncadd.s32 $0xFFFFD300  }
0x111: {  	[tilespmem:s12], [sflag:$0x2] =	stream.indirect.gather [hbm4b:s13+s8], $0x90, s31, s8, $0xb8;
	[tilespmem:$0x1F000] =	vst v63  }
0x112: {  	s11 =	simm.s32 $0x1EA60  }
0x113: {  	[spmem:s6] =	stream.indirect.scatter.add.f32 [tilespmem:s9], [sflag:$0x3], $0x90, s11, s8, $0xb8;
	[tilespmem:$0x1F000] =	vst v63  }
0x114: {  	_ =	swait.ge [sflag:s4], $0x2D00  }
0x115: {  	[sflag:s4] =	ssyncset.done $0x0  }
0x116: {  	[sflag:s4] =	ssyncadd.s32 $0xFFFFD300  }
0x117: {  	_ =	swait.ge [sflag:s16], $0x2D00  }
0x118: {  	[sflag:s16] =	ssyncset.done $0x0  }
0x119: {  	s14 =	simm.s32 $0x1EAB0;
	[sflag:s16] =	ssyncadd.s32 $0xFFFFD300  }
0x11a: {  	[spmem:s6] =	stream.indirect.scatter.add.f32 [tilespmem:s12], [sflag:$0x3], $0x90, s14, s8, $0xb8;
	[tilespmem:$0x1F000] =	vst v63  }
0x11b: {  	_ =	swait.ge [sflag:s4], $0x2D00  }
0x11c: {  	[sflag:s4] =	ssyncset.done $0x0  }
0x11d: {  	s3 =	simm.s32 $0x1E600;
	s31 =	rddreg [dreg:$0x5];
	[sflag:s4] =	ssyncadd.s32 $0xFFFFD300  }
0x11e: {  	[tilespmem:s3], [sflag:$0x3] =	stream.linear.gather [hbm4b:s31+s0], $0x500, $0x38;
	[tilespmem:$0x1F000] =	vst v63  }
0x11f: {  	_ =	swait.ge [sflag:s4], $0x500  }
0x120: {  	[sflag:s4] =	ssyncset.done $0x0  }
0x121: {  	s31 =	simm.s32 $0x1EB00;
	s1 =	rddreg [dreg:$0xa];
	[sflag:s4] =	ssyncadd.s32 $0xFFFFFB00  }
0x122: {  	[tilespmem:s31], [sflag:$0x3] =	stream.linear.gather [hbm4b:s1+s0], $0x500, $0x38;
	[tilespmem:$0x1F000] =	vst v63  }
0x123: {  	_ =	swait.ge [sflag:s4], $0x500  }
0x124: {  	[sflag:s4] =	ssyncset.done $0x0  }
0x125: {  	[sflag:s4] =	ssyncadd.s32 $0xFFFFFB00  }
0x126: {  	[tilespmem:s9], [sflag:$0x1] =	stream.indirect.gather [hbm4b:s13+s8], $0x90, s31, s8, $0xb8;
	[tilespmem:$0x1F000] =	vst v63  }
0x127: {  	_ =	swait.ge [sflag:s10], $0x2D00  }
0x128: {  	[sflag:s10] =	ssyncset.done $0x0  }
0x129: {  	s18 =	simm.s32 $0x1EB50;
	[sflag:s10] =	ssyncadd.s32 $0xFFFFD300  }
0x12a: {  	[tilespmem:s12], [sflag:$0x2] =	stream.indirect.gather [hbm4b:s13+s8], $0x90, s18, s8, $0xb8;
	[tilespmem:$0x1F000] =	vst v63  }
0x12b: {  	_ = 	snop  }
0x12c: {  	[spmem:s6] =	stream.indirect.scatter.add.f32 [tilespmem:s9], [sflag:$0x3], $0x90, s3, s8, $0xb8;
	[tilespmem:$0x1F000] =	vst v63  }
0x12d: {  	_ =	swait.ge [sflag:s4], $0x2D00  }
0x12e: {  	[sflag:s4] =	ssyncset.done $0x0  }
0x12f: {  	s15 =	simm.s32 $0x1EBA0;
	[sflag:s4] =	ssyncadd.s32 $0xFFFFD300  }
0x130: {  	[tilespmem:s9], [sflag:$0x1] =	stream.indirect.gather [hbm4b:s13+s8], $0x90, s15, s8, $0xb8;
	[tilespmem:$0x1F000] =	vst v63  }
0x131: {  	_ =	swait.ge [sflag:s16], $0x2D00  }
0x132: {  	[sflag:s16] =	ssyncset.done $0x0  }
0x133: {  	s18 =	simm.s32 $0x1E650;
	[sflag:s16] =	ssyncadd.s32 $0xFFFFD300  }
0x134: {  	[spmem:s6] =	stream.indirect.scatter.add.f32 [tilespmem:s12], [sflag:$0x3], $0x90, s18, s8, $0xb8;
	[tilespmem:$0x1F000] =	vst v63  }
0x135: {  	_ =	swait.ge [sflag:s4], $0x2D00  }
0x136: {  	[sflag:s4] =	ssyncset.done $0x0  }
0x137: {  	[sflag:s4] =	ssyncadd.s32 $0xFFFFD300  }
0x138: {  	_ =	swait.ge [sflag:s10], $0x2D00  }
0x139: {  	[sflag:s10] =	ssyncset.done $0x0  }
0x13a: {  	s15 =	simm.s32 $0x1EBF0;
	[sflag:s10] =	ssyncadd.s32 $0xFFFFD300  }
0x13b: {  	[tilespmem:s12], [sflag:$0x2] =	stream.indirect.gather [hbm4b:s13+s8], $0x90, s15, s8, $0xb8;
	[tilespmem:$0x1F000] =	vst v63  }
0x13c: {  	s18 =	simm.s32 $0x1E6A0  }
0x13d: {  	[spmem:s6] =	stream.indirect.scatter.add.f32 [tilespmem:s9], [sflag:$0x3], $0x90, s18, s8, $0xb8;
	[tilespmem:$0x1F000] =	vst v63  }
0x13e: {  	_ =	swait.ge [sflag:s4], $0x2D00  }
0x13f: {  	[sflag:s4] =	ssyncset.done $0x0  }
0x140: {  	s18 =	simm.s32 $0x1EC40;
	[sflag:s4] =	ssyncadd.s32 $0xFFFFD300  }
0x141: {  	[tilespmem:s9], [sflag:$0x1] =	stream.indirect.gather [hbm4b:s13+s8], $0x90, s18, s8, $0xb8;
	[tilespmem:$0x1F000] =	vst v63  }
0x142: {  	_ =	swait.ge [sflag:s16], $0x2D00  }
0x143: {  	[sflag:s16] =	ssyncset.done $0x0  }
0x144: {  	s18 =	simm.s32 $0x1E6F0;
	[sflag:s16] =	ssyncadd.s32 $0xFFFFD300  }
0x145: {  	[spmem:s6] =	stream.indirect.scatter.add.f32 [tilespmem:s12], [sflag:$0x3], $0x90, s18, s8, $0xb8;
	[tilespmem:$0x1F000] =	vst v63  }
0x146: {  	_ =	swait.ge [sflag:s4], $0x2D00  }
0x147: {  	[sflag:s4] =	ssyncset.done $0x0  }
0x148: {  	[sflag:s4] =	ssyncadd.s32 $0xFFFFD300  }
0x149: {  	_ =	swait.ge [sflag:s10], $0x2D00  }
0x14a: {  	[sflag:s10] =	ssyncset.done $0x0  }
0x14b: {  	s18 =	simm.s32 $0x1EC90;
	[sflag:s10] =	ssyncadd.s32 $0xFFFFD300  }
0x14c: {  	[tilespmem:s12], [sflag:$0x2] =	stream.indirect.gather [hbm4b:s13+s8], $0x90, s18, s8, $0xb8;
	[tilespmem:$0x1F000] =	vst v63  }
0x14d: {  	s18 =	simm.s32 $0x1E740  }
0x14e: {  	[spmem:s6] =	stream.indirect.scatter.add.f32 [tilespmem:s9], [sflag:$0x3], $0x90, s18, s8, $0xb8;
	[tilespmem:$0x1F000] =	vst v63  }
0x14f: {  	_ =	swait.ge [sflag:s4], $0x2D00  }
0x150: {  	[sflag:s4] =	ssyncset.done $0x0  }
0x151: {  	s20 =	simm.s32 $0x1ECE0;
	[sflag:s4] =	ssyncadd.s32 $0xFFFFD300  }
0x152: {  	[tilespmem:s9], [sflag:$0x1] =	stream.indirect.gather [hbm4b:s13+s8], $0x90, s20, s8, $0xb8;
	[tilespmem:$0x1F000] =	vst v63  }
0x153: {  	_ =	swait.ge [sflag:s16], $0x2D00  }
0x154: {  	[sflag:s16] =	ssyncset.done $0x0  }
0x155: {  	s2 =	simm.s32 $0x1E790;
	[sflag:s16] =	ssyncadd.s32 $0xFFFFD300  }
0x156: {  	[spmem:s6] =	stream.indirect.scatter.add.f32 [tilespmem:s12], [sflag:$0x3], $0x90, s2, s8, $0xb8;
	[tilespmem:$0x1F000] =	vst v63  }
0x157: {  	_ =	swait.ge [sflag:s4], $0x2D00  }
0x158: {  	[sflag:s4] =	ssyncset.done $0x0  }
0x159: {  	[sflag:s4] =	ssyncadd.s32 $0xFFFFD300  }
0x15a: {  	_ =	swait.ge [sflag:s10], $0x2D00  }
0x15b: {  	[sflag:s10] =	ssyncset.done $0x0  }
0x15c: {  	s20 =	simm.s32 $0x1ED30;
	[sflag:s10] =	ssyncadd.s32 $0xFFFFD300  }
0x15d: {  	[tilespmem:s12], [sflag:$0x2] =	stream.indirect.gather [hbm4b:s13+s8], $0x90, s20, s8, $0xb8;
	[tilespmem:$0x1F000] =	vst v63  }
0x15e: {  	s21 =	simm.s32 $0x1E7E0  }
0x15f: {  	[spmem:s6] =	stream.indirect.scatter.add.f32 [tilespmem:s9], [sflag:$0x3], $0x90, s21, s8, $0xb8;
	[tilespmem:$0x1F000] =	vst v63  }
0x160: {  	_ =	swait.ge [sflag:s4], $0x2D00  }
0x161: {  	[sflag:s4] =	ssyncset.done $0x0  }
0x162: {  	s22 =	simm.s32 $0x1ED80;
	[sflag:s4] =	ssyncadd.s32 $0xFFFFD300  }
0x163: {  	[tilespmem:s9], [sflag:$0x1] =	stream.indirect.gather [hbm4b:s13+s8], $0x90, s22, s8, $0xb8;
	[tilespmem:$0x1F000] =	vst v63  }
0x164: {  	_ =	swait.ge [sflag:s16], $0x2D00  }
0x165: {  	[sflag:s16] =	ssyncset.done $0x0  }
0x166: {  	s23 =	simm.s32 $0x1E830;
	[sflag:s16] =	ssyncadd.s32 $0xFFFFD300  }
0x167: {  	[spmem:s6] =	stream.indirect.scatter.add.f32 [tilespmem:s12], [sflag:$0x3], $0x90, s23, s8, $0xb8;
	[tilespmem:$0x1F000] =	vst v63  }
0x168: {  	_ =	swait.ge [sflag:s4], $0x2D00  }
0x169: {  	[sflag:s4] =	ssyncset.done $0x0  }
0x16a: {  	[sflag:s4] =	ssyncadd.s32 $0xFFFFD300  }
0x16b: {  	_ =	swait.ge [sflag:s10], $0x2D00  }
0x16c: {  	[sflag:s10] =	ssyncset.done $0x0  }
0x16d: {  	s21 =	simm.s32 $0x1EDD0;
	[sflag:s10] =	ssyncadd.s32 $0xFFFFD300  }
0x16e: {  	[tilespmem:s12], [sflag:$0x2] =	stream.indirect.gather [hbm4b:s13+s8], $0x90, s21, s8, $0xb8;
	[tilespmem:$0x1F000] =	vst v63  }
0x16f: {  	s24 =	simm.s32 $0x1E880  }
0x170: {  	[spmem:s6] =	stream.indirect.scatter.add.f32 [tilespmem:s9], [sflag:$0x3], $0x90, s24, s8, $0xb8;
	[tilespmem:$0x1F000] =	vst v63  }
0x171: {  	_ =	swait.ge [sflag:s4], $0x2D00  }
0x172: {  	[sflag:s4] =	ssyncset.done $0x0  }
0x173: {  	s25 =	simm.s32 $0x1EE20;
	[sflag:s4] =	ssyncadd.s32 $0xFFFFD300  }
0x174: {  	[tilespmem:s9], [sflag:$0x1] =	stream.indirect.gather [hbm4b:s13+s8], $0x90, s25, s8, $0xb8;
	[tilespmem:$0x1F000] =	vst v63  }
0x175: {  	_ =	swait.ge [sflag:s16], $0x2D00  }
0x176: {  	[sflag:s16] =	ssyncset.done $0x0  }
0x177: {  	s26 =	simm.s32 $0x1E8D0;
	[sflag:s16] =	ssyncadd.s32 $0xFFFFD300  }
0x178: {  	[spmem:s6] =	stream.indirect.scatter.add.f32 [tilespmem:s12], [sflag:$0x3], $0x90, s26, s8, $0xb8;
	[tilespmem:$0x1F000] =	vst v63  }
0x179: {  	_ =	swait.ge [sflag:s4], $0x2D00  }
0x17a: {  	[sflag:s4] =	ssyncset.done $0x0  }
0x17b: {  	[sflag:s4] =	ssyncadd.s32 $0xFFFFD300  }
0x17c: {  	_ =	swait.ge [sflag:s10], $0x2D00  }
0x17d: {  	[sflag:s10] =	ssyncset.done $0x0  }
0x17e: {  	s2 =	simm.s32 $0x1EE70;
	[sflag:s10] =	ssyncadd.s32 $0xFFFFD300  }
0x17f: {  	[tilespmem:s12], [sflag:$0x2] =	stream.indirect.gather [hbm4b:s13+s8], $0x90, s2, s8, $0xb8;
	[tilespmem:$0x1F000] =	vst v63  }
0x180: {  	s17 =	simm.s32 $0x1E920  }
0x181: {  	[spmem:s6] =	stream.indirect.scatter.add.f32 [tilespmem:s9], [sflag:$0x3], $0x90, s17, s8, $0xb8;
	[tilespmem:$0x1F000] =	vst v63  }
0x182: {  	_ =	swait.ge [sflag:s4], $0x2D00  }
0x183: {  	[sflag:s4] =	ssyncset.done $0x0  }
0x184: {  	s28 =	simm.s32 $0x1EEC0;
	[sflag:s4] =	ssyncadd.s32 $0xFFFFD300  }
0x185: {  	[tilespmem:s9], [sflag:$0x1] =	stream.indirect.gather [hbm4b:s13+s8], $0x90, s28, s8, $0xb8;
	[tilespmem:$0x1F000] =	vst v63  }
0x186: {  	_ =	swait.ge [sflag:s16], $0x2D00  }
0x187: {  	[sflag:s16] =	ssyncset.done $0x0  }
0x188: {  	s29 =	simm.s32 $0x1E970;
	[sflag:s16] =	ssyncadd.s32 $0xFFFFD300  }
0x189: {  	[spmem:s6] =	stream.indirect.scatter.add.f32 [tilespmem:s12], [sflag:$0x3], $0x90, s29, s8, $0xb8;
	[tilespmem:$0x1F000] =	vst v63  }
0x18a: {  	_ =	swait.ge [sflag:s4], $0x2D00  }
0x18b: {  	[sflag:s4] =	ssyncset.done $0x0  }
0x18c: {  	[sflag:s4] =	ssyncadd.s32 $0xFFFFD300  }
0x18d: {  	_ =	swait.ge [sflag:s10], $0x2D00  }
0x18e: {  	[sflag:s10] =	ssyncset.done $0x0  }
0x18f: {  	s21 =	simm.s32 $0x1EF10;
	[sflag:s10] =	ssyncadd.s32 $0xFFFFD300  }
0x190: {  	[tilespmem:s12], [sflag:$0x2] =	stream.indirect.gather [hbm4b:s13+s8], $0x90, s21, s8, $0xb8;
	[tilespmem:$0x1F000] =	vst v63  }
0x191: {  	s30 =	simm.s32 $0x1E9C0  }
0x192: {  	[spmem:s6] =	stream.indirect.scatter.add.f32 [tilespmem:s9], [sflag:$0x3], $0x90, s30, s8, $0xb8;
	[tilespmem:$0x1F000] =	vst v63  }
0x193: {  	_ =	swait.ge [sflag:s4], $0x2D00  }
0x194: {  	[sflag:s4] =	ssyncset.done $0x0  }
0x195: {  	s5 =	simm.s32 $0x1EF60;
	[sflag:s4] =	ssyncadd.s32 $0xFFFFD300  }
0x196: {  	[tilespmem:s9], [sflag:$0x1] =	stream.indirect.gather [hbm4b:s13+s8], $0x90, s5, s8, $0xb8;
	[tilespmem:$0x1F000] =	vst v63  }
0x197: {  	_ =	swait.ge [sflag:s16], $0x2D00  }
0x198: {  	[sflag:s16] =	ssyncset.done $0x0  }
0x199: {  	s7 =	simm.s32 $0x1EA10;
	[sflag:s16] =	ssyncadd.s32 $0xFFFFD300  }
0x19a: {  	[spmem:s6] =	stream.indirect.scatter.add.f32 [tilespmem:s12], [sflag:$0x3], $0x90, s7, s8, $0xb8;
	[tilespmem:$0x1F000] =	vst v63  }
0x19b: {  	_ =	swait.ge [sflag:s4], $0x2D00  }
0x19c: {  	[sflag:s4] =	ssyncset.done $0x0  }
0x19d: {  	[sflag:s4] =	ssyncadd.s32 $0xFFFFD300  }
0x19e: {  	_ =	swait.ge [sflag:s10], $0x2D00  }
0x19f: {  	[sflag:s10] =	ssyncset.done $0x0  }
0x1a0: {  	s30 =	simm.s32 $0x1EFB0;
	[sflag:s10] =	ssyncadd.s32 $0xFFFFD300  }
0x1a1: {  	[tilespmem:s12], [sflag:$0x2] =	stream.indirect.gather [hbm4b:s13+s8], $0x90, s30, s8, $0xb8;
	[tilespmem:$0x1F000] =	vst v63  }
0x1a2: {  	s11 =	simm.s32 $0x1EA60  }
0x1a3: {  	[spmem:s6] =	stream.indirect.scatter.add.f32 [tilespmem:s9], [sflag:$0x3], $0x90, s11, s8, $0xb8;
	[tilespmem:$0x1F000] =	vst v63  }
0x1a4: {  	_ =	swait.ge [sflag:s4], $0x2D00  }
0x1a5: {  	[sflag:s4] =	ssyncset.done $0x0  }
0x1a6: {  	[sflag:s4] =	ssyncadd.s32 $0xFFFFD300  }
0x1a7: {  	_ =	swait.ge [sflag:s16], $0x2D00  }
0x1a8: {  	[sflag:s16] =	ssyncset.done $0x0  }
0x1a9: {  	s14 =	simm.s32 $0x1EAB0;
	[sflag:s16] =	ssyncadd.s32 $0xFFFFD300  }
0x1aa: {  	[spmem:s6] =	stream.indirect.scatter.add.f32 [tilespmem:s12], [sflag:$0x3], $0x90, s14, s8, $0xb8;
	[tilespmem:$0x1F000] =	vst v63  }
0x1ab: {  	_ =	swait.ge [sflag:s4], $0x2D00  }
0x1ac: {  	[sflag:s4] =	ssyncset.done $0x0  }
0x1ad: {  	s1 =	rddreg [dreg:$0x6];
	[sflag:s4] =	ssyncadd.s32 $0xFFFFD300  }
0x1ae: {  	[tilespmem:s3], [sflag:$0x3] =	stream.linear.gather [hbm4b:s1+s0], $0x500, $0x38;
	[tilespmem:$0x1F000] =	vst v63  }
0x1af: {  	_ =	swait.ge [sflag:s4], $0x500  }
0x1b0: {  	[sflag:s4] =	ssyncset.done $0x0  }
0x1b1: {  	s31 =	simm.s32 $0x1EB00;
	s1 =	rddreg [dreg:$0xb];
	[sflag:s4] =	ssyncadd.s32 $0xFFFFFB00  }
0x1b2: {  	[tilespmem:s31], [sflag:$0x3] =	stream.linear.gather [hbm4b:s1+s0], $0x500, $0x38;
	[tilespmem:$0x1F000] =	vst v63  }
0x1b3: {  	_ =	swait.ge [sflag:s4], $0x500  }
0x1b4: {  	[sflag:s4] =	ssyncset.done $0x0  }
0x1b5: {  	[sflag:s4] =	ssyncadd.s32 $0xFFFFFB00  }
0x1b6: {  	[tilespmem:s9], [sflag:$0x1] =	stream.indirect.gather [hbm4b:s13+s8], $0x90, s31, s8, $0xb8;
	[tilespmem:$0x1F000] =	vst v63  }
0x1b7: {  	_ =	swait.ge [sflag:s10], $0x2D00  }
0x1b8: {  	[sflag:s10] =	ssyncset.done $0x0  }
0x1b9: {  	s1 =	simm.s32 $0x1EB50;
	[sflag:s10] =	ssyncadd.s32 $0xFFFFD300  }
0x1ba: {  	[tilespmem:s12], [sflag:$0x2] =	stream.indirect.gather [hbm4b:s13+s8], $0x90, s1, s8, $0xb8;
	[tilespmem:$0x1F000] =	vst v63  }
0x1bb: {  	_ = 	snop  }
0x1bc: {  	[spmem:s6] =	stream.indirect.scatter.add.f32 [tilespmem:s9], [sflag:$0x3], $0x90, s3, s8, $0xb8;
	[tilespmem:$0x1F000] =	vst v63  }
0x1bd: {  	_ =	swait.ge [sflag:s4], $0x2D00  }
0x1be: {  	[sflag:s4] =	ssyncset.done $0x0  }
0x1bf: {  	s1 =	simm.s32 $0x1EBA0;
	[sflag:s4] =	ssyncadd.s32 $0xFFFFD300  }
0x1c0: {  	[tilespmem:s9], [sflag:$0x1] =	stream.indirect.gather [hbm4b:s13+s8], $0x90, s1, s8, $0xb8;
	[tilespmem:$0x1F000] =	vst v63  }
0x1c1: {  	_ =	swait.ge [sflag:s16], $0x2D00  }
0x1c2: {  	[sflag:s16] =	ssyncset.done $0x0  }
0x1c3: {  	s1 =	simm.s32 $0x1E650;
	[sflag:s16] =	ssyncadd.s32 $0xFFFFD300  }
0x1c4: {  	[spmem:s6] =	stream.indirect.scatter.add.f32 [tilespmem:s12], [sflag:$0x3], $0x90, s1, s8, $0xb8;
	[tilespmem:$0x1F000] =	vst v63  }
0x1c5: {  	_ =	swait.ge [sflag:s4], $0x2D00  }
0x1c6: {  	[sflag:s4] =	ssyncset.done $0x0  }
0x1c7: {  	[sflag:s4] =	ssyncadd.s32 $0xFFFFD300  }
0x1c8: {  	_ =	swait.ge [sflag:s10], $0x2D00  }
0x1c9: {  	[sflag:s10] =	ssyncset.done $0x0  }
0x1ca: {  	s15 =	simm.s32 $0x1EBF0;
	[sflag:s10] =	ssyncadd.s32 $0xFFFFD300  }
0x1cb: {  	[tilespmem:s12], [sflag:$0x2] =	stream.indirect.gather [hbm4b:s13+s8], $0x90, s15, s8, $0xb8;
	[tilespmem:$0x1F000] =	vst v63  }
0x1cc: {  	s1 =	simm.s32 $0x1E6A0  }
0x1cd: {  	[spmem:s6] =	stream.indirect.scatter.add.f32 [tilespmem:s9], [sflag:$0x3], $0x90, s1, s8, $0xb8;
	[tilespmem:$0x1F000] =	vst v63  }
0x1ce: {  	_ =	swait.ge [sflag:s4], $0x2D00  }
0x1cf: {  	[sflag:s4] =	ssyncset.done $0x0  }
0x1d0: {  	s1 =	simm.s32 $0x1EC40;
	[sflag:s4] =	ssyncadd.s32 $0xFFFFD300  }
0x1d1: {  	[tilespmem:s9], [sflag:$0x1] =	stream.indirect.gather [hbm4b:s13+s8], $0x90, s1, s8, $0xb8;
	[tilespmem:$0x1F000] =	vst v63  }
0x1d2: {  	_ =	swait.ge [sflag:s16], $0x2D00  }
0x1d3: {  	[sflag:s16] =	ssyncset.done $0x0  }
0x1d4: {  	s1 =	simm.s32 $0x1E6F0;
	[sflag:s16] =	ssyncadd.s32 $0xFFFFD300  }
0x1d5: {  	[spmem:s6] =	stream.indirect.scatter.add.f32 [tilespmem:s12], [sflag:$0x3], $0x90, s1, s8, $0xb8;
	[tilespmem:$0x1F000] =	vst v63  }
0x1d6: {  	_ =	swait.ge [sflag:s4], $0x2D00  }
0x1d7: {  	[sflag:s4] =	ssyncset.done $0x0  }
0x1d8: {  	[sflag:s4] =	ssyncadd.s32 $0xFFFFD300  }
0x1d9: {  	_ =	swait.ge [sflag:s10], $0x2D00  }
0x1da: {  	[sflag:s10] =	ssyncset.done $0x0  }
0x1db: {  	s1 =	simm.s32 $0x1EC90;
	[sflag:s10] =	ssyncadd.s32 $0xFFFFD300  }
0x1dc: {  	[tilespmem:s12], [sflag:$0x2] =	stream.indirect.gather [hbm4b:s13+s8], $0x90, s1, s8, $0xb8;
	[tilespmem:$0x1F000] =	vst v63  }
0x1dd: {  	s1 =	simm.s32 $0x1E740  }
0x1de: {  	[spmem:s6] =	stream.indirect.scatter.add.f32 [tilespmem:s9], [sflag:$0x3], $0x90, s1, s8, $0xb8;
	[tilespmem:$0x1F000] =	vst v63  }
0x1df: {  	_ =	swait.ge [sflag:s4], $0x2D00  }
0x1e0: {  	[sflag:s4] =	ssyncset.done $0x0  }
0x1e1: {  	s1 =	simm.s32 $0x1ECE0;
	[sflag:s4] =	ssyncadd.s32 $0xFFFFD300  }
0x1e2: {  	[tilespmem:s9], [sflag:$0x1] =	stream.indirect.gather [hbm4b:s13+s8], $0x90, s1, s8, $0xb8;
	[tilespmem:$0x1F000] =	vst v63  }
0x1e3: {  	_ =	swait.ge [sflag:s16], $0x2D00  }
0x1e4: {  	[sflag:s16] =	ssyncset.done $0x0  }
0x1e5: {  	s1 =	simm.s32 $0x1E790;
	[sflag:s16] =	ssyncadd.s32 $0xFFFFD300  }
0x1e6: {  	[spmem:s6] =	stream.indirect.scatter.add.f32 [tilespmem:s12], [sflag:$0x3], $0x90, s1, s8, $0xb8;
	[tilespmem:$0x1F000] =	vst v63  }
0x1e7: {  	_ =	swait.ge [sflag:s4], $0x2D00  }
0x1e8: {  	[sflag:s4] =	ssyncset.done $0x0  }
0x1e9: {  	[sflag:s4] =	ssyncadd.s32 $0xFFFFD300  }
0x1ea: {  	_ =	swait.ge [sflag:s10], $0x2D00  }
0x1eb: {  	[sflag:s10] =	ssyncset.done $0x0  }
0x1ec: {  	s18 =	simm.s32 $0x1ED30;
	[sflag:s10] =	ssyncadd.s32 $0xFFFFD300  }
0x1ed: {  	[tilespmem:s12], [sflag:$0x2] =	stream.indirect.gather [hbm4b:s13+s8], $0x90, s18, s8, $0xb8;
	[tilespmem:$0x1F000] =	vst v63  }
0x1ee: {  	s1 =	simm.s32 $0x1E7E0  }
0x1ef: {  	[spmem:s6] =	stream.indirect.scatter.add.f32 [tilespmem:s9], [sflag:$0x3], $0x90, s1, s8, $0xb8;
	[tilespmem:$0x1F000] =	vst v63  }
0x1f0: {  	_ =	swait.ge [sflag:s4], $0x2D00  }
0x1f1: {  	[sflag:s4] =	ssyncset.done $0x0  }
0x1f2: {  	s22 =	simm.s32 $0x1ED80;
	[sflag:s4] =	ssyncadd.s32 $0xFFFFD300  }
0x1f3: {  	[tilespmem:s9], [sflag:$0x1] =	stream.indirect.gather [hbm4b:s13+s8], $0x90, s22, s8, $0xb8;
	[tilespmem:$0x1F000] =	vst v63  }
0x1f4: {  	_ =	swait.ge [sflag:s16], $0x2D00  }
0x1f5: {  	[sflag:s16] =	ssyncset.done $0x0  }
0x1f6: {  	s23 =	simm.s32 $0x1E830;
	[sflag:s16] =	ssyncadd.s32 $0xFFFFD300  }
0x1f7: {  	[spmem:s6] =	stream.indirect.scatter.add.f32 [tilespmem:s12], [sflag:$0x3], $0x90, s23, s8, $0xb8;
	[tilespmem:$0x1F000] =	vst v63  }
0x1f8: {  	_ =	swait.ge [sflag:s4], $0x2D00  }
0x1f9: {  	[sflag:s4] =	ssyncset.done $0x0  }
0x1fa: {  	[sflag:s4] =	ssyncadd.s32 $0xFFFFD300  }
0x1fb: {  	_ =	swait.ge [sflag:s10], $0x2D00  }
0x1fc: {  	[sflag:s10] =	ssyncset.done $0x0  }
0x1fd: {  	s20 =	simm.s32 $0x1EDD0;
	[sflag:s10] =	ssyncadd.s32 $0xFFFFD300  }
0x1fe: {  	[tilespmem:s12], [sflag:$0x2] =	stream.indirect.gather [hbm4b:s13+s8], $0x90, s20, s8, $0xb8;
	[tilespmem:$0x1F000] =	vst v63  }
0x1ff: {  	s24 =	simm.s32 $0x1E880  }
0x200: {  	[spmem:s6] =	stream.indirect.scatter.add.f32 [tilespmem:s9], [sflag:$0x3], $0x90, s24, s8, $0xb8;
	[tilespmem:$0x1F000] =	vst v63  }
0x201: {  	_ =	swait.ge [sflag:s4], $0x2D00  }
0x202: {  	[sflag:s4] =	ssyncset.done $0x0  }
0x203: {  	s25 =	simm.s32 $0x1EE20;
	[sflag:s4] =	ssyncadd.s32 $0xFFFFD300  }
0x204: {  	[tilespmem:s9], [sflag:$0x1] =	stream.indirect.gather [hbm4b:s13+s8], $0x90, s25, s8, $0xb8;
	[tilespmem:$0x1F000] =	vst v63  }
0x205: {  	_ =	swait.ge [sflag:s16], $0x2D00  }
0x206: {  	[sflag:s16] =	ssyncset.done $0x0  }
0x207: {  	s26 =	simm.s32 $0x1E8D0;
	[sflag:s16] =	ssyncadd.s32 $0xFFFFD300  }
0x208: {  	[spmem:s6] =	stream.indirect.scatter.add.f32 [tilespmem:s12], [sflag:$0x3], $0x90, s26, s8, $0xb8;
	[tilespmem:$0x1F000] =	vst v63  }
0x209: {  	_ =	swait.ge [sflag:s4], $0x2D00  }
0x20a: {  	[sflag:s4] =	ssyncset.done $0x0  }
0x20b: {  	[sflag:s4] =	ssyncadd.s32 $0xFFFFD300  }
0x20c: {  	_ =	swait.ge [sflag:s10], $0x2D00  }
0x20d: {  	[sflag:s10] =	ssyncset.done $0x0  }
0x20e: {  	s2 =	simm.s32 $0x1EE70;
	[sflag:s10] =	ssyncadd.s32 $0xFFFFD300  }
0x20f: {  	[tilespmem:s12], [sflag:$0x2] =	stream.indirect.gather [hbm4b:s13+s8], $0x90, s2, s8, $0xb8;
	[tilespmem:$0x1F000] =	vst v63  }
0x210: {  	s17 =	simm.s32 $0x1E920  }
0x211: {  	[spmem:s6] =	stream.indirect.scatter.add.f32 [tilespmem:s9], [sflag:$0x3], $0x90, s17, s8, $0xb8;
	[tilespmem:$0x1F000] =	vst v63  }
0x212: {  	_ =	swait.ge [sflag:s4], $0x2D00  }
0x213: {  	[sflag:s4] =	ssyncset.done $0x0  }
0x214: {  	s28 =	simm.s32 $0x1EEC0;
	[sflag:s4] =	ssyncadd.s32 $0xFFFFD300  }
0x215: {  	[tilespmem:s9], [sflag:$0x1] =	stream.indirect.gather [hbm4b:s13+s8], $0x90, s28, s8, $0xb8;
	[tilespmem:$0x1F000] =	vst v63  }
0x216: {  	_ =	swait.ge [sflag:s16], $0x2D00  }
0x217: {  	[sflag:s16] =	ssyncset.done $0x0  }
0x218: {  	s29 =	simm.s32 $0x1E970;
	[sflag:s16] =	ssyncadd.s32 $0xFFFFD300  }
0x219: {  	[spmem:s6] =	stream.indirect.scatter.add.f32 [tilespmem:s12], [sflag:$0x3], $0x90, s29, s8, $0xb8;
	[tilespmem:$0x1F000] =	vst v63  }
0x21a: {  	_ =	swait.ge [sflag:s4], $0x2D00  }
0x21b: {  	[sflag:s4] =	ssyncset.done $0x0  }
0x21c: {  	[sflag:s4] =	ssyncadd.s32 $0xFFFFD300  }
0x21d: {  	_ =	swait.ge [sflag:s10], $0x2D00  }
0x21e: {  	[sflag:s10] =	ssyncset.done $0x0  }
0x21f: {  	s21 =	simm.s32 $0x1EF10;
	[sflag:s10] =	ssyncadd.s32 $0xFFFFD300  }
0x220: {  	[tilespmem:s12], [sflag:$0x2] =	stream.indirect.gather [hbm4b:s13+s8], $0x90, s21, s8, $0xb8;
	[tilespmem:$0x1F000] =	vst v63  }
0x221: {  	s1 =	simm.s32 $0x1E9C0  }
0x222: {  	[spmem:s6] =	stream.indirect.scatter.add.f32 [tilespmem:s9], [sflag:$0x3], $0x90, s1, s8, $0xb8;
	[tilespmem:$0x1F000] =	vst v63  }
0x223: {  	_ =	swait.ge [sflag:s4], $0x2D00  }
0x224: {  	[sflag:s4] =	ssyncset.done $0x0  }
0x225: {  	s5 =	simm.s32 $0x1EF60;
	[sflag:s4] =	ssyncadd.s32 $0xFFFFD300  }
0x226: {  	[tilespmem:s9], [sflag:$0x1] =	stream.indirect.gather [hbm4b:s13+s8], $0x90, s5, s8, $0xb8;
	[tilespmem:$0x1F000] =	vst v63  }
0x227: {  	_ =	swait.ge [sflag:s16], $0x2D00  }
0x228: {  	[sflag:s16] =	ssyncset.done $0x0  }
0x229: {  	s7 =	simm.s32 $0x1EA10;
	[sflag:s16] =	ssyncadd.s32 $0xFFFFD300  }
0x22a: {  	[spmem:s6] =	stream.indirect.scatter.add.f32 [tilespmem:s12], [sflag:$0x3], $0x90, s7, s8, $0xb8;
	[tilespmem:$0x1F000] =	vst v63  }
0x22b: {  	_ =	swait.ge [sflag:s4], $0x2D00  }
0x22c: {  	[sflag:s4] =	ssyncset.done $0x0  }
0x22d: {  	[sflag:s4] =	ssyncadd.s32 $0xFFFFD300  }
0x22e: {  	_ =	swait.ge [sflag:s10], $0x2D00  }
0x22f: {  	[sflag:s10] =	ssyncset.done $0x0  }
0x230: {  	s30 =	simm.s32 $0x1EFB0;
	[sflag:s10] =	ssyncadd.s32 $0xFFFFD300  }
0x231: {  	[tilespmem:s12], [sflag:$0x2] =	stream.indirect.gather [hbm4b:s13+s8], $0x90, s30, s8, $0xb8;
	[tilespmem:$0x1F000] =	vst v63  }
0x232: {  	s11 =	simm.s32 $0x1EA60  }
0x233: {  	[spmem:s6] =	stream.indirect.scatter.add.f32 [tilespmem:s9], [sflag:$0x3], $0x90, s11, s8, $0xb8;
	[tilespmem:$0x1F000] =	vst v63  }
0x234: {  	_ =	swait.ge [sflag:s4], $0x2D00  }
0x235: {  	[sflag:s4] =	ssyncset.done $0x0  }
0x236: {  	[sflag:s4] =	ssyncadd.s32 $0xFFFFD300  }
0x237: {  	_ =	swait.ge [sflag:s16], $0x2D00  }
0x238: {  	[sflag:s16] =	ssyncset.done $0x0  }
0x239: {  	s14 =	simm.s32 $0x1EAB0;
	[sflag:s16] =	ssyncadd.s32 $0xFFFFD300  }
0x23a: {  	[spmem:s6] =	stream.indirect.scatter.add.f32 [tilespmem:s12], [sflag:$0x3], $0x90, s14, s8, $0xb8;
	[tilespmem:$0x1F000] =	vst v63  }
0x23b: {  	_ =	swait.ge [sflag:s4], $0x2D00  }
0x23c: {  	[sflag:s4] =	ssyncset.done $0x0  }
0x23d: {  	s1 =	rddreg [dreg:$0x7];
	[sflag:s4] =	ssyncadd.s32 $0xFFFFD300  }
0x23e: {  	[tilespmem:s3], [sflag:$0x3] =	stream.linear.gather [hbm4b:s1+s0], $0x500, $0x38;
	[tilespmem:$0x1F000] =	vst v63  }
0x23f: {  	_ =	swait.ge [sflag:s4], $0x500  }
0x240: {  	[sflag:s4] =	ssyncset.done $0x0  }
0x241: {  	s1 =	rddreg [dreg:$0xc];
	[sflag:s4] =	ssyncadd.s32 $0xFFFFFB00  }
0x242: {  	[tilespmem:s31], [sflag:$0x3] =	stream.linear.gather [hbm4b:s1+s0], $0x500, $0x38;
	[tilespmem:$0x1F000] =	vst v63  }
0x243: {  	_ =	swait.ge [sflag:s4], $0x500  }
0x244: {  	[sflag:s4] =	ssyncset.done $0x0  }
0x245: {  	[sflag:s4] =	ssyncadd.s32 $0xFFFFFB00  }
0x246: {  	[tilespmem:s9], [sflag:$0x1] =	stream.indirect.gather [hbm4b:s13+s8], $0x90, s31, s8, $0xb8;
	[tilespmem:$0x1F000] =	vst v63  }
0x247: {  	_ =	swait.ge [sflag:s10], $0x2D00  }
0x248: {  	[sflag:s10] =	ssyncset.done $0x0  }
0x249: {  	s1 =	simm.s32 $0x1EB50;
	[sflag:s10] =	ssyncadd.s32 $0xFFFFD300  }
0x24a: {  	[tilespmem:s12], [sflag:$0x2] =	stream.indirect.gather [hbm4b:s13+s8], $0x90, s1, s8, $0xb8;
	[tilespmem:$0x1F000] =	vst v63  }
0x24b: {  	_ = 	snop  }
0x24c: {  	[spmem:s6] =	stream.indirect.scatter.add.f32 [tilespmem:s9], [sflag:$0x3], $0x90, s3, s8, $0xb8;
	[tilespmem:$0x1F000] =	vst v63  }
0x24d: {  	_ =	swait.ge [sflag:s4], $0x2D00  }
0x24e: {  	[sflag:s4] =	ssyncset.done $0x0  }
0x24f: {  	s1 =	simm.s32 $0x1EBA0;
	[sflag:s4] =	ssyncadd.s32 $0xFFFFD300  }
0x250: {  	[tilespmem:s9], [sflag:$0x1] =	stream.indirect.gather [hbm4b:s13+s8], $0x90, s1, s8, $0xb8;
	[tilespmem:$0x1F000] =	vst v63  }
0x251: {  	_ =	swait.ge [sflag:s16], $0x2D00  }
0x252: {  	[sflag:s16] =	ssyncset.done $0x0  }
0x253: {  	s1 =	simm.s32 $0x1E650;
	[sflag:s16] =	ssyncadd.s32 $0xFFFFD300  }
0x254: {  	[spmem:s6] =	stream.indirect.scatter.add.f32 [tilespmem:s12], [sflag:$0x3], $0x90, s1, s8, $0xb8;
	[tilespmem:$0x1F000] =	vst v63  }
0x255: {  	_ =	swait.ge [sflag:s4], $0x2D00  }
0x256: {  	[sflag:s4] =	ssyncset.done $0x0  }
0x257: {  	[sflag:s4] =	ssyncadd.s32 $0xFFFFD300  }
0x258: {  	_ =	swait.ge [sflag:s10], $0x2D00  }
0x259: {  	[sflag:s10] =	ssyncset.done $0x0  }
0x25a: {  	s15 =	simm.s32 $0x1EBF0;
	[sflag:s10] =	ssyncadd.s32 $0xFFFFD300  }
0x25b: {  	[tilespmem:s12], [sflag:$0x2] =	stream.indirect.gather [hbm4b:s13+s8], $0x90, s15, s8, $0xb8;
	[tilespmem:$0x1F000] =	vst v63  }
0x25c: {  	s1 =	simm.s32 $0x1E6A0  }
0x25d: {  	[spmem:s6] =	stream.indirect.scatter.add.f32 [tilespmem:s9], [sflag:$0x3], $0x90, s1, s8, $0xb8;
	[tilespmem:$0x1F000] =	vst v63  }
0x25e: {  	_ =	swait.ge [sflag:s4], $0x2D00  }
0x25f: {  	[sflag:s4] =	ssyncset.done $0x0  }
0x260: {  	s1 =	simm.s32 $0x1EC40;
	[sflag:s4] =	ssyncadd.s32 $0xFFFFD300  }
0x261: {  	[tilespmem:s9], [sflag:$0x1] =	stream.indirect.gather [hbm4b:s13+s8], $0x90, s1, s8, $0xb8;
	[tilespmem:$0x1F000] =	vst v63  }
0x262: {  	_ =	swait.ge [sflag:s16], $0x2D00  }
0x263: {  	[sflag:s16] =	ssyncset.done $0x0  }
0x264: {  	s1 =	simm.s32 $0x1E6F0;
	[sflag:s16] =	ssyncadd.s32 $0xFFFFD300  }
0x265: {  	[spmem:s6] =	stream.indirect.scatter.add.f32 [tilespmem:s12], [sflag:$0x3], $0x90, s1, s8, $0xb8;
	[tilespmem:$0x1F000] =	vst v63  }
0x266: {  	_ =	swait.ge [sflag:s4], $0x2D00  }
0x267: {  	[sflag:s4] =	ssyncset.done $0x0  }
0x268: {  	[sflag:s4] =	ssyncadd.s32 $0xFFFFD300  }
0x269: {  	_ =	swait.ge [sflag:s10], $0x2D00  }
0x26a: {  	[sflag:s10] =	ssyncset.done $0x0  }
0x26b: {  	s1 =	simm.s32 $0x1EC90;
	[sflag:s10] =	ssyncadd.s32 $0xFFFFD300  }
0x26c: {  	[tilespmem:s12], [sflag:$0x2] =	stream.indirect.gather [hbm4b:s13+s8], $0x90, s1, s8, $0xb8;
	[tilespmem:$0x1F000] =	vst v63  }
0x26d: {  	s1 =	simm.s32 $0x1E740  }
0x26e: {  	[spmem:s6] =	stream.indirect.scatter.add.f32 [tilespmem:s9], [sflag:$0x3], $0x90, s1, s8, $0xb8;
	[tilespmem:$0x1F000] =	vst v63  }
0x26f: {  	_ =	swait.ge [sflag:s4], $0x2D00  }
0x270: {  	[sflag:s4] =	ssyncset.done $0x0  }
0x271: {  	s1 =	simm.s32 $0x1ECE0;
	[sflag:s4] =	ssyncadd.s32 $0xFFFFD300  }
0x272: {  	[tilespmem:s9], [sflag:$0x1] =	stream.indirect.gather [hbm4b:s13+s8], $0x90, s1, s8, $0xb8;
	[tilespmem:$0x1F000] =	vst v63  }
0x273: {  	_ =	swait.ge [sflag:s16], $0x2D00  }
0x274: {  	[sflag:s16] =	ssyncset.done $0x0  }
0x275: {  	s1 =	simm.s32 $0x1E790;
	[sflag:s16] =	ssyncadd.s32 $0xFFFFD300  }
0x276: {  	[spmem:s6] =	stream.indirect.scatter.add.f32 [tilespmem:s12], [sflag:$0x3], $0x90, s1, s8, $0xb8;
	[tilespmem:$0x1F000] =	vst v63  }
0x277: {  	_ =	swait.ge [sflag:s4], $0x2D00  }
0x278: {  	[sflag:s4] =	ssyncset.done $0x0  }
0x279: {  	[sflag:s4] =	ssyncadd.s32 $0xFFFFD300  }
0x27a: {  	_ =	swait.ge [sflag:s10], $0x2D00  }
0x27b: {  	[sflag:s10] =	ssyncset.done $0x0  }
0x27c: {  	s18 =	simm.s32 $0x1ED30;
	[sflag:s10] =	ssyncadd.s32 $0xFFFFD300  }
0x27d: {  	[tilespmem:s12], [sflag:$0x2] =	stream.indirect.gather [hbm4b:s13+s8], $0x90, s18, s8, $0xb8;
	[tilespmem:$0x1F000] =	vst v63  }
0x27e: {  	s1 =	simm.s32 $0x1E7E0  }
0x27f: {  	[spmem:s6] =	stream.indirect.scatter.add.f32 [tilespmem:s9], [sflag:$0x3], $0x90, s1, s8, $0xb8;
	[tilespmem:$0x1F000] =	vst v63  }
0x280: {  	_ =	swait.ge [sflag:s4], $0x2D00  }
0x281: {  	[sflag:s4] =	ssyncset.done $0x0  }
0x282: {  	s22 =	simm.s32 $0x1ED80;
	[sflag:s4] =	ssyncadd.s32 $0xFFFFD300  }
0x283: {  	[tilespmem:s9], [sflag:$0x1] =	stream.indirect.gather [hbm4b:s13+s8], $0x90, s22, s8, $0xb8;
	[tilespmem:$0x1F000] =	vst v63  }
0x284: {  	_ =	swait.ge [sflag:s16], $0x2D00  }
0x285: {  	[sflag:s16] =	ssyncset.done $0x0  }
0x286: {  	s23 =	simm.s32 $0x1E830;
	[sflag:s16] =	ssyncadd.s32 $0xFFFFD300  }
0x287: {  	[spmem:s6] =	stream.indirect.scatter.add.f32 [tilespmem:s12], [sflag:$0x3], $0x90, s23, s8, $0xb8;
	[tilespmem:$0x1F000] =	vst v63  }
0x288: {  	_ =	swait.ge [sflag:s4], $0x2D00  }
0x289: {  	[sflag:s4] =	ssyncset.done $0x0  }
0x28a: {  	[sflag:s4] =	ssyncadd.s32 $0xFFFFD300  }
0x28b: {  	_ =	swait.ge [sflag:s10], $0x2D00  }
0x28c: {  	[sflag:s10] =	ssyncset.done $0x0  }
0x28d: {  	s20 =	simm.s32 $0x1EDD0;
	[sflag:s10] =	ssyncadd.s32 $0xFFFFD300  }
0x28e: {  	[tilespmem:s12], [sflag:$0x2] =	stream.indirect.gather [hbm4b:s13+s8], $0x90, s20, s8, $0xb8;
	[tilespmem:$0x1F000] =	vst v63  }
0x28f: {  	s24 =	simm.s32 $0x1E880  }
0x290: {  	[spmem:s6] =	stream.indirect.scatter.add.f32 [tilespmem:s9], [sflag:$0x3], $0x90, s24, s8, $0xb8;
	[tilespmem:$0x1F000] =	vst v63  }
0x291: {  	_ =	swait.ge [sflag:s4], $0x2D00  }
0x292: {  	[sflag:s4] =	ssyncset.done $0x0  }
0x293: {  	s25 =	simm.s32 $0x1EE20;
	[sflag:s4] =	ssyncadd.s32 $0xFFFFD300  }
0x294: {  	[tilespmem:s9], [sflag:$0x1] =	stream.indirect.gather [hbm4b:s13+s8], $0x90, s25, s8, $0xb8;
	[tilespmem:$0x1F000] =	vst v63  }
0x295: {  	_ =	swait.ge [sflag:s16], $0x2D00  }
0x296: {  	[sflag:s16] =	ssyncset.done $0x0  }
0x297: {  	s26 =	simm.s32 $0x1E8D0;
	[sflag:s16] =	ssyncadd.s32 $0xFFFFD300  }
0x298: {  	[spmem:s6] =	stream.indirect.scatter.add.f32 [tilespmem:s12], [sflag:$0x3], $0x90, s26, s8, $0xb8;
	[tilespmem:$0x1F000] =	vst v63  }
0x299: {  	_ =	swait.ge [sflag:s4], $0x2D00  }
0x29a: {  	[sflag:s4] =	ssyncset.done $0x0  }
0x29b: {  	[sflag:s4] =	ssyncadd.s32 $0xFFFFD300  }
0x29c: {  	_ =	swait.ge [sflag:s10], $0x2D00  }
0x29d: {  	[sflag:s10] =	ssyncset.done $0x0  }
0x29e: {  	s2 =	simm.s32 $0x1EE70;
	[sflag:s10] =	ssyncadd.s32 $0xFFFFD300  }
0x29f: {  	[tilespmem:s12], [sflag:$0x2] =	stream.indirect.gather [hbm4b:s13+s8], $0x90, s2, s8, $0xb8;
	[tilespmem:$0x1F000] =	vst v63  }
0x2a0: {  	s17 =	simm.s32 $0x1E920  }
0x2a1: {  	[spmem:s6] =	stream.indirect.scatter.add.f32 [tilespmem:s9], [sflag:$0x3], $0x90, s17, s8, $0xb8;
	[tilespmem:$0x1F000] =	vst v63  }
0x2a2: {  	_ =	swait.ge [sflag:s4], $0x2D00  }
0x2a3: {  	[sflag:s4] =	ssyncset.done $0x0  }
0x2a4: {  	s28 =	simm.s32 $0x1EEC0;
	[sflag:s4] =	ssyncadd.s32 $0xFFFFD300  }
0x2a5: {  	[tilespmem:s9], [sflag:$0x1] =	stream.indirect.gather [hbm4b:s13+s8], $0x90, s28, s8, $0xb8;
	[tilespmem:$0x1F000] =	vst v63  }
0x2a6: {  	_ =	swait.ge [sflag:s16], $0x2D00  }
0x2a7: {  	[sflag:s16] =	ssyncset.done $0x0  }
0x2a8: {  	s29 =	simm.s32 $0x1E970;
	[sflag:s16] =	ssyncadd.s32 $0xFFFFD300  }
0x2a9: {  	[spmem:s6] =	stream.indirect.scatter.add.f32 [tilespmem:s12], [sflag:$0x3], $0x90, s29, s8, $0xb8;
	[tilespmem:$0x1F000] =	vst v63  }
0x2aa: {  	_ =	swait.ge [sflag:s4], $0x2D00  }
0x2ab: {  	[sflag:s4] =	ssyncset.done $0x0  }
0x2ac: {  	[sflag:s4] =	ssyncadd.s32 $0xFFFFD300  }
0x2ad: {  	_ =	swait.ge [sflag:s10], $0x2D00  }
0x2ae: {  	[sflag:s10] =	ssyncset.done $0x0  }
0x2af: {  	s21 =	simm.s32 $0x1EF10;
	[sflag:s10] =	ssyncadd.s32 $0xFFFFD300  }
0x2b0: {  	[tilespmem:s12], [sflag:$0x2] =	stream.indirect.gather [hbm4b:s13+s8], $0x90, s21, s8, $0xb8;
	[tilespmem:$0x1F000] =	vst v63  }
0x2b1: {  	s1 =	simm.s32 $0x1E9C0  }
0x2b2: {  	[spmem:s6] =	stream.indirect.scatter.add.f32 [tilespmem:s9], [sflag:$0x3], $0x90, s1, s8, $0xb8;
	[tilespmem:$0x1F000] =	vst v63  }
0x2b3: {  	_ =	swait.ge [sflag:s4], $0x2D00  }
0x2b4: {  	[sflag:s4] =	ssyncset.done $0x0  }
0x2b5: {  	s5 =	simm.s32 $0x1EF60;
	[sflag:s4] =	ssyncadd.s32 $0xFFFFD300  }
0x2b6: {  	[tilespmem:s9], [sflag:$0x1] =	stream.indirect.gather [hbm4b:s13+s8], $0x90, s5, s8, $0xb8;
	[tilespmem:$0x1F000] =	vst v63  }
0x2b7: {  	_ =	swait.ge [sflag:s16], $0x2D00  }
0x2b8: {  	[sflag:s16] =	ssyncset.done $0x0  }
0x2b9: {  	s7 =	simm.s32 $0x1EA10;
	[sflag:s16] =	ssyncadd.s32 $0xFFFFD300  }
0x2ba: {  	[spmem:s6] =	stream.indirect.scatter.add.f32 [tilespmem:s12], [sflag:$0x3], $0x90, s7, s8, $0xb8;
	[tilespmem:$0x1F000] =	vst v63  }
0x2bb: {  	_ =	swait.ge [sflag:s4], $0x2D00  }
0x2bc: {  	[sflag:s4] =	ssyncset.done $0x0  }
0x2bd: {  	[sflag:s4] =	ssyncadd.s32 $0xFFFFD300  }
0x2be: {  	_ =	swait.ge [sflag:s10], $0x2D00  }
0x2bf: {  	[sflag:s10] =	ssyncset.done $0x0  }
0x2c0: {  	s30 =	simm.s32 $0x1EFB0;
	[sflag:s10] =	ssyncadd.s32 $0xFFFFD300  }
0x2c1: {  	[tilespmem:s12], [sflag:$0x2] =	stream.indirect.gather [hbm4b:s13+s8], $0x90, s30, s8, $0xb8;
	[tilespmem:$0x1F000] =	vst v63  }
0x2c2: {  	s11 =	simm.s32 $0x1EA60  }
0x2c3: {  	[spmem:s6] =	stream.indirect.scatter.add.f32 [tilespmem:s9], [sflag:$0x3], $0x90, s11, s8, $0xb8;
	[tilespmem:$0x1F000] =	vst v63  }
0x2c4: {  	_ =	swait.ge [sflag:s4], $0x2D00  }
0x2c5: {  	[sflag:s4] =	ssyncset.done $0x0  }
0x2c6: {  	[sflag:s4] =	ssyncadd.s32 $0xFFFFD300  }
0x2c7: {  	_ =	swait.ge [sflag:s16], $0x2D00  }
0x2c8: {  	[sflag:s16] =	ssyncset.done $0x0  }
0x2c9: {  	s14 =	simm.s32 $0x1EAB0;
	[sflag:s16] =	ssyncadd.s32 $0xFFFFD300  }
0x2ca: {  	[spmem:s6] =	stream.indirect.scatter.add.f32 [tilespmem:s12], [sflag:$0x3], $0x90, s14, s8, $0xb8;
	[tilespmem:$0x1F000] =	vst v63  }
0x2cb: {  	_ =	swait.ge [sflag:s4], $0x2D00  }
0x2cc: {  	[sflag:s4] =	ssyncset.done $0x0  }
0x2cd: {  	s1 =	rddreg [dreg:$0x8];
	[sflag:s4] =	ssyncadd.s32 $0xFFFFD300  }
0x2ce: {  	[tilespmem:s3], [sflag:$0x3] =	stream.linear.gather [hbm4b:s1+s0], $0x500, $0x38;
	[tilespmem:$0x1F000] =	vst v63  }
0x2cf: {  	_ =	swait.ge [sflag:s4], $0x500  }
0x2d0: {  	[sflag:s4] =	ssyncset.done $0x0  }
0x2d1: {  	s1 =	rddreg [dreg:$0xd];
	[sflag:s4] =	ssyncadd.s32 $0xFFFFFB00  }
0x2d2: {  	[tilespmem:s31], [sflag:$0x3] =	stream.linear.gather [hbm4b:s1+s0], $0x500, $0x38;
	[tilespmem:$0x1F000] =	vst v63  }
0x2d3: {  	_ =	swait.ge [sflag:s4], $0x500  }
0x2d4: {  	[sflag:s4] =	ssyncset.done $0x0  }
0x2d5: {  	[sflag:s4] =	ssyncadd.s32 $0xFFFFFB00  }
0x2d6: {  	[tilespmem:s9], [sflag:$0x1] =	stream.indirect.gather [hbm4b:s13+s8], $0x90, s31, s8, $0xb8;
	[tilespmem:$0x1F000] =	vst v63  }
0x2d7: {  	_ =	swait.ge [sflag:s10], $0x2D00  }
0x2d8: {  	[sflag:s10] =	ssyncset.done $0x0  }
0x2d9: {  	s31 =	simm.s32 $0x1EB50;
	[sflag:s10] =	ssyncadd.s32 $0xFFFFD300  }
0x2da: {  	[tilespmem:s12], [sflag:$0x2] =	stream.indirect.gather [hbm4b:s13+s8], $0x90, s31, s8, $0xb8;
	[tilespmem:$0x1F000] =	vst v63  }
0x2db: {  	_ = 	snop  }
0x2dc: {  	[spmem:s6] =	stream.indirect.scatter.add.f32 [tilespmem:s9], [sflag:$0x3], $0x90, s3, s8, $0xb8;
	[tilespmem:$0x1F000] =	vst v63  }
0x2dd: {  	_ =	swait.ge [sflag:s4], $0x2D00  }
0x2de: {  	[sflag:s4] =	ssyncset.done $0x0  }
0x2df: {  	s31 =	simm.s32 $0x1EBA0;
	[sflag:s4] =	ssyncadd.s32 $0xFFFFD300  }
0x2e0: {  	[tilespmem:s9], [sflag:$0x1] =	stream.indirect.gather [hbm4b:s13+s8], $0x90, s31, s8, $0xb8;
	[tilespmem:$0x1F000] =	vst v63  }
0x2e1: {  	_ =	swait.ge [sflag:s16], $0x2D00  }
0x2e2: {  	[sflag:s16] =	ssyncset.done $0x0  }
0x2e3: {  	s31 =	simm.s32 $0x1E650;
	[sflag:s16] =	ssyncadd.s32 $0xFFFFD300  }
0x2e4: {  	[spmem:s6] =	stream.indirect.scatter.add.f32 [tilespmem:s12], [sflag:$0x3], $0x90, s31, s8, $0xb8;
	[tilespmem:$0x1F000] =	vst v63  }
0x2e5: {  	_ =	swait.ge [sflag:s4], $0x2D00  }
0x2e6: {  	[sflag:s4] =	ssyncset.done $0x0  }
0x2e7: {  	[sflag:s4] =	ssyncadd.s32 $0xFFFFD300  }
0x2e8: {  	_ =	swait.ge [sflag:s10], $0x2D00  }
0x2e9: {  	[sflag:s10] =	ssyncset.done $0x0  }
0x2ea: {  	s15 =	simm.s32 $0x1EBF0;
	[sflag:s10] =	ssyncadd.s32 $0xFFFFD300  }
0x2eb: {  	[tilespmem:s12], [sflag:$0x2] =	stream.indirect.gather [hbm4b:s13+s8], $0x90, s15, s8, $0xb8;
	[tilespmem:$0x1F000] =	vst v63  }
0x2ec: {  	s15 =	simm.s32 $0x1E6A0  }
0x2ed: {  	[spmem:s6] =	stream.indirect.scatter.add.f32 [tilespmem:s9], [sflag:$0x3], $0x90, s15, s8, $0xb8;
	[tilespmem:$0x1F000] =	vst v63  }
0x2ee: {  	_ =	swait.ge [sflag:s4], $0x2D00  }
0x2ef: {  	[sflag:s4] =	ssyncset.done $0x0  }
0x2f0: {  	s31 =	simm.s32 $0x1EC40;
	[sflag:s4] =	ssyncadd.s32 $0xFFFFD300  }
0x2f1: {  	[tilespmem:s9], [sflag:$0x1] =	stream.indirect.gather [hbm4b:s13+s8], $0x90, s31, s8, $0xb8;
	[tilespmem:$0x1F000] =	vst v63  }
0x2f2: {  	_ =	swait.ge [sflag:s16], $0x2D00  }
0x2f3: {  	[sflag:s16] =	ssyncset.done $0x0  }
0x2f4: {  	s15 =	simm.s32 $0x1E6F0;
	[sflag:s16] =	ssyncadd.s32 $0xFFFFD300  }
0x2f5: {  	[spmem:s6] =	stream.indirect.scatter.add.f32 [tilespmem:s12], [sflag:$0x3], $0x90, s15, s8, $0xb8;
	[tilespmem:$0x1F000] =	vst v63  }
0x2f6: {  	_ =	swait.ge [sflag:s4], $0x2D00  }
0x2f7: {  	[sflag:s4] =	ssyncset.done $0x0  }
0x2f8: {  	[sflag:s4] =	ssyncadd.s32 $0xFFFFD300  }
0x2f9: {  	_ =	swait.ge [sflag:s10], $0x2D00  }
0x2fa: {  	[sflag:s10] =	ssyncset.done $0x0  }
0x2fb: {  	s31 =	simm.s32 $0x1EC90;
	[sflag:s10] =	ssyncadd.s32 $0xFFFFD300  }
0x2fc: {  	[tilespmem:s12], [sflag:$0x2] =	stream.indirect.gather [hbm4b:s13+s8], $0x90, s31, s8, $0xb8;
	[tilespmem:$0x1F000] =	vst v63  }
0x2fd: {  	s15 =	simm.s32 $0x1E740  }
0x2fe: {  	[spmem:s6] =	stream.indirect.scatter.add.f32 [tilespmem:s9], [sflag:$0x3], $0x90, s15, s8, $0xb8;
	[tilespmem:$0x1F000] =	vst v63  }
0x2ff: {  	_ =	swait.ge [sflag:s4], $0x2D00  }
0x300: {  	[sflag:s4] =	ssyncset.done $0x0  }
0x301: {  	s31 =	simm.s32 $0x1ECE0;
	[sflag:s4] =	ssyncadd.s32 $0xFFFFD300  }
0x302: {  	[tilespmem:s9], [sflag:$0x1] =	stream.indirect.gather [hbm4b:s13+s8], $0x90, s31, s8, $0xb8;
	[tilespmem:$0x1F000] =	vst v63  }
0x303: {  	_ =	swait.ge [sflag:s16], $0x2D00  }
0x304: {  	[sflag:s16] =	ssyncset.done $0x0  }
0x305: {  	s15 =	simm.s32 $0x1E790;
	[sflag:s16] =	ssyncadd.s32 $0xFFFFD300  }
0x306: {  	[spmem:s6] =	stream.indirect.scatter.add.f32 [tilespmem:s12], [sflag:$0x3], $0x90, s15, s8, $0xb8;
	[tilespmem:$0x1F000] =	vst v63  }
0x307: {  	_ =	swait.ge [sflag:s4], $0x2D00  }
0x308: {  	[sflag:s4] =	ssyncset.done $0x0  }
0x309: {  	[sflag:s4] =	ssyncadd.s32 $0xFFFFD300  }
0x30a: {  	_ =	swait.ge [sflag:s10], $0x2D00  }
0x30b: {  	[sflag:s10] =	ssyncset.done $0x0  }
0x30c: {  	s18 =	simm.s32 $0x1ED30;
	[sflag:s10] =	ssyncadd.s32 $0xFFFFD300  }
0x30d: {  	[tilespmem:s12], [sflag:$0x2] =	stream.indirect.gather [hbm4b:s13+s8], $0x90, s18, s8, $0xb8;
	[tilespmem:$0x1F000] =	vst v63  }
0x30e: {  	s31 =	simm.s32 $0x1E7E0  }
0x30f: {  	[spmem:s6] =	stream.indirect.scatter.add.f32 [tilespmem:s9], [sflag:$0x3], $0x90, s31, s8, $0xb8;
	[tilespmem:$0x1F000] =	vst v63  }
0x310: {  	_ =	swait.ge [sflag:s4], $0x2D00  }
0x311: {  	[sflag:s4] =	ssyncset.done $0x0  }
0x312: {  	s22 =	simm.s32 $0x1ED80;
	[sflag:s4] =	ssyncadd.s32 $0xFFFFD300  }
0x313: {  	[tilespmem:s9], [sflag:$0x1] =	stream.indirect.gather [hbm4b:s13+s8], $0x90, s22, s8, $0xb8;
	[tilespmem:$0x1F000] =	vst v63  }
0x314: {  	_ =	swait.ge [sflag:s16], $0x2D00  }
0x315: {  	[sflag:s16] =	ssyncset.done $0x0  }
0x316: {  	s23 =	simm.s32 $0x1E830;
	[sflag:s16] =	ssyncadd.s32 $0xFFFFD300  }
0x317: {  	[spmem:s6] =	stream.indirect.scatter.add.f32 [tilespmem:s12], [sflag:$0x3], $0x90, s23, s8, $0xb8;
	[tilespmem:$0x1F000] =	vst v63  }
0x318: {  	_ =	swait.ge [sflag:s4], $0x2D00  }
0x319: {  	[sflag:s4] =	ssyncset.done $0x0  }
0x31a: {  	[sflag:s4] =	ssyncadd.s32 $0xFFFFD300  }
0x31b: {  	_ =	swait.ge [sflag:s10], $0x2D00  }
0x31c: {  	[sflag:s10] =	ssyncset.done $0x0  }
0x31d: {  	s20 =	simm.s32 $0x1EDD0;
	[sflag:s10] =	ssyncadd.s32 $0xFFFFD300  }
0x31e: {  	[tilespmem:s12], [sflag:$0x2] =	stream.indirect.gather [hbm4b:s13+s8], $0x90, s20, s8, $0xb8;
	[tilespmem:$0x1F000] =	vst v63  }
0x31f: {  	s24 =	simm.s32 $0x1E880  }
0x320: {  	[spmem:s6] =	stream.indirect.scatter.add.f32 [tilespmem:s9], [sflag:$0x3], $0x90, s24, s8, $0xb8;
	[tilespmem:$0x1F000] =	vst v63  }
0x321: {  	_ =	swait.ge [sflag:s4], $0x2D00  }
0x322: {  	[sflag:s4] =	ssyncset.done $0x0  }
0x323: {  	s25 =	simm.s32 $0x1EE20;
	[sflag:s4] =	ssyncadd.s32 $0xFFFFD300  }
0x324: {  	[tilespmem:s9], [sflag:$0x1] =	stream.indirect.gather [hbm4b:s13+s8], $0x90, s25, s8, $0xb8;
	[tilespmem:$0x1F000] =	vst v63  }
0x325: {  	_ =	swait.ge [sflag:s16], $0x2D00  }
0x326: {  	[sflag:s16] =	ssyncset.done $0x0  }
0x327: {  	s26 =	simm.s32 $0x1E8D0;
	[sflag:s16] =	ssyncadd.s32 $0xFFFFD300  }
0x328: {  	[spmem:s6] =	stream.indirect.scatter.add.f32 [tilespmem:s12], [sflag:$0x3], $0x90, s26, s8, $0xb8;
	[tilespmem:$0x1F000] =	vst v63  }
0x329: {  	_ =	swait.ge [sflag:s4], $0x2D00  }
0x32a: {  	[sflag:s4] =	ssyncset.done $0x0  }
0x32b: {  	[sflag:s4] =	ssyncadd.s32 $0xFFFFD300  }
0x32c: {  	_ =	swait.ge [sflag:s10], $0x2D00  }
0x32d: {  	[sflag:s10] =	ssyncset.done $0x0  }
0x32e: {  	s2 =	simm.s32 $0x1EE70;
	[sflag:s10] =	ssyncadd.s32 $0xFFFFD300  }
0x32f: {  	[tilespmem:s12], [sflag:$0x2] =	stream.indirect.gather [hbm4b:s13+s8], $0x90, s2, s8, $0xb8;
	[tilespmem:$0x1F000] =	vst v63  }
0x330: {  	s17 =	simm.s32 $0x1E920  }
0x331: {  	[spmem:s6] =	stream.indirect.scatter.add.f32 [tilespmem:s9], [sflag:$0x3], $0x90, s17, s8, $0xb8;
	[tilespmem:$0x1F000] =	vst v63  }
0x332: {  	_ =	swait.ge [sflag:s4], $0x2D00  }
0x333: {  	[sflag:s4] =	ssyncset.done $0x0  }
0x334: {  	s28 =	simm.s32 $0x1EEC0;
	[sflag:s4] =	ssyncadd.s32 $0xFFFFD300  }
0x335: {  	[tilespmem:s9], [sflag:$0x1] =	stream.indirect.gather [hbm4b:s13+s8], $0x90, s28, s8, $0xb8;
	[tilespmem:$0x1F000] =	vst v63  }
0x336: {  	_ =	swait.ge [sflag:s16], $0x2D00  }
0x337: {  	[sflag:s16] =	ssyncset.done $0x0  }
0x338: {  	s29 =	simm.s32 $0x1E970;
	[sflag:s16] =	ssyncadd.s32 $0xFFFFD300  }
0x339: {  	[spmem:s6] =	stream.indirect.scatter.add.f32 [tilespmem:s12], [sflag:$0x3], $0x90, s29, s8, $0xb8;
	[tilespmem:$0x1F000] =	vst v63  }
0x33a: {  	_ =	swait.ge [sflag:s4], $0x2D00  }
0x33b: {  	[sflag:s4] =	ssyncset.done $0x0  }
0x33c: {  	[sflag:s4] =	ssyncadd.s32 $0xFFFFD300  }
0x33d: {  	_ =	swait.ge [sflag:s10], $0x2D00  }
0x33e: {  	[sflag:s10] =	ssyncset.done $0x0  }
0x33f: {  	s21 =	simm.s32 $0x1EF10;
	[sflag:s10] =	ssyncadd.s32 $0xFFFFD300  }
0x340: {  	[tilespmem:s12], [sflag:$0x2] =	stream.indirect.gather [hbm4b:s13+s8], $0x90, s21, s8, $0xb8;
	[tilespmem:$0x1F000] =	vst v63  }
0x341: {  	s15 =	simm.s32 $0x1E9C0  }
0x342: {  	[spmem:s6] =	stream.indirect.scatter.add.f32 [tilespmem:s9], [sflag:$0x3], $0x90, s15, s8, $0xb8;
	[tilespmem:$0x1F000] =	vst v63  }
0x343: {  	_ =	swait.ge [sflag:s4], $0x2D00  }
0x344: {  	[sflag:s4] =	ssyncset.done $0x0  }
0x345: {  	s5 =	simm.s32 $0x1EF60;
	[sflag:s4] =	ssyncadd.s32 $0xFFFFD300  }
0x346: {  	[tilespmem:s9], [sflag:$0x1] =	stream.indirect.gather [hbm4b:s13+s8], $0x90, s5, s8, $0xb8;
	[tilespmem:$0x1F000] =	vst v63  }
0x347: {  	_ =	swait.ge [sflag:s16], $0x2D00  }
0x348: {  	[sflag:s16] =	ssyncset.done $0x0  }
0x349: {  	s7 =	simm.s32 $0x1EA10;
	[sflag:s16] =	ssyncadd.s32 $0xFFFFD300  }
0x34a: {  	[spmem:s6] =	stream.indirect.scatter.add.f32 [tilespmem:s12], [sflag:$0x3], $0x90, s7, s8, $0xb8;
	[tilespmem:$0x1F000] =	vst v63  }
0x34b: {  	_ =	swait.ge [sflag:s4], $0x2D00  }
0x34c: {  	[sflag:s4] =	ssyncset.done $0x0  }
0x34d: {  	[sflag:s4] =	ssyncadd.s32 $0xFFFFD300  }
0x34e: {  	_ =	swait.ge [sflag:s10], $0x2D00  }
0x34f: {  	[sflag:s10] =	ssyncset.done $0x0  }
0x350: {  	s30 =	simm.s32 $0x1EFB0;
	[sflag:s10] =	ssyncadd.s32 $0xFFFFD300  }
0x351: {  	[tilespmem:s12], [sflag:$0x2] =	stream.indirect.gather [hbm4b:s13+s8], $0x90, s30, s8, $0xb8;
	[tilespmem:$0x1F000] =	vst v63  }
0x352: {  	s11 =	simm.s32 $0x1EA60  }
0x353: {  	[spmem:s6] =	stream.indirect.scatter.add.f32 [tilespmem:s9], [sflag:$0x3], $0x90, s11, s8, $0xb8;
	[tilespmem:$0x1F000] =	vst v63  }
0x354: {  	_ =	swait.ge [sflag:s4], $0x2D00  }
0x355: {  	[sflag:s4] =	ssyncset.done $0x0  }
0x356: {  	[sflag:s4] =	ssyncadd.s32 $0xFFFFD300  }
0x357: {  	_ =	swait.ge [sflag:s16], $0x2D00  }
0x358: {  	[sflag:s16] =	ssyncset.done $0x0  }
0x359: {  	s14 =	simm.s32 $0x1EAB0;
	[sflag:s16] =	ssyncadd.s32 $0xFFFFD300  }
0x35a: {  	[spmem:s6] =	stream.indirect.scatter.add.f32 [tilespmem:s12], [sflag:$0x3], $0x90, s14, s8, $0xb8;
	[tilespmem:$0x1F000] =	vst v63  }
0x35b: {  	_ =	swait.ge [sflag:s4], $0x2D00  }
0x35c: {  	[sflag:s4] =	ssyncset.done $0x0  }
0x35d: {  	[sflag:s4] =	ssyncadd.s32 $0xFFFFD300  }
0x35e: {  	[bflag:$0x0] =	sbarrier.arrive $0xFFFF  }
0x35f: {  	s17 =	sld [smem:$0x7EC];
	_ =	sdelay $0x2  }
0x360: {  	[tilespmem:s9], [sflag:$0x3] =	stream.linear.gather [spmem:s17], $0x2D00, $0x38;
	[tilespmem:$0x1F000] =	vst v63  }
0x361: {  	_ =	swait.ge [sflag:s4], $0x2D00  }
0x362: {  	[sflag:s4] =	ssyncset.done $0x0  }
0x363: {  	s18 =	rddreg [dreg:$0x10];
	[sflag:s4] =	ssyncadd.s32 $0xFFFFD300  }
0x364: {  	[hbm4b:s18+s0] =	stream.linear.scatter [tilespmem:s9], [sflag:$0x3], $0x2D00, $0x38;
	[tilespmem:$0x1F000] =	vst v63  }
0x365: {  	_ =	swait.ge [sflag:s4], $0x2D00  }
0x366: {  	s20 =	sld [smem:$0x7ED]  }
0x367: {  	[sflag:s4] =	ssyncset.done $0x0  }
0x368: {  	[sflag:s4] =	ssyncadd.s32 $0xFFFFD300  }
0x369: {  	[tilespmem:s9], [sflag:$0x3] =	stream.linear.gather [spmem:s20], $0x2D00, $0x38;
	[tilespmem:$0x1F000] =	vst v63  }
0x36a: {  	_ =	swait.ge [sflag:s4], $0x2D00  }
0x36b: {  	[sflag:s4] =	ssyncset.done $0x0  }
0x36c: {  	s21 =	rddreg [dreg:$0x11];
	[sflag:s4] =	ssyncadd.s32 $0xFFFFD300  }
0x36d: {  	[hbm4b:s21+s0] =	stream.linear.scatter [tilespmem:s9], [sflag:$0x3], $0x2D00, $0x38;
	[tilespmem:$0x1F000] =	vst v63  }
0x36e: {  	_ =	swait.ge [sflag:s4], $0x2D00  }
0x36f: {  	s22 =	sld [smem:$0x7EE]  }
0x370: {  	[sflag:s4] =	ssyncset.done $0x0  }
0x371: {  	[sflag:s4] =	ssyncadd.s32 $0xFFFFD300  }
0x372: {  	[tilespmem:s9], [sflag:$0x3] =	stream.linear.gather [spmem:s22], $0x2D00, $0x38;
	[tilespmem:$0x1F000] =	vst v63  }
0x373: {  	_ =	swait.ge [sflag:s4], $0x2D00  }
0x374: {  	[sflag:s4] =	ssyncset.done $0x0  }
0x375: {  	s23 =	rddreg [dreg:$0x12];
	[sflag:s4] =	ssyncadd.s32 $0xFFFFD300  }
0x376: {  	[hbm4b:s23+s0] =	stream.linear.scatter [tilespmem:s9], [sflag:$0x3], $0x2D00, $0x38;
	[tilespmem:$0x1F000] =	vst v63  }
0x377: {  	_ =	swait.ge [sflag:s4], $0x2D00  }
0x378: {  	s24 =	sld [smem:$0x7EF]  }
0x379: {  	[sflag:s4] =	ssyncset.done $0x0  }
0x37a: {  	[sflag:s4] =	ssyncadd.s32 $0xFFFFD300  }
0x37b: {  	[tilespmem:s9], [sflag:$0x3] =	stream.linear.gather [spmem:s24], $0x2D00, $0x38;
	[tilespmem:$0x1F000] =	vst v63  }
0x37c: {  	_ =	swait.ge [sflag:s4], $0x2D00  }
0x37d: {  	[sflag:s4] =	ssyncset.done $0x0  }
0x37e: {  	s25 =	rddreg [dreg:$0x13];
	[sflag:s4] =	ssyncadd.s32 $0xFFFFD300  }
0x37f: {  	[hbm4b:s25+s0] =	stream.linear.scatter [tilespmem:s9], [sflag:$0x3], $0x2D00, $0x38;
	[tilespmem:$0x1F000] =	vst v63  }
0x380: {  	_ =	swait.ge [sflag:s4], $0x2D00  }
0x381: {  	s26 =	sld [smem:$0x7F0]  }
0x382: {  	[sflag:s4] =	ssyncset.done $0x0  }
0x383: {  	[sflag:s4] =	ssyncadd.s32 $0xFFFFD300  }
0x384: {  	[tilespmem:s9], [sflag:$0x3] =	stream.linear.gather [spmem:s26], $0x2D00, $0x38;
	[tilespmem:$0x1F000] =	vst v63  }
0x385: {  	_ =	swait.ge [sflag:s4], $0x2D00  }
0x386: {  	[sflag:s4] =	ssyncset.done $0x0  }
0x387: {  	s28 =	rddreg [dreg:$0x14];
	[sflag:s4] =	ssyncadd.s32 $0xFFFFD300  }
0x388: {  	[hbm4b:s28+s0] =	stream.linear.scatter [tilespmem:s9], [sflag:$0x3], $0x2D00, $0x38;
	[tilespmem:$0x1F000] =	vst v63  }
0x389: {  	_ =	swait.ge [sflag:s4], $0x2D00  }
0x38a: {  	s29 =	sld [smem:$0x7F1]  }
0x38b: {  	[sflag:s4] =	ssyncset.done $0x0  }
0x38c: {  	[sflag:s4] =	ssyncadd.s32 $0xFFFFD300  }
0x38d: {  	[tilespmem:s9], [sflag:$0x3] =	stream.linear.gather [spmem:s29], $0x2D00, $0x38;
	[tilespmem:$0x1F000] =	vst v63  }
0x38e: {  	_ =	swait.ge [sflag:s4], $0x2D00  }
0x38f: {  	[sflag:s4] =	ssyncset.done $0x0  }
0x390: {  	s30 =	rddreg [dreg:$0x15];
	[sflag:s4] =	ssyncadd.s32 $0xFFFFD300  }
0x391: {  	[hbm4b:s30+s0] =	stream.linear.scatter [tilespmem:s9], [sflag:$0x3], $0x2D00, $0x38;
	[tilespmem:$0x1F000] =	vst v63  }
0x392: {  	_ =	swait.ge [sflag:s4], $0x2D00  }
0x393: {  	s31 =	sld [smem:$0x7F2]  }
0x394: {  	[sflag:s4] =	ssyncset.done $0x0  }
0x395: {  	[sflag:s4] =	ssyncadd.s32 $0xFFFFD300  }
0x396: {  	[tilespmem:s9], [sflag:$0x3] =	stream.linear.gather [spmem:s31], $0x2D00, $0x38;
	[tilespmem:$0x1F000] =	vst v63  }
0x397: {  	_ =	swait.ge [sflag:s4], $0x2D00  }
0x398: {  	[sflag:s4] =	ssyncset.done $0x0  }
0x399: {  	s2 =	rddreg [dreg:$0x16];
	[sflag:s4] =	ssyncadd.s32 $0xFFFFD300  }
0x39a: {  	[hbm4b:s2+s0] =	stream.linear.scatter [tilespmem:s9], [sflag:$0x3], $0x2D00, $0x38;
	[tilespmem:$0x1F000] =	vst v63  }
0x39b: {  	_ =	swait.ge [sflag:s4], $0x2D00  }
0x39c: {  	s5 =	sld [smem:$0x7F3]  }
0x39d: {  	[sflag:s4] =	ssyncset.done $0x0  }
0x39e: {  	[sflag:s4] =	ssyncadd.s32 $0xFFFFD300  }
0x39f: {  	[tilespmem:s9], [sflag:$0x3] =	stream.linear.gather [spmem:s5], $0x2D00, $0x38;
	[tilespmem:$0x1F000] =	vst v63  }
0x3a0: {  	_ =	swait.ge [sflag:s4], $0x2D00  }
0x3a1: {  	[sflag:s4] =	ssyncset.done $0x0  }
0x3a2: {  	s7 =	rddreg [dreg:$0x17];
	[sflag:s4] =	ssyncadd.s32 $0xFFFFD300  }
0x3a3: {  	[hbm4b:s7+s0] =	stream.linear.scatter [tilespmem:s9], [sflag:$0x3], $0x2D00, $0x38;
	[tilespmem:$0x1F000] =	vst v63  }
0x3a4: {  	_ =	swait.ge [sflag:s4], $0x2D00  }
0x3a5: {  	[sflag:s4] =	ssyncset.done $0x0  }
0x3a6: {  	[sflag:s4] =	ssyncadd.s32 $0xFFFFD300  }
0x3a7: {  	[bflag:$0x0] =	sbarrier.arrive $0xFFFF  }
0x3a8: {  	s11 =	sld [smem:$0x7FC];
	_ =	sdelay $0x2  }
0x3a9: {  	[spmem:s11] =	stream.linear.scatter [tilespmem:s19], [sflag:$0x3], $0x2400, $0x38;
	[tilespmem:$0x1F000] =	vst v63  }
0x3aa: {  	_ =	swait.ge [sflag:s4], $0x2400  }
0x3ab: {  	s14 =	sld [smem:$0x7F4]  }
0x3ac: {  	[sflag:s4] =	ssyncset.done $0x0  }
0x3ad: {  	[sflag:s4] =	ssyncadd.s32 $0xFFFFDC00  }
0x3ae: {  	[spmem:s14] =	stream.linear.scatter [tilespmem:s19], [sflag:$0x3], $0x2400, $0x38;
	[tilespmem:$0x1F000] =	vst v63  }
0x3af: {  	_ =	swait.ge [sflag:s4], $0x2400  }
0x3b0: {  	s15 =	sld [smem:$0x7F5]  }
0x3b1: {  	[sflag:s4] =	ssyncset.done $0x0  }
0x3b2: {  	[sflag:s4] =	ssyncadd.s32 $0xFFFFDC00  }
0x3b3: {  	[spmem:s15] =	stream.linear.scatter [tilespmem:s19], [sflag:$0x3], $0x2400, $0x38;
	[tilespmem:$0x1F000] =	vst v63  }
0x3b4: {  	_ =	swait.ge [sflag:s4], $0x2400  }
0x3b5: {  	s17 =	sld [smem:$0x7F6]  }
0x3b6: {  	[sflag:s4] =	ssyncset.done $0x0  }
0x3b7: {  	[sflag:s4] =	ssyncadd.s32 $0xFFFFDC00  }
0x3b8: {  	[spmem:s17] =	stream.linear.scatter [tilespmem:s19], [sflag:$0x3], $0x2400, $0x38;
	[tilespmem:$0x1F000] =	vst v63  }
0x3b9: {  	_ =	swait.ge [sflag:s4], $0x2400  }
0x3ba: {  	[sflag:s4] =	ssyncset.done $0x0  }
0x3bb: {  	s18 =	sld [smem:$0x7F7];
	_ =	sdelay $0x1  }
0x3bc: {  	[sflag:s4] =	ssyncadd.s32 $0xFFFFDC00  }
0x3bd: {  	[spmem:s18] =	stream.linear.scatter [tilespmem:s19], [sflag:$0x3], $0x2400, $0x38;
	[tilespmem:$0x1F000] =	vst v63  }
0x3be: {  	_ =	swait.ge [sflag:s4], $0x2400  }
0x3bf: {  	s20 =	sld [smem:$0x7F8]  }
0x3c0: {  	[sflag:s4] =	ssyncset.done $0x0  }
0x3c1: {  	[sflag:s4] =	ssyncadd.s32 $0xFFFFDC00  }
0x3c2: {  	[spmem:s20] =	stream.linear.scatter [tilespmem:s19], [sflag:$0x3], $0x2400, $0x38;
	[tilespmem:$0x1F000] =	vst v63  }
0x3c3: {  	_ =	swait.ge [sflag:s4], $0x2400  }
0x3c4: {  	s21 =	sld [smem:$0x7F9]  }
0x3c5: {  	[sflag:s4] =	ssyncset.done $0x0  }
0x3c6: {  	[sflag:s4] =	ssyncadd.s32 $0xFFFFDC00  }
0x3c7: {  	[spmem:s21] =	stream.linear.scatter [tilespmem:s19], [sflag:$0x3], $0x2400, $0x38;
	[tilespmem:$0x1F000] =	vst v63  }
0x3c8: {  	_ =	swait.ge [sflag:s4], $0x2400  }
0x3c9: {  	s22 =	sld [smem:$0x7FA]  }
0x3ca: {  	[sflag:s4] =	ssyncset.done $0x0  }
0x3cb: {  	[sflag:s4] =	ssyncadd.s32 $0xFFFFDC00  }
0x3cc: {  	[spmem:s22] =	stream.linear.scatter [tilespmem:s19], [sflag:$0x3], $0x2400, $0x38;
	[tilespmem:$0x1F000] =	vst v63  }
0x3cd: {  	_ =	swait.ge [sflag:s4], $0x2400  }
0x3ce: {  	s23 =	sld [smem:$0x7FB]  }
0x3cf: {  	[sflag:s4] =	ssyncset.done $0x0  }
0x3d0: {  	[sflag:s4] =	ssyncadd.s32 $0xFFFFDC00  }
0x3d1: {  	[spmem:s23] =	stream.linear.scatter [tilespmem:s19], [sflag:$0x3], $0x2400, $0x38;
	[tilespmem:$0x1F000] =	vst v63  }
0x3d2: {  	_ =	swait.ge [sflag:s4], $0x2400  }
0x3d3: {  	s24 =	sld [smem:$0x7FD]  }
0x3d4: {  	[sflag:s4] =	ssyncset.done $0x0  }
0x3d5: {  	[sflag:s4] =	ssyncadd.s32 $0xFFFFDC00  }
0x3d6: {  	[spmem:s24] =	stream.linear.scatter [tilespmem:s19], [sflag:$0x3], $0x2400, $0x38;
	[tilespmem:$0x1F000] =	vst v63  }
0x3d7: {  	_ =	swait.ge [sflag:s4], $0x2400  }
0x3d8: {  	[sflag:s4] =	ssyncset.done $0x0  }
0x3d9: {  	[sflag:s4] =	ssyncadd.s32 $0xFFFFDC00  }
0x3da: {  	[bflag:$0x0] =	sbarrier.arrive $0xFFFF  }
0x3db: {  	s25 =	sld [smem:$0x7E7];
	_ =	sdelay $0x2  }
0x3dc: {  	[tilespmem:s3], [sflag:$0x3] =	stream.linear.gather [hbm4b:s25+s0], $0x500, $0x38;
	[tilespmem:$0x1F000] =	vst v63  }
0x3dd: {  	_ =	swait.ge [sflag:s4], $0x500  }
0x3de: {  	s26 =	sld [smem:$0x7E8]  }
0x3df: {  	[sflag:s4] =	ssyncset.done $0x0  }
0x3e0: {  	s28 =	simm.s32 $0x1EB00;
	[sflag:s4] =	ssyncadd.s32 $0xFFFFFB00  }
0x3e1: {  	[tilespmem:s28], [sflag:$0x3] =	stream.linear.gather [hbm4b:s26+s0], $0x500, $0x38;
	[tilespmem:$0x1F000] =	vst v63  }
0x3e2: {  	_ =	swait.ge [sflag:s4], $0x500  }
0x3e3: {  	[sflag:s4] =	ssyncset.done $0x0  }
0x3e4: {  	[sflag:s4] =	ssyncadd.s32 $0xFFFFFB00  }
0x3e5: {  	[tilespmem:s9], [sflag:$0x1] =	stream.indirect.gather [hbm4b:s13+s8], $0x90, s28, s8, $0xb8;
	[tilespmem:$0x1F000] =	vst v63  }
0x3e6: {  	_ =	swait.ge [sflag:s10], $0x2D00  }
0x3e7: {  	[sflag:s10] =	ssyncset.done $0x0  }
0x3e8: {  	s29 =	simm.s32 $0x1EB50;
	[sflag:s10] =	ssyncadd.s32 $0xFFFFD300  }
0x3e9: {  	[tilespmem:s12], [sflag:$0x2] =	stream.indirect.gather [hbm4b:s13+s8], $0x90, s29, s8, $0xb8;
	[tilespmem:$0x1F000] =	vst v63  }
0x3ea: {  	_ = 	snop  }
0x3eb: {  	[spmem:s6] =	stream.indirect.scatter.add.f32 [tilespmem:s9], [sflag:$0x3], $0x90, s3, s8, $0xb8;
	[tilespmem:$0x1F000] =	vst v63  }
0x3ec: {  	_ =	swait.ge [sflag:s4], $0x2D00  }
0x3ed: {  	[sflag:s4] =	ssyncset.done $0x0  }
0x3ee: {  	s30 =	simm.s32 $0x1EBA0;
	[sflag:s4] =	ssyncadd.s32 $0xFFFFD300  }
0x3ef: {  	[tilespmem:s9], [sflag:$0x1] =	stream.indirect.gather [hbm4b:s13+s8], $0x90, s30, s8, $0xb8;
	[tilespmem:$0x1F000] =	vst v63  }
0x3f0: {  	_ =	swait.ge [sflag:s16], $0x2D00  }
0x3f1: {  	[sflag:s16] =	ssyncset.done $0x0  }
0x3f2: {  	s31 =	simm.s32 $0x1E650;
	[sflag:s16] =	ssyncadd.s32 $0xFFFFD300  }
0x3f3: {  	[spmem:s6] =	stream.indirect.scatter.add.f32 [tilespmem:s12], [sflag:$0x3], $0x90, s31, s8, $0xb8;
	[tilespmem:$0x1F000] =	vst v63  }
0x3f4: {  	_ =	swait.ge [sflag:s4], $0x2D00  }
0x3f5: {  	[sflag:s4] =	ssyncset.done $0x0  }
0x3f6: {  	[sflag:s4] =	ssyncadd.s32 $0xFFFFD300  }
0x3f7: {  	_ =	swait.ge [sflag:s10], $0x2D00  }
0x3f8: {  	[sflag:s10] =	ssyncset.done $0x0  }
0x3f9: {  	s15 =	simm.s32 $0x1EBF0;
	[sflag:s10] =	ssyncadd.s32 $0xFFFFD300  }
0x3fa: {  	[tilespmem:s12], [sflag:$0x2] =	stream.indirect.gather [hbm4b:s13+s8], $0x90, s15, s8, $0xb8;
	[tilespmem:$0x1F000] =	vst v63  }
0x3fb: {  	s3 =	simm.s32 $0x1E6A0  }
0x3fc: {  	[spmem:s6] =	stream.indirect.scatter.add.f32 [tilespmem:s9], [sflag:$0x3], $0x90, s3, s8, $0xb8;
	[tilespmem:$0x1F000] =	vst v63  }
0x3fd: {  	_ =	swait.ge [sflag:s4], $0x2D00  }
0x3fe: {  	[sflag:s4] =	ssyncset.done $0x0  }
0x3ff: {  	s5 =	simm.s32 $0x1EC40;
	[sflag:s4] =	ssyncadd.s32 $0xFFFFD300  }
0x400: {  	[tilespmem:s9], [sflag:$0x1] =	stream.indirect.gather [hbm4b:s13+s8], $0x90, s5, s8, $0xb8;
	[tilespmem:$0x1F000] =	vst v63  }
0x401: {  	_ =	swait.ge [sflag:s16], $0x2D00  }
0x402: {  	[sflag:s16] =	ssyncset.done $0x0  }
0x403: {  	s7 =	simm.s32 $0x1E6F0;
	[sflag:s16] =	ssyncadd.s32 $0xFFFFD300  }
0x404: {  	[spmem:s6] =	stream.indirect.scatter.add.f32 [tilespmem:s12], [sflag:$0x3], $0x90, s7, s8, $0xb8;
	[tilespmem:$0x1F000] =	vst v63  }
0x405: {  	_ =	swait.ge [sflag:s4], $0x2D00  }
0x406: {  	[sflag:s4] =	ssyncset.done $0x0  }
0x407: {  	[sflag:s4] =	ssyncadd.s32 $0xFFFFD300  }
0x408: {  	_ =	swait.ge [sflag:s10], $0x2D00  }
0x409: {  	[sflag:s10] =	ssyncset.done $0x0  }
0x40a: {  	s17 =	simm.s32 $0x1EC90;
	[sflag:s10] =	ssyncadd.s32 $0xFFFFD300  }
0x40b: {  	[tilespmem:s12], [sflag:$0x2] =	stream.indirect.gather [hbm4b:s13+s8], $0x90, s17, s8, $0xb8;
	[tilespmem:$0x1F000] =	vst v63  }
0x40c: {  	s11 =	simm.s32 $0x1E740  }
0x40d: {  	[spmem:s6] =	stream.indirect.scatter.add.f32 [tilespmem:s9], [sflag:$0x3], $0x90, s11, s8, $0xb8;
	[tilespmem:$0x1F000] =	vst v63  }
0x40e: {  	_ =	swait.ge [sflag:s4], $0x2D00  }
0x40f: {  	[sflag:s4] =	ssyncset.done $0x0  }
0x410: {  	s18 =	simm.s32 $0x1ECE0;
	[sflag:s4] =	ssyncadd.s32 $0xFFFFD300  }
0x411: {  	[tilespmem:s9], [sflag:$0x1] =	stream.indirect.gather [hbm4b:s13+s8], $0x90, s18, s8, $0xb8;
	[tilespmem:$0x1F000] =	vst v63  }
0x412: {  	_ =	swait.ge [sflag:s16], $0x2D00  }
0x413: {  	[sflag:s16] =	ssyncset.done $0x0  }
0x414: {  	s20 =	simm.s32 $0x1E790;
	[sflag:s16] =	ssyncadd.s32 $0xFFFFD300  }
0x415: {  	[spmem:s6] =	stream.indirect.scatter.add.f32 [tilespmem:s12], [sflag:$0x3], $0x90, s20, s8, $0xb8;
	[tilespmem:$0x1F000] =	vst v63  }
0x416: {  	_ =	swait.ge [sflag:s4], $0x2D00  }
0x417: {  	[sflag:s4] =	ssyncset.done $0x0  }
0x418: {  	[sflag:s4] =	ssyncadd.s32 $0xFFFFD300  }
0x419: {  	_ =	swait.ge [sflag:s10], $0x2D00  }
0x41a: {  	[sflag:s10] =	ssyncset.done $0x0  }
0x41b: {  	s21 =	simm.s32 $0x1ED30;
	[sflag:s10] =	ssyncadd.s32 $0xFFFFD300  }
0x41c: {  	[tilespmem:s12], [sflag:$0x2] =	stream.indirect.gather [hbm4b:s13+s8], $0x90, s21, s8, $0xb8;
	[tilespmem:$0x1F000] =	vst v63  }
0x41d: {  	s22 =	simm.s32 $0x1E7E0  }
0x41e: {  	[spmem:s6] =	stream.indirect.scatter.add.f32 [tilespmem:s9], [sflag:$0x3], $0x90, s22, s8, $0xb8;
	[tilespmem:$0x1F000] =	vst v63  }
0x41f: {  	_ =	swait.ge [sflag:s4], $0x2D00  }
0x420: {  	[sflag:s4] =	ssyncset.done $0x0  }
0x421: {  	s23 =	simm.s32 $0x1ED80;
	[sflag:s4] =	ssyncadd.s32 $0xFFFFD300  }
0x422: {  	[tilespmem:s9], [sflag:$0x1] =	stream.indirect.gather [hbm4b:s13+s8], $0x90, s23, s8, $0xb8;
	[tilespmem:$0x1F000] =	vst v63  }
0x423: {  	_ =	swait.ge [sflag:s16], $0x2D00  }
0x424: {  	[sflag:s16] =	ssyncset.done $0x0  }
0x425: {  	s24 =	simm.s32 $0x1E830;
	[sflag:s16] =	ssyncadd.s32 $0xFFFFD300  }
0x426: {  	[spmem:s6] =	stream.indirect.scatter.add.f32 [tilespmem:s12], [sflag:$0x3], $0x90, s24, s8, $0xb8;
	[tilespmem:$0x1F000] =	vst v63  }
0x427: {  	_ =	swait.ge [sflag:s4], $0x2D00  }
0x428: {  	[sflag:s4] =	ssyncset.done $0x0  }
0x429: {  	[sflag:s4] =	ssyncadd.s32 $0xFFFFD300  }
0x42a: {  	_ =	swait.ge [sflag:s10], $0x2D00  }
0x42b: {  	[sflag:s10] =	ssyncset.done $0x0  }
0x42c: {  	s5 =	simm.s32 $0x1EDD0;
	[sflag:s10] =	ssyncadd.s32 $0xFFFFD300  }
0x42d: {  	[tilespmem:s12], [sflag:$0x2] =	stream.indirect.gather [hbm4b:s13+s8], $0x90, s5, s8, $0xb8;
	[tilespmem:$0x1F000] =	vst v63  }
0x42e: {  	s25 =	simm.s32 $0x1E880  }
0x42f: {  	[spmem:s6] =	stream.indirect.scatter.add.f32 [tilespmem:s9], [sflag:$0x3], $0x90, s25, s8, $0xb8;
	[tilespmem:$0x1F000] =	vst v63  }
0x430: {  	_ =	swait.ge [sflag:s4], $0x2D00  }
0x431: {  	[sflag:s4] =	ssyncset.done $0x0  }
0x432: {  	s26 =	simm.s32 $0x1EE20;
	[sflag:s4] =	ssyncadd.s32 $0xFFFFD300  }
0x433: {  	[tilespmem:s9], [sflag:$0x1] =	stream.indirect.gather [hbm4b:s13+s8], $0x90, s26, s8, $0xb8;
	[tilespmem:$0x1F000] =	vst v63  }
0x434: {  	_ =	swait.ge [sflag:s16], $0x2D00  }
0x435: {  	[sflag:s16] =	ssyncset.done $0x0  }
0x436: {  	s28 =	simm.s32 $0x1E8D0;
	[sflag:s16] =	ssyncadd.s32 $0xFFFFD300  }
0x437: {  	[spmem:s6] =	stream.indirect.scatter.add.f32 [tilespmem:s12], [sflag:$0x3], $0x90, s28, s8, $0xb8;
	[tilespmem:$0x1F000] =	vst v63  }
0x438: {  	_ =	swait.ge [sflag:s4], $0x2D00  }
0x439: {  	[sflag:s4] =	ssyncset.done $0x0  }
0x43a: {  	[sflag:s4] =	ssyncadd.s32 $0xFFFFD300  }
0x43b: {  	_ =	swait.ge [sflag:s10], $0x2D00  }
0x43c: {  	[sflag:s10] =	ssyncset.done $0x0  }
0x43d: {  	s7 =	simm.s32 $0x1EE70;
	[sflag:s10] =	ssyncadd.s32 $0xFFFFD300  }
0x43e: {  	[tilespmem:s12], [sflag:$0x2] =	stream.indirect.gather [hbm4b:s13+s8], $0x90, s7, s8, $0xb8;
	[tilespmem:$0x1F000] =	vst v63  }
0x43f: {  	s29 =	simm.s32 $0x1E920  }
0x440: {  	[spmem:s6] =	stream.indirect.scatter.add.f32 [tilespmem:s9], [sflag:$0x3], $0x90, s29, s8, $0xb8;
	[tilespmem:$0x1F000] =	vst v63  }
0x441: {  	_ =	swait.ge [sflag:s4], $0x2D00  }
0x442: {  	[sflag:s4] =	ssyncset.done $0x0  }
0x443: {  	s30 =	simm.s32 $0x1EEC0;
	[sflag:s4] =	ssyncadd.s32 $0xFFFFD300  }
0x444: {  	[tilespmem:s9], [sflag:$0x1] =	stream.indirect.gather [hbm4b:s13+s8], $0x90, s30, s8, $0xb8;
	[tilespmem:$0x1F000] =	vst v63  }
0x445: {  	_ =	swait.ge [sflag:s16], $0x2D00  }
0x446: {  	[sflag:s16] =	ssyncset.done $0x0  }
0x447: {  	s31 =	simm.s32 $0x1E970;
	[sflag:s16] =	ssyncadd.s32 $0xFFFFD300  }
0x448: {  	[spmem:s6] =	stream.indirect.scatter.add.f32 [tilespmem:s12], [sflag:$0x3], $0x90, s31, s8, $0xb8;
	[tilespmem:$0x1F000] =	vst v63  }
0x449: {  	_ =	swait.ge [sflag:s4], $0x2D00  }
0x44a: {  	[sflag:s4] =	ssyncset.done $0x0  }
0x44b: {  	[sflag:s4] =	ssyncadd.s32 $0xFFFFD300  }
0x44c: {  	_ =	swait.ge [sflag:s10], $0x2D00  }
0x44d: {  	[sflag:s10] =	ssyncset.done $0x0  }
0x44e: {  	s11 =	simm.s32 $0x1EF10;
	[sflag:s10] =	ssyncadd.s32 $0xFFFFD300  }
0x44f: {  	[tilespmem:s12], [sflag:$0x2] =	stream.indirect.gather [hbm4b:s13+s8], $0x90, s11, s8, $0xb8;
	[tilespmem:$0x1F000] =	vst v63  }
0x450: {  	s14 =	simm.s32 $0x1E9C0  }
0x451: {  	[spmem:s6] =	stream.indirect.scatter.add.f32 [tilespmem:s9], [sflag:$0x3], $0x90, s14, s8, $0xb8;
	[tilespmem:$0x1F000] =	vst v63  }
0x452: {  	_ =	swait.ge [sflag:s4], $0x2D00  }
0x453: {  	[sflag:s4] =	ssyncset.done $0x0  }
0x454: {  	s3 =	simm.s32 $0x1EF60;
	[sflag:s4] =	ssyncadd.s32 $0xFFFFD300  }
0x455: {  	[tilespmem:s9], [sflag:$0x1] =	stream.indirect.gather [hbm4b:s13+s8], $0x90, s3, s8, $0xb8;
	[tilespmem:$0x1F000] =	vst v63  }
0x456: {  	_ =	swait.ge [sflag:s16], $0x2D00  }
0x457: {  	[sflag:s16] =	ssyncset.done $0x0  }
0x458: {  	s14 =	simm.s32 $0x1EA10;
	[sflag:s16] =	ssyncadd.s32 $0xFFFFD300  }
0x459: {  	[spmem:s6] =	stream.indirect.scatter.add.f32 [tilespmem:s12], [sflag:$0x3], $0x90, s14, s8, $0xb8;
	[tilespmem:$0x1F000] =	vst v63  }
0x45a: {  	_ =	swait.ge [sflag:s4], $0x2D00  }
0x45b: {  	[sflag:s4] =	ssyncset.done $0x0  }
0x45c: {  	[sflag:s4] =	ssyncadd.s32 $0xFFFFD300  }
0x45d: {  	_ =	swait.ge [sflag:s10], $0x2D00  }
0x45e: {  	[sflag:s10] =	ssyncset.done $0x0  }
0x45f: {  	s14 =	simm.s32 $0x1EFB0;
	[sflag:s10] =	ssyncadd.s32 $0xFFFFD300  }
0x460: {  	[tilespmem:s12], [sflag:$0x2] =	stream.indirect.gather [hbm4b:s13+s8], $0x90, s14, s8, $0xb8;
	[tilespmem:$0x1F000] =	vst v63  }
0x461: {  	s3 =	simm.s32 $0x1EA60  }
0x462: {  	[spmem:s6] =	stream.indirect.scatter.add.f32 [tilespmem:s9], [sflag:$0x3], $0x90, s3, s8, $0xb8;
	[tilespmem:$0x1F000] =	vst v63  }
0x463: {  	_ =	swait.ge [sflag:s4], $0x2D00  }
0x464: {  	[sflag:s4] =	ssyncset.done $0x0  }
0x465: {  	[sflag:s4] =	ssyncadd.s32 $0xFFFFD300  }
0x466: {  	_ =	swait.ge [sflag:s16], $0x2D00  }
0x467: {  	[sflag:s16] =	ssyncset.done $0x0  }
0x468: {  	s3 =	simm.s32 $0x1EAB0;
	[sflag:s16] =	ssyncadd.s32 $0xFFFFD300  }
0x469: {  	[spmem:s6] =	stream.indirect.scatter.add.f32 [tilespmem:s12], [sflag:$0x3], $0x90, s3, s8, $0xb8;
	[tilespmem:$0x1F000] =	vst v63  }
0x46a: {  	_ =	swait.ge [sflag:s4], $0x2D00  }
0x46b: {  	s1 =	sld [smem:$0x7EA]  }
0x46c: {  	[sflag:s4] =	ssyncset.done $0x0  }
0x46d: {  	s3 =	simm.s32 $0x1E600;
	[sflag:s4] =	ssyncadd.s32 $0xFFFFD300  }
0x46e: {  	[tilespmem:s3], [sflag:$0x3] =	stream.linear.gather [hbm4b:s1+s0], $0x500, $0x38;
	[tilespmem:$0x1F000] =	vst v63  }
0x46f: {  	_ =	swait.ge [sflag:s4], $0x500  }
0x470: {  	s1 =	sld [smem:$0x7E9]  }
0x471: {  	[sflag:s4] =	ssyncset.done $0x0  }
0x472: {  	s2 =	simm.s32 $0x1EB00;
	[sflag:s4] =	ssyncadd.s32 $0xFFFFFB00  }
0x473: {  	[tilespmem:s2], [sflag:$0x3] =	stream.linear.gather [hbm4b:s1+s0], $0x500, $0x38;
	[tilespmem:$0x1F000] =	vst v63  }
0x474: {  	_ =	swait.ge [sflag:s4], $0x500  }
0x475: {  	[sflag:s4] =	ssyncset.done $0x0  }
0x476: {  	[sflag:s4] =	ssyncadd.s32 $0xFFFFFB00  }
0x477: {  	[tilespmem:s9], [sflag:$0x1] =	stream.indirect.gather [hbm4b:s13+s8], $0x90, s2, s8, $0xb8;
	[tilespmem:$0x1F000] =	vst v63  }
0x478: {  	_ =	swait.ge [sflag:s10], $0x2D00  }
0x479: {  	[sflag:s10] =	ssyncset.done $0x0  }
0x47a: {  	s2 =	simm.s32 $0x1EB50;
	[sflag:s10] =	ssyncadd.s32 $0xFFFFD300  }
0x47b: {  	[tilespmem:s12], [sflag:$0x2] =	stream.indirect.gather [hbm4b:s13+s8], $0x90, s2, s8, $0xb8;
	[tilespmem:$0x1F000] =	vst v63  }
0x47c: {  	_ = 	snop  }
0x47d: {  	[spmem:s6] =	stream.indirect.scatter.add.f32 [tilespmem:s9], [sflag:$0x3], $0x90, s3, s8, $0xb8;
	[tilespmem:$0x1F000] =	vst v63  }
0x47e: {  	_ =	swait.ge [sflag:s4], $0x2D00  }
0x47f: {  	[sflag:s4] =	ssyncset.done $0x0  }
0x480: {  	s3 =	simm.s32 $0x1EBA0;
	[sflag:s4] =	ssyncadd.s32 $0xFFFFD300  }
0x481: {  	[tilespmem:s9], [sflag:$0x1] =	stream.indirect.gather [hbm4b:s13+s8], $0x90, s3, s8, $0xb8;
	[tilespmem:$0x1F000] =	vst v63  }
0x482: {  	_ =	swait.ge [sflag:s16], $0x2D00  }
0x483: {  	[sflag:s16] =	ssyncset.done $0x0  }
0x484: {  	s2 =	simm.s32 $0x1E650;
	[sflag:s16] =	ssyncadd.s32 $0xFFFFD300  }
0x485: {  	[spmem:s6] =	stream.indirect.scatter.add.f32 [tilespmem:s12], [sflag:$0x3], $0x90, s2, s8, $0xb8;
	[tilespmem:$0x1F000] =	vst v63  }
0x486: {  	_ =	swait.ge [sflag:s4], $0x2D00  }
0x487: {  	[sflag:s4] =	ssyncset.done $0x0  }
0x488: {  	[sflag:s4] =	ssyncadd.s32 $0xFFFFD300  }
0x489: {  	_ =	swait.ge [sflag:s10], $0x2D00  }
0x48a: {  	[sflag:s10] =	ssyncset.done $0x0  }
0x48b: {  	[sflag:s10] =	ssyncadd.s32 $0xFFFFD300  }
0x48c: {  	[tilespmem:s12], [sflag:$0x2] =	stream.indirect.gather [hbm4b:s13+s8], $0x90, s15, s8, $0xb8;
	[tilespmem:$0x1F000] =	vst v63  }
0x48d: {  	s3 =	simm.s32 $0x1E6A0  }
0x48e: {  	[spmem:s6] =	stream.indirect.scatter.add.f32 [tilespmem:s9], [sflag:$0x3], $0x90, s3, s8, $0xb8;
	[tilespmem:$0x1F000] =	vst v63  }
0x48f: {  	_ =	swait.ge [sflag:s4], $0x2D00  }
0x490: {  	[sflag:s4] =	ssyncset.done $0x0  }
0x491: {  	s15 =	simm.s32 $0x1EC40;
	[sflag:s4] =	ssyncadd.s32 $0xFFFFD300  }
0x492: {  	[tilespmem:s9], [sflag:$0x1] =	stream.indirect.gather [hbm4b:s13+s8], $0x90, s15, s8, $0xb8;
	[tilespmem:$0x1F000] =	vst v63  }
0x493: {  	_ =	swait.ge [sflag:s16], $0x2D00  }
0x494: {  	[sflag:s16] =	ssyncset.done $0x0  }
0x495: {  	s2 =	simm.s32 $0x1E6F0;
	[sflag:s16] =	ssyncadd.s32 $0xFFFFD300  }
0x496: {  	[spmem:s6] =	stream.indirect.scatter.add.f32 [tilespmem:s12], [sflag:$0x3], $0x90, s2, s8, $0xb8;
	[tilespmem:$0x1F000] =	vst v63  }
0x497: {  	_ =	swait.ge [sflag:s4], $0x2D00  }
0x498: {  	[sflag:s4] =	ssyncset.done $0x0  }
0x499: {  	[sflag:s4] =	ssyncadd.s32 $0xFFFFD300  }
0x49a: {  	_ =	swait.ge [sflag:s10], $0x2D00  }
0x49b: {  	[sflag:s10] =	ssyncset.done $0x0  }
0x49c: {  	[sflag:s10] =	ssyncadd.s32 $0xFFFFD300  }
0x49d: {  	[tilespmem:s12], [sflag:$0x2] =	stream.indirect.gather [hbm4b:s13+s8], $0x90, s17, s8, $0xb8;
	[tilespmem:$0x1F000] =	vst v63  }
0x49e: {  	s3 =	simm.s32 $0x1E740  }
0x49f: {  	[spmem:s6] =	stream.indirect.scatter.add.f32 [tilespmem:s9], [sflag:$0x3], $0x90, s3, s8, $0xb8;
	[tilespmem:$0x1F000] =	vst v63  }
0x4a0: {  	_ =	swait.ge [sflag:s4], $0x2D00  }
0x4a1: {  	[sflag:s4] =	ssyncset.done $0x0  }
0x4a2: {  	[sflag:s4] =	ssyncadd.s32 $0xFFFFD300  }
0x4a3: {  	[tilespmem:s9], [sflag:$0x1] =	stream.indirect.gather [hbm4b:s13+s8], $0x90, s18, s8, $0xb8;
	[tilespmem:$0x1F000] =	vst v63  }
0x4a4: {  	_ =	swait.ge [sflag:s16], $0x2D00  }
0x4a5: {  	[sflag:s16] =	ssyncset.done $0x0  }
0x4a6: {  	[sflag:s16] =	ssyncadd.s32 $0xFFFFD300  }
0x4a7: {  	[spmem:s6] =	stream.indirect.scatter.add.f32 [tilespmem:s12], [sflag:$0x3], $0x90, s20, s8, $0xb8;
	[tilespmem:$0x1F000] =	vst v63  }
0x4a8: {  	_ =	swait.ge [sflag:s4], $0x2D00  }
0x4a9: {  	[sflag:s4] =	ssyncset.done $0x0  }
0x4aa: {  	[sflag:s4] =	ssyncadd.s32 $0xFFFFD300  }
0x4ab: {  	_ =	swait.ge [sflag:s10], $0x2D00  }
0x4ac: {  	[sflag:s10] =	ssyncset.done $0x0  }
0x4ad: {  	[sflag:s10] =	ssyncadd.s32 $0xFFFFD300  }
0x4ae: {  	[tilespmem:s12], [sflag:$0x2] =	stream.indirect.gather [hbm4b:s13+s8], $0x90, s21, s8, $0xb8;
	[tilespmem:$0x1F000] =	vst v63  }
0x4af: {  	_ = 	snop  }
0x4b0: {  	[spmem:s6] =	stream.indirect.scatter.add.f32 [tilespmem:s9], [sflag:$0x3], $0x90, s22, s8, $0xb8;
	[tilespmem:$0x1F000] =	vst v63  }
0x4b1: {  	_ =	swait.ge [sflag:s4], $0x2D00  }
0x4b2: {  	[sflag:s4] =	ssyncset.done $0x0  }
0x4b3: {  	[sflag:s4] =	ssyncadd.s32 $0xFFFFD300  }
0x4b4: {  	[tilespmem:s9], [sflag:$0x1] =	stream.indirect.gather [hbm4b:s13+s8], $0x90, s23, s8, $0xb8;
	[tilespmem:$0x1F000] =	vst v63  }
0x4b5: {  	_ =	swait.ge [sflag:s16], $0x2D00  }
0x4b6: {  	[sflag:s16] =	ssyncset.done $0x0  }
0x4b7: {  	[sflag:s16] =	ssyncadd.s32 $0xFFFFD300  }
0x4b8: {  	[spmem:s6] =	stream.indirect.scatter.add.f32 [tilespmem:s12], [sflag:$0x3], $0x90, s24, s8, $0xb8;
	[tilespmem:$0x1F000] =	vst v63  }
0x4b9: {  	_ =	swait.ge [sflag:s4], $0x2D00  }
0x4ba: {  	[sflag:s4] =	ssyncset.done $0x0  }
0x4bb: {  	[sflag:s4] =	ssyncadd.s32 $0xFFFFD300  }
0x4bc: {  	_ =	swait.ge [sflag:s10], $0x2D00  }
0x4bd: {  	[sflag:s10] =	ssyncset.done $0x0  }
0x4be: {  	[sflag:s10] =	ssyncadd.s32 $0xFFFFD300  }
0x4bf: {  	[tilespmem:s12], [sflag:$0x2] =	stream.indirect.gather [hbm4b:s13+s8], $0x90, s5, s8, $0xb8;
	[tilespmem:$0x1F000] =	vst v63  }
0x4c0: {  	_ = 	snop  }
0x4c1: {  	[spmem:s6] =	stream.indirect.scatter.add.f32 [tilespmem:s9], [sflag:$0x3], $0x90, s25, s8, $0xb8;
	[tilespmem:$0x1F000] =	vst v63  }
0x4c2: {  	_ =	swait.ge [sflag:s4], $0x2D00  }
0x4c3: {  	[sflag:s4] =	ssyncset.done $0x0  }
0x4c4: {  	[sflag:s4] =	ssyncadd.s32 $0xFFFFD300  }
0x4c5: {  	[tilespmem:s9], [sflag:$0x1] =	stream.indirect.gather [hbm4b:s13+s8], $0x90, s26, s8, $0xb8;
	[tilespmem:$0x1F000] =	vst v63  }
0x4c6: {  	_ =	swait.ge [sflag:s16], $0x2D00  }
0x4c7: {  	[sflag:s16] =	ssyncset.done $0x0  }
0x4c8: {  	[sflag:s16] =	ssyncadd.s32 $0xFFFFD300  }
0x4c9: {  	[spmem:s6] =	stream.indirect.scatter.add.f32 [tilespmem:s12], [sflag:$0x3], $0x90, s28, s8, $0xb8;
	[tilespmem:$0x1F000] =	vst v63  }
0x4ca: {  	_ =	swait.ge [sflag:s4], $0x2D00  }
0x4cb: {  	[sflag:s4] =	ssyncset.done $0x0  }
0x4cc: {  	[sflag:s4] =	ssyncadd.s32 $0xFFFFD300  }
0x4cd: {  	_ =	swait.ge [sflag:s10], $0x2D00  }
0x4ce: {  	[sflag:s10] =	ssyncset.done $0x0  }
0x4cf: {  	[sflag:s10] =	ssyncadd.s32 $0xFFFFD300  }
0x4d0: {  	[tilespmem:s12], [sflag:$0x2] =	stream.indirect.gather [hbm4b:s13+s8], $0x90, s7, s8, $0xb8;
	[tilespmem:$0x1F000] =	vst v63  }
0x4d1: {  	_ = 	snop  }
0x4d2: {  	[spmem:s6] =	stream.indirect.scatter.add.f32 [tilespmem:s9], [sflag:$0x3], $0x90, s29, s8, $0xb8;
	[tilespmem:$0x1F000] =	vst v63  }
0x4d3: {  	_ =	swait.ge [sflag:s4], $0x2D00  }
0x4d4: {  	[sflag:s4] =	ssyncset.done $0x0  }
0x4d5: {  	[sflag:s4] =	ssyncadd.s32 $0xFFFFD300  }
0x4d6: {  	[tilespmem:s9], [sflag:$0x1] =	stream.indirect.gather [hbm4b:s13+s8], $0x90, s30, s8, $0xb8;
	[tilespmem:$0x1F000] =	vst v63  }
0x4d7: {  	_ =	swait.ge [sflag:s16], $0x2D00  }
0x4d8: {  	[sflag:s16] =	ssyncset.done $0x0  }
0x4d9: {  	[sflag:s16] =	ssyncadd.s32 $0xFFFFD300  }
0x4da: {  	[spmem:s6] =	stream.indirect.scatter.add.f32 [tilespmem:s12], [sflag:$0x3], $0x90, s31, s8, $0xb8;
	[tilespmem:$0x1F000] =	vst v63  }
0x4db: {  	_ =	swait.ge [sflag:s4], $0x2D00  }
0x4dc: {  	[sflag:s4] =	ssyncset.done $0x0  }
0x4dd: {  	[sflag:s4] =	ssyncadd.s32 $0xFFFFD300  }
0x4de: {  	_ =	swait.ge [sflag:s10], $0x2D00  }
0x4df: {  	[sflag:s10] =	ssyncset.done $0x0  }
0x4e0: {  	[sflag:s10] =	ssyncadd.s32 $0xFFFFD300  }
0x4e1: {  	[tilespmem:s12], [sflag:$0x2] =	stream.indirect.gather [hbm4b:s13+s8], $0x90, s11, s8, $0xb8;
	[tilespmem:$0x1F000] =	vst v63  }
0x4e2: {  	s5 =	simm.s32 $0x1E9C0  }
0x4e3: {  	[spmem:s6] =	stream.indirect.scatter.add.f32 [tilespmem:s9], [sflag:$0x3], $0x90, s5, s8, $0xb8;
	[tilespmem:$0x1F000] =	vst v63  }
0x4e4: {  	_ =	swait.ge [sflag:s4], $0x2D00  }
0x4e5: {  	[sflag:s4] =	ssyncset.done $0x0  }
0x4e6: {  	s7 =	simm.s32 $0x1EF60;
	[sflag:s4] =	ssyncadd.s32 $0xFFFFD300  }
0x4e7: {  	[tilespmem:s9], [sflag:$0x1] =	stream.indirect.gather [hbm4b:s13+s8], $0x90, s7, s8, $0xb8;
	[tilespmem:$0x1F000] =	vst v63  }
0x4e8: {  	_ =	swait.ge [sflag:s16], $0x2D00  }
0x4e9: {  	[sflag:s16] =	ssyncset.done $0x0  }
0x4ea: {  	s11 =	simm.s32 $0x1EA10;
	[sflag:s16] =	ssyncadd.s32 $0xFFFFD300  }
0x4eb: {  	[spmem:s6] =	stream.indirect.scatter.add.f32 [tilespmem:s12], [sflag:$0x3], $0x90, s11, s8, $0xb8;
	[tilespmem:$0x1F000] =	vst v63  }
0x4ec: {  	_ =	swait.ge [sflag:s4], $0x2D00  }
0x4ed: {  	[sflag:s4] =	ssyncset.done $0x0  }
0x4ee: {  	[sflag:s4] =	ssyncadd.s32 $0xFFFFD300  }
0x4ef: {  	_ =	swait.ge [sflag:s10], $0x2D00  }
0x4f0: {  	[sflag:s10] =	ssyncset.done $0x0  }
0x4f1: {  	[sflag:s10] =	ssyncadd.s32 $0xFFFFD300  }
0x4f2: {  	[tilespmem:s12], [sflag:$0x2] =	stream.indirect.gather [hbm4b:s13+s8], $0x90, s14, s8, $0xb8;
	[tilespmem:$0x1F000] =	vst v63  }
0x4f3: {  	s14 =	simm.s32 $0x1EA60  }
0x4f4: {  	[spmem:s6] =	stream.indirect.scatter.add.f32 [tilespmem:s9], [sflag:$0x3], $0x90, s14, s8, $0xb8;
	[tilespmem:$0x1F000] =	vst v63  }
0x4f5: {  	_ =	swait.ge [sflag:s4], $0x2D00  }
0x4f6: {  	[sflag:s4] =	ssyncset.done $0x0  }
0x4f7: {  	[sflag:s4] =	ssyncadd.s32 $0xFFFFD300  }
0x4f8: {  	_ =	swait.ge [sflag:s16], $0x2D00  }
0x4f9: {  	[sflag:s16] =	ssyncset.done $0x0  }
0x4fa: {  	s15 =	simm.s32 $0x1EAB0;
	[sflag:s16] =	ssyncadd.s32 $0xFFFFD300  }
0x4fb: {  	[spmem:s6] =	stream.indirect.scatter.add.f32 [tilespmem:s12], [sflag:$0x3], $0x90, s15, s8, $0xb8;
	[tilespmem:$0x1F000] =	vst v63  }
0x4fc: {  	_ =	swait.ge [sflag:s4], $0x2D00  }
0x4fd: {  	[sflag:s4] =	ssyncset.done $0x0  }
0x4fe: {  	[sflag:s4] =	ssyncadd.s32 $0xFFFFD300  }
0x4ff: {  	[bflag:$0x0] =	sbarrier.arrive $0xFFFF  }
0x500: {  	s5 =	sld [smem:$0x7EC];
	_ =	sdelay $0x2  }
0x501: {  	[tilespmem:s9], [sflag:$0x3] =	stream.linear.gather [spmem:s5], $0x2D00, $0x38;
	[tilespmem:$0x1F000] =	vst v63  }
0x502: {  	_ =	swait.ge [sflag:s4], $0x2D00  }
0x503: {  	[sflag:s4] =	ssyncset.done $0x0  }
0x504: {  	s17 =	rddreg [dreg:$0x18];
	[sflag:s4] =	ssyncadd.s32 $0xFFFFD300  }
0x505: {  	[hbm4b:s17+s0] =	stream.linear.scatter [tilespmem:s9], [sflag:$0x3], $0x2D00, $0x38;
	[tilespmem:$0x1F000] =	vst v63  }
0x506: {  	_ =	swait.ge [sflag:s4], $0x2D00  }
0x507: {  	s14 =	sld [smem:$0x7ED]  }
0x508: {  	[sflag:s4] =	ssyncset.done $0x0  }
0x509: {  	[sflag:s4] =	ssyncadd.s32 $0xFFFFD300  }
0x50a: {  	[tilespmem:s9], [sflag:$0x3] =	stream.linear.gather [spmem:s14], $0x2D00, $0x38;
	[tilespmem:$0x1F000] =	vst v63  }
0x50b: {  	_ =	swait.ge [sflag:s4], $0x2D00  }
0x50c: {  	[sflag:s4] =	ssyncset.done $0x0  }
0x50d: {  	s18 =	rddreg [dreg:$0x19];
	[sflag:s4] =	ssyncadd.s32 $0xFFFFD300  }
0x50e: {  	[hbm4b:s18+s0] =	stream.linear.scatter [tilespmem:s9], [sflag:$0x3], $0x2D00, $0x38;
	[tilespmem:$0x1F000] =	vst v63  }
0x50f: {  	_ =	swait.ge [sflag:s4], $0x2D00  }
0x510: {  	s15 =	sld [smem:$0x7EE]  }
0x511: {  	[sflag:s4] =	ssyncset.done $0x0  }
0x512: {  	[sflag:s4] =	ssyncadd.s32 $0xFFFFD300  }
0x513: {  	[tilespmem:s9], [sflag:$0x3] =	stream.linear.gather [spmem:s15], $0x2D00, $0x38;
	[tilespmem:$0x1F000] =	vst v63  }
0x514: {  	_ =	swait.ge [sflag:s4], $0x2D00  }
0x515: {  	[sflag:s4] =	ssyncset.done $0x0  }
0x516: {  	s20 =	rddreg [dreg:$0x1a];
	[sflag:s4] =	ssyncadd.s32 $0xFFFFD300  }
0x517: {  	[hbm4b:s20+s0] =	stream.linear.scatter [tilespmem:s9], [sflag:$0x3], $0x2D00, $0x38;
	[tilespmem:$0x1F000] =	vst v63  }
0x518: {  	_ =	swait.ge [sflag:s4], $0x2D00  }
0x519: {  	s17 =	sld [smem:$0x7EF]  }
0x51a: {  	[sflag:s4] =	ssyncset.done $0x0  }
0x51b: {  	[sflag:s4] =	ssyncadd.s32 $0xFFFFD300  }
0x51c: {  	[tilespmem:s9], [sflag:$0x3] =	stream.linear.gather [spmem:s17], $0x2D00, $0x38;
	[tilespmem:$0x1F000] =	vst v63  }
0x51d: {  	_ =	swait.ge [sflag:s4], $0x2D00  }
0x51e: {  	[sflag:s4] =	ssyncset.done $0x0  }
0x51f: {  	s2 =	rddreg [dreg:$0x1b];
	[sflag:s4] =	ssyncadd.s32 $0xFFFFD300  }
0x520: {  	[hbm4b:s2+s0] =	stream.linear.scatter [tilespmem:s9], [sflag:$0x3], $0x2D00, $0x38;
	[tilespmem:$0x1F000] =	vst v63  }
0x521: {  	_ =	swait.ge [sflag:s4], $0x2D00  }
0x522: {  	s18 =	sld [smem:$0x7F0]  }
0x523: {  	[sflag:s4] =	ssyncset.done $0x0  }
0x524: {  	[sflag:s4] =	ssyncadd.s32 $0xFFFFD300  }
0x525: {  	[tilespmem:s9], [sflag:$0x3] =	stream.linear.gather [spmem:s18], $0x2D00, $0x38;
	[tilespmem:$0x1F000] =	vst v63  }
0x526: {  	_ =	swait.ge [sflag:s4], $0x2D00  }
0x527: {  	[sflag:s4] =	ssyncset.done $0x0  }
0x528: {  	s3 =	rddreg [dreg:$0x1c];
	[sflag:s4] =	ssyncadd.s32 $0xFFFFD300  }
0x529: {  	[hbm4b:s3+s0] =	stream.linear.scatter [tilespmem:s9], [sflag:$0x3], $0x2D00, $0x38;
	[tilespmem:$0x1F000] =	vst v63  }
0x52a: {  	_ =	swait.ge [sflag:s4], $0x2D00  }
0x52b: {  	s2 =	sld [smem:$0x7F1]  }
0x52c: {  	[sflag:s4] =	ssyncset.done $0x0  }
0x52d: {  	[sflag:s4] =	ssyncadd.s32 $0xFFFFD300  }
0x52e: {  	[tilespmem:s9], [sflag:$0x3] =	stream.linear.gather [spmem:s2], $0x2D00, $0x38;
	[tilespmem:$0x1F000] =	vst v63  }
0x52f: {  	_ =	swait.ge [sflag:s4], $0x2D00  }
0x530: {  	[sflag:s4] =	ssyncset.done $0x0  }
0x531: {  	s7 =	rddreg [dreg:$0x1d];
	[sflag:s4] =	ssyncadd.s32 $0xFFFFD300  }
0x532: {  	[hbm4b:s7+s0] =	stream.linear.scatter [tilespmem:s9], [sflag:$0x3], $0x2D00, $0x38;
	[tilespmem:$0x1F000] =	vst v63  }
0x533: {  	_ =	swait.ge [sflag:s4], $0x2D00  }
0x534: {  	s7 =	sld [smem:$0x7F2]  }
0x535: {  	[sflag:s4] =	ssyncset.done $0x0  }
0x536: {  	[sflag:s4] =	ssyncadd.s32 $0xFFFFD300  }
0x537: {  	[tilespmem:s9], [sflag:$0x3] =	stream.linear.gather [spmem:s7], $0x2D00, $0x38;
	[tilespmem:$0x1F000] =	vst v63  }
0x538: {  	_ =	swait.ge [sflag:s4], $0x2D00  }
0x539: {  	[sflag:s4] =	ssyncset.done $0x0  }
0x53a: {  	s11 =	rddreg [dreg:$0x1e];
	[sflag:s4] =	ssyncadd.s32 $0xFFFFD300  }
0x53b: {  	[hbm4b:s11+s0] =	stream.linear.scatter [tilespmem:s9], [sflag:$0x3], $0x2D00, $0x38;
	[tilespmem:$0x1F000] =	vst v63  }
0x53c: {  	_ =	swait.ge [sflag:s4], $0x2D00  }
0x53d: {  	s11 =	sld [smem:$0x7F3]  }
0x53e: {  	[sflag:s4] =	ssyncset.done $0x0  }
0x53f: {  	[sflag:s4] =	ssyncadd.s32 $0xFFFFD300  }
0x540: {  	[tilespmem:s9], [sflag:$0x3] =	stream.linear.gather [spmem:s11], $0x2D00, $0x38;
	[tilespmem:$0x1F000] =	vst v63  }
0x541: {  	_ =	swait.ge [sflag:s4], $0x2D00  }
0x542: {  	[sflag:s4] =	ssyncset.done $0x0  }
0x543: {  	s20 =	rddreg [dreg:$0x1f];
	[sflag:s4] =	ssyncadd.s32 $0xFFFFD300  }
0x544: {  	[hbm4b:s20+s0] =	stream.linear.scatter [tilespmem:s9], [sflag:$0x3], $0x2D00, $0x38;
	[tilespmem:$0x1F000] =	vst v63  }
0x545: {  	_ =	swait.ge [sflag:s4], $0x2D00  }
0x546: {  	[sflag:s4] =	ssyncset.done $0x0  }
0x547: {  	[sflag:s4] =	ssyncadd.s32 $0xFFFFD300  }
0x548: {  	[bflag:$0x0] =	sbarrier.arrive $0xFFFF  }
0x549: {  	s3 =	sld [smem:$0x7FC];
	_ =	sdelay $0x2  }
0x54a: {  	[spmem:s3] =	stream.linear.scatter [tilespmem:s19], [sflag:$0x3], $0x2400, $0x38;
	[tilespmem:$0x1F000] =	vst v63  }
0x54b: {  	_ =	swait.ge [sflag:s4], $0x2400  }
0x54c: {  	s20 =	sld [smem:$0x7F4]  }
0x54d: {  	[sflag:s4] =	ssyncset.done $0x0  }
0x54e: {  	[sflag:s4] =	ssyncadd.s32 $0xFFFFDC00  }
0x54f: {  	[spmem:s20] =	stream.linear.scatter [tilespmem:s19], [sflag:$0x3], $0x2400, $0x38;
	[tilespmem:$0x1F000] =	vst v63  }
0x550: {  	_ =	swait.ge [sflag:s4], $0x2400  }
0x551: {  	s3 =	sld [smem:$0x7F5]  }
0x552: {  	[sflag:s4] =	ssyncset.done $0x0  }
0x553: {  	[sflag:s4] =	ssyncadd.s32 $0xFFFFDC00  }
0x554: {  	[spmem:s3] =	stream.linear.scatter [tilespmem:s19], [sflag:$0x3], $0x2400, $0x38;
	[tilespmem:$0x1F000] =	vst v63  }
0x555: {  	_ =	swait.ge [sflag:s4], $0x2400  }
0x556: {  	s20 =	sld [smem:$0x7F6]  }
0x557: {  	[sflag:s4] =	ssyncset.done $0x0  }
0x558: {  	[sflag:s4] =	ssyncadd.s32 $0xFFFFDC00  }
0x559: {  	[spmem:s20] =	stream.linear.scatter [tilespmem:s19], [sflag:$0x3], $0x2400, $0x38;
	[tilespmem:$0x1F000] =	vst v63  }
0x55a: {  	_ =	swait.ge [sflag:s4], $0x2400  }
0x55b: {  	s3 =	sld [smem:$0x7F7]  }
0x55c: {  	[sflag:s4] =	ssyncset.done $0x0  }
0x55d: {  	[sflag:s4] =	ssyncadd.s32 $0xFFFFDC00  }
0x55e: {  	[spmem:s3] =	stream.linear.scatter [tilespmem:s19], [sflag:$0x3], $0x2400, $0x38;
	[tilespmem:$0x1F000] =	vst v63  }
0x55f: {  	_ =	swait.ge [sflag:s4], $0x2400  }
0x560: {  	s20 =	sld [smem:$0x7F8]  }
0x561: {  	[sflag:s4] =	ssyncset.done $0x0  }
0x562: {  	[sflag:s4] =	ssyncadd.s32 $0xFFFFDC00  }
0x563: {  	[spmem:s20] =	stream.linear.scatter [tilespmem:s19], [sflag:$0x3], $0x2400, $0x38;
	[tilespmem:$0x1F000] =	vst v63  }
0x564: {  	_ =	swait.ge [sflag:s4], $0x2400  }
0x565: {  	s3 =	sld [smem:$0x7F9]  }
0x566: {  	[sflag:s4] =	ssyncset.done $0x0  }
0x567: {  	[sflag:s4] =	ssyncadd.s32 $0xFFFFDC00  }
0x568: {  	[spmem:s3] =	stream.linear.scatter [tilespmem:s19], [sflag:$0x3], $0x2400, $0x38;
	[tilespmem:$0x1F000] =	vst v63  }
0x569: {  	_ =	swait.ge [sflag:s4], $0x2400  }
0x56a: {  	s20 =	sld [smem:$0x7FA]  }
0x56b: {  	[sflag:s4] =	ssyncset.done $0x0  }
0x56c: {  	[sflag:s4] =	ssyncadd.s32 $0xFFFFDC00  }
0x56d: {  	[spmem:s20] =	stream.linear.scatter [tilespmem:s19], [sflag:$0x3], $0x2400, $0x38;
	[tilespmem:$0x1F000] =	vst v63  }
0x56e: {  	_ =	swait.ge [sflag:s4], $0x2400  }
0x56f: {  	s3 =	sld [smem:$0x7FB]  }
0x570: {  	[sflag:s4] =	ssyncset.done $0x0  }
0x571: {  	[sflag:s4] =	ssyncadd.s32 $0xFFFFDC00  }
0x572: {  	[spmem:s3] =	stream.linear.scatter [tilespmem:s19], [sflag:$0x3], $0x2400, $0x38;
	[tilespmem:$0x1F000] =	vst v63  }
0x573: {  	_ =	swait.ge [sflag:s4], $0x2400  }
0x574: {  	s20 =	sld [smem:$0x7FD]  }
0x575: {  	[sflag:s4] =	ssyncset.done $0x0  }
0x576: {  	[sflag:s4] =	ssyncadd.s32 $0xFFFFDC00  }
0x577: {  	[spmem:s20] =	stream.linear.scatter [tilespmem:s19], [sflag:$0x3], $0x2400, $0x38;
	[tilespmem:$0x1F000] =	vst v63  }
0x578: {  	_ =	swait.ge [sflag:s4], $0x2400  }
0x579: {  	[sflag:s4] =	ssyncset.done $0x0  }
0x57a: {  	[sflag:s4] =	ssyncadd.s32 $0xFFFFDC00  }
0x57b: {  	[bflag:$0x0] =	sbarrier.arrive $0xFFFF  }
0x57c: {  	s20 =	simm.s32 $0x1E600;
	s3 =	rddreg [dreg:$0xe]  }
0x57d: {  	[tilespmem:s20], [sflag:$0x3] =	stream.linear.gather [hbm4b:s3+s0], $0x500, $0x38;
	[tilespmem:$0x1F000] =	vst v63  }
0x57e: {  	_ =	swait.ge [sflag:s4], $0x500  }
0x57f: {  	[sflag:s4] =	ssyncset.done $0x0  }
0x580: {  	s3 =	simm.s32 $0x1EB00;
	s1 =	rddreg [dreg:$0xf];
	[sflag:s4] =	ssyncadd.s32 $0xFFFFFB00  }
0x581: {  	[tilespmem:s3], [sflag:$0x3] =	stream.linear.gather [hbm4b:s1+s0], $0x500, $0x38;
	[tilespmem:$0x1F000] =	vst v63  }
0x582: {  	_ =	swait.ge [sflag:s4], $0x500  }
0x583: {  	[sflag:s4] =	ssyncset.done $0x0  }
0x584: {  	[sflag:s4] =	ssyncadd.s32 $0xFFFFFB00  }
0x585: {  	[tilespmem:s9], [sflag:$0x1] =	stream.indirect.gather [hbm4b:s13+s8], $0x90, s3, s8, $0xb8;
	[tilespmem:$0x1F000] =	vst v63  }
0x586: {  	_ =	swait.ge [sflag:s10], $0x2D00  }
0x587: {  	[sflag:s10] =	ssyncset.done $0x0  }
0x588: {  	s3 =	simm.s32 $0x1EB50;
	[sflag:s10] =	ssyncadd.s32 $0xFFFFD300  }
0x589: {  	[tilespmem:s12], [sflag:$0x2] =	stream.indirect.gather [hbm4b:s13+s8], $0x90, s3, s8, $0xb8;
	[tilespmem:$0x1F000] =	vst v63  }
0x58a: {  	_ = 	snop  }
0x58b: {  	[spmem:s6] =	stream.indirect.scatter.add.f32 [tilespmem:s9], [sflag:$0x3], $0x90, s20, s8, $0xb8;
	[tilespmem:$0x1F000] =	vst v63  }
0x58c: {  	_ =	swait.ge [sflag:s4], $0x2D00  }
0x58d: {  	[sflag:s4] =	ssyncset.done $0x0  }
0x58e: {  	s3 =	simm.s32 $0x1EBA0;
	[sflag:s4] =	ssyncadd.s32 $0xFFFFD300  }
0x58f: {  	[tilespmem:s9], [sflag:$0x1] =	stream.indirect.gather [hbm4b:s13+s8], $0x90, s3, s8, $0xb8;
	[tilespmem:$0x1F000] =	vst v63  }
0x590: {  	_ =	swait.ge [sflag:s16], $0x2D00  }
0x591: {  	[sflag:s16] =	ssyncset.done $0x0  }
0x592: {  	s20 =	simm.s32 $0x1E650;
	[sflag:s16] =	ssyncadd.s32 $0xFFFFD300  }
0x593: {  	[spmem:s6] =	stream.indirect.scatter.add.f32 [tilespmem:s12], [sflag:$0x3], $0x90, s20, s8, $0xb8;
	[tilespmem:$0x1F000] =	vst v63  }
0x594: {  	_ =	swait.ge [sflag:s4], $0x2D00  }
0x595: {  	[sflag:s4] =	ssyncset.done $0x0  }
0x596: {  	[sflag:s4] =	ssyncadd.s32 $0xFFFFD300  }
0x597: {  	_ =	swait.ge [sflag:s10], $0x2D00  }
0x598: {  	[sflag:s10] =	ssyncset.done $0x0  }
0x599: {  	s3 =	simm.s32 $0x1EBF0;
	[sflag:s10] =	ssyncadd.s32 $0xFFFFD300  }
0x59a: {  	[tilespmem:s12], [sflag:$0x2] =	stream.indirect.gather [hbm4b:s13+s8], $0x90, s3, s8, $0xb8;
	[tilespmem:$0x1F000] =	vst v63  }
0x59b: {  	s20 =	simm.s32 $0x1E6A0  }
0x59c: {  	[spmem:s6] =	stream.indirect.scatter.add.f32 [tilespmem:s9], [sflag:$0x3], $0x90, s20, s8, $0xb8;
	[tilespmem:$0x1F000] =	vst v63  }
0x59d: {  	_ =	swait.ge [sflag:s4], $0x2D00  }
0x59e: {  	[sflag:s4] =	ssyncset.done $0x0  }
0x59f: {  	s3 =	simm.s32 $0x1EC40;
	[sflag:s4] =	ssyncadd.s32 $0xFFFFD300  }
0x5a0: {  	[tilespmem:s9], [sflag:$0x1] =	stream.indirect.gather [hbm4b:s13+s8], $0x90, s3, s8, $0xb8;
	[tilespmem:$0x1F000] =	vst v63  }
0x5a1: {  	_ =	swait.ge [sflag:s16], $0x2D00  }
0x5a2: {  	[sflag:s16] =	ssyncset.done $0x0  }
0x5a3: {  	s20 =	simm.s32 $0x1E6F0;
	[sflag:s16] =	ssyncadd.s32 $0xFFFFD300  }
0x5a4: {  	[spmem:s6] =	stream.indirect.scatter.add.f32 [tilespmem:s12], [sflag:$0x3], $0x90, s20, s8, $0xb8;
	[tilespmem:$0x1F000] =	vst v63  }
0x5a5: {  	_ =	swait.ge [sflag:s4], $0x2D00  }
0x5a6: {  	[sflag:s4] =	ssyncset.done $0x0  }
0x5a7: {  	[sflag:s4] =	ssyncadd.s32 $0xFFFFD300  }
0x5a8: {  	_ =	swait.ge [sflag:s10], $0x2D00  }
0x5a9: {  	[sflag:s10] =	ssyncset.done $0x0  }
0x5aa: {  	s3 =	simm.s32 $0x1EC90;
	[sflag:s10] =	ssyncadd.s32 $0xFFFFD300  }
0x5ab: {  	[tilespmem:s12], [sflag:$0x2] =	stream.indirect.gather [hbm4b:s13+s8], $0x90, s3, s8, $0xb8;
	[tilespmem:$0x1F000] =	vst v63  }
0x5ac: {  	s20 =	simm.s32 $0x1E740  }
0x5ad: {  	[spmem:s6] =	stream.indirect.scatter.add.f32 [tilespmem:s9], [sflag:$0x3], $0x90, s20, s8, $0xb8;
	[tilespmem:$0x1F000] =	vst v63  }
0x5ae: {  	_ =	swait.ge [sflag:s4], $0x2D00  }
0x5af: {  	[sflag:s4] =	ssyncset.done $0x0  }
0x5b0: {  	s3 =	simm.s32 $0x1ECE0;
	[sflag:s4] =	ssyncadd.s32 $0xFFFFD300  }
0x5b1: {  	[tilespmem:s9], [sflag:$0x1] =	stream.indirect.gather [hbm4b:s13+s8], $0x90, s3, s8, $0xb8;
	[tilespmem:$0x1F000] =	vst v63  }
0x5b2: {  	_ =	swait.ge [sflag:s16], $0x2D00  }
0x5b3: {  	[sflag:s16] =	ssyncset.done $0x0  }
0x5b4: {  	s20 =	simm.s32 $0x1E790;
	[sflag:s16] =	ssyncadd.s32 $0xFFFFD300  }
0x5b5: {  	[spmem:s6] =	stream.indirect.scatter.add.f32 [tilespmem:s12], [sflag:$0x3], $0x90, s20, s8, $0xb8;
	[tilespmem:$0x1F000] =	vst v63  }
0x5b6: {  	_ =	swait.ge [sflag:s4], $0x2D00  }
0x5b7: {  	[sflag:s4] =	ssyncset.done $0x0  }
0x5b8: {  	[sflag:s4] =	ssyncadd.s32 $0xFFFFD300  }
0x5b9: {  	_ =	swait.ge [sflag:s10], $0x2D00  }
0x5ba: {  	[sflag:s10] =	ssyncset.done $0x0  }
0x5bb: {  	s3 =	simm.s32 $0x1ED30;
	[sflag:s10] =	ssyncadd.s32 $0xFFFFD300  }
0x5bc: {  	[tilespmem:s12], [sflag:$0x2] =	stream.indirect.gather [hbm4b:s13+s8], $0x90, s3, s8, $0xb8;
	[tilespmem:$0x1F000] =	vst v63  }
0x5bd: {  	s20 =	simm.s32 $0x1E7E0  }
0x5be: {  	[spmem:s6] =	stream.indirect.scatter.add.f32 [tilespmem:s9], [sflag:$0x3], $0x90, s20, s8, $0xb8;
	[tilespmem:$0x1F000] =	vst v63  }
0x5bf: {  	_ =	swait.ge [sflag:s4], $0x2D00  }
0x5c0: {  	[sflag:s4] =	ssyncset.done $0x0  }
0x5c1: {  	s21 =	simm.s32 $0x1ED80;
	[sflag:s4] =	ssyncadd.s32 $0xFFFFD300  }
0x5c2: {  	[tilespmem:s9], [sflag:$0x1] =	stream.indirect.gather [hbm4b:s13+s8], $0x90, s21, s8, $0xb8;
	[tilespmem:$0x1F000] =	vst v63  }
0x5c3: {  	_ =	swait.ge [sflag:s16], $0x2D00  }
0x5c4: {  	[sflag:s16] =	ssyncset.done $0x0  }
0x5c5: {  	s22 =	simm.s32 $0x1E830;
	[sflag:s16] =	ssyncadd.s32 $0xFFFFD300  }
0x5c6: {  	[spmem:s6] =	stream.indirect.scatter.add.f32 [tilespmem:s12], [sflag:$0x3], $0x90, s22, s8, $0xb8;
	[tilespmem:$0x1F000] =	vst v63  }
0x5c7: {  	_ =	swait.ge [sflag:s4], $0x2D00  }
0x5c8: {  	[sflag:s4] =	ssyncset.done $0x0  }
0x5c9: {  	[sflag:s4] =	ssyncadd.s32 $0xFFFFD300  }
0x5ca: {  	_ =	swait.ge [sflag:s10], $0x2D00  }
0x5cb: {  	[sflag:s10] =	ssyncset.done $0x0  }
0x5cc: {  	s22 =	simm.s32 $0x1EDD0;
	[sflag:s10] =	ssyncadd.s32 $0xFFFFD300  }
0x5cd: {  	[tilespmem:s12], [sflag:$0x2] =	stream.indirect.gather [hbm4b:s13+s8], $0x90, s22, s8, $0xb8;
	[tilespmem:$0x1F000] =	vst v63  }
0x5ce: {  	s23 =	simm.s32 $0x1E880  }
0x5cf: {  	[spmem:s6] =	stream.indirect.scatter.add.f32 [tilespmem:s9], [sflag:$0x3], $0x90, s23, s8, $0xb8;
	[tilespmem:$0x1F000] =	vst v63  }
0x5d0: {  	_ =	swait.ge [sflag:s4], $0x2D00  }
0x5d1: {  	[sflag:s4] =	ssyncset.done $0x0  }
0x5d2: {  	s24 =	simm.s32 $0x1EE20;
	[sflag:s4] =	ssyncadd.s32 $0xFFFFD300  }
0x5d3: {  	[tilespmem:s9], [sflag:$0x1] =	stream.indirect.gather [hbm4b:s13+s8], $0x90, s24, s8, $0xb8;
	[tilespmem:$0x1F000] =	vst v63  }
0x5d4: {  	_ =	swait.ge [sflag:s16], $0x2D00  }
0x5d5: {  	[sflag:s16] =	ssyncset.done $0x0  }
0x5d6: {  	s25 =	simm.s32 $0x1E8D0;
	[sflag:s16] =	ssyncadd.s32 $0xFFFFD300  }
0x5d7: {  	[spmem:s6] =	stream.indirect.scatter.add.f32 [tilespmem:s12], [sflag:$0x3], $0x90, s25, s8, $0xb8;
	[tilespmem:$0x1F000] =	vst v63  }
0x5d8: {  	_ =	swait.ge [sflag:s4], $0x2D00  }
0x5d9: {  	[sflag:s4] =	ssyncset.done $0x0  }
0x5da: {  	[sflag:s4] =	ssyncadd.s32 $0xFFFFD300  }
0x5db: {  	_ =	swait.ge [sflag:s10], $0x2D00  }
0x5dc: {  	[sflag:s10] =	ssyncset.done $0x0  }
0x5dd: {  	s25 =	simm.s32 $0x1EE70;
	[sflag:s10] =	ssyncadd.s32 $0xFFFFD300  }
0x5de: {  	[tilespmem:s12], [sflag:$0x2] =	stream.indirect.gather [hbm4b:s13+s8], $0x90, s25, s8, $0xb8;
	[tilespmem:$0x1F000] =	vst v63  }
0x5df: {  	s26 =	simm.s32 $0x1E920  }
0x5e0: {  	[spmem:s6] =	stream.indirect.scatter.add.f32 [tilespmem:s9], [sflag:$0x3], $0x90, s26, s8, $0xb8;
	[tilespmem:$0x1F000] =	vst v63  }
0x5e1: {  	_ =	swait.ge [sflag:s4], $0x2D00  }
0x5e2: {  	[sflag:s4] =	ssyncset.done $0x0  }
0x5e3: {  	s28 =	simm.s32 $0x1EEC0;
	[sflag:s4] =	ssyncadd.s32 $0xFFFFD300  }
0x5e4: {  	[tilespmem:s9], [sflag:$0x1] =	stream.indirect.gather [hbm4b:s13+s8], $0x90, s28, s8, $0xb8;
	[tilespmem:$0x1F000] =	vst v63  }
0x5e5: {  	_ =	swait.ge [sflag:s16], $0x2D00  }
0x5e6: {  	[sflag:s16] =	ssyncset.done $0x0  }
0x5e7: {  	s29 =	simm.s32 $0x1E970;
	[sflag:s16] =	ssyncadd.s32 $0xFFFFD300  }
0x5e8: {  	[spmem:s6] =	stream.indirect.scatter.add.f32 [tilespmem:s12], [sflag:$0x3], $0x90, s29, s8, $0xb8;
	[tilespmem:$0x1F000] =	vst v63  }
0x5e9: {  	_ =	swait.ge [sflag:s4], $0x2D00  }
0x5ea: {  	[sflag:s4] =	ssyncset.done $0x0  }
0x5eb: {  	[sflag:s4] =	ssyncadd.s32 $0xFFFFD300  }
0x5ec: {  	_ =	swait.ge [sflag:s10], $0x2D00  }
0x5ed: {  	[sflag:s10] =	ssyncset.done $0x0  }
0x5ee: {  	s29 =	simm.s32 $0x1EF10;
	[sflag:s10] =	ssyncadd.s32 $0xFFFFD300  }
0x5ef: {  	[tilespmem:s12], [sflag:$0x2] =	stream.indirect.gather [hbm4b:s13+s8], $0x90, s29, s8, $0xb8;
	[tilespmem:$0x1F000] =	vst v63  }
0x5f0: {  	s30 =	simm.s32 $0x1E9C0  }
0x5f1: {  	[spmem:s6] =	stream.indirect.scatter.add.f32 [tilespmem:s9], [sflag:$0x3], $0x90, s30, s8, $0xb8;
	[tilespmem:$0x1F000] =	vst v63  }
0x5f2: {  	_ =	swait.ge [sflag:s4], $0x2D00  }
0x5f3: {  	[sflag:s4] =	ssyncset.done $0x0  }
0x5f4: {  	s31 =	simm.s32 $0x1EF60;
	[sflag:s4] =	ssyncadd.s32 $0xFFFFD300  }
0x5f5: {  	[tilespmem:s9], [sflag:$0x1] =	stream.indirect.gather [hbm4b:s13+s8], $0x90, s31, s8, $0xb8;
	[tilespmem:$0x1F000] =	vst v63  }
0x5f6: {  	_ =	swait.ge [sflag:s16], $0x2D00  }
0x5f7: {  	[sflag:s16] =	ssyncset.done $0x0  }
0x5f8: {  	s30 =	simm.s32 $0x1EA10;
	[sflag:s16] =	ssyncadd.s32 $0xFFFFD300  }
0x5f9: {  	[spmem:s6] =	stream.indirect.scatter.add.f32 [tilespmem:s12], [sflag:$0x3], $0x90, s30, s8, $0xb8;
	[tilespmem:$0x1F000] =	vst v63  }
0x5fa: {  	_ =	swait.ge [sflag:s4], $0x2D00  }
0x5fb: {  	[sflag:s4] =	ssyncset.done $0x0  }
0x5fc: {  	[sflag:s4] =	ssyncadd.s32 $0xFFFFD300  }
0x5fd: {  	_ =	swait.ge [sflag:s10], $0x2D00  }
0x5fe: {  	[sflag:s10] =	ssyncset.done $0x0  }
0x5ff: {  	s31 =	simm.s32 $0x1EFB0;
	[sflag:s10] =	ssyncadd.s32 $0xFFFFD300  }
0x600: {  	[tilespmem:s12], [sflag:$0x2] =	stream.indirect.gather [hbm4b:s13+s8], $0x90, s31, s8, $0xb8;
	[tilespmem:$0x1F000] =	vst v63  }
0x601: {  	s3 =	simm.s32 $0x1EA60  }
0x602: {  	[spmem:s6] =	stream.indirect.scatter.add.f32 [tilespmem:s9], [sflag:$0x3], $0x90, s3, s8, $0xb8;
	[tilespmem:$0x1F000] =	vst v63  }
0x603: {  	_ =	swait.ge [sflag:s4], $0x2D00  }
0x604: {  	[sflag:s4] =	ssyncset.done $0x0  }
0x605: {  	[sflag:s4] =	ssyncadd.s32 $0xFFFFD300  }
0x606: {  	_ =	swait.ge [sflag:s16], $0x2D00  }
0x607: {  	[sflag:s16] =	ssyncset.done $0x0  }
0x608: {  	s20 =	simm.s32 $0x1EAB0;
	[sflag:s16] =	ssyncadd.s32 $0xFFFFD300  }
0x609: {  	[spmem:s6] =	stream.indirect.scatter.add.f32 [tilespmem:s12], [sflag:$0x3], $0x90, s20, s8, $0xb8;
	[tilespmem:$0x1F000] =	vst v63  }
0x60a: {  	_ =	swait.ge [sflag:s4], $0x2D00  }
0x60b: {  	[sflag:s4] =	ssyncset.done $0x0  }
0x60c: {  	[sflag:s4] =	ssyncadd.s32 $0xFFFFD300  }
0x60d: {  	[bflag:$0x0] =	sbarrier.arrive $0xFFFF  }
0x60e: {  	[tilespmem:s9], [sflag:$0x3] =	stream.linear.gather [spmem:s5], $0x2D00, $0x38;
	[tilespmem:$0x1F000] =	vst v63  }
0x60f: {  	_ =	swait.ge [sflag:s4], $0x2D00  }
0x610: {  	s21 =	sld [smem:$0x7DF]  }
0x611: {  	[sflag:s4] =	ssyncset.done $0x0  }
0x612: {  	[sflag:s4] =	ssyncadd.s32 $0xFFFFD300  }
0x613: {  	[hbm4b:s21+s0] =	stream.linear.scatter [tilespmem:s9], [sflag:$0x3], $0x2D00, $0x38;
	[tilespmem:$0x1F000] =	vst v63  }
0x614: {  	_ =	swait.ge [sflag:s4], $0x2D00  }
0x615: {  	[sflag:s4] =	ssyncset.done $0x0  }
0x616: {  	[sflag:s4] =	ssyncadd.s32 $0xFFFFD300  }
0x617: {  	[tilespmem:s9], [sflag:$0x3] =	stream.linear.gather [spmem:s14], $0x2D00, $0x38;
	[tilespmem:$0x1F000] =	vst v63  }
0x618: {  	_ =	swait.ge [sflag:s4], $0x2D00  }
0x619: {  	s22 =	sld [smem:$0x7E0]  }
0x61a: {  	[sflag:s4] =	ssyncset.done $0x0  }
0x61b: {  	[sflag:s4] =	ssyncadd.s32 $0xFFFFD300  }
0x61c: {  	[hbm4b:s22+s0] =	stream.linear.scatter [tilespmem:s9], [sflag:$0x3], $0x2D00, $0x38;
	[tilespmem:$0x1F000] =	vst v63  }
0x61d: {  	_ =	swait.ge [sflag:s4], $0x2D00  }
0x61e: {  	[sflag:s4] =	ssyncset.done $0x0  }
0x61f: {  	[sflag:s4] =	ssyncadd.s32 $0xFFFFD300  }
0x620: {  	[tilespmem:s9], [sflag:$0x3] =	stream.linear.gather [spmem:s15], $0x2D00, $0x38;
	[tilespmem:$0x1F000] =	vst v63  }
0x621: {  	_ =	swait.ge [sflag:s4], $0x2D00  }
0x622: {  	s23 =	sld [smem:$0x7E1]  }
0x623: {  	[sflag:s4] =	ssyncset.done $0x0  }
0x624: {  	[sflag:s4] =	ssyncadd.s32 $0xFFFFD300  }
0x625: {  	[hbm4b:s23+s0] =	stream.linear.scatter [tilespmem:s9], [sflag:$0x3], $0x2D00, $0x38;
	[tilespmem:$0x1F000] =	vst v63  }
0x626: {  	_ =	swait.ge [sflag:s4], $0x2D00  }
0x627: {  	[sflag:s4] =	ssyncset.done $0x0  }
0x628: {  	[sflag:s4] =	ssyncadd.s32 $0xFFFFD300  }
0x629: {  	[tilespmem:s9], [sflag:$0x3] =	stream.linear.gather [spmem:s17], $0x2D00, $0x38;
	[tilespmem:$0x1F000] =	vst v63  }
0x62a: {  	_ =	swait.ge [sflag:s4], $0x2D00  }
0x62b: {  	s24 =	sld [smem:$0x7E2]  }
0x62c: {  	[sflag:s4] =	ssyncset.done $0x0  }
0x62d: {  	[sflag:s4] =	ssyncadd.s32 $0xFFFFD300  }
0x62e: {  	[hbm4b:s24+s0] =	stream.linear.scatter [tilespmem:s9], [sflag:$0x3], $0x2D00, $0x38;
	[tilespmem:$0x1F000] =	vst v63  }
0x62f: {  	_ =	swait.ge [sflag:s4], $0x2D00  }
0x630: {  	[sflag:s4] =	ssyncset.done $0x0  }
0x631: {  	[sflag:s4] =	ssyncadd.s32 $0xFFFFD300  }
0x632: {  	[tilespmem:s9], [sflag:$0x3] =	stream.linear.gather [spmem:s18], $0x2D00, $0x38;
	[tilespmem:$0x1F000] =	vst v63  }
0x633: {  	_ =	swait.ge [sflag:s4], $0x2D00  }
0x634: {  	s25 =	sld [smem:$0x7E3]  }
0x635: {  	[sflag:s4] =	ssyncset.done $0x0  }
0x636: {  	[sflag:s4] =	ssyncadd.s32 $0xFFFFD300  }
0x637: {  	[hbm4b:s25+s0] =	stream.linear.scatter [tilespmem:s9], [sflag:$0x3], $0x2D00, $0x38;
	[tilespmem:$0x1F000] =	vst v63  }
0x638: {  	_ =	swait.ge [sflag:s4], $0x2D00  }
0x639: {  	[sflag:s4] =	ssyncset.done $0x0  }
0x63a: {  	[sflag:s4] =	ssyncadd.s32 $0xFFFFD300  }
0x63b: {  	[tilespmem:s9], [sflag:$0x3] =	stream.linear.gather [spmem:s2], $0x2D00, $0x38;
	[tilespmem:$0x1F000] =	vst v63  }
0x63c: {  	_ =	swait.ge [sflag:s4], $0x2D00  }
0x63d: {  	s26 =	sld [smem:$0x7E4]  }
0x63e: {  	[sflag:s4] =	ssyncset.done $0x0  }
0x63f: {  	[sflag:s4] =	ssyncadd.s32 $0xFFFFD300  }
0x640: {  	[hbm4b:s26+s0] =	stream.linear.scatter [tilespmem:s9], [sflag:$0x3], $0x2D00, $0x38;
	[tilespmem:$0x1F000] =	vst v63  }
0x641: {  	_ =	swait.ge [sflag:s4], $0x2D00  }
0x642: {  	[sflag:s4] =	ssyncset.done $0x0  }
0x643: {  	[sflag:s4] =	ssyncadd.s32 $0xFFFFD300  }
0x644: {  	[tilespmem:s9], [sflag:$0x3] =	stream.linear.gather [spmem:s7], $0x2D00, $0x38;
	[tilespmem:$0x1F000] =	vst v63  }
0x645: {  	_ =	swait.ge [sflag:s4], $0x2D00  }
0x646: {  	s28 =	sld [smem:$0x7E5]  }
0x647: {  	[sflag:s4] =	ssyncset.done $0x0  }
0x648: {  	[sflag:s4] =	ssyncadd.s32 $0xFFFFD300  }
0x649: {  	[hbm4b:s28+s0] =	stream.linear.scatter [tilespmem:s9], [sflag:$0x3], $0x2D00, $0x38;
	[tilespmem:$0x1F000] =	vst v63  }
0x64a: {  	_ =	swait.ge [sflag:s4], $0x2D00  }
0x64b: {  	[sflag:s4] =	ssyncset.done $0x0  }
0x64c: {  	[sflag:s4] =	ssyncadd.s32 $0xFFFFD300  }
0x64d: {  	[tilespmem:s9], [sflag:$0x3] =	stream.linear.gather [spmem:s11], $0x2D00, $0x38;
	[tilespmem:$0x1F000] =	vst v63  }
0x64e: {  	_ =	swait.ge [sflag:s4], $0x2D00  }
0x64f: {  	s29 =	sld [smem:$0x7E6]  }
0x650: {  	[sflag:s4] =	ssyncset.done $0x0  }
0x651: {  	[sflag:s4] =	ssyncadd.s32 $0xFFFFD300  }
0x652: {  	[hbm4b:s29+s0] =	stream.linear.scatter [tilespmem:s9], [sflag:$0x3], $0x2D00, $0x38;
	[tilespmem:$0x1F000] =	vst v63  }
0x653: {  	_ =	swait.ge [sflag:s4], $0x2D00  }
0x654: {  	s30 =	sld [smem:$0x7DE]  }
0x655: {  	s31 =	sld [smem:$0x7EB];
	_ =	sdelay $0x1  }
0x656: {  	s2 =	sadd.s32 $0x1, s30  }
0x657: {  	p0 =	sne.s32 s2, s31  }
.Ltmp1:
0x658: {  	_ = 	snop;
	(pc) =	sbr.rel @p0 .LBB2_1-.Ltmp1, $3  }
0x659: {  	[sflag:s4] =	ssyncset.done $0x0  }
0x65a: {  	[sflag:s4] =	ssyncadd.s32 $0xFFFFD300  }
0x65b: {  	[bflag:$0x0] =	sbarrier.arrive $0xFFFF;
	_ =	sdelay $0x1  }
0x65c: {  	_ =	sfence.sel $0x180000  }
0x65d: {  	[bflag:$0x0] =	sbarrier.arrive $0xFFFF  }
0x65e: {  	_ =	strace $0x90000047  }
0x65f: {  	s0 =	stileid.u32;
	[bflag:$0x2] =	sbarrier.arrive $0xFFFF  }
0x660: {  	p0 =	sne.s32 s0, $0x0;
	s0 =	rddreg [dreg:$0x3]  }
0x661: {  	s0 =	sadd.s32 @!p0 $0x100000, s0  }
0x662: {  	[sflag:s0] =	ssyncadd.tile.s32 @!p0 $0x1;
	_ =	shalt  }
.Lfunc_end2:
_tile_overlayer_lowered:
.L_overlay_start_2:
0x663: {  	(tag) =	ssettag $0x2  }
0x664: {  	s0 =	rddreg [dreg:$0x0];
	s2 =	stileid.u32  }
0x665: {  	s1 =	rddreg [dreg:$0x1];
	p0 =	sne.s32 s2, $0x0  }
0x666: {  	s3 =	rddreg [dreg:$0x2];
	[bflag:$0x3] =	sbarrier.arrive $0xFFFF;
	s2 =	simm.s32 @!p0 $0x1C03  }
0x667: {  	[timem:s3], [sflag:s2] =	dma.local @!p0 [hbm:s0], s1  }
0x668: {  	s0 =	simm.s32 @!p0 $0x3  }
0x669: {  	_ =	swait.ge @!p0 [sflag:s0], s1  }
0x66a: {  	s1 =	ssub.s32 @!p0 $0x0, s1;
	[sflag:s0] =	ssyncset.done @!p0 $0x0  }
0x66b: {  	[sflag:s0] =	ssyncadd.s32 @!p0 s1  }
0x66c: {  	[bflag:$0x3] =	sbarrier.arrive $0xFFFF  }
0x66d: {  	_ =	shalt  }

</sc_bundles>
